<compile_context>
chip_gen: v7x
topology: tpu7x:2x2x1
jax: 0.10.2.dev20260603
libtpu: 0.0.44.dev20260713+nightly
codegen_flags: <defaults>
</compile_context>

<pallas_src>
import functools

import jax
import jax.numpy as jnp
from jax import lax
from jax.experimental import pallas as pl
from jax.experimental.pallas import tpu as pltpu
from jax.experimental.pallas import tpu_sc as plsc

N = 16384
DIN = 128
SD = 4
PD = 64
K = 16
NSEG = 8
SEG = N // NSEG


_PROJ_R = 2048


_PD_PAD = 128


def _proj_body(x_ref, wsT_ref, wpT_ref, bp_ref, space_ref, spaceT_ref, prop_ref):
    x = x_ref[...]
    sp = jnp.dot(x, wsT_ref[...], preferred_element_type=jnp.float32)
    space_ref[...] = sp
    spaceT_ref[...] = sp.T
    prop_ref[...] = (
        jnp.dot(x, wpT_ref[...], preferred_element_type=jnp.float32) + bp_ref[0:1, :]
    )


def _project(x, wsT, wpT_pad, bp_pad):
    grid = (N // _PROJ_R,)
    return pl.pallas_call(
        _proj_body,
        grid=grid,
        in_specs=[
            pl.BlockSpec((_PROJ_R, DIN), lambda i: (i, 0)),
            pl.BlockSpec((DIN, SD), lambda i: (0, 0)),
            pl.BlockSpec((DIN, _PD_PAD), lambda i: (0, 0)),
            pl.BlockSpec((8, _PD_PAD), lambda i: (0, 0)),
        ],
        out_specs=[
            pl.BlockSpec((_PROJ_R, SD), lambda i: (i, 0)),
            pl.BlockSpec((SD, _PROJ_R), lambda i: (0, i)),
            pl.BlockSpec((_PROJ_R, _PD_PAD), lambda i: (i, 0)),
        ],
        out_shape=[
            jax.ShapeDtypeStruct((N, SD), jnp.float32),
            jax.ShapeDtypeStruct((SD, N), jnp.float32),
            jax.ShapeDtypeStruct((N, _PD_PAD), jnp.float32),
        ],
    )(x, wsT, wpT_pad, bp_pad)



_TOPK_R = 512


_LANE_BITS = 11
_LANE_MASK = (1 << _LANE_BITS) - 1
_EXP_BIAS = 0x08000000


def _topk_body(srow_ref, scolT_ref, idxT_ref, w_ref, *, seg0):
    s = pl.program_id(0) + seg0
    rows = srow_ref[...]
    segT = scolT_ref[...]
    rowsq = jnp.sum(rows * rows, axis=1, keepdims=True)
    colsq = jnp.sum(segT * segT, axis=0, keepdims=True)
    D = rowsq + colsq - 2.0 * jnp.dot(rows, segT, preferred_element_type=jnp.float32)
    D = jnp.clip(D, 0.0, 1e30)
    lane = lax.broadcasted_iota(jnp.int32, (_TOPK_R, SEG), 1)
    kbits = ((lax.bitcast_convert_type(D, jnp.int32) & ~_LANE_MASK) | lane) + _EXP_BIAS
    key = lax.bitcast_convert_type(kbits, jnp.float32)
    big = jnp.float32(jnp.inf)
    ms = []
    m = jnp.min(key, axis=1, keepdims=True)
    ms.append(m)
    for _ in range(K - 1):
        m = jnp.min(jnp.where(key > m, key, big), axis=1, keepdims=True)
        ms.append(m)
    mk = lax.bitcast_convert_type(jnp.concatenate(ms, axis=1), jnp.int32) - _EXP_BIAS
    idxT_ref[...] = ((mk & _LANE_MASK) + s * SEG).T
    d = lax.bitcast_convert_type(mk & ~_LANE_MASK, jnp.float32)
    w_ref[...] = jnp.exp(-10.0 * d)


def _topk(space, spaceT, seg0, nseg):
    npts = nseg * SEG
    bps = SEG // _TOPK_R
    grid = (nseg, bps)
    return pl.pallas_call(
        functools.partial(_topk_body, seg0=seg0),
        grid=grid,
        in_specs=[
            pl.BlockSpec((_TOPK_R, SD), lambda s, b: ((seg0 * SEG) // _TOPK_R + s * bps + b, 0)),
            pl.BlockSpec((SD, SEG), lambda s, b: (0, seg0 + s)),
        ],
        out_specs=[
            pl.BlockSpec((K, _TOPK_R), lambda s, b: (0, s * bps + b)),
            pl.BlockSpec((_TOPK_R, K), lambda s, b: (s * bps + b, 0)),
        ],
        out_shape=[
            jax.ShapeDtypeStruct((K, npts), jnp.int32),
            jax.ShapeDtypeStruct((npts, K), jnp.float32),
        ],
    )(space, spaceT)



_SC_NC = 2
_SC_NS = 16
_SC_NW = _SC_NC * _SC_NS
_SC_CH = 256


def _sc_gather(prop, idxT):
    npts = idxT.shape[1]
    B = K * npts
    b_per_w = B // _SC_NW
    nb = b_per_w // _SC_CH
    mesh = plsc.VectorSubcoreMesh(core_axis_name="c", subcore_axis_name="s")

    @functools.partial(
        pl.kernel,
        mesh=mesh,
        out_type=jax.ShapeDtypeStruct((B, _PD_PAD), jnp.float32),
        scratch_types=[
            pltpu.VMEM((_SC_CH,), jnp.int32),
            pltpu.VMEM((_SC_CH,), jnp.int32),
            pltpu.VMEM((_SC_CH, _PD_PAD), jnp.float32),
            pltpu.VMEM((_SC_CH, _PD_PAD), jnp.float32),
            pltpu.SemaphoreType.DMA,
            pltpu.SemaphoreType.DMA,
            pltpu.SemaphoreType.DMA,
            pltpu.SemaphoreType.DMA,
        ],
    )
    def gather_kernel(prop_hbm, idx_hbm, out_hbm, i0, i1, r0, r1, g0, g1, w0, w1):
        wid = lax.axis_index("s") * _SC_NC + lax.axis_index("c")
        base = wid * b_per_w
        idx_v = (i0, i1)
        rows_v = (r0, r1)
        gsem = (g0, g1)
        wsem = (w0, w1)

        def out_slc(c):
            return out_hbm.at[pl.ds(base + c * _SC_CH, _SC_CH)]

        for c in range(nb):
            b = c % 2
            if c >= 2:
                pltpu.make_async_copy(rows_v[b], out_slc(c - 2), wsem[b]).wait()
            off = base + c * _SC_CH
            pltpu.sync_copy(idx_hbm.at[off // npts, pl.ds(off % npts, _SC_CH)], idx_v[b])
            pltpu.async_copy(prop_hbm.at[idx_v[b]], rows_v[b], gsem[b])
            if c >= 1:
                pltpu.make_async_copy(prop_hbm.at[idx_v[1 - b]], rows_v[1 - b], gsem[1 - b]).wait()
                pltpu.async_copy(rows_v[1 - b], out_slc(c - 1), wsem[1 - b])
        bl = (nb - 1) % 2
        pltpu.make_async_copy(prop_hbm.at[idx_v[bl]], rows_v[bl], gsem[bl]).wait()
        pltpu.async_copy(rows_v[bl], out_slc(nb - 1), wsem[bl])
        pltpu.make_async_copy(rows_v[1 - bl], out_slc(nb - 2), wsem[1 - bl]).wait()
        pltpu.make_async_copy(rows_v[bl], out_slc(nb - 1), wsem[bl]).wait()

    return gather_kernel(prop, idxT)



_POOL_R = 1024


def _pool_body(g_ref, w_ref, o_ref):
    acc = None
    mx = None
    for k in range(K):
        t = g_ref[k][:, :PD] * w_ref[:, k : k + 1]
        acc = t if acc is None else acc + t
        mx = t if mx is None else jnp.maximum(mx, t)
    o_ref[...] = jnp.concatenate([acc * (1.0 / K), mx], axis=1)


def _pool(g, w):
    npts = g.shape[1]
    grid = (npts // _POOL_R,)
    return pl.pallas_call(
        _pool_body,
        grid=grid,
        in_specs=[
            pl.BlockSpec((K, _POOL_R, _PD_PAD), lambda i: (0, i, 0)),
            pl.BlockSpec((_POOL_R, K), lambda i: (i, 0)),
        ],
        out_specs=pl.BlockSpec((_POOL_R, 2 * PD), lambda i: (i, 0)),
        out_shape=jax.ShapeDtypeStruct((npts, 2 * PD), jnp.float32),
    )(g, w)


_CHUNK_SEGS = (2, 2, 2, 2)


def kernel(x, row_splits, W_space, b_space, W_prop, b_prop):
    wpT_pad = jnp.zeros((DIN, _PD_PAD), jnp.float32).at[:, :PD].set(W_prop.T)
    bp_pad = jnp.broadcast_to(jnp.pad(b_prop, (0, _PD_PAD - PD))[None, :], (8, _PD_PAD))
    space, spaceT, prop = _project(x, W_space.T, wpT_pad, bp_pad)
    seg0 = 0
    idxw = []
    for nseg_c in _CHUNK_SEGS:
        idxw.append(_topk(space, spaceT, seg0, nseg_c))
        seg0 += nseg_c
    gs = [
        _sc_gather(prop, idxT).reshape(K, idxT.shape[1], _PD_PAD)
        for idxT, _ in idxw
    ]
    outs = [_pool(g, w) for g, (_, w) in zip(gs, idxw)]
    return jnp.concatenate(outs, axis=0)

# --- scband reference (transcript-rebuilt; emitter-appended) ---
"""Pipeline reference for scband-grav-net-op-1468878815446 (READ-ONLY COPY).

The authoritative reference and input builder live on the scoring server;
editing this copy changes nothing except your own understanding.
"""

import jax, jax.numpy as jnp
import numpy as np

N = 16384
D_IN = 128
S_DIM = 4
P_DIM = 64
K = 16
N_SEG = 8


def setup_inputs(seed: int = 0) -> dict:
    key = jax.random.key(seed)
    ks = jax.random.split(key, 4)
    x = jax.random.normal(ks[0], (N, D_IN), dtype=jnp.float32)
    # row_splits: boundaries of 8 equal segments (events), includes 0 and N
    row_splits = np.arange(0, N + 1, N // N_SEG, dtype=np.int32)
    W_space = jax.random.normal(ks[1], (S_DIM, D_IN), dtype=jnp.float32) * (1.0 / np.sqrt(D_IN))
    b_space = jnp.zeros((S_DIM,), dtype=jnp.float32)
    W_prop = jax.random.normal(ks[2], (P_DIM, D_IN), dtype=jnp.float32) * (1.0 / np.sqrt(D_IN))
    b_prop = jnp.zeros((P_DIM,), dtype=jnp.float32)
    return {"x": x, "row_splits": row_splits, "W_space": W_space, "b_space": b_space, "W_prop": W_prop, "b_prop": b_prop}


def _segment_knn(space, row_splits, k):
    # brute-force KNN within each row_splits segment (matches binned_select_knn semantics:
    # neighbors only within the same segment, self included, distances are squared L2)
    n_seg = row_splits.shape[0] - 1
    n = space.shape[0]
    seg_len = n // n_seg
    segs = space.reshape(n_seg, seg_len, space.shape[1])

    def per_seg(seg, s):
        sq = jnp.sum(seg * seg, axis=1)
        D = sq[:, None] + sq[None, :] - 2.0 * (seg @ seg.T)
        D = jnp.maximum(D, 0.0)
        neg_vals, idx = jax.lax.top_k(-D, k)
        return idx + s, -neg_vals

    nbr, d = jax.vmap(per_seg)(segs, row_splits[:-1])
    return nbr.reshape(n_seg * seg_len, k), d.reshape(n_seg * seg_len, k)


def reference(x, row_splits, W_space, b_space, W_prop, b_prop):
    space = x @ W_space.T + b_space
    propagate = x @ W_prop.T + b_prop
    neighbor_idx, distsq = _segment_knn(space, row_splits, K)
    weights = jnp.exp(-10.0 * distsq)
    gathered = jnp.take(propagate, neighbor_idx, axis=0)  # [N, K, P]
    gathered = gathered * weights[:, :, None]
    fmean = jnp.mean(gathered, axis=1)
    fmax = jnp.max(gathered, axis=1)
    return jnp.concatenate([fmean, fmax], axis=1)

if __name__ == "__main__":
    import jax
    _d = setup_inputs()
    print(jax.jit(kernel)(*tuple(_d.values())))

</pallas_src>

<mosaic_0001>
#map = affine_map<(d0, d1) -> (0, 0)>
module attributes {stable_mosaic.version = 14 : i64} {
  func.func @gather_kernel(%arg0: i32, %arg1: i32, %arg2: memref<16384x128xf32, #tpu.memory_space<hbm>>, %arg3: memref<16x4096xi32, #tpu.memory_space<hbm>>, %arg4: memref<65536x128xf32, #tpu.memory_space<hbm>>, %arg5: memref<256xi32, #tpu.memory_space<vmem>>, %arg6: memref<256xi32, #tpu.memory_space<vmem>>, %arg7: memref<256x128xf32, #tpu.memory_space<vmem>>, %arg8: memref<256x128xf32, #tpu.memory_space<vmem>>, %arg9: memref<!tpu.dma_semaphore, #tpu.memory_space<semaphore_mem>>, %arg10: memref<!tpu.dma_semaphore, #tpu.memory_space<semaphore_mem>>, %arg11: memref<!tpu.dma_semaphore, #tpu.memory_space<semaphore_mem>>, %arg12: memref<!tpu.dma_semaphore, #tpu.memory_space<semaphore_mem>>) attributes {dimension_semantics = [#tpu.dimension_semantics<core_parallel>, #tpu.dimension_semantics<subcore_parallel>], iteration_bounds = array<i64: 2, 16>, scalar_prefetch = 0 : i64, scratch_operands = 8 : i64, tpu.core_type = #tpu.core_type<sc_vector_subcore>, window_params = [{transform_indices = #map}, {transform_indices = #map}, {transform_indices = #map}]} {
    %mul3A = arith.constant 2 : i32
    %mul3A_0 = arith.muli %arg1, %mul3A : i32
    %add3A = arith.addi %mul3A_0, %arg0 : i32
    %mul3A_1 = arith.constant 2048 : i32
    %mul3A_2 = arith.muli %add3A, %mul3A_1 : i32
    %add3A_3 = arith.constant 0 : i32
    %add3A_4 = arith.addi %mul3A_2, %add3A_3 : i32
    %jit3A = arith.constant 4096 : i32
    %div3A = arith.divsi %add3A_4, %jit3A : i32
    %sign3A = arith.constant 0 : i32
    %sign3A_5 = arith.cmpi sgt, %add3A_4, %sign3A : i32
    %sign3A_6 = arith.extui %sign3A_5 : i1 to i32
    %sign3A_7 = arith.constant 0 : i32
    %sign3A_8 = arith.cmpi slt, %add3A_4, %sign3A_7 : i32
    %sign3A_9 = arith.extui %sign3A_8 : i1 to i32
    %sign3A_10 = arith.subi %sign3A_6, %sign3A_9 : i32
    %sign3A_11 = arith.constant 0 : i32
    %sign3A_12 = arith.cmpi sgt, %jit3A, %sign3A_11 : i32
    %sign3A_13 = arith.extui %sign3A_12 : i1 to i32
    %sign3A_14 = arith.constant 0 : i32
    %sign3A_15 = arith.cmpi slt, %jit3A, %sign3A_14 : i32
    %sign3A_16 = arith.extui %sign3A_15 : i1 to i32
    %sign3A_17 = arith.subi %sign3A_13, %sign3A_16 : i32
    %ne3A = arith.cmpi ne, %sign3A_10, %sign3A_17 : i32
    %rem3A = arith.remsi %add3A_4, %jit3A : i32
    %ne3A_18 = arith.constant 0 : i32
    %ne3A_19 = arith.cmpi ne, %rem3A, %ne3A_18 : i32
    %and3A = arith.andi %ne3A, %ne3A_19 : i1
    %sub3A = arith.constant 1 : i32
    %sub3A_20 = arith.subi %div3A, %sub3A : i32
    %select_n3A = arith.select %and3A, %sub3A_20, %div3A : i32
    %jit3A_21 = arith.constant 4096 : i32
    %eq3A = arith.constant 0 : i32
    %eq3A_22 = arith.cmpi eq, %jit3A_21, %eq3A : i32
    %jit3A_23 = arith.constant 1 : i32
    %select_n3A_24 = arith.select %eq3A_22, %jit3A_23, %jit3A_21 : i32
    %rem3A_25 = arith.remsi %add3A_4, %select_n3A_24 : i32
    %ne3A_26 = arith.constant 0 : i32
    %ne3A_27 = arith.cmpi ne, %rem3A_25, %ne3A_26 : i32
    %lt3A = arith.constant 0 : i32
    %lt3A_28 = arith.cmpi slt, %rem3A_25, %lt3A : i32
    %lt3A_29 = arith.constant 0 : i32
    %lt3A_30 = arith.cmpi slt, %select_n3A_24, %lt3A_29 : i32
    %ne3A_31 = arith.xori %lt3A_28, %lt3A_30 : i1
    %and3A_32 = arith.andi %ne3A_31, %ne3A_27 : i1
    %add3A_33 = arith.addi %rem3A_25, %select_n3A_24 : i32
    %select_n3A_34 = arith.select %and3A_32, %add3A_33, %rem3A_25 : i32
    "tpu.region"() ({
      %run_scoped3A = tpu.sem_alloc : memref<!tpu.dma_semaphore, #tpu.memory_space<semaphore_mem>>
      %dma_start3A_471 = tpu.memref_slice %arg3[%select_n3A, %select_n3A_34] : memref<16x4096xi32, #tpu.memory_space<hbm>> -> memref<1x256xi32, #tpu.memory_space<hbm>>
      %dma_start3A_472 = tpu.memref_squeeze %dma_start3A_471 : memref<1x256xi32, #tpu.memory_space<hbm>> -> memref<256xi32, #tpu.memory_space<hbm>>
      %dma_start3A_473 = tpu.memref_slice %arg3[%select_n3A, %select_n3A_34] : memref<16x4096xi32, #tpu.memory_space<hbm>> -> memref<1x256xi32, #tpu.memory_space<hbm>>
      %dma_start3A_474 = tpu.memref_squeeze %dma_start3A_473 : memref<1x256xi32, #tpu.memory_space<hbm>> -> memref<256xi32, #tpu.memory_space<hbm>>
      tpu.enqueue_dma source(%dma_start3A_474 : memref<256xi32, #tpu.memory_space<hbm>>) target(%arg5 : memref<256xi32, #tpu.memory_space<vmem>>) target_semaphore(%run_scoped3A : memref<!tpu.dma_semaphore, #tpu.memory_space<semaphore_mem>>)
      %dma_wait3A_475 = tpu.memref_slice %arg3[%select_n3A, %select_n3A_34] : memref<16x4096xi32, #tpu.memory_space<hbm>> -> memref<1x256xi32, #tpu.memory_space<hbm>>
      %dma_wait3A_476 = tpu.memref_squeeze %dma_wait3A_475 : memref<1x256xi32, #tpu.memory_space<hbm>> -> memref<256xi32, #tpu.memory_space<hbm>>
      %dma_wait3A_477 = tpu.memref_slice %arg3[%select_n3A, %select_n3A_34] : memref<16x4096xi32, #tpu.memory_space<hbm>> -> memref<1x256xi32, #tpu.memory_space<hbm>>
      %dma_wait3A_478 = tpu.memref_squeeze %dma_wait3A_477 : memref<1x256xi32, #tpu.memory_space<hbm>> -> memref<256xi32, #tpu.memory_space<hbm>>
      tpu.wait_dma2 semaphore(%run_scoped3A : memref<!tpu.dma_semaphore, #tpu.memory_space<semaphore_mem>>) src(%dma_wait3A_478 : memref<256xi32, #tpu.memory_space<hbm>>) dst(%arg5 : memref<256xi32, #tpu.memory_space<vmem>>)
      tpu.yield
    }) : () -> ()
    %dma_start3A = arith.constant 0 : i32
    %dma_start3A_35 = arith.constant 0 : i32
    %dma_start3A_36 = tpu.memref_slice %arg2[%dma_start3A, %dma_start3A_35] : memref<16384x128xf32, #tpu.memory_space<hbm>> -> memref<16384x128xf32, #tpu.memory_space<hbm>>
    tpu.enqueue_indirect_dma source(%dma_start3A_36 : memref<16384x128xf32, #tpu.memory_space<hbm>>) target(%arg7 : memref<256x128xf32, #tpu.memory_space<vmem>>) offsets(%arg5 : memref<256xi32, #tpu.memory_space<vmem>>) semaphore(%arg9 : memref<!tpu.dma_semaphore, #tpu.memory_space<semaphore_mem>>)
    %add3A_37 = arith.constant 256 : i32
    %add3A_38 = arith.addi %mul3A_2, %add3A_37 : i32
    %jit3A_39 = arith.constant 4096 : i32
    %div3A_40 = arith.divsi %add3A_38, %jit3A_39 : i32
    %sign3A_41 = arith.constant 0 : i32
    %sign3A_42 = arith.cmpi sgt, %add3A_38, %sign3A_41 : i32
    %sign3A_43 = arith.extui %sign3A_42 : i1 to i32
    %sign3A_44 = arith.constant 0 : i32
    %sign3A_45 = arith.cmpi slt, %add3A_38, %sign3A_44 : i32
    %sign3A_46 = arith.extui %sign3A_45 : i1 to i32
    %sign3A_47 = arith.subi %sign3A_43, %sign3A_46 : i32
    %sign3A_48 = arith.constant 0 : i32
    %sign3A_49 = arith.cmpi sgt, %jit3A_39, %sign3A_48 : i32
    %sign3A_50 = arith.extui %sign3A_49 : i1 to i32
    %sign3A_51 = arith.constant 0 : i32
    %sign3A_52 = arith.cmpi slt, %jit3A_39, %sign3A_51 : i32
    %sign3A_53 = arith.extui %sign3A_52 : i1 to i32
    %sign3A_54 = arith.subi %sign3A_50, %sign3A_53 : i32
    %ne3A_55 = arith.cmpi ne, %sign3A_47, %sign3A_54 : i32
    %rem3A_56 = arith.remsi %add3A_38, %jit3A_39 : i32
    %ne3A_57 = arith.constant 0 : i32
    %ne3A_58 = arith.cmpi ne, %rem3A_56, %ne3A_57 : i32
    %and3A_59 = arith.andi %ne3A_55, %ne3A_58 : i1
    %sub3A_60 = arith.constant 1 : i32
    %sub3A_61 = arith.subi %div3A_40, %sub3A_60 : i32
    %select_n3A_62 = arith.select %and3A_59, %sub3A_61, %div3A_40 : i32
    %jit3A_63 = arith.constant 4096 : i32
    %eq3A_64 = arith.constant 0 : i32
    %eq3A_65 = arith.cmpi eq, %jit3A_63, %eq3A_64 : i32
    %jit3A_66 = arith.constant 1 : i32
    %select_n3A_67 = arith.select %eq3A_65, %jit3A_66, %jit3A_63 : i32
    %rem3A_68 = arith.remsi %add3A_38, %select_n3A_67 : i32
    %ne3A_69 = arith.constant 0 : i32
    %ne3A_70 = arith.cmpi ne, %rem3A_68, %ne3A_69 : i32
    %lt3A_71 = arith.constant 0 : i32
    %lt3A_72 = arith.cmpi slt, %rem3A_68, %lt3A_71 : i32
    %lt3A_73 = arith.constant 0 : i32
    %lt3A_74 = arith.cmpi slt, %select_n3A_67, %lt3A_73 : i32
    %ne3A_75 = arith.xori %lt3A_72, %lt3A_74 : i1
    %and3A_76 = arith.andi %ne3A_75, %ne3A_70 : i1
    %add3A_77 = arith.addi %rem3A_68, %select_n3A_67 : i32
    %select_n3A_78 = arith.select %and3A_76, %add3A_77, %rem3A_68 : i32
    "tpu.region"() ({
      %run_scoped3A = tpu.sem_alloc : memref<!tpu.dma_semaphore, #tpu.memory_space<semaphore_mem>>
      %dma_start3A_471 = tpu.memref_slice %arg3[%select_n3A_62, %select_n3A_78] : memref<16x4096xi32, #tpu.memory_space<hbm>> -> memref<1x256xi32, #tpu.memory_space<hbm>>
      %dma_start3A_472 = tpu.memref_squeeze %dma_start3A_471 : memref<1x256xi32, #tpu.memory_space<hbm>> -> memref<256xi32, #tpu.memory_space<hbm>>
      %dma_start3A_473 = tpu.memref_slice %arg3[%select_n3A_62, %select_n3A_78] : memref<16x4096xi32, #tpu.memory_space<hbm>> -> memref<1x256xi32, #tpu.memory_space<hbm>>
      %dma_start3A_474 = tpu.memref_squeeze %dma_start3A_473 : memref<1x256xi32, #tpu.memory_space<hbm>> -> memref<256xi32, #tpu.memory_space<hbm>>
      tpu.enqueue_dma source(%dma_start3A_474 : memref<256xi32, #tpu.memory_space<hbm>>) target(%arg6 : memref<256xi32, #tpu.memory_space<vmem>>) target_semaphore(%run_scoped3A : memref<!tpu.dma_semaphore, #tpu.memory_space<semaphore_mem>>)
      %dma_wait3A_475 = tpu.memref_slice %arg3[%select_n3A_62, %select_n3A_78] : memref<16x4096xi32, #tpu.memory_space<hbm>> -> memref<1x256xi32, #tpu.memory_space<hbm>>
      %dma_wait3A_476 = tpu.memref_squeeze %dma_wait3A_475 : memref<1x256xi32, #tpu.memory_space<hbm>> -> memref<256xi32, #tpu.memory_space<hbm>>
      %dma_wait3A_477 = tpu.memref_slice %arg3[%select_n3A_62, %select_n3A_78] : memref<16x4096xi32, #tpu.memory_space<hbm>> -> memref<1x256xi32, #tpu.memory_space<hbm>>
      %dma_wait3A_478 = tpu.memref_squeeze %dma_wait3A_477 : memref<1x256xi32, #tpu.memory_space<hbm>> -> memref<256xi32, #tpu.memory_space<hbm>>
      tpu.wait_dma2 semaphore(%run_scoped3A : memref<!tpu.dma_semaphore, #tpu.memory_space<semaphore_mem>>) src(%dma_wait3A_478 : memref<256xi32, #tpu.memory_space<hbm>>) dst(%arg6 : memref<256xi32, #tpu.memory_space<vmem>>)
      tpu.yield
    }) : () -> ()
    %dma_start3A_79 = arith.constant 0 : i32
    %dma_start3A_80 = arith.constant 0 : i32
    %dma_start3A_81 = tpu.memref_slice %arg2[%dma_start3A_79, %dma_start3A_80] : memref<16384x128xf32, #tpu.memory_space<hbm>> -> memref<16384x128xf32, #tpu.memory_space<hbm>>
    tpu.enqueue_indirect_dma source(%dma_start3A_81 : memref<16384x128xf32, #tpu.memory_space<hbm>>) target(%arg8 : memref<256x128xf32, #tpu.memory_space<vmem>>) offsets(%arg6 : memref<256xi32, #tpu.memory_space<vmem>>) semaphore(%arg10 : memref<!tpu.dma_semaphore, #tpu.memory_space<semaphore_mem>>)
    %dma_wait3A = arith.constant 0 : i32
    %dma_wait3A_82 = arith.constant 0 : i32
    %dma_wait3A_83 = tpu.memref_slice %arg2[%dma_wait3A, %dma_wait3A_82] : memref<16384x128xf32, #tpu.memory_space<hbm>> -> memref<16384x128xf32, #tpu.memory_space<hbm>>
    tpu.wait_indirect_dma semaphore(%arg9 : memref<!tpu.dma_semaphore, #tpu.memory_space<semaphore_mem>>) src(%dma_wait3A_83 : memref<16384x128xf32, #tpu.memory_space<hbm>>) dst(%arg7 : memref<256x128xf32, #tpu.memory_space<vmem>>)
    %add3A_84 = arith.constant 0 : i32
    %add3A_85 = arith.addi %mul3A_2, %add3A_84 : i32
    %dma_start3A_86 = arith.constant 0 : i32
    %dma_start3A_87 = tpu.memref_slice %arg4[%add3A_85, %dma_start3A_86] : memref<65536x128xf32, #tpu.memory_space<hbm>> -> memref<256x128xf32, #tpu.memory_space<hbm>>
    %dma_start3A_88 = arith.constant 0 : i32
    %dma_start3A_89 = tpu.memref_slice %arg4[%add3A_85, %dma_start3A_88] : memref<65536x128xf32, #tpu.memory_space<hbm>> -> memref<256x128xf32, #tpu.memory_space<hbm>>
    tpu.enqueue_dma source(%arg7 : memref<256x128xf32, #tpu.memory_space<vmem>>) target(%dma_start3A_89 : memref<256x128xf32, #tpu.memory_space<hbm>>) target_semaphore(%arg11 : memref<!tpu.dma_semaphore, #tpu.memory_space<semaphore_mem>>)
    %add3A_90 = arith.constant 0 : i32
    %add3A_91 = arith.addi %mul3A_2, %add3A_90 : i32
    %dma_wait3A_92 = arith.constant 0 : i32
    %dma_wait3A_93 = tpu.memref_slice %arg4[%add3A_91, %dma_wait3A_92] : memref<65536x128xf32, #tpu.memory_space<hbm>> -> memref<256x128xf32, #tpu.memory_space<hbm>>
    %dma_wait3A_94 = arith.constant 0 : i32
    %dma_wait3A_95 = tpu.memref_slice %arg4[%add3A_91, %dma_wait3A_94] : memref<65536x128xf32, #tpu.memory_space<hbm>> -> memref<256x128xf32, #tpu.memory_space<hbm>>
    tpu.wait_dma2 semaphore(%arg11 : memref<!tpu.dma_semaphore, #tpu.memory_space<semaphore_mem>>) src(%arg7 : memref<256x128xf32, #tpu.memory_space<vmem>>) dst(%dma_wait3A_95 : memref<256x128xf32, #tpu.memory_space<hbm>>)
    %add3A_96 = arith.constant 512 : i32
    %add3A_97 = arith.addi %mul3A_2, %add3A_96 : i32
    %jit3A_98 = arith.constant 4096 : i32
    %div3A_99 = arith.divsi %add3A_97, %jit3A_98 : i32
    %sign3A_100 = arith.constant 0 : i32
    %sign3A_101 = arith.cmpi sgt, %add3A_97, %sign3A_100 : i32
    %sign3A_102 = arith.extui %sign3A_101 : i1 to i32
    %sign3A_103 = arith.constant 0 : i32
    %sign3A_104 = arith.cmpi slt, %add3A_97, %sign3A_103 : i32
    %sign3A_105 = arith.extui %sign3A_104 : i1 to i32
    %sign3A_106 = arith.subi %sign3A_102, %sign3A_105 : i32
    %sign3A_107 = arith.constant 0 : i32
    %sign3A_108 = arith.cmpi sgt, %jit3A_98, %sign3A_107 : i32
    %sign3A_109 = arith.extui %sign3A_108 : i1 to i32
    %sign3A_110 = arith.constant 0 : i32
    %sign3A_111 = arith.cmpi slt, %jit3A_98, %sign3A_110 : i32
    %sign3A_112 = arith.extui %sign3A_111 : i1 to i32
    %sign3A_113 = arith.subi %sign3A_109, %sign3A_112 : i32
    %ne3A_114 = arith.cmpi ne, %sign3A_106, %sign3A_113 : i32
    %rem3A_115 = arith.remsi %add3A_97, %jit3A_98 : i32
    %ne3A_116 = arith.constant 0 : i32
    %ne3A_117 = arith.cmpi ne, %rem3A_115, %ne3A_116 : i32
    %and3A_118 = arith.andi %ne3A_114, %ne3A_117 : i1
    %sub3A_119 = arith.constant 1 : i32
    %sub3A_120 = arith.subi %div3A_99, %sub3A_119 : i32
    %select_n3A_121 = arith.select %and3A_118, %sub3A_120, %div3A_99 : i32
    %jit3A_122 = arith.constant 4096 : i32
    %eq3A_123 = arith.constant 0 : i32
    %eq3A_124 = arith.cmpi eq, %jit3A_122, %eq3A_123 : i32
    %jit3A_125 = arith.constant 1 : i32
    %select_n3A_126 = arith.select %eq3A_124, %jit3A_125, %jit3A_122 : i32
    %rem3A_127 = arith.remsi %add3A_97, %select_n3A_126 : i32
    %ne3A_128 = arith.constant 0 : i32
    %ne3A_129 = arith.cmpi ne, %rem3A_127, %ne3A_128 : i32
    %lt3A_130 = arith.constant 0 : i32
    %lt3A_131 = arith.cmpi slt, %rem3A_127, %lt3A_130 : i32
    %lt3A_132 = arith.constant 0 : i32
    %lt3A_133 = arith.cmpi slt, %select_n3A_126, %lt3A_132 : i32
    %ne3A_134 = arith.xori %lt3A_131, %lt3A_133 : i1
    %and3A_135 = arith.andi %ne3A_134, %ne3A_129 : i1
    %add3A_136 = arith.addi %rem3A_127, %select_n3A_126 : i32
    %select_n3A_137 = arith.select %and3A_135, %add3A_136, %rem3A_127 : i32
    "tpu.region"() ({
      %run_scoped3A = tpu.sem_alloc : memref<!tpu.dma_semaphore, #tpu.memory_space<semaphore_mem>>
      %dma_start3A_471 = tpu.memref_slice %arg3[%select_n3A_121, %select_n3A_137] : memref<16x4096xi32, #tpu.memory_space<hbm>> -> memref<1x256xi32, #tpu.memory_space<hbm>>
      %dma_start3A_472 = tpu.memref_squeeze %dma_start3A_471 : memref<1x256xi32, #tpu.memory_space<hbm>> -> memref<256xi32, #tpu.memory_space<hbm>>
      %dma_start3A_473 = tpu.memref_slice %arg3[%select_n3A_121, %select_n3A_137] : memref<16x4096xi32, #tpu.memory_space<hbm>> -> memref<1x256xi32, #tpu.memory_space<hbm>>
      %dma_start3A_474 = tpu.memref_squeeze %dma_start3A_473 : memref<1x256xi32, #tpu.memory_space<hbm>> -> memref<256xi32, #tpu.memory_space<hbm>>
      tpu.enqueue_dma source(%dma_start3A_474 : memref<256xi32, #tpu.memory_space<hbm>>) target(%arg5 : memref<256xi32, #tpu.memory_space<vmem>>) target_semaphore(%run_scoped3A : memref<!tpu.dma_semaphore, #tpu.memory_space<semaphore_mem>>)
      %dma_wait3A_475 = tpu.memref_slice %arg3[%select_n3A_121, %select_n3A_137] : memref<16x4096xi32, #tpu.memory_space<hbm>> -> memref<1x256xi32, #tpu.memory_space<hbm>>
      %dma_wait3A_476 = tpu.memref_squeeze %dma_wait3A_475 : memref<1x256xi32, #tpu.memory_space<hbm>> -> memref<256xi32, #tpu.memory_space<hbm>>
      %dma_wait3A_477 = tpu.memref_slice %arg3[%select_n3A_121, %select_n3A_137] : memref<16x4096xi32, #tpu.memory_space<hbm>> -> memref<1x256xi32, #tpu.memory_space<hbm>>
      %dma_wait3A_478 = tpu.memref_squeeze %dma_wait3A_477 : memref<1x256xi32, #tpu.memory_space<hbm>> -> memref<256xi32, #tpu.memory_space<hbm>>
      tpu.wait_dma2 semaphore(%run_scoped3A : memref<!tpu.dma_semaphore, #tpu.memory_space<semaphore_mem>>) src(%dma_wait3A_478 : memref<256xi32, #tpu.memory_space<hbm>>) dst(%arg5 : memref<256xi32, #tpu.memory_space<vmem>>)
      tpu.yield
    }) : () -> ()
    %dma_start3A_138 = arith.constant 0 : i32
    %dma_start3A_139 = arith.constant 0 : i32
    %dma_start3A_140 = tpu.memref_slice %arg2[%dma_start3A_138, %dma_start3A_139] : memref<16384x128xf32, #tpu.memory_space<hbm>> -> memref<16384x128xf32, #tpu.memory_space<hbm>>
    tpu.enqueue_indirect_dma source(%dma_start3A_140 : memref<16384x128xf32, #tpu.memory_space<hbm>>) target(%arg7 : memref<256x128xf32, #tpu.memory_space<vmem>>) offsets(%arg5 : memref<256xi32, #tpu.memory_space<vmem>>) semaphore(%arg9 : memref<!tpu.dma_semaphore, #tpu.memory_space<semaphore_mem>>)
    %dma_wait3A_141 = arith.constant 0 : i32
    %dma_wait3A_142 = arith.constant 0 : i32
    %dma_wait3A_143 = tpu.memref_slice %arg2[%dma_wait3A_141, %dma_wait3A_142] : memref<16384x128xf32, #tpu.memory_space<hbm>> -> memref<16384x128xf32, #tpu.memory_space<hbm>>
    tpu.wait_indirect_dma semaphore(%arg10 : memref<!tpu.dma_semaphore, #tpu.memory_space<semaphore_mem>>) src(%dma_wait3A_143 : memref<16384x128xf32, #tpu.memory_space<hbm>>) dst(%arg8 : memref<256x128xf32, #tpu.memory_space<vmem>>)
    %add3A_144 = arith.constant 256 : i32
    %add3A_145 = arith.addi %mul3A_2, %add3A_144 : i32
    %dma_start3A_146 = arith.constant 0 : i32
    %dma_start3A_147 = tpu.memref_slice %arg4[%add3A_145, %dma_start3A_146] : memref<65536x128xf32, #tpu.memory_space<hbm>> -> memref<256x128xf32, #tpu.memory_space<hbm>>
    %dma_start3A_148 = arith.constant 0 : i32
    %dma_start3A_149 = tpu.memref_slice %arg4[%add3A_145, %dma_start3A_148] : memref<65536x128xf32, #tpu.memory_space<hbm>> -> memref<256x128xf32, #tpu.memory_space<hbm>>
    tpu.enqueue_dma source(%arg8 : memref<256x128xf32, #tpu.memory_space<vmem>>) target(%dma_start3A_149 : memref<256x128xf32, #tpu.memory_space<hbm>>) target_semaphore(%arg12 : memref<!tpu.dma_semaphore, #tpu.memory_space<semaphore_mem>>)
    %add3A_150 = arith.constant 256 : i32
    %add3A_151 = arith.addi %mul3A_2, %add3A_150 : i32
    %dma_wait3A_152 = arith.constant 0 : i32
    %dma_wait3A_153 = tpu.memref_slice %arg4[%add3A_151, %dma_wait3A_152] : memref<65536x128xf32, #tpu.memory_space<hbm>> -> memref<256x128xf32, #tpu.memory_space<hbm>>
    %dma_wait3A_154 = arith.constant 0 : i32
    %dma_wait3A_155 = tpu.memref_slice %arg4[%add3A_151, %dma_wait3A_154] : memref<65536x128xf32, #tpu.memory_space<hbm>> -> memref<256x128xf32, #tpu.memory_space<hbm>>
    tpu.wait_dma2 semaphore(%arg12 : memref<!tpu.dma_semaphore, #tpu.memory_space<semaphore_mem>>) src(%arg8 : memref<256x128xf32, #tpu.memory_space<vmem>>) dst(%dma_wait3A_155 : memref<256x128xf32, #tpu.memory_space<hbm>>)
    %add3A_156 = arith.constant 768 : i32
    %add3A_157 = arith.addi %mul3A_2, %add3A_156 : i32
    %jit3A_158 = arith.constant 4096 : i32
    %div3A_159 = arith.divsi %add3A_157, %jit3A_158 : i32
    %sign3A_160 = arith.constant 0 : i32
    %sign3A_161 = arith.cmpi sgt, %add3A_157, %sign3A_160 : i32
    %sign3A_162 = arith.extui %sign3A_161 : i1 to i32
    %sign3A_163 = arith.constant 0 : i32
    %sign3A_164 = arith.cmpi slt, %add3A_157, %sign3A_163 : i32
    %sign3A_165 = arith.extui %sign3A_164 : i1 to i32
    %sign3A_166 = arith.subi %sign3A_162, %sign3A_165 : i32
    %sign3A_167 = arith.constant 0 : i32
    %sign3A_168 = arith.cmpi sgt, %jit3A_158, %sign3A_167 : i32
    %sign3A_169 = arith.extui %sign3A_168 : i1 to i32
    %sign3A_170 = arith.constant 0 : i32
    %sign3A_171 = arith.cmpi slt, %jit3A_158, %sign3A_170 : i32
    %sign3A_172 = arith.extui %sign3A_171 : i1 to i32
    %sign3A_173 = arith.subi %sign3A_169, %sign3A_172 : i32
    %ne3A_174 = arith.cmpi ne, %sign3A_166, %sign3A_173 : i32
    %rem3A_175 = arith.remsi %add3A_157, %jit3A_158 : i32
    %ne3A_176 = arith.constant 0 : i32
    %ne3A_177 = arith.cmpi ne, %rem3A_175, %ne3A_176 : i32
    %and3A_178 = arith.andi %ne3A_174, %ne3A_177 : i1
    %sub3A_179 = arith.constant 1 : i32
    %sub3A_180 = arith.subi %div3A_159, %sub3A_179 : i32
    %select_n3A_181 = arith.select %and3A_178, %sub3A_180, %div3A_159 : i32
    %jit3A_182 = arith.constant 4096 : i32
    %eq3A_183 = arith.constant 0 : i32
    %eq3A_184 = arith.cmpi eq, %jit3A_182, %eq3A_183 : i32
    %jit3A_185 = arith.constant 1 : i32
    %select_n3A_186 = arith.select %eq3A_184, %jit3A_185, %jit3A_182 : i32
    %rem3A_187 = arith.remsi %add3A_157, %select_n3A_186 : i32
    %ne3A_188 = arith.constant 0 : i32
    %ne3A_189 = arith.cmpi ne, %rem3A_187, %ne3A_188 : i32
    %lt3A_190 = arith.constant 0 : i32
    %lt3A_191 = arith.cmpi slt, %rem3A_187, %lt3A_190 : i32
    %lt3A_192 = arith.constant 0 : i32
    %lt3A_193 = arith.cmpi slt, %select_n3A_186, %lt3A_192 : i32
    %ne3A_194 = arith.xori %lt3A_191, %lt3A_193 : i1
    %and3A_195 = arith.andi %ne3A_194, %ne3A_189 : i1
    %add3A_196 = arith.addi %rem3A_187, %select_n3A_186 : i32
    %select_n3A_197 = arith.select %and3A_195, %add3A_196, %rem3A_187 : i32
    "tpu.region"() ({
      %run_scoped3A = tpu.sem_alloc : memref<!tpu.dma_semaphore, #tpu.memory_space<semaphore_mem>>
      %dma_start3A_471 = tpu.memref_slice %arg3[%select_n3A_181, %select_n3A_197] : memref<16x4096xi32, #tpu.memory_space<hbm>> -> memref<1x256xi32, #tpu.memory_space<hbm>>
      %dma_start3A_472 = tpu.memref_squeeze %dma_start3A_471 : memref<1x256xi32, #tpu.memory_space<hbm>> -> memref<256xi32, #tpu.memory_space<hbm>>
      %dma_start3A_473 = tpu.memref_slice %arg3[%select_n3A_181, %select_n3A_197] : memref<16x4096xi32, #tpu.memory_space<hbm>> -> memref<1x256xi32, #tpu.memory_space<hbm>>
      %dma_start3A_474 = tpu.memref_squeeze %dma_start3A_473 : memref<1x256xi32, #tpu.memory_space<hbm>> -> memref<256xi32, #tpu.memory_space<hbm>>
      tpu.enqueue_dma source(%dma_start3A_474 : memref<256xi32, #tpu.memory_space<hbm>>) target(%arg6 : memref<256xi32, #tpu.memory_space<vmem>>) target_semaphore(%run_scoped3A : memref<!tpu.dma_semaphore, #tpu.memory_space<semaphore_mem>>)
      %dma_wait3A_475 = tpu.memref_slice %arg3[%select_n3A_181, %select_n3A_197] : memref<16x4096xi32, #tpu.memory_space<hbm>> -> memref<1x256xi32, #tpu.memory_space<hbm>>
      %dma_wait3A_476 = tpu.memref_squeeze %dma_wait3A_475 : memref<1x256xi32, #tpu.memory_space<hbm>> -> memref<256xi32, #tpu.memory_space<hbm>>
      %dma_wait3A_477 = tpu.memref_slice %arg3[%select_n3A_181, %select_n3A_197] : memref<16x4096xi32, #tpu.memory_space<hbm>> -> memref<1x256xi32, #tpu.memory_space<hbm>>
      %dma_wait3A_478 = tpu.memref_squeeze %dma_wait3A_477 : memref<1x256xi32, #tpu.memory_space<hbm>> -> memref<256xi32, #tpu.memory_space<hbm>>
      tpu.wait_dma2 semaphore(%run_scoped3A : memref<!tpu.dma_semaphore, #tpu.memory_space<semaphore_mem>>) src(%dma_wait3A_478 : memref<256xi32, #tpu.memory_space<hbm>>) dst(%arg6 : memref<256xi32, #tpu.memory_space<vmem>>)
      tpu.yield
    }) : () -> ()
    %dma_start3A_198 = arith.constant 0 : i32
    %dma_start3A_199 = arith.constant 0 : i32
    %dma_start3A_200 = tpu.memref_slice %arg2[%dma_start3A_198, %dma_start3A_199] : memref<16384x128xf32, #tpu.memory_space<hbm>> -> memref<16384x128xf32, #tpu.memory_space<hbm>>
    tpu.enqueue_indirect_dma source(%dma_start3A_200 : memref<16384x128xf32, #tpu.memory_space<hbm>>) target(%arg8 : memref<256x128xf32, #tpu.memory_space<vmem>>) offsets(%arg6 : memref<256xi32, #tpu.memory_space<vmem>>) semaphore(%arg10 : memref<!tpu.dma_semaphore, #tpu.memory_space<semaphore_mem>>)
    %dma_wait3A_201 = arith.constant 0 : i32
    %dma_wait3A_202 = arith.constant 0 : i32
    %dma_wait3A_203 = tpu.memref_slice %arg2[%dma_wait3A_201, %dma_wait3A_202] : memref<16384x128xf32, #tpu.memory_space<hbm>> -> memref<16384x128xf32, #tpu.memory_space<hbm>>
    tpu.wait_indirect_dma semaphore(%arg9 : memref<!tpu.dma_semaphore, #tpu.memory_space<semaphore_mem>>) src(%dma_wait3A_203 : memref<16384x128xf32, #tpu.memory_space<hbm>>) dst(%arg7 : memref<256x128xf32, #tpu.memory_space<vmem>>)
    %add3A_204 = arith.constant 512 : i32
    %add3A_205 = arith.addi %mul3A_2, %add3A_204 : i32
    %dma_start3A_206 = arith.constant 0 : i32
    %dma_start3A_207 = tpu.memref_slice %arg4[%add3A_205, %dma_start3A_206] : memref<65536x128xf32, #tpu.memory_space<hbm>> -> memref<256x128xf32, #tpu.memory_space<hbm>>
    %dma_start3A_208 = arith.constant 0 : i32
    %dma_start3A_209 = tpu.memref_slice %arg4[%add3A_205, %dma_start3A_208] : memref<65536x128xf32, #tpu.memory_space<hbm>> -> memref<256x128xf32, #tpu.memory_space<hbm>>
    tpu.enqueue_dma source(%arg7 : memref<256x128xf32, #tpu.memory_space<vmem>>) target(%dma_start3A_209 : memref<256x128xf32, #tpu.memory_space<hbm>>) target_semaphore(%arg11 : memref<!tpu.dma_semaphore, #tpu.memory_space<semaphore_mem>>)
    %add3A_210 = arith.constant 512 : i32
    %add3A_211 = arith.addi %mul3A_2, %add3A_210 : i32
    %dma_wait3A_212 = arith.constant 0 : i32
    %dma_wait3A_213 = tpu.memref_slice %arg4[%add3A_211, %dma_wait3A_212] : memref<65536x128xf32, #tpu.memory_space<hbm>> -> memref<256x128xf32, #tpu.memory_space<hbm>>
    %dma_wait3A_214 = arith.constant 0 : i32
    %dma_wait3A_215 = tpu.memref_slice %arg4[%add3A_211, %dma_wait3A_214] : memref<65536x128xf32, #tpu.memory_space<hbm>> -> memref<256x128xf32, #tpu.memory_space<hbm>>
    tpu.wait_dma2 semaphore(%arg11 : memref<!tpu.dma_semaphore, #tpu.memory_space<semaphore_mem>>) src(%arg7 : memref<256x128xf32, #tpu.memory_space<vmem>>) dst(%dma_wait3A_215 : memref<256x128xf32, #tpu.memory_space<hbm>>)
    %add3A_216 = arith.constant 1024 : i32
    %add3A_217 = arith.addi %mul3A_2, %add3A_216 : i32
    %jit3A_218 = arith.constant 4096 : i32
    %div3A_219 = arith.divsi %add3A_217, %jit3A_218 : i32
    %sign3A_220 = arith.constant 0 : i32
    %sign3A_221 = arith.cmpi sgt, %add3A_217, %sign3A_220 : i32
    %sign3A_222 = arith.extui %sign3A_221 : i1 to i32
    %sign3A_223 = arith.constant 0 : i32
    %sign3A_224 = arith.cmpi slt, %add3A_217, %sign3A_223 : i32
    %sign3A_225 = arith.extui %sign3A_224 : i1 to i32
    %sign3A_226 = arith.subi %sign3A_222, %sign3A_225 : i32
    %sign3A_227 = arith.constant 0 : i32
    %sign3A_228 = arith.cmpi sgt, %jit3A_218, %sign3A_227 : i32
    %sign3A_229 = arith.extui %sign3A_228 : i1 to i32
    %sign3A_230 = arith.constant 0 : i32
    %sign3A_231 = arith.cmpi slt, %jit3A_218, %sign3A_230 : i32
    %sign3A_232 = arith.extui %sign3A_231 : i1 to i32
    %sign3A_233 = arith.subi %sign3A_229, %sign3A_232 : i32
    %ne3A_234 = arith.cmpi ne, %sign3A_226, %sign3A_233 : i32
    %rem3A_235 = arith.remsi %add3A_217, %jit3A_218 : i32
    %ne3A_236 = arith.constant 0 : i32
    %ne3A_237 = arith.cmpi ne, %rem3A_235, %ne3A_236 : i32
    %and3A_238 = arith.andi %ne3A_234, %ne3A_237 : i1
    %sub3A_239 = arith.constant 1 : i32
    %sub3A_240 = arith.subi %div3A_219, %sub3A_239 : i32
    %select_n3A_241 = arith.select %and3A_238, %sub3A_240, %div3A_219 : i32
    %jit3A_242 = arith.constant 4096 : i32
    %eq3A_243 = arith.constant 0 : i32
    %eq3A_244 = arith.cmpi eq, %jit3A_242, %eq3A_243 : i32
    %jit3A_245 = arith.constant 1 : i32
    %select_n3A_246 = arith.select %eq3A_244, %jit3A_245, %jit3A_242 : i32
    %rem3A_247 = arith.remsi %add3A_217, %select_n3A_246 : i32
    %ne3A_248 = arith.constant 0 : i32
    %ne3A_249 = arith.cmpi ne, %rem3A_247, %ne3A_248 : i32
    %lt3A_250 = arith.constant 0 : i32
    %lt3A_251 = arith.cmpi slt, %rem3A_247, %lt3A_250 : i32
    %lt3A_252 = arith.constant 0 : i32
    %lt3A_253 = arith.cmpi slt, %select_n3A_246, %lt3A_252 : i32
    %ne3A_254 = arith.xori %lt3A_251, %lt3A_253 : i1
    %and3A_255 = arith.andi %ne3A_254, %ne3A_249 : i1
    %add3A_256 = arith.addi %rem3A_247, %select_n3A_246 : i32
    %select_n3A_257 = arith.select %and3A_255, %add3A_256, %rem3A_247 : i32
    "tpu.region"() ({
      %run_scoped3A = tpu.sem_alloc : memref<!tpu.dma_semaphore, #tpu.memory_space<semaphore_mem>>
      %dma_start3A_471 = tpu.memref_slice %arg3[%select_n3A_241, %select_n3A_257] : memref<16x4096xi32, #tpu.memory_space<hbm>> -> memref<1x256xi32, #tpu.memory_space<hbm>>
      %dma_start3A_472 = tpu.memref_squeeze %dma_start3A_471 : memref<1x256xi32, #tpu.memory_space<hbm>> -> memref<256xi32, #tpu.memory_space<hbm>>
      %dma_start3A_473 = tpu.memref_slice %arg3[%select_n3A_241, %select_n3A_257] : memref<16x4096xi32, #tpu.memory_space<hbm>> -> memref<1x256xi32, #tpu.memory_space<hbm>>
      %dma_start3A_474 = tpu.memref_squeeze %dma_start3A_473 : memref<1x256xi32, #tpu.memory_space<hbm>> -> memref<256xi32, #tpu.memory_space<hbm>>
      tpu.enqueue_dma source(%dma_start3A_474 : memref<256xi32, #tpu.memory_space<hbm>>) target(%arg5 : memref<256xi32, #tpu.memory_space<vmem>>) target_semaphore(%run_scoped3A : memref<!tpu.dma_semaphore, #tpu.memory_space<semaphore_mem>>)
      %dma_wait3A_475 = tpu.memref_slice %arg3[%select_n3A_241, %select_n3A_257] : memref<16x4096xi32, #tpu.memory_space<hbm>> -> memref<1x256xi32, #tpu.memory_space<hbm>>
      %dma_wait3A_476 = tpu.memref_squeeze %dma_wait3A_475 : memref<1x256xi32, #tpu.memory_space<hbm>> -> memref<256xi32, #tpu.memory_space<hbm>>
      %dma_wait3A_477 = tpu.memref_slice %arg3[%select_n3A_241, %select_n3A_257] : memref<16x4096xi32, #tpu.memory_space<hbm>> -> memref<1x256xi32, #tpu.memory_space<hbm>>
      %dma_wait3A_478 = tpu.memref_squeeze %dma_wait3A_477 : memref<1x256xi32, #tpu.memory_space<hbm>> -> memref<256xi32, #tpu.memory_space<hbm>>
      tpu.wait_dma2 semaphore(%run_scoped3A : memref<!tpu.dma_semaphore, #tpu.memory_space<semaphore_mem>>) src(%dma_wait3A_478 : memref<256xi32, #tpu.memory_space<hbm>>) dst(%arg5 : memref<256xi32, #tpu.memory_space<vmem>>)
      tpu.yield
    }) : () -> ()
    %dma_start3A_258 = arith.constant 0 : i32
    %dma_start3A_259 = arith.constant 0 : i32
    %dma_start3A_260 = tpu.memref_slice %arg2[%dma_start3A_258, %dma_start3A_259] : memref<16384x128xf32, #tpu.memory_space<hbm>> -> memref<16384x128xf32, #tpu.memory_space<hbm>>
    tpu.enqueue_indirect_dma source(%dma_start3A_260 : memref<16384x128xf32, #tpu.memory_space<hbm>>) target(%arg7 : memref<256x128xf32, #tpu.memory_space<vmem>>) offsets(%arg5 : memref<256xi32, #tpu.memory_space<vmem>>) semaphore(%arg9 : memref<!tpu.dma_semaphore, #tpu.memory_space<semaphore_mem>>)
    %dma_wait3A_261 = arith.constant 0 : i32
    %dma_wait3A_262 = arith.constant 0 : i32
    %dma_wait3A_263 = tpu.memref_slice %arg2[%dma_wait3A_261, %dma_wait3A_262] : memref<16384x128xf32, #tpu.memory_space<hbm>> -> memref<16384x128xf32, #tpu.memory_space<hbm>>
    tpu.wait_indirect_dma semaphore(%arg10 : memref<!tpu.dma_semaphore, #tpu.memory_space<semaphore_mem>>) src(%dma_wait3A_263 : memref<16384x128xf32, #tpu.memory_space<hbm>>) dst(%arg8 : memref<256x128xf32, #tpu.memory_space<vmem>>)
    %add3A_264 = arith.constant 768 : i32
    %add3A_265 = arith.addi %mul3A_2, %add3A_264 : i32
    %dma_start3A_266 = arith.constant 0 : i32
    %dma_start3A_267 = tpu.memref_slice %arg4[%add3A_265, %dma_start3A_266] : memref<65536x128xf32, #tpu.memory_space<hbm>> -> memref<256x128xf32, #tpu.memory_space<hbm>>
    %dma_start3A_268 = arith.constant 0 : i32
    %dma_start3A_269 = tpu.memref_slice %arg4[%add3A_265, %dma_start3A_268] : memref<65536x128xf32, #tpu.memory_space<hbm>> -> memref<256x128xf32, #tpu.memory_space<hbm>>
    tpu.enqueue_dma source(%arg8 : memref<256x128xf32, #tpu.memory_space<vmem>>) target(%dma_start3A_269 : memref<256x128xf32, #tpu.memory_space<hbm>>) target_semaphore(%arg12 : memref<!tpu.dma_semaphore, #tpu.memory_space<semaphore_mem>>)
    %add3A_270 = arith.constant 768 : i32
    %add3A_271 = arith.addi %mul3A_2, %add3A_270 : i32
    %dma_wait3A_272 = arith.constant 0 : i32
    %dma_wait3A_273 = tpu.memref_slice %arg4[%add3A_271, %dma_wait3A_272] : memref<65536x128xf32, #tpu.memory_space<hbm>> -> memref<256x128xf32, #tpu.memory_space<hbm>>
    %dma_wait3A_274 = arith.constant 0 : i32
    %dma_wait3A_275 = tpu.memref_slice %arg4[%add3A_271, %dma_wait3A_274] : memref<65536x128xf32, #tpu.memory_space<hbm>> -> memref<256x128xf32, #tpu.memory_space<hbm>>
    tpu.wait_dma2 semaphore(%arg12 : memref<!tpu.dma_semaphore, #tpu.memory_space<semaphore_mem>>) src(%arg8 : memref<256x128xf32, #tpu.memory_space<vmem>>) dst(%dma_wait3A_275 : memref<256x128xf32, #tpu.memory_space<hbm>>)
    %add3A_276 = arith.constant 1280 : i32
    %add3A_277 = arith.addi %mul3A_2, %add3A_276 : i32
    %jit3A_278 = arith.constant 4096 : i32
    %div3A_279 = arith.divsi %add3A_277, %jit3A_278 : i32
    %sign3A_280 = arith.constant 0 : i32
    %sign3A_281 = arith.cmpi sgt, %add3A_277, %sign3A_280 : i32
    %sign3A_282 = arith.extui %sign3A_281 : i1 to i32
    %sign3A_283 = arith.constant 0 : i32
    %sign3A_284 = arith.cmpi slt, %add3A_277, %sign3A_283 : i32
    %sign3A_285 = arith.extui %sign3A_284 : i1 to i32
    %sign3A_286 = arith.subi %sign3A_282, %sign3A_285 : i32
    %sign3A_287 = arith.constant 0 : i32
    %sign3A_288 = arith.cmpi sgt, %jit3A_278, %sign3A_287 : i32
    %sign3A_289 = arith.extui %sign3A_288 : i1 to i32
    %sign3A_290 = arith.constant 0 : i32
    %sign3A_291 = arith.cmpi slt, %jit3A_278, %sign3A_290 : i32
    %sign3A_292 = arith.extui %sign3A_291 : i1 to i32
    %sign3A_293 = arith.subi %sign3A_289, %sign3A_292 : i32
    %ne3A_294 = arith.cmpi ne, %sign3A_286, %sign3A_293 : i32
    %rem3A_295 = arith.remsi %add3A_277, %jit3A_278 : i32
    %ne3A_296 = arith.constant 0 : i32
    %ne3A_297 = arith.cmpi ne, %rem3A_295, %ne3A_296 : i32
    %and3A_298 = arith.andi %ne3A_294, %ne3A_297 : i1
    %sub3A_299 = arith.constant 1 : i32
    %sub3A_300 = arith.subi %div3A_279, %sub3A_299 : i32
    %select_n3A_301 = arith.select %and3A_298, %sub3A_300, %div3A_279 : i32
    %jit3A_302 = arith.constant 4096 : i32
    %eq3A_303 = arith.constant 0 : i32
    %eq3A_304 = arith.cmpi eq, %jit3A_302, %eq3A_303 : i32
    %jit3A_305 = arith.constant 1 : i32
    %select_n3A_306 = arith.select %eq3A_304, %jit3A_305, %jit3A_302 : i32
    %rem3A_307 = arith.remsi %add3A_277, %select_n3A_306 : i32
    %ne3A_308 = arith.constant 0 : i32
    %ne3A_309 = arith.cmpi ne, %rem3A_307, %ne3A_308 : i32
    %lt3A_310 = arith.constant 0 : i32
    %lt3A_311 = arith.cmpi slt, %rem3A_307, %lt3A_310 : i32
    %lt3A_312 = arith.constant 0 : i32
    %lt3A_313 = arith.cmpi slt, %select_n3A_306, %lt3A_312 : i32
    %ne3A_314 = arith.xori %lt3A_311, %lt3A_313 : i1
    %and3A_315 = arith.andi %ne3A_314, %ne3A_309 : i1
    %add3A_316 = arith.addi %rem3A_307, %select_n3A_306 : i32
    %select_n3A_317 = arith.select %and3A_315, %add3A_316, %rem3A_307 : i32
    "tpu.region"() ({
      %run_scoped3A = tpu.sem_alloc : memref<!tpu.dma_semaphore, #tpu.memory_space<semaphore_mem>>
      %dma_start3A_471 = tpu.memref_slice %arg3[%select_n3A_301, %select_n3A_317] : memref<16x4096xi32, #tpu.memory_space<hbm>> -> memref<1x256xi32, #tpu.memory_space<hbm>>
      %dma_start3A_472 = tpu.memref_squeeze %dma_start3A_471 : memref<1x256xi32, #tpu.memory_space<hbm>> -> memref<256xi32, #tpu.memory_space<hbm>>
      %dma_start3A_473 = tpu.memref_slice %arg3[%select_n3A_301, %select_n3A_317] : memref<16x4096xi32, #tpu.memory_space<hbm>> -> memref<1x256xi32, #tpu.memory_space<hbm>>
      %dma_start3A_474 = tpu.memref_squeeze %dma_start3A_473 : memref<1x256xi32, #tpu.memory_space<hbm>> -> memref<256xi32, #tpu.memory_space<hbm>>
      tpu.enqueue_dma source(%dma_start3A_474 : memref<256xi32, #tpu.memory_space<hbm>>) target(%arg6 : memref<256xi32, #tpu.memory_space<vmem>>) target_semaphore(%run_scoped3A : memref<!tpu.dma_semaphore, #tpu.memory_space<semaphore_mem>>)
      %dma_wait3A_475 = tpu.memref_slice %arg3[%select_n3A_301, %select_n3A_317] : memref<16x4096xi32, #tpu.memory_space<hbm>> -> memref<1x256xi32, #tpu.memory_space<hbm>>
      %dma_wait3A_476 = tpu.memref_squeeze %dma_wait3A_475 : memref<1x256xi32, #tpu.memory_space<hbm>> -> memref<256xi32, #tpu.memory_space<hbm>>
      %dma_wait3A_477 = tpu.memref_slice %arg3[%select_n3A_301, %select_n3A_317] : memref<16x4096xi32, #tpu.memory_space<hbm>> -> memref<1x256xi32, #tpu.memory_space<hbm>>
      %dma_wait3A_478 = tpu.memref_squeeze %dma_wait3A_477 : memref<1x256xi32, #tpu.memory_space<hbm>> -> memref<256xi32, #tpu.memory_space<hbm>>
      tpu.wait_dma2 semaphore(%run_scoped3A : memref<!tpu.dma_semaphore, #tpu.memory_space<semaphore_mem>>) src(%dma_wait3A_478 : memref<256xi32, #tpu.memory_space<hbm>>) dst(%arg6 : memref<256xi32, #tpu.memory_space<vmem>>)
      tpu.yield
    }) : () -> ()
    %dma_start3A_318 = arith.constant 0 : i32
    %dma_start3A_319 = arith.constant 0 : i32
    %dma_start3A_320 = tpu.memref_slice %arg2[%dma_start3A_318, %dma_start3A_319] : memref<16384x128xf32, #tpu.memory_space<hbm>> -> memref<16384x128xf32, #tpu.memory_space<hbm>>
    tpu.enqueue_indirect_dma source(%dma_start3A_320 : memref<16384x128xf32, #tpu.memory_space<hbm>>) target(%arg8 : memref<256x128xf32, #tpu.memory_space<vmem>>) offsets(%arg6 : memref<256xi32, #tpu.memory_space<vmem>>) semaphore(%arg10 : memref<!tpu.dma_semaphore, #tpu.memory_space<semaphore_mem>>)
    %dma_wait3A_321 = arith.constant 0 : i32
    %dma_wait3A_322 = arith.constant 0 : i32
    %dma_wait3A_323 = tpu.memref_slice %arg2[%dma_wait3A_321, %dma_wait3A_322] : memref<16384x128xf32, #tpu.memory_space<hbm>> -> memref<16384x128xf32, #tpu.memory_space<hbm>>
    tpu.wait_indirect_dma semaphore(%arg9 : memref<!tpu.dma_semaphore, #tpu.memory_space<semaphore_mem>>) src(%dma_wait3A_323 : memref<16384x128xf32, #tpu.memory_space<hbm>>) dst(%arg7 : memref<256x128xf32, #tpu.memory_space<vmem>>)
    %add3A_324 = arith.constant 1024 : i32
    %add3A_325 = arith.addi %mul3A_2, %add3A_324 : i32
    %dma_start3A_326 = arith.constant 0 : i32
    %dma_start3A_327 = tpu.memref_slice %arg4[%add3A_325, %dma_start3A_326] : memref<65536x128xf32, #tpu.memory_space<hbm>> -> memref<256x128xf32, #tpu.memory_space<hbm>>
    %dma_start3A_328 = arith.constant 0 : i32
    %dma_start3A_329 = tpu.memref_slice %arg4[%add3A_325, %dma_start3A_328] : memref<65536x128xf32, #tpu.memory_space<hbm>> -> memref<256x128xf32, #tpu.memory_space<hbm>>
    tpu.enqueue_dma source(%arg7 : memref<256x128xf32, #tpu.memory_space<vmem>>) target(%dma_start3A_329 : memref<256x128xf32, #tpu.memory_space<hbm>>) target_semaphore(%arg11 : memref<!tpu.dma_semaphore, #tpu.memory_space<semaphore_mem>>)
    %add3A_330 = arith.constant 1024 : i32
    %add3A_331 = arith.addi %mul3A_2, %add3A_330 : i32
    %dma_wait3A_332 = arith.constant 0 : i32
    %dma_wait3A_333 = tpu.memref_slice %arg4[%add3A_331, %dma_wait3A_332] : memref<65536x128xf32, #tpu.memory_space<hbm>> -> memref<256x128xf32, #tpu.memory_space<hbm>>
    %dma_wait3A_334 = arith.constant 0 : i32
    %dma_wait3A_335 = tpu.memref_slice %arg4[%add3A_331, %dma_wait3A_334] : memref<65536x128xf32, #tpu.memory_space<hbm>> -> memref<256x128xf32, #tpu.memory_space<hbm>>
    tpu.wait_dma2 semaphore(%arg11 : memref<!tpu.dma_semaphore, #tpu.memory_space<semaphore_mem>>) src(%arg7 : memref<256x128xf32, #tpu.memory_space<vmem>>) dst(%dma_wait3A_335 : memref<256x128xf32, #tpu.memory_space<hbm>>)
    %add3A_336 = arith.constant 1536 : i32
    %add3A_337 = arith.addi %mul3A_2, %add3A_336 : i32
    %jit3A_338 = arith.constant 4096 : i32
    %div3A_339 = arith.divsi %add3A_337, %jit3A_338 : i32
    %sign3A_340 = arith.constant 0 : i32
    %sign3A_341 = arith.cmpi sgt, %add3A_337, %sign3A_340 : i32
    %sign3A_342 = arith.extui %sign3A_341 : i1 to i32
    %sign3A_343 = arith.constant 0 : i32
    %sign3A_344 = arith.cmpi slt, %add3A_337, %sign3A_343 : i32
    %sign3A_345 = arith.extui %sign3A_344 : i1 to i32
    %sign3A_346 = arith.subi %sign3A_342, %sign3A_345 : i32
    %sign3A_347 = arith.constant 0 : i32
    %sign3A_348 = arith.cmpi sgt, %jit3A_338, %sign3A_347 : i32
    %sign3A_349 = arith.extui %sign3A_348 : i1 to i32
    %sign3A_350 = arith.constant 0 : i32
    %sign3A_351 = arith.cmpi slt, %jit3A_338, %sign3A_350 : i32
    %sign3A_352 = arith.extui %sign3A_351 : i1 to i32
    %sign3A_353 = arith.subi %sign3A_349, %sign3A_352 : i32
    %ne3A_354 = arith.cmpi ne, %sign3A_346, %sign3A_353 : i32
    %rem3A_355 = arith.remsi %add3A_337, %jit3A_338 : i32
    %ne3A_356 = arith.constant 0 : i32
    %ne3A_357 = arith.cmpi ne, %rem3A_355, %ne3A_356 : i32
    %and3A_358 = arith.andi %ne3A_354, %ne3A_357 : i1
    %sub3A_359 = arith.constant 1 : i32
    %sub3A_360 = arith.subi %div3A_339, %sub3A_359 : i32
    %select_n3A_361 = arith.select %and3A_358, %sub3A_360, %div3A_339 : i32
    %jit3A_362 = arith.constant 4096 : i32
    %eq3A_363 = arith.constant 0 : i32
    %eq3A_364 = arith.cmpi eq, %jit3A_362, %eq3A_363 : i32
    %jit3A_365 = arith.constant 1 : i32
    %select_n3A_366 = arith.select %eq3A_364, %jit3A_365, %jit3A_362 : i32
    %rem3A_367 = arith.remsi %add3A_337, %select_n3A_366 : i32
    %ne3A_368 = arith.constant 0 : i32
    %ne3A_369 = arith.cmpi ne, %rem3A_367, %ne3A_368 : i32
    %lt3A_370 = arith.constant 0 : i32
    %lt3A_371 = arith.cmpi slt, %rem3A_367, %lt3A_370 : i32
    %lt3A_372 = arith.constant 0 : i32
    %lt3A_373 = arith.cmpi slt, %select_n3A_366, %lt3A_372 : i32
    %ne3A_374 = arith.xori %lt3A_371, %lt3A_373 : i1
    %and3A_375 = arith.andi %ne3A_374, %ne3A_369 : i1
    %add3A_376 = arith.addi %rem3A_367, %select_n3A_366 : i32
    %select_n3A_377 = arith.select %and3A_375, %add3A_376, %rem3A_367 : i32
    "tpu.region"() ({
      %run_scoped3A = tpu.sem_alloc : memref<!tpu.dma_semaphore, #tpu.memory_space<semaphore_mem>>
      %dma_start3A_471 = tpu.memref_slice %arg3[%select_n3A_361, %select_n3A_377] : memref<16x4096xi32, #tpu.memory_space<hbm>> -> memref<1x256xi32, #tpu.memory_space<hbm>>
      %dma_start3A_472 = tpu.memref_squeeze %dma_start3A_471 : memref<1x256xi32, #tpu.memory_space<hbm>> -> memref<256xi32, #tpu.memory_space<hbm>>
      %dma_start3A_473 = tpu.memref_slice %arg3[%select_n3A_361, %select_n3A_377] : memref<16x4096xi32, #tpu.memory_space<hbm>> -> memref<1x256xi32, #tpu.memory_space<hbm>>
      %dma_start3A_474 = tpu.memref_squeeze %dma_start3A_473 : memref<1x256xi32, #tpu.memory_space<hbm>> -> memref<256xi32, #tpu.memory_space<hbm>>
      tpu.enqueue_dma source(%dma_start3A_474 : memref<256xi32, #tpu.memory_space<hbm>>) target(%arg5 : memref<256xi32, #tpu.memory_space<vmem>>) target_semaphore(%run_scoped3A : memref<!tpu.dma_semaphore, #tpu.memory_space<semaphore_mem>>)
      %dma_wait3A_475 = tpu.memref_slice %arg3[%select_n3A_361, %select_n3A_377] : memref<16x4096xi32, #tpu.memory_space<hbm>> -> memref<1x256xi32, #tpu.memory_space<hbm>>
      %dma_wait3A_476 = tpu.memref_squeeze %dma_wait3A_475 : memref<1x256xi32, #tpu.memory_space<hbm>> -> memref<256xi32, #tpu.memory_space<hbm>>
      %dma_wait3A_477 = tpu.memref_slice %arg3[%select_n3A_361, %select_n3A_377] : memref<16x4096xi32, #tpu.memory_space<hbm>> -> memref<1x256xi32, #tpu.memory_space<hbm>>
      %dma_wait3A_478 = tpu.memref_squeeze %dma_wait3A_477 : memref<1x256xi32, #tpu.memory_space<hbm>> -> memref<256xi32, #tpu.memory_space<hbm>>
      tpu.wait_dma2 semaphore(%run_scoped3A : memref<!tpu.dma_semaphore, #tpu.memory_space<semaphore_mem>>) src(%dma_wait3A_478 : memref<256xi32, #tpu.memory_space<hbm>>) dst(%arg5 : memref<256xi32, #tpu.memory_space<vmem>>)
      tpu.yield
    }) : () -> ()
    %dma_start3A_378 = arith.constant 0 : i32
    %dma_start3A_379 = arith.constant 0 : i32
    %dma_start3A_380 = tpu.memref_slice %arg2[%dma_start3A_378, %dma_start3A_379] : memref<16384x128xf32, #tpu.memory_space<hbm>> -> memref<16384x128xf32, #tpu.memory_space<hbm>>
    tpu.enqueue_indirect_dma source(%dma_start3A_380 : memref<16384x128xf32, #tpu.memory_space<hbm>>) target(%arg7 : memref<256x128xf32, #tpu.memory_space<vmem>>) offsets(%arg5 : memref<256xi32, #tpu.memory_space<vmem>>) semaphore(%arg9 : memref<!tpu.dma_semaphore, #tpu.memory_space<semaphore_mem>>)
    %dma_wait3A_381 = arith.constant 0 : i32
    %dma_wait3A_382 = arith.constant 0 : i32
    %dma_wait3A_383 = tpu.memref_slice %arg2[%dma_wait3A_381, %dma_wait3A_382] : memref<16384x128xf32, #tpu.memory_space<hbm>> -> memref<16384x128xf32, #tpu.memory_space<hbm>>
    tpu.wait_indirect_dma semaphore(%arg10 : memref<!tpu.dma_semaphore, #tpu.memory_space<semaphore_mem>>) src(%dma_wait3A_383 : memref<16384x128xf32, #tpu.memory_space<hbm>>) dst(%arg8 : memref<256x128xf32, #tpu.memory_space<vmem>>)
    %add3A_384 = arith.constant 1280 : i32
    %add3A_385 = arith.addi %mul3A_2, %add3A_384 : i32
    %dma_start3A_386 = arith.constant 0 : i32
    %dma_start3A_387 = tpu.memref_slice %arg4[%add3A_385, %dma_start3A_386] : memref<65536x128xf32, #tpu.memory_space<hbm>> -> memref<256x128xf32, #tpu.memory_space<hbm>>
    %dma_start3A_388 = arith.constant 0 : i32
    %dma_start3A_389 = tpu.memref_slice %arg4[%add3A_385, %dma_start3A_388] : memref<65536x128xf32, #tpu.memory_space<hbm>> -> memref<256x128xf32, #tpu.memory_space<hbm>>
    tpu.enqueue_dma source(%arg8 : memref<256x128xf32, #tpu.memory_space<vmem>>) target(%dma_start3A_389 : memref<256x128xf32, #tpu.memory_space<hbm>>) target_semaphore(%arg12 : memref<!tpu.dma_semaphore, #tpu.memory_space<semaphore_mem>>)
    %add3A_390 = arith.constant 1280 : i32
    %add3A_391 = arith.addi %mul3A_2, %add3A_390 : i32
    %dma_wait3A_392 = arith.constant 0 : i32
    %dma_wait3A_393 = tpu.memref_slice %arg4[%add3A_391, %dma_wait3A_392] : memref<65536x128xf32, #tpu.memory_space<hbm>> -> memref<256x128xf32, #tpu.memory_space<hbm>>
    %dma_wait3A_394 = arith.constant 0 : i32
    %dma_wait3A_395 = tpu.memref_slice %arg4[%add3A_391, %dma_wait3A_394] : memref<65536x128xf32, #tpu.memory_space<hbm>> -> memref<256x128xf32, #tpu.memory_space<hbm>>
    tpu.wait_dma2 semaphore(%arg12 : memref<!tpu.dma_semaphore, #tpu.memory_space<semaphore_mem>>) src(%arg8 : memref<256x128xf32, #tpu.memory_space<vmem>>) dst(%dma_wait3A_395 : memref<256x128xf32, #tpu.memory_space<hbm>>)
    %add3A_396 = arith.constant 1792 : i32
    %add3A_397 = arith.addi %mul3A_2, %add3A_396 : i32
    %jit3A_398 = arith.constant 4096 : i32
    %div3A_399 = arith.divsi %add3A_397, %jit3A_398 : i32
    %sign3A_400 = arith.constant 0 : i32
    %sign3A_401 = arith.cmpi sgt, %add3A_397, %sign3A_400 : i32
    %sign3A_402 = arith.extui %sign3A_401 : i1 to i32
    %sign3A_403 = arith.constant 0 : i32
    %sign3A_404 = arith.cmpi slt, %add3A_397, %sign3A_403 : i32
    %sign3A_405 = arith.extui %sign3A_404 : i1 to i32
    %sign3A_406 = arith.subi %sign3A_402, %sign3A_405 : i32
    %sign3A_407 = arith.constant 0 : i32
    %sign3A_408 = arith.cmpi sgt, %jit3A_398, %sign3A_407 : i32
    %sign3A_409 = arith.extui %sign3A_408 : i1 to i32
    %sign3A_410 = arith.constant 0 : i32
    %sign3A_411 = arith.cmpi slt, %jit3A_398, %sign3A_410 : i32
    %sign3A_412 = arith.extui %sign3A_411 : i1 to i32
    %sign3A_413 = arith.subi %sign3A_409, %sign3A_412 : i32
    %ne3A_414 = arith.cmpi ne, %sign3A_406, %sign3A_413 : i32
    %rem3A_415 = arith.remsi %add3A_397, %jit3A_398 : i32
    %ne3A_416 = arith.constant 0 : i32
    %ne3A_417 = arith.cmpi ne, %rem3A_415, %ne3A_416 : i32
    %and3A_418 = arith.andi %ne3A_414, %ne3A_417 : i1
    %sub3A_419 = arith.constant 1 : i32
    %sub3A_420 = arith.subi %div3A_399, %sub3A_419 : i32
    %select_n3A_421 = arith.select %and3A_418, %sub3A_420, %div3A_399 : i32
    %jit3A_422 = arith.constant 4096 : i32
    %eq3A_423 = arith.constant 0 : i32
    %eq3A_424 = arith.cmpi eq, %jit3A_422, %eq3A_423 : i32
    %jit3A_425 = arith.constant 1 : i32
    %select_n3A_426 = arith.select %eq3A_424, %jit3A_425, %jit3A_422 : i32
    %rem3A_427 = arith.remsi %add3A_397, %select_n3A_426 : i32
    %ne3A_428 = arith.constant 0 : i32
    %ne3A_429 = arith.cmpi ne, %rem3A_427, %ne3A_428 : i32
    %lt3A_430 = arith.constant 0 : i32
    %lt3A_431 = arith.cmpi slt, %rem3A_427, %lt3A_430 : i32
    %lt3A_432 = arith.constant 0 : i32
    %lt3A_433 = arith.cmpi slt, %select_n3A_426, %lt3A_432 : i32
    %ne3A_434 = arith.xori %lt3A_431, %lt3A_433 : i1
    %and3A_435 = arith.andi %ne3A_434, %ne3A_429 : i1
    %add3A_436 = arith.addi %rem3A_427, %select_n3A_426 : i32
    %select_n3A_437 = arith.select %and3A_435, %add3A_436, %rem3A_427 : i32
    "tpu.region"() ({
      %run_scoped3A = tpu.sem_alloc : memref<!tpu.dma_semaphore, #tpu.memory_space<semaphore_mem>>
      %dma_start3A_471 = tpu.memref_slice %arg3[%select_n3A_421, %select_n3A_437] : memref<16x4096xi32, #tpu.memory_space<hbm>> -> memref<1x256xi32, #tpu.memory_space<hbm>>
      %dma_start3A_472 = tpu.memref_squeeze %dma_start3A_471 : memref<1x256xi32, #tpu.memory_space<hbm>> -> memref<256xi32, #tpu.memory_space<hbm>>
      %dma_start3A_473 = tpu.memref_slice %arg3[%select_n3A_421, %select_n3A_437] : memref<16x4096xi32, #tpu.memory_space<hbm>> -> memref<1x256xi32, #tpu.memory_space<hbm>>
      %dma_start3A_474 = tpu.memref_squeeze %dma_start3A_473 : memref<1x256xi32, #tpu.memory_space<hbm>> -> memref<256xi32, #tpu.memory_space<hbm>>
      tpu.enqueue_dma source(%dma_start3A_474 : memref<256xi32, #tpu.memory_space<hbm>>) target(%arg6 : memref<256xi32, #tpu.memory_space<vmem>>) target_semaphore(%run_scoped3A : memref<!tpu.dma_semaphore, #tpu.memory_space<semaphore_mem>>)
      %dma_wait3A_475 = tpu.memref_slice %arg3[%select_n3A_421, %select_n3A_437] : memref<16x4096xi32, #tpu.memory_space<hbm>> -> memref<1x256xi32, #tpu.memory_space<hbm>>
      %dma_wait3A_476 = tpu.memref_squeeze %dma_wait3A_475 : memref<1x256xi32, #tpu.memory_space<hbm>> -> memref<256xi32, #tpu.memory_space<hbm>>
      %dma_wait3A_477 = tpu.memref_slice %arg3[%select_n3A_421, %select_n3A_437] : memref<16x4096xi32, #tpu.memory_space<hbm>> -> memref<1x256xi32, #tpu.memory_space<hbm>>
      %dma_wait3A_478 = tpu.memref_squeeze %dma_wait3A_477 : memref<1x256xi32, #tpu.memory_space<hbm>> -> memref<256xi32, #tpu.memory_space<hbm>>
      tpu.wait_dma2 semaphore(%run_scoped3A : memref<!tpu.dma_semaphore, #tpu.memory_space<semaphore_mem>>) src(%dma_wait3A_478 : memref<256xi32, #tpu.memory_space<hbm>>) dst(%arg6 : memref<256xi32, #tpu.memory_space<vmem>>)
      tpu.yield
    }) : () -> ()
    %dma_start3A_438 = arith.constant 0 : i32
    %dma_start3A_439 = arith.constant 0 : i32
    %dma_start3A_440 = tpu.memref_slice %arg2[%dma_start3A_438, %dma_start3A_439] : memref<16384x128xf32, #tpu.memory_space<hbm>> -> memref<16384x128xf32, #tpu.memory_space<hbm>>
    tpu.enqueue_indirect_dma source(%dma_start3A_440 : memref<16384x128xf32, #tpu.memory_space<hbm>>) target(%arg8 : memref<256x128xf32, #tpu.memory_space<vmem>>) offsets(%arg6 : memref<256xi32, #tpu.memory_space<vmem>>) semaphore(%arg10 : memref<!tpu.dma_semaphore, #tpu.memory_space<semaphore_mem>>)
    %dma_wait3A_441 = arith.constant 0 : i32
    %dma_wait3A_442 = arith.constant 0 : i32
    %dma_wait3A_443 = tpu.memref_slice %arg2[%dma_wait3A_441, %dma_wait3A_442] : memref<16384x128xf32, #tpu.memory_space<hbm>> -> memref<16384x128xf32, #tpu.memory_space<hbm>>
    tpu.wait_indirect_dma semaphore(%arg9 : memref<!tpu.dma_semaphore, #tpu.memory_space<semaphore_mem>>) src(%dma_wait3A_443 : memref<16384x128xf32, #tpu.memory_space<hbm>>) dst(%arg7 : memref<256x128xf32, #tpu.memory_space<vmem>>)
    %add3A_444 = arith.constant 1536 : i32
    %add3A_445 = arith.addi %mul3A_2, %add3A_444 : i32
    %dma_start3A_446 = arith.constant 0 : i32
    %dma_start3A_447 = tpu.memref_slice %arg4[%add3A_445, %dma_start3A_446] : memref<65536x128xf32, #tpu.memory_space<hbm>> -> memref<256x128xf32, #tpu.memory_space<hbm>>
    %dma_start3A_448 = arith.constant 0 : i32
    %dma_start3A_449 = tpu.memref_slice %arg4[%add3A_445, %dma_start3A_448] : memref<65536x128xf32, #tpu.memory_space<hbm>> -> memref<256x128xf32, #tpu.memory_space<hbm>>
    tpu.enqueue_dma source(%arg7 : memref<256x128xf32, #tpu.memory_space<vmem>>) target(%dma_start3A_449 : memref<256x128xf32, #tpu.memory_space<hbm>>) target_semaphore(%arg11 : memref<!tpu.dma_semaphore, #tpu.memory_space<semaphore_mem>>)
    %dma_wait3A_450 = arith.constant 0 : i32
    %dma_wait3A_451 = arith.constant 0 : i32
    %dma_wait3A_452 = tpu.memref_slice %arg2[%dma_wait3A_450, %dma_wait3A_451] : memref<16384x128xf32, #tpu.memory_space<hbm>> -> memref<16384x128xf32, #tpu.memory_space<hbm>>
    tpu.wait_indirect_dma semaphore(%arg10 : memref<!tpu.dma_semaphore, #tpu.memory_space<semaphore_mem>>) src(%dma_wait3A_452 : memref<16384x128xf32, #tpu.memory_space<hbm>>) dst(%arg8 : memref<256x128xf32, #tpu.memory_space<vmem>>)
    %add3A_453 = arith.constant 1792 : i32
    %add3A_454 = arith.addi %mul3A_2, %add3A_453 : i32
    %dma_start3A_455 = arith.constant 0 : i32
    %dma_start3A_456 = tpu.memref_slice %arg4[%add3A_454, %dma_start3A_455] : memref<65536x128xf32, #tpu.memory_space<hbm>> -> memref<256x128xf32, #tpu.memory_space<hbm>>
    %dma_start3A_457 = arith.constant 0 : i32
    %dma_start3A_458 = tpu.memref_slice %arg4[%add3A_454, %dma_start3A_457] : memref<65536x128xf32, #tpu.memory_space<hbm>> -> memref<256x128xf32, #tpu.memory_space<hbm>>
    tpu.enqueue_dma source(%arg8 : memref<256x128xf32, #tpu.memory_space<vmem>>) target(%dma_start3A_458 : memref<256x128xf32, #tpu.memory_space<hbm>>) target_semaphore(%arg12 : memref<!tpu.dma_semaphore, #tpu.memory_space<semaphore_mem>>)
    %add3A_459 = arith.constant 1536 : i32
    %add3A_460 = arith.addi %mul3A_2, %add3A_459 : i32
    %dma_wait3A_461 = arith.constant 0 : i32
    %dma_wait3A_462 = tpu.memref_slice %arg4[%add3A_460, %dma_wait3A_461] : memref<65536x128xf32, #tpu.memory_space<hbm>> -> memref<256x128xf32, #tpu.memory_space<hbm>>
    %dma_wait3A_463 = arith.constant 0 : i32
    %dma_wait3A_464 = tpu.memref_slice %arg4[%add3A_460, %dma_wait3A_463] : memref<65536x128xf32, #tpu.memory_space<hbm>> -> memref<256x128xf32, #tpu.memory_space<hbm>>
    tpu.wait_dma2 semaphore(%arg11 : memref<!tpu.dma_semaphore, #tpu.memory_space<semaphore_mem>>) src(%arg7 : memref<256x128xf32, #tpu.memory_space<vmem>>) dst(%dma_wait3A_464 : memref<256x128xf32, #tpu.memory_space<hbm>>)
    %add3A_465 = arith.constant 1792 : i32
    %add3A_466 = arith.addi %mul3A_2, %add3A_465 : i32
    %dma_wait3A_467 = arith.constant 0 : i32
    %dma_wait3A_468 = tpu.memref_slice %arg4[%add3A_466, %dma_wait3A_467] : memref<65536x128xf32, #tpu.memory_space<hbm>> -> memref<256x128xf32, #tpu.memory_space<hbm>>
    %dma_wait3A_469 = arith.constant 0 : i32
    %dma_wait3A_470 = tpu.memref_slice %arg4[%add3A_466, %dma_wait3A_469] : memref<65536x128xf32, #tpu.memory_space<hbm>> -> memref<256x128xf32, #tpu.memory_space<hbm>>
    tpu.wait_dma2 semaphore(%arg12 : memref<!tpu.dma_semaphore, #tpu.memory_space<semaphore_mem>>) src(%arg8 : memref<256x128xf32, #tpu.memory_space<vmem>>) dst(%dma_wait3A_470 : memref<256x128xf32, #tpu.memory_space<hbm>>)
    return
  }
}

#map = affine_map<(d0, d1) -> (0, 0)>
module attributes {stable_mosaic.version = 14 : i64} {
  func.func @gather_kernel(%arg0: i32, %arg1: i32, %arg2: memref<16384x128xf32, #tpu.memory_space<hbm>>, %arg3: memref<16x4096xi32, #tpu.memory_space<hbm>>, %arg4: memref<65536x128xf32, #tpu.memory_space<hbm>>, %arg5: memref<256xi32, #tpu.memory_space<vmem>>, %arg6: memref<256xi32, #tpu.memory_space<vmem>>, %arg7: memref<256x128xf32, #tpu.memory_space<vmem>>, %arg8: memref<256x128xf32, #tpu.memory_space<vmem>>, %arg9: memref<!tpu.dma_semaphore, #tpu.memory_space<semaphore_mem>>, %arg10: memref<!tpu.dma_semaphore, #tpu.memory_space<semaphore_mem>>, %arg11: memref<!tpu.dma_semaphore, #tpu.memory_space<semaphore_mem>>, %arg12: memref<!tpu.dma_semaphore, #tpu.memory_space<semaphore_mem>>) attributes {dimension_semantics = [#tpu.dimension_semantics<core_parallel>, #tpu.dimension_semantics<subcore_parallel>], iteration_bounds = array<i64: 2, 16>, scalar_prefetch = 0 : i64, scratch_operands = 8 : i64, tpu.core_type = #tpu.core_type<sc_vector_subcore>, window_params = [{transform_indices = #map}, {transform_indices = #map}, {transform_indices = #map}]} {
    %mul3A = arith.constant 2 : i32
    %mul3A_0 = arith.muli %arg1, %mul3A : i32
    %add3A = arith.addi %mul3A_0, %arg0 : i32
    %mul3A_1 = arith.constant 2048 : i32
    %mul3A_2 = arith.muli %add3A, %mul3A_1 : i32
    %add3A_3 = arith.constant 0 : i32
    %add3A_4 = arith.addi %mul3A_2, %add3A_3 : i32
    %jit3A = arith.constant 4096 : i32
    %div3A = arith.divsi %add3A_4, %jit3A : i32
    %sign3A = arith.constant 0 : i32
    %sign3A_5 = arith.cmpi sgt, %add3A_4, %sign3A : i32
    %sign3A_6 = arith.extui %sign3A_5 : i1 to i32
    %sign3A_7 = arith.constant 0 : i32
    %sign3A_8 = arith.cmpi slt, %add3A_4, %sign3A_7 : i32
    %sign3A_9 = arith.extui %sign3A_8 : i1 to i32
    %sign3A_10 = arith.subi %sign3A_6, %sign3A_9 : i32
    %sign3A_11 = arith.constant 0 : i32
    %sign3A_12 = arith.cmpi sgt, %jit3A, %sign3A_11 : i32
    %sign3A_13 = arith.extui %sign3A_12 : i1 to i32
    %sign3A_14 = arith.constant 0 : i32
    %sign3A_15 = arith.cmpi slt, %jit3A, %sign3A_14 : i32
    %sign3A_16 = arith.extui %sign3A_15 : i1 to i32
    %sign3A_17 = arith.subi %sign3A_13, %sign3A_16 : i32
    %ne3A = arith.cmpi ne, %sign3A_10, %sign3A_17 : i32
    %rem3A = arith.remsi %add3A_4, %jit3A : i32
    %ne3A_18 = arith.constant 0 : i32
    %ne3A_19 = arith.cmpi ne, %rem3A, %ne3A_18 : i32
    %and3A = arith.andi %ne3A, %ne3A_19 : i1
    %sub3A = arith.constant 1 : i32
    %sub3A_20 = arith.subi %div3A, %sub3A : i32
    %select_n3A = arith.select %and3A, %sub3A_20, %div3A : i32
    %jit3A_21 = arith.constant 4096 : i32
    %eq3A = arith.constant 0 : i32
    %eq3A_22 = arith.cmpi eq, %jit3A_21, %eq3A : i32
    %jit3A_23 = arith.constant 1 : i32
    %select_n3A_24 = arith.select %eq3A_22, %jit3A_23, %jit3A_21 : i32
    %rem3A_25 = arith.remsi %add3A_4, %select_n3A_24 : i32
    %ne3A_26 = arith.constant 0 : i32
    %ne3A_27 = arith.cmpi ne, %rem3A_25, %ne3A_26 : i32
    %lt3A = arith.constant 0 : i32
    %lt3A_28 = arith.cmpi slt, %rem3A_25, %lt3A : i32
    %lt3A_29 = arith.constant 0 : i32
    %lt3A_30 = arith.cmpi slt, %select_n3A_24, %lt3A_29 : i32
    %ne3A_31 = arith.xori %lt3A_28, %lt3A_30 : i1
    %and3A_32 = arith.andi %ne3A_31, %ne3A_27 : i1
    %add3A_33 = arith.addi %rem3A_25, %select_n3A_24 : i32
    %select_n3A_34 = arith.select %and3A_32, %add3A_33, %rem3A_25 : i32
    "tpu.region"() ({
      %run_scoped3A = tpu.sem_alloc : memref<!tpu.dma_semaphore, #tpu.memory_space<semaphore_mem>>
      %dma_start3A_471 = tpu.memref_slice %arg3[%select_n3A, %select_n3A_34] : memref<16x4096xi32, #tpu.memory_space<hbm>> -> memref<1x256xi32, #tpu.memory_space<hbm>>
      %dma_start3A_472 = tpu.memref_squeeze %dma_start3A_471 : memref<1x256xi32, #tpu.memory_space<hbm>> -> memref<256xi32, #tpu.memory_space<hbm>>
      %dma_start3A_473 = tpu.memref_slice %arg3[%select_n3A, %select_n3A_34] : memref<16x4096xi32, #tpu.memory_space<hbm>> -> memref<1x256xi32, #tpu.memory_space<hbm>>
      %dma_start3A_474 = tpu.memref_squeeze %dma_start3A_473 : memref<1x256xi32, #tpu.memory_space<hbm>> -> memref<256xi32, #tpu.memory_space<hbm>>
      tpu.enqueue_dma source(%dma_start3A_474 : memref<256xi32, #tpu.memory_space<hbm>>) target(%arg5 : memref<256xi32, #tpu.memory_space<vmem>>) target_semaphore(%run_scoped3A : memref<!tpu.dma_semaphore, #tpu.memory_space<semaphore_mem>>)
      %dma_wait3A_475 = tpu.memref_slice %arg3[%select_n3A, %select_n3A_34] : memref<16x4096xi32, #tpu.memory_space<hbm>> -> memref<1x256xi32, #tpu.memory_space<hbm>>
      %dma_wait3A_476 = tpu.memref_squeeze %dma_wait3A_475 : memref<1x256xi32, #tpu.memory_space<hbm>> -> memref<256xi32, #tpu.memory_space<hbm>>
      %dma_wait3A_477 = tpu.memref_slice %arg3[%select_n3A, %select_n3A_34] : memref<16x4096xi32, #tpu.memory_space<hbm>> -> memref<1x256xi32, #tpu.memory_space<hbm>>
      %dma_wait3A_478 = tpu.memref_squeeze %dma_wait3A_477 : memref<1x256xi32, #tpu.memory_space<hbm>> -> memref<256xi32, #tpu.memory_space<hbm>>
      tpu.wait_dma2 semaphore(%run_scoped3A : memref<!tpu.dma_semaphore, #tpu.memory_space<semaphore_mem>>) src(%dma_wait3A_478 : memref<256xi32, #tpu.memory_space<hbm>>) dst(%arg5 : memref<256xi32, #tpu.memory_space<vmem>>)
      tpu.yield
    }) : () -> ()
    %dma_start3A = arith.constant 0 : i32
    %dma_start3A_35 = arith.constant 0 : i32
    %dma_start3A_36 = tpu.memref_slice %arg2[%dma_start3A, %dma_start3A_35] : memref<16384x128xf32, #tpu.memory_space<hbm>> -> memref<16384x128xf32, #tpu.memory_space<hbm>>
    tpu.enqueue_indirect_dma source(%dma_start3A_36 : memref<16384x128xf32, #tpu.memory_space<hbm>>) target(%arg7 : memref<256x128xf32, #tpu.memory_space<vmem>>) offsets(%arg5 : memref<256xi32, #tpu.memory_space<vmem>>) semaphore(%arg9 : memref<!tpu.dma_semaphore, #tpu.memory_space<semaphore_mem>>)
    %add3A_37 = arith.constant 256 : i32
    %add3A_38 = arith.addi %mul3A_2, %add3A_37 : i32
    %jit3A_39 = arith.constant 4096 : i32
    %div3A_40 = arith.divsi %add3A_38, %jit3A_39 : i32
    %sign3A_41 = arith.constant 0 : i32
    %sign3A_42 = arith.cmpi sgt, %add3A_38, %sign3A_41 : i32
    %sign3A_43 = arith.extui %sign3A_42 : i1 to i32
    %sign3A_44 = arith.constant 0 : i32
    %sign3A_45 = arith.cmpi slt, %add3A_38, %sign3A_44 : i32
    %sign3A_46 = arith.extui %sign3A_45 : i1 to i32
    %sign3A_47 = arith.subi %sign3A_43, %sign3A_46 : i32
    %sign3A_48 = arith.constant 0 : i32
    %sign3A_49 = arith.cmpi sgt, %jit3A_39, %sign3A_48 : i32
    %sign3A_50 = arith.extui %sign3A_49 : i1 to i32
    %sign3A_51 = arith.constant 0 : i32
    %sign3A_52 = arith.cmpi slt, %jit3A_39, %sign3A_51 : i32
    %sign3A_53 = arith.extui %sign3A_52 : i1 to i32
    %sign3A_54 = arith.subi %sign3A_50, %sign3A_53 : i32
    %ne3A_55 = arith.cmpi ne, %sign3A_47, %sign3A_54 : i32
    %rem3A_56 = arith.remsi %add3A_38, %jit3A_39 : i32
    %ne3A_57 = arith.constant 0 : i32
    %ne3A_58 = arith.cmpi ne, %rem3A_56, %ne3A_57 : i32
    %and3A_59 = arith.andi %ne3A_55, %ne3A_58 : i1
    %sub3A_60 = arith.constant 1 : i32
    %sub3A_61 = arith.subi %div3A_40, %sub3A_60 : i32
    %select_n3A_62 = arith.select %and3A_59, %sub3A_61, %div3A_40 : i32
    %jit3A_63 = arith.constant 4096 : i32
    %eq3A_64 = arith.constant 0 : i32
    %eq3A_65 = arith.cmpi eq, %jit3A_63, %eq3A_64 : i32
    %jit3A_66 = arith.constant 1 : i32
    %select_n3A_67 = arith.select %eq3A_65, %jit3A_66, %jit3A_63 : i32
    %rem3A_68 = arith.remsi %add3A_38, %select_n3A_67 : i32
    %ne3A_69 = arith.constant 0 : i32
    %ne3A_70 = arith.cmpi ne, %rem3A_68, %ne3A_69 : i32
    %lt3A_71 = arith.constant 0 : i32
    %lt3A_72 = arith.cmpi slt, %rem3A_68, %lt3A_71 : i32
    %lt3A_73 = arith.constant 0 : i32
    %lt3A_74 = arith.cmpi slt, %select_n3A_67, %lt3A_73 : i32
    %ne3A_75 = arith.xori %lt3A_72, %lt3A_74 : i1
    %and3A_76 = arith.andi %ne3A_75, %ne3A_70 : i1
    %add3A_77 = arith.addi %rem3A_68, %select_n3A_67 : i32
    %select_n3A_78 = arith.select %and3A_76, %add3A_77, %rem3A_68 : i32
    "tpu.region"() ({
      %run_scoped3A = tpu.sem_alloc : memref<!tpu.dma_semaphore, #tpu.memory_space<semaphore_mem>>
      %dma_start3A_471 = tpu.memref_slice %arg3[%select_n3A_62, %select_n3A_78] : memref<16x4096xi32, #tpu.memory_space<hbm>> -> memref<1x256xi32, #tpu.memory_space<hbm>>
      %dma_start3A_472 = tpu.memref_squeeze %dma_start3A_471 : memref<1x256xi32, #tpu.memory_space<hbm>> -> memref<256xi32, #tpu.memory_space<hbm>>
      %dma_start3A_473 = tpu.memref_slice %arg3[%select_n3A_62, %select_n3A_78] : memref<16x4096xi32, #tpu.memory_space<hbm>> -> memref<1x256xi32, #tpu.memory_space<hbm>>
      %dma_start3A_474 = tpu.memref_squeeze %dma_start3A_473 : memref<1x256xi32, #tpu.memory_space<hbm>> -> memref<256xi32, #tpu.memory_space<hbm>>
      tpu.enqueue_dma source(%dma_start3A_474 : memref<256xi32, #tpu.memory_space<hbm>>) target(%arg6 : memref<256xi32, #tpu.memory_space<vmem>>) target_semaphore(%run_scoped3A : memref<!tpu.dma_semaphore, #tpu.memory_space<semaphore_mem>>)
      %dma_wait3A_475 = tpu.memref_slice %arg3[%select_n3A_62, %select_n3A_78] : memref<16x4096xi32, #tpu.memory_space<hbm>> -> memref<1x256xi32, #tpu.memory_space<hbm>>
      %dma_wait3A_476 = tpu.memref_squeeze %dma_wait3A_475 : memref<1x256xi32, #tpu.memory_space<hbm>> -> memref<256xi32, #tpu.memory_space<hbm>>
      %dma_wait3A_477 = tpu.memref_slice %arg3[%select_n3A_62, %select_n3A_78] : memref<16x4096xi32, #tpu.memory_space<hbm>> -> memref<1x256xi32, #tpu.memory_space<hbm>>
      %dma_wait3A_478 = tpu.memref_squeeze %dma_wait3A_477 : memref<1x256xi32, #tpu.memory_space<hbm>> -> memref<256xi32, #tpu.memory_space<hbm>>
      tpu.wait_dma2 semaphore(%run_scoped3A : memref<!tpu.dma_semaphore, #tpu.memory_space<semaphore_mem>>) src(%dma_wait3A_478 : memref<256xi32, #tpu.memory_space<hbm>>) dst(%arg6 : memref<256xi32, #tpu.memory_space<vmem>>)
      tpu.yield
    }) : () -> ()
    %dma_start3A_79 = arith.constant 0 : i32
    %dma_start3A_80 = arith.constant 0 : i32
    %dma_start3A_81 = tpu.memref_slice %arg2[%dma_start3A_79, %dma_start3A_80] : memref<16384x128xf32, #tpu.memory_space<hbm>> -> memref<16384x128xf32, #tpu.memory_space<hbm>>
    tpu.enqueue_indirect_dma source(%dma_start3A_81 : memref<16384x128xf32, #tpu.memory_space<hbm>>) target(%arg8 : memref<256x128xf32, #tpu.memory_space<vmem>>) offsets(%arg6 : memref<256xi32, #tpu.memory_space<vmem>>) semaphore(%arg10 : memref<!tpu.dma_semaphore, #tpu.memory_space<semaphore_mem>>)
    %dma_wait3A = arith.constant 0 : i32
    %dma_wait3A_82 = arith.constant 0 : i32
    %dma_wait3A_83 = tpu.memref_slice %arg2[%dma_wait3A, %dma_wait3A_82] : memref<16384x128xf32, #tpu.memory_space<hbm>> -> memref<16384x128xf32, #tpu.memory_space<hbm>>
    tpu.wait_indirect_dma semaphore(%arg9 : memref<!tpu.dma_semaphore, #tpu.memory_space<semaphore_mem>>) src(%dma_wait3A_83 : memref<16384x128xf32, #tpu.memory_space<hbm>>) dst(%arg7 : memref<256x128xf32, #tpu.memory_space<vmem>>)
    %add3A_84 = arith.constant 0 : i32
    %add3A_85 = arith.addi %mul3A_2, %add3A_84 : i32
    %dma_start3A_86 = arith.constant 0 : i32
    %dma_start3A_87 = tpu.memref_slice %arg4[%add3A_85, %dma_start3A_86] : memref<65536x128xf32, #tpu.memory_space<hbm>> -> memref<256x128xf32, #tpu.memory_space<hbm>>
    %dma_start3A_88 = arith.constant 0 : i32
    %dma_start3A_89 = tpu.memref_slice %arg4[%add3A_85, %dma_start3A_88] : memref<65536x128xf32, #tpu.memory_space<hbm>> -> memref<256x128xf32, #tpu.memory_space<hbm>>
    tpu.enqueue_dma source(%arg7 : memref<256x128xf32, #tpu.memory_space<vmem>>) target(%dma_start3A_89 : memref<256x128xf32, #tpu.memory_space<hbm>>) target_semaphore(%arg11 : memref<!tpu.dma_semaphore, #tpu.memory_space<semaphore_mem>>)
    %add3A_90 = arith.constant 0 : i32
    %add3A_91 = arith.addi %mul3A_2, %add3A_90 : i32
    %dma_wait3A_92 = arith.constant 0 : i32
    %dma_wait3A_93 = tpu.memref_slice %arg4[%add3A_91, %dma_wait3A_92] : memref<65536x128xf32, #tpu.memory_space<hbm>> -> memref<256x128xf32, #tpu.memory_space<hbm>>
    %dma_wait3A_94 = arith.constant 0 : i32
    %dma_wait3A_95 = tpu.memref_slice %arg4[%add3A_91, %dma_wait3A_94] : memref<65536x128xf32, #tpu.memory_space<hbm>> -> memref<256x128xf32, #tpu.memory_space<hbm>>
    tpu.wait_dma2 semaphore(%arg11 : memref<!tpu.dma_semaphore, #tpu.memory_space<semaphore_mem>>) src(%arg7 : memref<256x128xf32, #tpu.memory_space<vmem>>) dst(%dma_wait3A_95 : memref<256x128xf32, #tpu.memory_space<hbm>>)
    %add3A_96 = arith.constant 512 : i32
    %add3A_97 = arith.addi %mul3A_2, %add3A_96 : i32
    %jit3A_98 = arith.constant 4096 : i32
    %div3A_99 = arith.divsi %add3A_97, %jit3A_98 : i32
    %sign3A_100 = arith.constant 0 : i32
    %sign3A_101 = arith.cmpi sgt, %add3A_97, %sign3A_100 : i32
    %sign3A_102 = arith.extui %sign3A_101 : i1 to i32
    %sign3A_103 = arith.constant 0 : i32
    %sign3A_104 = arith.cmpi slt, %add3A_97, %sign3A_103 : i32
    %sign3A_105 = arith.extui %sign3A_104 : i1 to i32
    %sign3A_106 = arith.subi %sign3A_102, %sign3A_105 : i32
    %sign3A_107 = arith.constant 0 : i32
    %sign3A_108 = arith.cmpi sgt, %jit3A_98, %sign3A_107 : i32
    %sign3A_109 = arith.extui %sign3A_108 : i1 to i32
    %sign3A_110 = arith.constant 0 : i32
    %sign3A_111 = arith.cmpi slt, %jit3A_98, %sign3A_110 : i32
    %sign3A_112 = arith.extui %sign3A_111 : i1 to i32
    %sign3A_113 = arith.subi %sign3A_109, %sign3A_112 : i32
    %ne3A_114 = arith.cmpi ne, %sign3A_106, %sign3A_113 : i32
    %rem3A_115 = arith.remsi %add3A_97, %jit3A_98 : i32
    %ne3A_116 = arith.constant 0 : i32
    %ne3A_117 = arith.cmpi ne, %rem3A_115, %ne3A_116 : i32
    %and3A_118 = arith.andi %ne3A_114, %ne3A_117 : i1
    %sub3A_119 = arith.constant 1 : i32
    %sub3A_120 = arith.subi %div3A_99, %sub3A_119 : i32
    %select_n3A_121 = arith.select %and3A_118, %sub3A_120, %div3A_99 : i32
    %jit3A_122 = arith.constant 4096 : i32
    %eq3A_123 = arith.constant 0 : i32
    %eq3A_124 = arith.cmpi eq, %jit3A_122, %eq3A_123 : i32
    %jit3A_125 = arith.constant 1 : i32
    %select_n3A_126 = arith.select %eq3A_124, %jit3A_125, %jit3A_122 : i32
    %rem3A_127 = arith.remsi %add3A_97, %select_n3A_126 : i32
    %ne3A_128 = arith.constant 0 : i32
    %ne3A_129 = arith.cmpi ne, %rem3A_127, %ne3A_128 : i32
    %lt3A_130 = arith.constant 0 : i32
    %lt3A_131 = arith.cmpi slt, %rem3A_127, %lt3A_130 : i32
    %lt3A_132 = arith.constant 0 : i32
    %lt3A_133 = arith.cmpi slt, %select_n3A_126, %lt3A_132 : i32
    %ne3A_134 = arith.xori %lt3A_131, %lt3A_133 : i1
    %and3A_135 = arith.andi %ne3A_134, %ne3A_129 : i1
    %add3A_136 = arith.addi %rem3A_127, %select_n3A_126 : i32
    %select_n3A_137 = arith.select %and3A_135, %add3A_136, %rem3A_127 : i32
    "tpu.region"() ({
      %run_scoped3A = tpu.sem_alloc : memref<!tpu.dma_semaphore, #tpu.memory_space<semaphore_mem>>
      %dma_start3A_471 = tpu.memref_slice %arg3[%select_n3A_121, %select_n3A_137] : memref<16x4096xi32, #tpu.memory_space<hbm>> -> memref<1x256xi32, #tpu.memory_space<hbm>>
      %dma_start3A_472 = tpu.memref_squeeze %dma_start3A_471 : memref<1x256xi32, #tpu.memory_space<hbm>> -> memref<256xi32, #tpu.memory_space<hbm>>
      %dma_start3A_473 = tpu.memref_slice %arg3[%select_n3A_121, %select_n3A_137] : memref<16x4096xi32, #tpu.memory_space<hbm>> -> memref<1x256xi32, #tpu.memory_space<hbm>>
      %dma_start3A_474 = tpu.memref_squeeze %dma_start3A_473 : memref<1x256xi32, #tpu.memory_space<hbm>> -> memref<256xi32, #tpu.memory_space<hbm>>
      tpu.enqueue_dma source(%dma_start3A_474 : memref<256xi32, #tpu.memory_space<hbm>>) target(%arg5 : memref<256xi32, #tpu.memory_space<vmem>>) target_semaphore(%run_scoped3A : memref<!tpu.dma_semaphore, #tpu.memory_space<semaphore_mem>>)
      %dma_wait3A_475 = tpu.memref_slice %arg3[%select_n3A_121, %select_n3A_137] : memref<16x4096xi32, #tpu.memory_space<hbm>> -> memref<1x256xi32, #tpu.memory_space<hbm>>
      %dma_wait3A_476 = tpu.memref_squeeze %dma_wait3A_475 : memref<1x256xi32, #tpu.memory_space<hbm>> -> memref<256xi32, #tpu.memory_space<hbm>>
      %dma_wait3A_477 = tpu.memref_slice %arg3[%select_n3A_121, %select_n3A_137] : memref<16x4096xi32, #tpu.memory_space<hbm>> -> memref<1x256xi32, #tpu.memory_space<hbm>>
      %dma_wait3A_478 = tpu.memref_squeeze %dma_wait3A_477 : memref<1x256xi32, #tpu.memory_space<hbm>> -> memref<256xi32, #tpu.memory_space<hbm>>
      tpu.wait_dma2 semaphore(%run_scoped3A : memref<!tpu.dma_semaphore, #tpu.memory_space<semaphore_mem>>) src(%dma_wait3A_478 : memref<256xi32, #tpu.memory_space<hbm>>) dst(%arg5 : memref<256xi32, #tpu.memory_space<vmem>>)
      tpu.yield
    }) : () -> ()
    %dma_start3A_138 = arith.constant 0 : i32
    %dma_start3A_139 = arith.constant 0 : i32
    %dma_start3A_140 = tpu.memref_slice %arg2[%dma_start3A_138, %dma_start3A_139] : memref<16384x128xf32, #tpu.memory_space<hbm>> -> memref<16384x128xf32, #tpu.memory_space<hbm>>
    tpu.enqueue_indirect_dma source(%dma_start3A_140 : memref<16384x128xf32, #tpu.memory_space<hbm>>) target(%arg7 : memref<256x128xf32, #tpu.memory_space<vmem>>) offsets(%arg5 : memref<256xi32, #tpu.memory_space<vmem>>) semaphore(%arg9 : memref<!tpu.dma_semaphore, #tpu.memory_space<semaphore_mem>>)
    %dma_wait3A_141 = arith.constant 0 : i32
    %dma_wait3A_142 = arith.constant 0 : i32
    %dma_wait3A_143 = tpu.memref_slice %arg2[%dma_wait3A_141, %dma_wait3A_142] : memref<16384x128xf32, #tpu.memory_space<hbm>> -> memref<16384x128xf32, #tpu.memory_space<hbm>>
    tpu.wait_indirect_dma semaphore(%arg10 : memref<!tpu.dma_semaphore, #tpu.memory_space<semaphore_mem>>) src(%dma_wait3A_143 : memref<16384x128xf32, #tpu.memory_space<hbm>>) dst(%arg8 : memref<256x128xf32, #tpu.memory_space<vmem>>)
    %add3A_144 = arith.constant 256 : i32
    %add3A_145 = arith.addi %mul3A_2, %add3A_144 : i32
    %dma_start3A_146 = arith.constant 0 : i32
    %dma_start3A_147 = tpu.memref_slice %arg4[%add3A_145, %dma_start3A_146] : memref<65536x128xf32, #tpu.memory_space<hbm>> -> memref<256x128xf32, #tpu.memory_space<hbm>>
    %dma_start3A_148 = arith.constant 0 : i32
    %dma_start3A_149 = tpu.memref_slice %arg4[%add3A_145, %dma_start3A_148] : memref<65536x128xf32, #tpu.memory_space<hbm>> -> memref<256x128xf32, #tpu.memory_space<hbm>>
    tpu.enqueue_dma source(%arg8 : memref<256x128xf32, #tpu.memory_space<vmem>>) target(%dma_start3A_149 : memref<256x128xf32, #tpu.memory_space<hbm>>) target_semaphore(%arg12 : memref<!tpu.dma_semaphore, #tpu.memory_space<semaphore_mem>>)
    %add3A_150 = arith.constant 256 : i32
    %add3A_151 = arith.addi %mul3A_2, %add3A_150 : i32
    %dma_wait3A_152 = arith.constant 0 : i32
    %dma_wait3A_153 = tpu.memref_slice %arg4[%add3A_151, %dma_wait3A_152] : memref<65536x128xf32, #tpu.memory_space<hbm>> -> memref<256x128xf32, #tpu.memory_space<hbm>>
    %dma_wait3A_154 = arith.constant 0 : i32
    %dma_wait3A_155 = tpu.memref_slice %arg4[%add3A_151, %dma_wait3A_154] : memref<65536x128xf32, #tpu.memory_space<hbm>> -> memref<256x128xf32, #tpu.memory_space<hbm>>
    tpu.wait_dma2 semaphore(%arg12 : memref<!tpu.dma_semaphore, #tpu.memory_space<semaphore_mem>>) src(%arg8 : memref<256x128xf32, #tpu.memory_space<vmem>>) dst(%dma_wait3A_155 : memref<256x128xf32, #tpu.memory_space<hbm>>)
    %add3A_156 = arith.constant 768 : i32
    %add3A_157 = arith.addi %mul3A_2, %add3A_156 : i32
    %jit3A_158 = arith.constant 4096 : i32
    %div3A_159 = arith.divsi %add3A_157, %jit3A_158 : i32
    %sign3A_160 = arith.constant 0 : i32
    %sign3A_161 = arith.cmpi sgt, %add3A_157, %sign3A_160 : i32
    %sign3A_162 = arith.extui %sign3A_161 : i1 to i32
    %sign3A_163 = arith.constant 0 : i32
    %sign3A_164 = arith.cmpi slt, %add3A_157, %sign3A_163 : i32
    %sign3A_165 = arith.extui %sign3A_164 : i1 to i32
    %sign3A_166 = arith.subi %sign3A_162, %sign3A_165 : i32
    %sign3A_167 = arith.constant 0 : i32
    %sign3A_168 = arith.cmpi sgt, %jit3A_158, %sign3A_167 : i32
    %sign3A_169 = arith.extui %sign3A_168 : i1 to i32
    %sign3A_170 = arith.constant 0 : i32
    %sign3A_171 = arith.cmpi slt, %jit3A_158, %sign3A_170 : i32
    %sign3A_172 = arith.extui %sign3A_171 : i1 to i32
    %sign3A_173 = arith.subi %sign3A_169, %sign3A_172 : i32
    %ne3A_174 = arith.cmpi ne, %sign3A_166, %sign3A_173 : i32
    %rem3A_175 = arith.remsi %add3A_157, %jit3A_158 : i32
    %ne3A_176 = arith.constant 0 : i32
    %ne3A_177 = arith.cmpi ne, %rem3A_175, %ne3A_176 : i32
    %and3A_178 = arith.andi %ne3A_174, %ne3A_177 : i1
    %sub3A_179 = arith.constant 1 : i32
    %sub3A_180 = arith.subi %div3A_159, %sub3A_179 : i32
    %select_n3A_181 = arith.select %and3A_178, %sub3A_180, %div3A_159 : i32
    %jit3A_182 = arith.constant 4096 : i32
    %eq3A_183 = arith.constant 0 : i32
    %eq3A_184 = arith.cmpi eq, %jit3A_182, %eq3A_183 : i32
    %jit3A_185 = arith.constant 1 : i32
    %select_n3A_186 = arith.select %eq3A_184, %jit3A_185, %jit3A_182 : i32
    %rem3A_187 = arith.remsi %add3A_157, %select_n3A_186 : i32
    %ne3A_188 = arith.constant 0 : i32
    %ne3A_189 = arith.cmpi ne, %rem3A_187, %ne3A_188 : i32
    %lt3A_190 = arith.constant 0 : i32
    %lt3A_191 = arith.cmpi slt, %rem3A_187, %lt3A_190 : i32
    %lt3A_192 = arith.constant 0 : i32
    %lt3A_193 = arith.cmpi slt, %select_n3A_186, %lt3A_192 : i32
    %ne3A_194 = arith.xori %lt3A_191, %lt3A_193 : i1
    %and3A_195 = arith.andi %ne3A_194, %ne3A_189 : i1
    %add3A_196 = arith.addi %rem3A_187, %select_n3A_186 : i32
    %select_n3A_197 = arith.select %and3A_195, %add3A_196, %rem3A_187 : i32
    "tpu.region"() ({
      %run_scoped3A = tpu.sem_alloc : memref<!tpu.dma_semaphore, #tpu.memory_space<semaphore_mem>>
      %dma_start3A_471 = tpu.memref_slice %arg3[%select_n3A_181, %select_n3A_197] : memref<16x4096xi32, #tpu.memory_space<hbm>> -> memref<1x256xi32, #tpu.memory_space<hbm>>
      %dma_start3A_472 = tpu.memref_squeeze %dma_start3A_471 : memref<1x256xi32, #tpu.memory_space<hbm>> -> memref<256xi32, #tpu.memory_space<hbm>>
      %dma_start3A_473 = tpu.memref_slice %arg3[%select_n3A_181, %select_n3A_197] : memref<16x4096xi32, #tpu.memory_space<hbm>> -> memref<1x256xi32, #tpu.memory_space<hbm>>
      %dma_start3A_474 = tpu.memref_squeeze %dma_start3A_473 : memref<1x256xi32, #tpu.memory_space<hbm>> -> memref<256xi32, #tpu.memory_space<hbm>>
      tpu.enqueue_dma source(%dma_start3A_474 : memref<256xi32, #tpu.memory_space<hbm>>) target(%arg6 : memref<256xi32, #tpu.memory_space<vmem>>) target_semaphore(%run_scoped3A : memref<!tpu.dma_semaphore, #tpu.memory_space<semaphore_mem>>)
      %dma_wait3A_475 = tpu.memref_slice %arg3[%select_n3A_181, %select_n3A_197] : memref<16x4096xi32, #tpu.memory_space<hbm>> -> memref<1x256xi32, #tpu.memory_space<hbm>>
      %dma_wait3A_476 = tpu.memref_squeeze %dma_wait3A_475 : memref<1x256xi32, #tpu.memory_space<hbm>> -> memref<256xi32, #tpu.memory_space<hbm>>
      %dma_wait3A_477 = tpu.memref_slice %arg3[%select_n3A_181, %select_n3A_197] : memref<16x4096xi32, #tpu.memory_space<hbm>> -> memref<1x256xi32, #tpu.memory_space<hbm>>
      %dma_wait3A_478 = tpu.memref_squeeze %dma_wait3A_477 : memref<1x256xi32, #tpu.memory_space<hbm>> -> memref<256xi32, #tpu.memory_space<hbm>>
      tpu.wait_dma2 semaphore(%run_scoped3A : memref<!tpu.dma_semaphore, #tpu.memory_space<semaphore_mem>>) src(%dma_wait3A_478 : memref<256xi32, #tpu.memory_space<hbm>>) dst(%arg6 : memref<256xi32, #tpu.memory_space<vmem>>)
      tpu.yield
    }) : () -> ()
    %dma_start3A_198 = arith.constant 0 : i32
    %dma_start3A_199 = arith.constant 0 : i32
    %dma_start3A_200 = tpu.memref_slice %arg2[%dma_start3A_198, %dma_start3A_199] : memref<16384x128xf32, #tpu.memory_space<hbm>> -> memref<16384x128xf32, #tpu.memory_space<hbm>>
    tpu.enqueue_indirect_dma source(%dma_start3A_200 : memref<16384x128xf32, #tpu.memory_space<hbm>>) target(%arg8 : memref<256x128xf32, #tpu.memory_space<vmem>>) offsets(%arg6 : memref<256xi32, #tpu.memory_space<vmem>>) semaphore(%arg10 : memref<!tpu.dma_semaphore, #tpu.memory_space<semaphore_mem>>)
    %dma_wait3A_201 = arith.constant 0 : i32
    %dma_wait3A_202 = arith.constant 0 : i32
    %dma_wait3A_203 = tpu.memref_slice %arg2[%dma_wait3A_201, %dma_wait3A_202] : memref<16384x128xf32, #tpu.memory_space<hbm>> -> memref<16384x128xf32, #tpu.memory_space<hbm>>
    tpu.wait_indirect_dma semaphore(%arg9 : memref<!tpu.dma_semaphore, #tpu.memory_space<semaphore_mem>>) src(%dma_wait3A_203 : memref<16384x128xf32, #tpu.memory_space<hbm>>) dst(%arg7 : memref<256x128xf32, #tpu.memory_space<vmem>>)
    %add3A_204 = arith.constant 512 : i32
    %add3A_205 = arith.addi %mul3A_2, %add3A_204 : i32
    %dma_start3A_206 = arith.constant 0 : i32
    %dma_start3A_207 = tpu.memref_slice %arg4[%add3A_205, %dma_start3A_206] : memref<65536x128xf32, #tpu.memory_space<hbm>> -> memref<256x128xf32, #tpu.memory_space<hbm>>
    %dma_start3A_208 = arith.constant 0 : i32
    %dma_start3A_209 = tpu.memref_slice %arg4[%add3A_205, %dma_start3A_208] : memref<65536x128xf32, #tpu.memory_space<hbm>> -> memref<256x128xf32, #tpu.memory_space<hbm>>
    tpu.enqueue_dma source(%arg7 : memref<256x128xf32, #tpu.memory_space<vmem>>) target(%dma_start3A_209 : memref<256x128xf32, #tpu.memory_space<hbm>>) target_semaphore(%arg11 : memref<!tpu.dma_semaphore, #tpu.memory_space<semaphore_mem>>)
    %add3A_210 = arith.constant 512 : i32
    %add3A_211 = arith.addi %mul3A_2, %add3A_210 : i32
    %dma_wait3A_212 = arith.constant 0 : i32
    %dma_wait3A_213 = tpu.memref_slice %arg4[%add3A_211, %dma_wait3A_212] : memref<65536x128xf32, #tpu.memory_space<hbm>> -> memref<256x128xf32, #tpu.memory_space<hbm>>
    %dma_wait3A_214 = arith.constant 0 : i32
    %dma_wait3A_215 = tpu.memref_slice %arg4[%add3A_211, %dma_wait3A_214] : memref<65536x128xf32, #tpu.memory_space<hbm>> -> memref<256x128xf32, #tpu.memory_space<hbm>>
    tpu.wait_dma2 semaphore(%arg11 : memref<!tpu.dma_semaphore, #tpu.memory_space<semaphore_mem>>) src(%arg7 : memref<256x128xf32, #tpu.memory_space<vmem>>) dst(%dma_wait3A_215 : memref<256x128xf32, #tpu.memory_space<hbm>>)
    %add3A_216 = arith.constant 1024 : i32
    %add3A_217 = arith.addi %mul3A_2, %add3A_216 : i32
    %jit3A_218 = arith.constant 4096 : i32
    %div3A_219 = arith.divsi %add3A_217, %jit3A_218 : i32
    %sign3A_220 = arith.constant 0 : i32
    %sign3A_221 = arith.cmpi sgt, %add3A_217, %sign3A_220 : i32
    %sign3A_222 = arith.extui %sign3A_221 : i1 to i32
    %sign3A_223 = arith.constant 0 : i32
    %sign3A_224 = arith.cmpi slt, %add3A_217, %sign3A_223 : i32
    %sign3A_225 = arith.extui %sign3A_224 : i1 to i32
    %sign3A_226 = arith.subi %sign3A_222, %sign3A_225 : i32
    %sign3A_227 = arith.constant 0 : i32
    %sign3A_228 = arith.cmpi sgt, %jit3A_218, %sign3A_227 : i32
    %sign3A_229 = arith.extui %sign3A_228 : i1 to i32
    %sign3A_230 = arith.constant 0 : i32
    %sign3A_231 = arith.cmpi slt, %jit3A_218, %sign3A_230 : i32
    %sign3A_232 = arith.extui %sign3A_231 : i1 to i32
    %sign3A_233 = arith.subi %sign3A_229, %sign3A_232 : i32
    %ne3A_234 = arith.cmpi ne, %sign3A_226, %sign3A_233 : i32
    %rem3A_235 = arith.remsi %add3A_217, %jit3A_218 : i32
    %ne3A_236 = arith.constant 0 : i32
    %ne3A_237 = arith.cmpi ne, %rem3A_235, %ne3A_236 : i32
    %and3A_238 = arith.andi %ne3A_234, %ne3A_237 : i1
    %sub3A_239 = arith.constant 1 : i32
    %sub3A_240 = arith.subi %div3A_219, %sub3A_239 : i32
    %select_n3A_241 = arith.select %and3A_238, %sub3A_240, %div3A_219 : i32
    %jit3A_242 = arith.constant 4096 : i32
    %eq3A_243 = arith.constant 0 : i32
    %eq3A_244 = arith.cmpi eq, %jit3A_242, %eq3A_243 : i32
    %jit3A_245 = arith.constant 1 : i32
    %select_n3A_246 = arith.select %eq3A_244, %jit3A_245, %jit3A_242 : i32
    %rem3A_247 = arith.remsi %add3A_217, %select_n3A_246 : i32
    %ne3A_248 = arith.constant 0 : i32
    %ne3A_249 = arith.cmpi ne, %rem3A_247, %ne3A_248 : i32
    %lt3A_250 = arith.constant 0 : i32
    %lt3A_251 = arith.cmpi slt, %rem3A_247, %lt3A_250 : i32
    %lt3A_252 = arith.constant 0 : i32
    %lt3A_253 = arith.cmpi slt, %select_n3A_246, %lt3A_252 : i32
    %ne3A_254 = arith.xori %lt3A_251, %lt3A_253 : i1
    %and3A_255 = arith.andi %ne3A_254, %ne3A_249 : i1
    %add3A_256 = arith.addi %rem3A_247, %select_n3A_246 : i32
    %select_n3A_257 = arith.select %and3A_255, %add3A_256, %rem3A_247 : i32
    "tpu.region"() ({
      %run_scoped3A = tpu.sem_alloc : memref<!tpu.dma_semaphore, #tpu.memory_space<semaphore_mem>>
      %dma_start3A_471 = tpu.memref_slice %arg3[%select_n3A_241, %select_n3A_257] : memref<16x4096xi32, #tpu.memory_space<hbm>> -> memref<1x256xi32, #tpu.memory_space<hbm>>
      %dma_start3A_472 = tpu.memref_squeeze %dma_start3A_471 : memref<1x256xi32, #tpu.memory_space<hbm>> -> memref<256xi32, #tpu.memory_space<hbm>>
      %dma_start3A_473 = tpu.memref_slice %arg3[%select_n3A_241, %select_n3A_257] : memref<16x4096xi32, #tpu.memory_space<hbm>> -> memref<1x256xi32, #tpu.memory_space<hbm>>
      %dma_start3A_474 = tpu.memref_squeeze %dma_start3A_473 : memref<1x256xi32, #tpu.memory_space<hbm>> -> memref<256xi32, #tpu.memory_space<hbm>>
      tpu.enqueue_dma source(%dma_start3A_474 : memref<256xi32, #tpu.memory_space<hbm>>) target(%arg5 : memref<256xi32, #tpu.memory_space<vmem>>) target_semaphore(%run_scoped3A : memref<!tpu.dma_semaphore, #tpu.memory_space<semaphore_mem>>)
      %dma_wait3A_475 = tpu.memref_slice %arg3[%select_n3A_241, %select_n3A_257] : memref<16x4096xi32, #tpu.memory_space<hbm>> -> memref<1x256xi32, #tpu.memory_space<hbm>>
      %dma_wait3A_476 = tpu.memref_squeeze %dma_wait3A_475 : memref<1x256xi32, #tpu.memory_space<hbm>> -> memref<256xi32, #tpu.memory_space<hbm>>
      %dma_wait3A_477 = tpu.memref_slice %arg3[%select_n3A_241, %select_n3A_257] : memref<16x4096xi32, #tpu.memory_space<hbm>> -> memref<1x256xi32, #tpu.memory_space<hbm>>
      %dma_wait3A_478 = tpu.memref_squeeze %dma_wait3A_477 : memref<1x256xi32, #tpu.memory_space<hbm>> -> memref<256xi32, #tpu.memory_space<hbm>>
      tpu.wait_dma2 semaphore(%run_scoped3A : memref<!tpu.dma_semaphore, #tpu.memory_space<semaphore_mem>>) src(%dma_wait3A_478 : memref<256xi32, #tpu.memory_space<hbm>>) dst(%arg5 : memref<256xi32, #tpu.memory_space<vmem>>)
      tpu.yield
    }) : () -> ()
    %dma_start3A_258 = arith.constant 0 : i32
    %dma_start3A_259 = arith.constant 0 : i32
    %dma_start3A_260 = tpu.memref_slice %arg2[%dma_start3A_258, %dma_start3A_259] : memref<16384x128xf32, #tpu.memory_space<hbm>> -> memref<16384x128xf32, #tpu.memory_space<hbm>>
    tpu.enqueue_indirect_dma source(%dma_start3A_260 : memref<16384x128xf32, #tpu.memory_space<hbm>>) target(%arg7 : memref<256x128xf32, #tpu.memory_space<vmem>>) offsets(%arg5 : memref<256xi32, #tpu.memory_space<vmem>>) semaphore(%arg9 : memref<!tpu.dma_semaphore, #tpu.memory_space<semaphore_mem>>)
    %dma_wait3A_261 = arith.constant 0 : i32
    %dma_wait3A_262 = arith.constant 0 : i32
    %dma_wait3A_263 = tpu.memref_slice %arg2[%dma_wait3A_261, %dma_wait3A_262] : memref<16384x128xf32, #tpu.memory_space<hbm>> -> memref<16384x128xf32, #tpu.memory_space<hbm>>
    tpu.wait_indirect_dma semaphore(%arg10 : memref<!tpu.dma_semaphore, #tpu.memory_space<semaphore_mem>>) src(%dma_wait3A_263 : memref<16384x128xf32, #tpu.memory_space<hbm>>) dst(%arg8 : memref<256x128xf32, #tpu.memory_space<vmem>>)
    %add3A_264 = arith.constant 768 : i32
    %add3A_265 = arith.addi %mul3A_2, %add3A_264 : i32
    %dma_start3A_266 = arith.constant 0 : i32
    %dma_start3A_267 = tpu.memref_slice %arg4[%add3A_265, %dma_start3A_266] : memref<65536x128xf32, #tpu.memory_space<hbm>> -> memref<256x128xf32, #tpu.memory_space<hbm>>
    %dma_start3A_268 = arith.constant 0 : i32
    %dma_start3A_269 = tpu.memref_slice %arg4[%add3A_265, %dma_start3A_268] : memref<65536x128xf32, #tpu.memory_space<hbm>> -> memref<256x128xf32, #tpu.memory_space<hbm>>
    tpu.enqueue_dma source(%arg8 : memref<256x128xf32, #tpu.memory_space<vmem>>) target(%dma_start3A_269 : memref<256x128xf32, #tpu.memory_space<hbm>>) target_semaphore(%arg12 : memref<!tpu.dma_semaphore, #tpu.memory_space<semaphore_mem>>)
    %add3A_270 = arith.constant 768 : i32
    %add3A_271 = arith.addi %mul3A_2, %add3A_270 : i32
    %dma_wait3A_272 = arith.constant 0 : i32
    %dma_wait3A_273 = tpu.memref_slice %arg4[%add3A_271, %dma_wait3A_272] : memref<65536x128xf32, #tpu.memory_space<hbm>> -> memref<256x128xf32, #tpu.memory_space<hbm>>
    %dma_wait3A_274 = arith.constant 0 : i32
    %dma_wait3A_275 = tpu.memref_slice %arg4[%add3A_271, %dma_wait3A_274] : memref<65536x128xf32, #tpu.memory_space<hbm>> -> memref<256x128xf32, #tpu.memory_space<hbm>>
    tpu.wait_dma2 semaphore(%arg12 : memref<!tpu.dma_semaphore, #tpu.memory_space<semaphore_mem>>) src(%arg8 : memref<256x128xf32, #tpu.memory_space<vmem>>) dst(%dma_wait3A_275 : memref<256x128xf32, #tpu.memory_space<hbm>>)
    %add3A_276 = arith.constant 1280 : i32
    %add3A_277 = arith.addi %mul3A_2, %add3A_276 : i32
    %jit3A_278 = arith.constant 4096 : i32
    %div3A_279 = arith.divsi %add3A_277, %jit3A_278 : i32
    %sign3A_280 = arith.constant 0 : i32
    %sign3A_281 = arith.cmpi sgt, %add3A_277, %sign3A_280 : i32
    %sign3A_282 = arith.extui %sign3A_281 : i1 to i32
    %sign3A_283 = arith.constant 0 : i32
    %sign3A_284 = arith.cmpi slt, %add3A_277, %sign3A_283 : i32
    %sign3A_285 = arith.extui %sign3A_284 : i1 to i32
    %sign3A_286 = arith.subi %sign3A_282, %sign3A_285 : i32
    %sign3A_287 = arith.constant 0 : i32
    %sign3A_288 = arith.cmpi sgt, %jit3A_278, %sign3A_287 : i32
    %sign3A_289 = arith.extui %sign3A_288 : i1 to i32
    %sign3A_290 = arith.constant 0 : i32
    %sign3A_291 = arith.cmpi slt, %jit3A_278, %sign3A_290 : i32
    %sign3A_292 = arith.extui %sign3A_291 : i1 to i32
    %sign3A_293 = arith.subi %sign3A_289, %sign3A_292 : i32
    %ne3A_294 = arith.cmpi ne, %sign3A_286, %sign3A_293 : i32
    %rem3A_295 = arith.remsi %add3A_277, %jit3A_278 : i32
    %ne3A_296 = arith.constant 0 : i32
    %ne3A_297 = arith.cmpi ne, %rem3A_295, %ne3A_296 : i32
    %and3A_298 = arith.andi %ne3A_294, %ne3A_297 : i1
    %sub3A_299 = arith.constant 1 : i32
    %sub3A_300 = arith.subi %div3A_279, %sub3A_299 : i32
    %select_n3A_301 = arith.select %and3A_298, %sub3A_300, %div3A_279 : i32
    %jit3A_302 = arith.constant 4096 : i32
    %eq3A_303 = arith.constant 0 : i32
    %eq3A_304 = arith.cmpi eq, %jit3A_302, %eq3A_303 : i32
    %jit3A_305 = arith.constant 1 : i32
    %select_n3A_306 = arith.select %eq3A_304, %jit3A_305, %jit3A_302 : i32
    %rem3A_307 = arith.remsi %add3A_277, %select_n3A_306 : i32
    %ne3A_308 = arith.constant 0 : i32
    %ne3A_309 = arith.cmpi ne, %rem3A_307, %ne3A_308 : i32
    %lt3A_310 = arith.constant 0 : i32
    %lt3A_311 = arith.cmpi slt, %rem3A_307, %lt3A_310 : i32
    %lt3A_312 = arith.constant 0 : i32
    %lt3A_313 = arith.cmpi slt, %select_n3A_306, %lt3A_312 : i32
    %ne3A_314 = arith.xori %lt3A_311, %lt3A_313 : i1
    %and3A_315 = arith.andi %ne3A_314, %ne3A_309 : i1
    %add3A_316 = arith.addi %rem3A_307, %select_n3A_306 : i32
    %select_n3A_317 = arith.select %and3A_315, %add3A_316, %rem3A_307 : i32
    "tpu.region"() ({
      %run_scoped3A = tpu.sem_alloc : memref<!tpu.dma_semaphore, #tpu.memory_space<semaphore_mem>>
      %dma_start3A_471 = tpu.memref_slice %arg3[%select_n3A_301, %select_n3A_317] : memref<16x4096xi32, #tpu.memory_space<hbm>> -> memref<1x256xi32, #tpu.memory_space<hbm>>
      %dma_start3A_472 = tpu.memref_squeeze %dma_start3A_471 : memref<1x256xi32, #tpu.memory_space<hbm>> -> memref<256xi32, #tpu.memory_space<hbm>>
      %dma_start3A_473 = tpu.memref_slice %arg3[%select_n3A_301, %select_n3A_317] : memref<16x4096xi32, #tpu.memory_space<hbm>> -> memref<1x256xi32, #tpu.memory_space<hbm>>
      %dma_start3A_474 = tpu.memref_squeeze %dma_start3A_473 : memref<1x256xi32, #tpu.memory_space<hbm>> -> memref<256xi32, #tpu.memory_space<hbm>>
      tpu.enqueue_dma source(%dma_start3A_474 : memref<256xi32, #tpu.memory_space<hbm>>) target(%arg6 : memref<256xi32, #tpu.memory_space<vmem>>) target_semaphore(%run_scoped3A : memref<!tpu.dma_semaphore, #tpu.memory_space<semaphore_mem>>)
      %dma_wait3A_475 = tpu.memref_slice %arg3[%select_n3A_301, %select_n3A_317] : memref<16x4096xi32, #tpu.memory_space<hbm>> -> memref<1x256xi32, #tpu.memory_space<hbm>>
      %dma_wait3A_476 = tpu.memref_squeeze %dma_wait3A_475 : memref<1x256xi32, #tpu.memory_space<hbm>> -> memref<256xi32, #tpu.memory_space<hbm>>
      %dma_wait3A_477 = tpu.memref_slice %arg3[%select_n3A_301, %select_n3A_317] : memref<16x4096xi32, #tpu.memory_space<hbm>> -> memref<1x256xi32, #tpu.memory_space<hbm>>
      %dma_wait3A_478 = tpu.memref_squeeze %dma_wait3A_477 : memref<1x256xi32, #tpu.memory_space<hbm>> -> memref<256xi32, #tpu.memory_space<hbm>>
      tpu.wait_dma2 semaphore(%run_scoped3A : memref<!tpu.dma_semaphore, #tpu.memory_space<semaphore_mem>>) src(%dma_wait3A_478 : memref<256xi32, #tpu.memory_space<hbm>>) dst(%arg6 : memref<256xi32, #tpu.memory_space<vmem>>)
      tpu.yield
    }) : () -> ()
    %dma_start3A_318 = arith.constant 0 : i32
    %dma_start3A_319 = arith.constant 0 : i32
    %dma_start3A_320 = tpu.memref_slice %arg2[%dma_start3A_318, %dma_start3A_319] : memref<16384x128xf32, #tpu.memory_space<hbm>> -> memref<16384x128xf32, #tpu.memory_space<hbm>>
    tpu.enqueue_indirect_dma source(%dma_start3A_320 : memref<16384x128xf32, #tpu.memory_space<hbm>>) target(%arg8 : memref<256x128xf32, #tpu.memory_space<vmem>>) offsets(%arg6 : memref<256xi32, #tpu.memory_space<vmem>>) semaphore(%arg10 : memref<!tpu.dma_semaphore, #tpu.memory_space<semaphore_mem>>)
    %dma_wait3A_321 = arith.constant 0 : i32
    %dma_wait3A_322 = arith.constant 0 : i32
    %dma_wait3A_323 = tpu.memref_slice %arg2[%dma_wait3A_321, %dma_wait3A_322] : memref<16384x128xf32, #tpu.memory_space<hbm>> -> memref<16384x128xf32, #tpu.memory_space<hbm>>
    tpu.wait_indirect_dma semaphore(%arg9 : memref<!tpu.dma_semaphore, #tpu.memory_space<semaphore_mem>>) src(%dma_wait3A_323 : memref<16384x128xf32, #tpu.memory_space<hbm>>) dst(%arg7 : memref<256x128xf32, #tpu.memory_space<vmem>>)
    %add3A_324 = arith.constant 1024 : i32
    %add3A_325 = arith.addi %mul3A_2, %add3A_324 : i32
    %dma_start3A_326 = arith.constant 0 : i32
    %dma_start3A_327 = tpu.memref_slice %arg4[%add3A_325, %dma_start3A_326] : memref<65536x128xf32, #tpu.memory_space<hbm>> -> memref<256x128xf32, #tpu.memory_space<hbm>>
    %dma_start3A_328 = arith.constant 0 : i32
    %dma_start3A_329 = tpu.memref_slice %arg4[%add3A_325, %dma_start3A_328] : memref<65536x128xf32, #tpu.memory_space<hbm>> -> memref<256x128xf32, #tpu.memory_space<hbm>>
    tpu.enqueue_dma source(%arg7 : memref<256x128xf32, #tpu.memory_space<vmem>>) target(%dma_start3A_329 : memref<256x128xf32, #tpu.memory_space<hbm>>) target_semaphore(%arg11 : memref<!tpu.dma_semaphore, #tpu.memory_space<semaphore_mem>>)
    %add3A_330 = arith.constant 1024 : i32
    %add3A_331 = arith.addi %mul3A_2, %add3A_330 : i32
    %dma_wait3A_332 = arith.constant 0 : i32
    %dma_wait3A_333 = tpu.memref_slice %arg4[%add3A_331, %dma_wait3A_332] : memref<65536x128xf32, #tpu.memory_space<hbm>> -> memref<256x128xf32, #tpu.memory_space<hbm>>
    %dma_wait3A_334 = arith.constant 0 : i32
    %dma_wait3A_335 = tpu.memref_slice %arg4[%add3A_331, %dma_wait3A_334] : memref<65536x128xf32, #tpu.memory_space<hbm>> -> memref<256x128xf32, #tpu.memory_space<hbm>>
    tpu.wait_dma2 semaphore(%arg11 : memref<!tpu.dma_semaphore, #tpu.memory_space<semaphore_mem>>) src(%arg7 : memref<256x128xf32, #tpu.memory_space<vmem>>) dst(%dma_wait3A_335 : memref<256x128xf32, #tpu.memory_space<hbm>>)
    %add3A_336 = arith.constant 1536 : i32
    %add3A_337 = arith.addi %mul3A_2, %add3A_336 : i32
    %jit3A_338 = arith.constant 4096 : i32
    %div3A_339 = arith.divsi %add3A_337, %jit3A_338 : i32
    %sign3A_340 = arith.constant 0 : i32
    %sign3A_341 = arith.cmpi sgt, %add3A_337, %sign3A_340 : i32
    %sign3A_342 = arith.extui %sign3A_341 : i1 to i32
    %sign3A_343 = arith.constant 0 : i32
    %sign3A_344 = arith.cmpi slt, %add3A_337, %sign3A_343 : i32
    %sign3A_345 = arith.extui %sign3A_344 : i1 to i32
    %sign3A_346 = arith.subi %sign3A_342, %sign3A_345 : i32
    %sign3A_347 = arith.constant 0 : i32
    %sign3A_348 = arith.cmpi sgt, %jit3A_338, %sign3A_347 : i32
    %sign3A_349 = arith.extui %sign3A_348 : i1 to i32
    %sign3A_350 = arith.constant 0 : i32
    %sign3A_351 = arith.cmpi slt, %jit3A_338, %sign3A_350 : i32
    %sign3A_352 = arith.extui %sign3A_351 : i1 to i32
    %sign3A_353 = arith.subi %sign3A_349, %sign3A_352 : i32
    %ne3A_354 = arith.cmpi ne, %sign3A_346, %sign3A_353 : i32
    %rem3A_355 = arith.remsi %add3A_337, %jit3A_338 : i32
    %ne3A_356 = arith.constant 0 : i32
    %ne3A_357 = arith.cmpi ne, %rem3A_355, %ne3A_356 : i32
    %and3A_358 = arith.andi %ne3A_354, %ne3A_357 : i1
    %sub3A_359 = arith.constant 1 : i32
    %sub3A_360 = arith.subi %div3A_339, %sub3A_359 : i32
    %select_n3A_361 = arith.select %and3A_358, %sub3A_360, %div3A_339 : i32
    %jit3A_362 = arith.constant 4096 : i32
    %eq3A_363 = arith.constant 0 : i32
    %eq3A_364 = arith.cmpi eq, %jit3A_362, %eq3A_363 : i32
    %jit3A_365 = arith.constant 1 : i32
    %select_n3A_366 = arith.select %eq3A_364, %jit3A_365, %jit3A_362 : i32
    %rem3A_367 = arith.remsi %add3A_337, %select_n3A_366 : i32
    %ne3A_368 = arith.constant 0 : i32
    %ne3A_369 = arith.cmpi ne, %rem3A_367, %ne3A_368 : i32
    %lt3A_370 = arith.constant 0 : i32
    %lt3A_371 = arith.cmpi slt, %rem3A_367, %lt3A_370 : i32
    %lt3A_372 = arith.constant 0 : i32
    %lt3A_373 = arith.cmpi slt, %select_n3A_366, %lt3A_372 : i32
    %ne3A_374 = arith.xori %lt3A_371, %lt3A_373 : i1
    %and3A_375 = arith.andi %ne3A_374, %ne3A_369 : i1
    %add3A_376 = arith.addi %rem3A_367, %select_n3A_366 : i32
    %select_n3A_377 = arith.select %and3A_375, %add3A_376, %rem3A_367 : i32
    "tpu.region"() ({
      %run_scoped3A = tpu.sem_alloc : memref<!tpu.dma_semaphore, #tpu.memory_space<semaphore_mem>>
      %dma_start3A_471 = tpu.memref_slice %arg3[%select_n3A_361, %select_n3A_377] : memref<16x4096xi32, #tpu.memory_space<hbm>> -> memref<1x256xi32, #tpu.memory_space<hbm>>
      %dma_start3A_472 = tpu.memref_squeeze %dma_start3A_471 : memref<1x256xi32, #tpu.memory_space<hbm>> -> memref<256xi32, #tpu.memory_space<hbm>>
      %dma_start3A_473 = tpu.memref_slice %arg3[%select_n3A_361, %select_n3A_377] : memref<16x4096xi32, #tpu.memory_space<hbm>> -> memref<1x256xi32, #tpu.memory_space<hbm>>
      %dma_start3A_474 = tpu.memref_squeeze %dma_start3A_473 : memref<1x256xi32, #tpu.memory_space<hbm>> -> memref<256xi32, #tpu.memory_space<hbm>>
      tpu.enqueue_dma source(%dma_start3A_474 : memref<256xi32, #tpu.memory_space<hbm>>) target(%arg5 : memref<256xi32, #tpu.memory_space<vmem>>) target_semaphore(%run_scoped3A : memref<!tpu.dma_semaphore, #tpu.memory_space<semaphore_mem>>)
      %dma_wait3A_475 = tpu.memref_slice %arg3[%select_n3A_361, %select_n3A_377] : memref<16x4096xi32, #tpu.memory_space<hbm>> -> memref<1x256xi32, #tpu.memory_space<hbm>>
      %dma_wait3A_476 = tpu.memref_squeeze %dma_wait3A_475 : memref<1x256xi32, #tpu.memory_space<hbm>> -> memref<256xi32, #tpu.memory_space<hbm>>
      %dma_wait3A_477 = tpu.memref_slice %arg3[%select_n3A_361, %select_n3A_377] : memref<16x4096xi32, #tpu.memory_space<hbm>> -> memref<1x256xi32, #tpu.memory_space<hbm>>
      %dma_wait3A_478 = tpu.memref_squeeze %dma_wait3A_477 : memref<1x256xi32, #tpu.memory_space<hbm>> -> memref<256xi32, #tpu.memory_space<hbm>>
      tpu.wait_dma2 semaphore(%run_scoped3A : memref<!tpu.dma_semaphore, #tpu.memory_space<semaphore_mem>>) src(%dma_wait3A_478 : memref<256xi32, #tpu.memory_space<hbm>>) dst(%arg5 : memref<256xi32, #tpu.memory_space<vmem>>)
      tpu.yield
    }) : () -> ()
    %dma_start3A_378 = arith.constant 0 : i32
    %dma_start3A_379 = arith.constant 0 : i32
    %dma_start3A_380 = tpu.memref_slice %arg2[%dma_start3A_378, %dma_start3A_379] : memref<16384x128xf32, #tpu.memory_space<hbm>> -> memref<16384x128xf32, #tpu.memory_space<hbm>>
    tpu.enqueue_indirect_dma source(%dma_start3A_380 : memref<16384x128xf32, #tpu.memory_space<hbm>>) target(%arg7 : memref<256x128xf32, #tpu.memory_space<vmem>>) offsets(%arg5 : memref<256xi32, #tpu.memory_space<vmem>>) semaphore(%arg9 : memref<!tpu.dma_semaphore, #tpu.memory_space<semaphore_mem>>)
    %dma_wait3A_381 = arith.constant 0 : i32
    %dma_wait3A_382 = arith.constant 0 : i32
    %dma_wait3A_383 = tpu.memref_slice %arg2[%dma_wait3A_381, %dma_wait3A_382] : memref<16384x128xf32, #tpu.memory_space<hbm>> -> memref<16384x128xf32, #tpu.memory_space<hbm>>
    tpu.wait_indirect_dma semaphore(%arg10 : memref<!tpu.dma_semaphore, #tpu.memory_space<semaphore_mem>>) src(%dma_wait3A_383 : memref<16384x128xf32, #tpu.memory_space<hbm>>) dst(%arg8 : memref<256x128xf32, #tpu.memory_space<vmem>>)
    %add3A_384 = arith.constant 1280 : i32
    %add3A_385 = arith.addi %mul3A_2, %add3A_384 : i32
    %dma_start3A_386 = arith.constant 0 : i32
    %dma_start3A_387 = tpu.memref_slice %arg4[%add3A_385, %dma_start3A_386] : memref<65536x128xf32, #tpu.memory_space<hbm>> -> memref<256x128xf32, #tpu.memory_space<hbm>>
    %dma_start3A_388 = arith.constant 0 : i32
    %dma_start3A_389 = tpu.memref_slice %arg4[%add3A_385, %dma_start3A_388] : memref<65536x128xf32, #tpu.memory_space<hbm>> -> memref<256x128xf32, #tpu.memory_space<hbm>>
    tpu.enqueue_dma source(%arg8 : memref<256x128xf32, #tpu.memory_space<vmem>>) target(%dma_start3A_389 : memref<256x128xf32, #tpu.memory_space<hbm>>) target_semaphore(%arg12 : memref<!tpu.dma_semaphore, #tpu.memory_space<semaphore_mem>>)
    %add3A_390 = arith.constant 1280 : i32
    %add3A_391 = arith.addi %mul3A_2, %add3A_390 : i32
    %dma_wait3A_392 = arith.constant 0 : i32
    %dma_wait3A_393 = tpu.memref_slice %arg4[%add3A_391, %dma_wait3A_392] : memref<65536x128xf32, #tpu.memory_space<hbm>> -> memref<256x128xf32, #tpu.memory_space<hbm>>
    %dma_wait3A_394 = arith.constant 0 : i32
    %dma_wait3A_395 = tpu.memref_slice %arg4[%add3A_391, %dma_wait3A_394] : memref<65536x128xf32, #tpu.memory_space<hbm>> -> memref<256x128xf32, #tpu.memory_space<hbm>>
    tpu.wait_dma2 semaphore(%arg12 : memref<!tpu.dma_semaphore, #tpu.memory_space<semaphore_mem>>) src(%arg8 : memref<256x128xf32, #tpu.memory_space<vmem>>) dst(%dma_wait3A_395 : memref<256x128xf32, #tpu.memory_space<hbm>>)
    %add3A_396 = arith.constant 1792 : i32
    %add3A_397 = arith.addi %mul3A_2, %add3A_396 : i32
    %jit3A_398 = arith.constant 4096 : i32
    %div3A_399 = arith.divsi %add3A_397, %jit3A_398 : i32
    %sign3A_400 = arith.constant 0 : i32
    %sign3A_401 = arith.cmpi sgt, %add3A_397, %sign3A_400 : i32
    %sign3A_402 = arith.extui %sign3A_401 : i1 to i32
    %sign3A_403 = arith.constant 0 : i32
    %sign3A_404 = arith.cmpi slt, %add3A_397, %sign3A_403 : i32
    %sign3A_405 = arith.extui %sign3A_404 : i1 to i32
    %sign3A_406 = arith.subi %sign3A_402, %sign3A_405 : i32
    %sign3A_407 = arith.constant 0 : i32
    %sign3A_408 = arith.cmpi sgt, %jit3A_398, %sign3A_407 : i32
    %sign3A_409 = arith.extui %sign3A_408 : i1 to i32
    %sign3A_410 = arith.constant 0 : i32
    %sign3A_411 = arith.cmpi slt, %jit3A_398, %sign3A_410 : i32
    %sign3A_412 = arith.extui %sign3A_411 : i1 to i32
    %sign3A_413 = arith.subi %sign3A_409, %sign3A_412 : i32
    %ne3A_414 = arith.cmpi ne, %sign3A_406, %sign3A_413 : i32
    %rem3A_415 = arith.remsi %add3A_397, %jit3A_398 : i32
    %ne3A_416 = arith.constant 0 : i32
    %ne3A_417 = arith.cmpi ne, %rem3A_415, %ne3A_416 : i32
    %and3A_418 = arith.andi %ne3A_414, %ne3A_417 : i1
    %sub3A_419 = arith.constant 1 : i32
    %sub3A_420 = arith.subi %div3A_399, %sub3A_419 : i32
    %select_n3A_421 = arith.select %and3A_418, %sub3A_420, %div3A_399 : i32
    %jit3A_422 = arith.constant 4096 : i32
    %eq3A_423 = arith.constant 0 : i32
    %eq3A_424 = arith.cmpi eq, %jit3A_422, %eq3A_423 : i32
    %jit3A_425 = arith.constant 1 : i32
    %select_n3A_426 = arith.select %eq3A_424, %jit3A_425, %jit3A_422 : i32
    %rem3A_427 = arith.remsi %add3A_397, %select_n3A_426 : i32
    %ne3A_428 = arith.constant 0 : i32
    %ne3A_429 = arith.cmpi ne, %rem3A_427, %ne3A_428 : i32
    %lt3A_430 = arith.constant 0 : i32
    %lt3A_431 = arith.cmpi slt, %rem3A_427, %lt3A_430 : i32
    %lt3A_432 = arith.constant 0 : i32
    %lt3A_433 = arith.cmpi slt, %select_n3A_426, %lt3A_432 : i32
    %ne3A_434 = arith.xori %lt3A_431, %lt3A_433 : i1
    %and3A_435 = arith.andi %ne3A_434, %ne3A_429 : i1
    %add3A_436 = arith.addi %rem3A_427, %select_n3A_426 : i32
    %select_n3A_437 = arith.select %and3A_435, %add3A_436, %rem3A_427 : i32
    "tpu.region"() ({
      %run_scoped3A = tpu.sem_alloc : memref<!tpu.dma_semaphore, #tpu.memory_space<semaphore_mem>>
      %dma_start3A_471 = tpu.memref_slice %arg3[%select_n3A_421, %select_n3A_437] : memref<16x4096xi32, #tpu.memory_space<hbm>> -> memref<1x256xi32, #tpu.memory_space<hbm>>
      %dma_start3A_472 = tpu.memref_squeeze %dma_start3A_471 : memref<1x256xi32, #tpu.memory_space<hbm>> -> memref<256xi32, #tpu.memory_space<hbm>>
      %dma_start3A_473 = tpu.memref_slice %arg3[%select_n3A_421, %select_n3A_437] : memref<16x4096xi32, #tpu.memory_space<hbm>> -> memref<1x256xi32, #tpu.memory_space<hbm>>
      %dma_start3A_474 = tpu.memref_squeeze %dma_start3A_473 : memref<1x256xi32, #tpu.memory_space<hbm>> -> memref<256xi32, #tpu.memory_space<hbm>>
      tpu.enqueue_dma source(%dma_start3A_474 : memref<256xi32, #tpu.memory_space<hbm>>) target(%arg6 : memref<256xi32, #tpu.memory_space<vmem>>) target_semaphore(%run_scoped3A : memref<!tpu.dma_semaphore, #tpu.memory_space<semaphore_mem>>)
      %dma_wait3A_475 = tpu.memref_slice %arg3[%select_n3A_421, %select_n3A_437] : memref<16x4096xi32, #tpu.memory_space<hbm>> -> memref<1x256xi32, #tpu.memory_space<hbm>>
      %dma_wait3A_476 = tpu.memref_squeeze %dma_wait3A_475 : memref<1x256xi32, #tpu.memory_space<hbm>> -> memref<256xi32, #tpu.memory_space<hbm>>
      %dma_wait3A_477 = tpu.memref_slice %arg3[%select_n3A_421, %select_n3A_437] : memref<16x4096xi32, #tpu.memory_space<hbm>> -> memref<1x256xi32, #tpu.memory_space<hbm>>
      %dma_wait3A_478 = tpu.memref_squeeze %dma_wait3A_477 : memref<1x256xi32, #tpu.memory_space<hbm>> -> memref<256xi32, #tpu.memory_space<hbm>>
      tpu.wait_dma2 semaphore(%run_scoped3A : memref<!tpu.dma_semaphore, #tpu.memory_space<semaphore_mem>>) src(%dma_wait3A_478 : memref<256xi32, #tpu.memory_space<hbm>>) dst(%arg6 : memref<256xi32, #tpu.memory_space<vmem>>)
      tpu.yield
    }) : () -> ()
    %dma_start3A_438 = arith.constant 0 : i32
    %dma_start3A_439 = arith.constant 0 : i32
    %dma_start3A_440 = tpu.memref_slice %arg2[%dma_start3A_438, %dma_start3A_439] : memref<16384x128xf32, #tpu.memory_space<hbm>> -> memref<16384x128xf32, #tpu.memory_space<hbm>>
    tpu.enqueue_indirect_dma source(%dma_start3A_440 : memref<16384x128xf32, #tpu.memory_space<hbm>>) target(%arg8 : memref<256x128xf32, #tpu.memory_space<vmem>>) offsets(%arg6 : memref<256xi32, #tpu.memory_space<vmem>>) semaphore(%arg10 : memref<!tpu.dma_semaphore, #tpu.memory_space<semaphore_mem>>)
    %dma_wait3A_441 = arith.constant 0 : i32
    %dma_wait3A_442 = arith.constant 0 : i32
    %dma_wait3A_443 = tpu.memref_slice %arg2[%dma_wait3A_441, %dma_wait3A_442] : memref<16384x128xf32, #tpu.memory_space<hbm>> -> memref<16384x128xf32, #tpu.memory_space<hbm>>
    tpu.wait_indirect_dma semaphore(%arg9 : memref<!tpu.dma_semaphore, #tpu.memory_space<semaphore_mem>>) src(%dma_wait3A_443 : memref<16384x128xf32, #tpu.memory_space<hbm>>) dst(%arg7 : memref<256x128xf32, #tpu.memory_space<vmem>>)
    %add3A_444 = arith.constant 1536 : i32
    %add3A_445 = arith.addi %mul3A_2, %add3A_444 : i32
    %dma_start3A_446 = arith.constant 0 : i32
    %dma_start3A_447 = tpu.memref_slice %arg4[%add3A_445, %dma_start3A_446] : memref<65536x128xf32, #tpu.memory_space<hbm>> -> memref<256x128xf32, #tpu.memory_space<hbm>>
    %dma_start3A_448 = arith.constant 0 : i32
    %dma_start3A_449 = tpu.memref_slice %arg4[%add3A_445, %dma_start3A_448] : memref<65536x128xf32, #tpu.memory_space<hbm>> -> memref<256x128xf32, #tpu.memory_space<hbm>>
    tpu.enqueue_dma source(%arg7 : memref<256x128xf32, #tpu.memory_space<vmem>>) target(%dma_start3A_449 : memref<256x128xf32, #tpu.memory_space<hbm>>) target_semaphore(%arg11 : memref<!tpu.dma_semaphore, #tpu.memory_space<semaphore_mem>>)
    %dma_wait3A_450 = arith.constant 0 : i32
    %dma_wait3A_451 = arith.constant 0 : i32
    %dma_wait3A_452 = tpu.memref_slice %arg2[%dma_wait3A_450, %dma_wait3A_451] : memref<16384x128xf32, #tpu.memory_space<hbm>> -> memref<16384x128xf32, #tpu.memory_space<hbm>>
    tpu.wait_indirect_dma semaphore(%arg10 : memref<!tpu.dma_semaphore, #tpu.memory_space<semaphore_mem>>) src(%dma_wait3A_452 : memref<16384x128xf32, #tpu.memory_space<hbm>>) dst(%arg8 : memref<256x128xf32, #tpu.memory_space<vmem>>)
    %add3A_453 = arith.constant 1792 : i32
    %add3A_454 = arith.addi %mul3A_2, %add3A_453 : i32
    %dma_start3A_455 = arith.constant 0 : i32
    %dma_start3A_456 = tpu.memref_slice %arg4[%add3A_454, %dma_start3A_455] : memref<65536x128xf32, #tpu.memory_space<hbm>> -> memref<256x128xf32, #tpu.memory_space<hbm>>
    %dma_start3A_457 = arith.constant 0 : i32
    %dma_start3A_458 = tpu.memref_slice %arg4[%add3A_454, %dma_start3A_457] : memref<65536x128xf32, #tpu.memory_space<hbm>> -> memref<256x128xf32, #tpu.memory_space<hbm>>
    tpu.enqueue_dma source(%arg8 : memref<256x128xf32, #tpu.memory_space<vmem>>) target(%dma_start3A_458 : memref<256x128xf32, #tpu.memory_space<hbm>>) target_semaphore(%arg12 : memref<!tpu.dma_semaphore, #tpu.memory_space<semaphore_mem>>)
    %add3A_459 = arith.constant 1536 : i32
    %add3A_460 = arith.addi %mul3A_2, %add3A_459 : i32
    %dma_wait3A_461 = arith.constant 0 : i32
    %dma_wait3A_462 = tpu.memref_slice %arg4[%add3A_460, %dma_wait3A_461] : memref<65536x128xf32, #tpu.memory_space<hbm>> -> memref<256x128xf32, #tpu.memory_space<hbm>>
    %dma_wait3A_463 = arith.constant 0 : i32
    %dma_wait3A_464 = tpu.memref_slice %arg4[%add3A_460, %dma_wait3A_463] : memref<65536x128xf32, #tpu.memory_space<hbm>> -> memref<256x128xf32, #tpu.memory_space<hbm>>
    tpu.wait_dma2 semaphore(%arg11 : memref<!tpu.dma_semaphore, #tpu.memory_space<semaphore_mem>>) src(%arg7 : memref<256x128xf32, #tpu.memory_space<vmem>>) dst(%dma_wait3A_464 : memref<256x128xf32, #tpu.memory_space<hbm>>)
    %add3A_465 = arith.constant 1792 : i32
    %add3A_466 = arith.addi %mul3A_2, %add3A_465 : i32
    %dma_wait3A_467 = arith.constant 0 : i32
    %dma_wait3A_468 = tpu.memref_slice %arg4[%add3A_466, %dma_wait3A_467] : memref<65536x128xf32, #tpu.memory_space<hbm>> -> memref<256x128xf32, #tpu.memory_space<hbm>>
    %dma_wait3A_469 = arith.constant 0 : i32
    %dma_wait3A_470 = tpu.memref_slice %arg4[%add3A_466, %dma_wait3A_469] : memref<65536x128xf32, #tpu.memory_space<hbm>> -> memref<256x128xf32, #tpu.memory_space<hbm>>
    tpu.wait_dma2 semaphore(%arg12 : memref<!tpu.dma_semaphore, #tpu.memory_space<semaphore_mem>>) src(%arg8 : memref<256x128xf32, #tpu.memory_space<vmem>>) dst(%dma_wait3A_470 : memref<256x128xf32, #tpu.memory_space<hbm>>)
    return
  }
}

#map = affine_map<(d0, d1) -> (0, 0)>
module attributes {stable_mosaic.version = 14 : i64} {
  func.func @gather_kernel(%arg0: i32, %arg1: i32, %arg2: memref<16384x128xf32, #tpu.memory_space<hbm>>, %arg3: memref<16x4096xi32, #tpu.memory_space<hbm>>, %arg4: memref<65536x128xf32, #tpu.memory_space<hbm>>, %arg5: memref<256xi32, #tpu.memory_space<vmem>>, %arg6: memref<256xi32, #tpu.memory_space<vmem>>, %arg7: memref<256x128xf32, #tpu.memory_space<vmem>>, %arg8: memref<256x128xf32, #tpu.memory_space<vmem>>, %arg9: memref<!tpu.dma_semaphore, #tpu.memory_space<semaphore_mem>>, %arg10: memref<!tpu.dma_semaphore, #tpu.memory_space<semaphore_mem>>, %arg11: memref<!tpu.dma_semaphore, #tpu.memory_space<semaphore_mem>>, %arg12: memref<!tpu.dma_semaphore, #tpu.memory_space<semaphore_mem>>) attributes {dimension_semantics = [#tpu.dimension_semantics<core_parallel>, #tpu.dimension_semantics<subcore_parallel>], iteration_bounds = array<i64: 2, 16>, scalar_prefetch = 0 : i64, scratch_operands = 8 : i64, tpu.core_type = #tpu.core_type<sc_vector_subcore>, window_params = [{transform_indices = #map}, {transform_indices = #map}, {transform_indices = #map}]} {
    %mul3A = arith.constant 2 : i32
    %mul3A_0 = arith.muli %arg1, %mul3A : i32
    %add3A = arith.addi %mul3A_0, %arg0 : i32
    %mul3A_1 = arith.constant 2048 : i32
    %mul3A_2 = arith.muli %add3A, %mul3A_1 : i32
    %add3A_3 = arith.constant 0 : i32
    %add3A_4 = arith.addi %mul3A_2, %add3A_3 : i32
    %jit3A = arith.constant 4096 : i32
    %div3A = arith.divsi %add3A_4, %jit3A : i32
    %sign3A = arith.constant 0 : i32
    %sign3A_5 = arith.cmpi sgt, %add3A_4, %sign3A : i32
    %sign3A_6 = arith.extui %sign3A_5 : i1 to i32
    %sign3A_7 = arith.constant 0 : i32
    %sign3A_8 = arith.cmpi slt, %add3A_4, %sign3A_7 : i32
    %sign3A_9 = arith.extui %sign3A_8 : i1 to i32
    %sign3A_10 = arith.subi %sign3A_6, %sign3A_9 : i32
    %sign3A_11 = arith.constant 0 : i32
    %sign3A_12 = arith.cmpi sgt, %jit3A, %sign3A_11 : i32
    %sign3A_13 = arith.extui %sign3A_12 : i1 to i32
    %sign3A_14 = arith.constant 0 : i32
    %sign3A_15 = arith.cmpi slt, %jit3A, %sign3A_14 : i32
    %sign3A_16 = arith.extui %sign3A_15 : i1 to i32
    %sign3A_17 = arith.subi %sign3A_13, %sign3A_16 : i32
    %ne3A = arith.cmpi ne, %sign3A_10, %sign3A_17 : i32
    %rem3A = arith.remsi %add3A_4, %jit3A : i32
    %ne3A_18 = arith.constant 0 : i32
    %ne3A_19 = arith.cmpi ne, %rem3A, %ne3A_18 : i32
    %and3A = arith.andi %ne3A, %ne3A_19 : i1
    %sub3A = arith.constant 1 : i32
    %sub3A_20 = arith.subi %div3A, %sub3A : i32
    %select_n3A = arith.select %and3A, %sub3A_20, %div3A : i32
    %jit3A_21 = arith.constant 4096 : i32
    %eq3A = arith.constant 0 : i32
    %eq3A_22 = arith.cmpi eq, %jit3A_21, %eq3A : i32
    %jit3A_23 = arith.constant 1 : i32
    %select_n3A_24 = arith.select %eq3A_22, %jit3A_23, %jit3A_21 : i32
    %rem3A_25 = arith.remsi %add3A_4, %select_n3A_24 : i32
    %ne3A_26 = arith.constant 0 : i32
    %ne3A_27 = arith.cmpi ne, %rem3A_25, %ne3A_26 : i32
    %lt3A = arith.constant 0 : i32
    %lt3A_28 = arith.cmpi slt, %rem3A_25, %lt3A : i32
    %lt3A_29 = arith.constant 0 : i32
    %lt3A_30 = arith.cmpi slt, %select_n3A_24, %lt3A_29 : i32
    %ne3A_31 = arith.xori %lt3A_28, %lt3A_30 : i1
    %and3A_32 = arith.andi %ne3A_31, %ne3A_27 : i1
    %add3A_33 = arith.addi %rem3A_25, %select_n3A_24 : i32
    %select_n3A_34 = arith.select %and3A_32, %add3A_33, %rem3A_25 : i32
    "tpu.region"() ({
      %run_scoped3A = tpu.sem_alloc : memref<!tpu.dma_semaphore, #tpu.memory_space<semaphore_mem>>
      %dma_start3A_471 = tpu.memref_slice %arg3[%select_n3A, %select_n3A_34] : memref<16x4096xi32, #tpu.memory_space<hbm>> -> memref<1x256xi32, #tpu.memory_space<hbm>>
      %dma_start3A_472 = tpu.memref_squeeze %dma_start3A_471 : memref<1x256xi32, #tpu.memory_space<hbm>> -> memref<256xi32, #tpu.memory_space<hbm>>
      %dma_start3A_473 = tpu.memref_slice %arg3[%select_n3A, %select_n3A_34] : memref<16x4096xi32, #tpu.memory_space<hbm>> -> memref<1x256xi32, #tpu.memory_space<hbm>>
      %dma_start3A_474 = tpu.memref_squeeze %dma_start3A_473 : memref<1x256xi32, #tpu.memory_space<hbm>> -> memref<256xi32, #tpu.memory_space<hbm>>
      tpu.enqueue_dma source(%dma_start3A_474 : memref<256xi32, #tpu.memory_space<hbm>>) target(%arg5 : memref<256xi32, #tpu.memory_space<vmem>>) target_semaphore(%run_scoped3A : memref<!tpu.dma_semaphore, #tpu.memory_space<semaphore_mem>>)
      %dma_wait3A_475 = tpu.memref_slice %arg3[%select_n3A, %select_n3A_34] : memref<16x4096xi32, #tpu.memory_space<hbm>> -> memref<1x256xi32, #tpu.memory_space<hbm>>
      %dma_wait3A_476 = tpu.memref_squeeze %dma_wait3A_475 : memref<1x256xi32, #tpu.memory_space<hbm>> -> memref<256xi32, #tpu.memory_space<hbm>>
      %dma_wait3A_477 = tpu.memref_slice %arg3[%select_n3A, %select_n3A_34] : memref<16x4096xi32, #tpu.memory_space<hbm>> -> memref<1x256xi32, #tpu.memory_space<hbm>>
      %dma_wait3A_478 = tpu.memref_squeeze %dma_wait3A_477 : memref<1x256xi32, #tpu.memory_space<hbm>> -> memref<256xi32, #tpu.memory_space<hbm>>
      tpu.wait_dma2 semaphore(%run_scoped3A : memref<!tpu.dma_semaphore, #tpu.memory_space<semaphore_mem>>) src(%dma_wait3A_478 : memref<256xi32, #tpu.memory_space<hbm>>) dst(%arg5 : memref<256xi32, #tpu.memory_space<vmem>>)
      tpu.yield
    }) : () -> ()
    %dma_start3A = arith.constant 0 : i32
    %dma_start3A_35 = arith.constant 0 : i32
    %dma_start3A_36 = tpu.memref_slice %arg2[%dma_start3A, %dma_start3A_35] : memref<16384x128xf32, #tpu.memory_space<hbm>> -> memref<16384x128xf32, #tpu.memory_space<hbm>>
    tpu.enqueue_indirect_dma source(%dma_start3A_36 : memref<16384x128xf32, #tpu.memory_space<hbm>>) target(%arg7 : memref<256x128xf32, #tpu.memory_space<vmem>>) offsets(%arg5 : memref<256xi32, #tpu.memory_space<vmem>>) semaphore(%arg9 : memref<!tpu.dma_semaphore, #tpu.memory_space<semaphore_mem>>)
    %add3A_37 = arith.constant 256 : i32
    %add3A_38 = arith.addi %mul3A_2, %add3A_37 : i32
    %jit3A_39 = arith.constant 4096 : i32
    %div3A_40 = arith.divsi %add3A_38, %jit3A_39 : i32
    %sign3A_41 = arith.constant 0 : i32
    %sign3A_42 = arith.cmpi sgt, %add3A_38, %sign3A_41 : i32
    %sign3A_43 = arith.extui %sign3A_42 : i1 to i32
    %sign3A_44 = arith.constant 0 : i32
    %sign3A_45 = arith.cmpi slt, %add3A_38, %sign3A_44 : i32
    %sign3A_46 = arith.extui %sign3A_45 : i1 to i32
    %sign3A_47 = arith.subi %sign3A_43, %sign3A_46 : i32
    %sign3A_48 = arith.constant 0 : i32
    %sign3A_49 = arith.cmpi sgt, %jit3A_39, %sign3A_48 : i32
    %sign3A_50 = arith.extui %sign3A_49 : i1 to i32
    %sign3A_51 = arith.constant 0 : i32
    %sign3A_52 = arith.cmpi slt, %jit3A_39, %sign3A_51 : i32
    %sign3A_53 = arith.extui %sign3A_52 : i1 to i32
    %sign3A_54 = arith.subi %sign3A_50, %sign3A_53 : i32
    %ne3A_55 = arith.cmpi ne, %sign3A_47, %sign3A_54 : i32
    %rem3A_56 = arith.remsi %add3A_38, %jit3A_39 : i32
    %ne3A_57 = arith.constant 0 : i32
    %ne3A_58 = arith.cmpi ne, %rem3A_56, %ne3A_57 : i32
    %and3A_59 = arith.andi %ne3A_55, %ne3A_58 : i1
    %sub3A_60 = arith.constant 1 : i32
    %sub3A_61 = arith.subi %div3A_40, %sub3A_60 : i32
    %select_n3A_62 = arith.select %and3A_59, %sub3A_61, %div3A_40 : i32
    %jit3A_63 = arith.constant 4096 : i32
    %eq3A_64 = arith.constant 0 : i32
    %eq3A_65 = arith.cmpi eq, %jit3A_63, %eq3A_64 : i32
    %jit3A_66 = arith.constant 1 : i32
    %select_n3A_67 = arith.select %eq3A_65, %jit3A_66, %jit3A_63 : i32
    %rem3A_68 = arith.remsi %add3A_38, %select_n3A_67 : i32
    %ne3A_69 = arith.constant 0 : i32
    %ne3A_70 = arith.cmpi ne, %rem3A_68, %ne3A_69 : i32
    %lt3A_71 = arith.constant 0 : i32
    %lt3A_72 = arith.cmpi slt, %rem3A_68, %lt3A_71 : i32
    %lt3A_73 = arith.constant 0 : i32
    %lt3A_74 = arith.cmpi slt, %select_n3A_67, %lt3A_73 : i32
    %ne3A_75 = arith.xori %lt3A_72, %lt3A_74 : i1
    %and3A_76 = arith.andi %ne3A_75, %ne3A_70 : i1
    %add3A_77 = arith.addi %rem3A_68, %select_n3A_67 : i32
    %select_n3A_78 = arith.select %and3A_76, %add3A_77, %rem3A_68 : i32
    "tpu.region"() ({
      %run_scoped3A = tpu.sem_alloc : memref<!tpu.dma_semaphore, #tpu.memory_space<semaphore_mem>>
      %dma_start3A_471 = tpu.memref_slice %arg3[%select_n3A_62, %select_n3A_78] : memref<16x4096xi32, #tpu.memory_space<hbm>> -> memref<1x256xi32, #tpu.memory_space<hbm>>
      %dma_start3A_472 = tpu.memref_squeeze %dma_start3A_471 : memref<1x256xi32, #tpu.memory_space<hbm>> -> memref<256xi32, #tpu.memory_space<hbm>>
      %dma_start3A_473 = tpu.memref_slice %arg3[%select_n3A_62, %select_n3A_78] : memref<16x4096xi32, #tpu.memory_space<hbm>> -> memref<1x256xi32, #tpu.memory_space<hbm>>
      %dma_start3A_474 = tpu.memref_squeeze %dma_start3A_473 : memref<1x256xi32, #tpu.memory_space<hbm>> -> memref<256xi32, #tpu.memory_space<hbm>>
      tpu.enqueue_dma source(%dma_start3A_474 : memref<256xi32, #tpu.memory_space<hbm>>) target(%arg6 : memref<256xi32, #tpu.memory_space<vmem>>) target_semaphore(%run_scoped3A : memref<!tpu.dma_semaphore, #tpu.memory_space<semaphore_mem>>)
      %dma_wait3A_475 = tpu.memref_slice %arg3[%select_n3A_62, %select_n3A_78] : memref<16x4096xi32, #tpu.memory_space<hbm>> -> memref<1x256xi32, #tpu.memory_space<hbm>>
      %dma_wait3A_476 = tpu.memref_squeeze %dma_wait3A_475 : memref<1x256xi32, #tpu.memory_space<hbm>> -> memref<256xi32, #tpu.memory_space<hbm>>
      %dma_wait3A_477 = tpu.memref_slice %arg3[%select_n3A_62, %select_n3A_78] : memref<16x4096xi32, #tpu.memory_space<hbm>> -> memref<1x256xi32, #tpu.memory_space<hbm>>
      %dma_wait3A_478 = tpu.memref_squeeze %dma_wait3A_477 : memref<1x256xi32, #tpu.memory_space<hbm>> -> memref<256xi32, #tpu.memory_space<hbm>>
      tpu.wait_dma2 semaphore(%run_scoped3A : memref<!tpu.dma_semaphore, #tpu.memory_space<semaphore_mem>>) src(%dma_wait3A_478 : memref<256xi32, #tpu.memory_space<hbm>>) dst(%arg6 : memref<256xi32, #tpu.memory_space<vmem>>)
      tpu.yield
    }) : () -> ()
    %dma_start3A_79 = arith.constant 0 : i32
    %dma_start3A_80 = arith.constant 0 : i32
    %dma_start3A_81 = tpu.memref_slice %arg2[%dma_start3A_79, %dma_start3A_80] : memref<16384x128xf32, #tpu.memory_space<hbm>> -> memref<16384x128xf32, #tpu.memory_space<hbm>>
    tpu.enqueue_indirect_dma source(%dma_start3A_81 : memref<16384x128xf32, #tpu.memory_space<hbm>>) target(%arg8 : memref<256x128xf32, #tpu.memory_space<vmem>>) offsets(%arg6 : memref<256xi32, #tpu.memory_space<vmem>>) semaphore(%arg10 : memref<!tpu.dma_semaphore, #tpu.memory_space<semaphore_mem>>)
    %dma_wait3A = arith.constant 0 : i32
    %dma_wait3A_82 = arith.constant 0 : i32
    %dma_wait3A_83 = tpu.memref_slice %arg2[%dma_wait3A, %dma_wait3A_82] : memref<16384x128xf32, #tpu.memory_space<hbm>> -> memref<16384x128xf32, #tpu.memory_space<hbm>>
    tpu.wait_indirect_dma semaphore(%arg9 : memref<!tpu.dma_semaphore, #tpu.memory_space<semaphore_mem>>) src(%dma_wait3A_83 : memref<16384x128xf32, #tpu.memory_space<hbm>>) dst(%arg7 : memref<256x128xf32, #tpu.memory_space<vmem>>)
    %add3A_84 = arith.constant 0 : i32
    %add3A_85 = arith.addi %mul3A_2, %add3A_84 : i32
    %dma_start3A_86 = arith.constant 0 : i32
    %dma_start3A_87 = tpu.memref_slice %arg4[%add3A_85, %dma_start3A_86] : memref<65536x128xf32, #tpu.memory_space<hbm>> -> memref<256x128xf32, #tpu.memory_space<hbm>>
    %dma_start3A_88 = arith.constant 0 : i32
    %dma_start3A_89 = tpu.memref_slice %arg4[%add3A_85, %dma_start3A_88] : memref<65536x128xf32, #tpu.memory_space<hbm>> -> memref<256x128xf32, #tpu.memory_space<hbm>>
    tpu.enqueue_dma source(%arg7 : memref<256x128xf32, #tpu.memory_space<vmem>>) target(%dma_start3A_89 : memref<256x128xf32, #tpu.memory_space<hbm>>) target_semaphore(%arg11 : memref<!tpu.dma_semaphore, #tpu.memory_space<semaphore_mem>>)
    %add3A_90 = arith.constant 0 : i32
    %add3A_91 = arith.addi %mul3A_2, %add3A_90 : i32
    %dma_wait3A_92 = arith.constant 0 : i32
    %dma_wait3A_93 = tpu.memref_slice %arg4[%add3A_91, %dma_wait3A_92] : memref<65536x128xf32, #tpu.memory_space<hbm>> -> memref<256x128xf32, #tpu.memory_space<hbm>>
    %dma_wait3A_94 = arith.constant 0 : i32
    %dma_wait3A_95 = tpu.memref_slice %arg4[%add3A_91, %dma_wait3A_94] : memref<65536x128xf32, #tpu.memory_space<hbm>> -> memref<256x128xf32, #tpu.memory_space<hbm>>
    tpu.wait_dma2 semaphore(%arg11 : memref<!tpu.dma_semaphore, #tpu.memory_space<semaphore_mem>>) src(%arg7 : memref<256x128xf32, #tpu.memory_space<vmem>>) dst(%dma_wait3A_95 : memref<256x128xf32, #tpu.memory_space<hbm>>)
    %add3A_96 = arith.constant 512 : i32
    %add3A_97 = arith.addi %mul3A_2, %add3A_96 : i32
    %jit3A_98 = arith.constant 4096 : i32
    %div3A_99 = arith.divsi %add3A_97, %jit3A_98 : i32
    %sign3A_100 = arith.constant 0 : i32
    %sign3A_101 = arith.cmpi sgt, %add3A_97, %sign3A_100 : i32
    %sign3A_102 = arith.extui %sign3A_101 : i1 to i32
    %sign3A_103 = arith.constant 0 : i32
    %sign3A_104 = arith.cmpi slt, %add3A_97, %sign3A_103 : i32
    %sign3A_105 = arith.extui %sign3A_104 : i1 to i32
    %sign3A_106 = arith.subi %sign3A_102, %sign3A_105 : i32
    %sign3A_107 = arith.constant 0 : i32
    %sign3A_108 = arith.cmpi sgt, %jit3A_98, %sign3A_107 : i32
    %sign3A_109 = arith.extui %sign3A_108 : i1 to i32
    %sign3A_110 = arith.constant 0 : i32
    %sign3A_111 = arith.cmpi slt, %jit3A_98, %sign3A_110 : i32
    %sign3A_112 = arith.extui %sign3A_111 : i1 to i32
    %sign3A_113 = arith.subi %sign3A_109, %sign3A_112 : i32
    %ne3A_114 = arith.cmpi ne, %sign3A_106, %sign3A_113 : i32
    %rem3A_115 = arith.remsi %add3A_97, %jit3A_98 : i32
    %ne3A_116 = arith.constant 0 : i32
    %ne3A_117 = arith.cmpi ne, %rem3A_115, %ne3A_116 : i32
    %and3A_118 = arith.andi %ne3A_114, %ne3A_117 : i1
    %sub3A_119 = arith.constant 1 : i32
    %sub3A_120 = arith.subi %div3A_99, %sub3A_119 : i32
    %select_n3A_121 = arith.select %and3A_118, %sub3A_120, %div3A_99 : i32
    %jit3A_122 = arith.constant 4096 : i32
    %eq3A_123 = arith.constant 0 : i32
    %eq3A_124 = arith.cmpi eq, %jit3A_122, %eq3A_123 : i32
    %jit3A_125 = arith.constant 1 : i32
    %select_n3A_126 = arith.select %eq3A_124, %jit3A_125, %jit3A_122 : i32
    %rem3A_127 = arith.remsi %add3A_97, %select_n3A_126 : i32
    %ne3A_128 = arith.constant 0 : i32
    %ne3A_129 = arith.cmpi ne, %rem3A_127, %ne3A_128 : i32
    %lt3A_130 = arith.constant 0 : i32
    %lt3A_131 = arith.cmpi slt, %rem3A_127, %lt3A_130 : i32
    %lt3A_132 = arith.constant 0 : i32
    %lt3A_133 = arith.cmpi slt, %select_n3A_126, %lt3A_132 : i32
    %ne3A_134 = arith.xori %lt3A_131, %lt3A_133 : i1
    %and3A_135 = arith.andi %ne3A_134, %ne3A_129 : i1
    %add3A_136 = arith.addi %rem3A_127, %select_n3A_126 : i32
    %select_n3A_137 = arith.select %and3A_135, %add3A_136, %rem3A_127 : i32
    "tpu.region"() ({
      %run_scoped3A = tpu.sem_alloc : memref<!tpu.dma_semaphore, #tpu.memory_space<semaphore_mem>>
      %dma_start3A_471 = tpu.memref_slice %arg3[%select_n3A_121, %select_n3A_137] : memref<16x4096xi32, #tpu.memory_space<hbm>> -> memref<1x256xi32, #tpu.memory_space<hbm>>
      %dma_start3A_472 = tpu.memref_squeeze %dma_start3A_471 : memref<1x256xi32, #tpu.memory_space<hbm>> -> memref<256xi32, #tpu.memory_space<hbm>>
      %dma_start3A_473 = tpu.memref_slice %arg3[%select_n3A_121, %select_n3A_137] : memref<16x4096xi32, #tpu.memory_space<hbm>> -> memref<1x256xi32, #tpu.memory_space<hbm>>
      %dma_start3A_474 = tpu.memref_squeeze %dma_start3A_473 : memref<1x256xi32, #tpu.memory_space<hbm>> -> memref<256xi32, #tpu.memory_space<hbm>>
      tpu.enqueue_dma source(%dma_start3A_474 : memref<256xi32, #tpu.memory_space<hbm>>) target(%arg5 : memref<256xi32, #tpu.memory_space<vmem>>) target_semaphore(%run_scoped3A : memref<!tpu.dma_semaphore, #tpu.memory_space<semaphore_mem>>)
      %dma_wait3A_475 = tpu.memref_slice %arg3[%select_n3A_121, %select_n3A_137] : memref<16x4096xi32, #tpu.memory_space<hbm>> -> memref<1x256xi32, #tpu.memory_space<hbm>>
      %dma_wait3A_476 = tpu.memref_squeeze %dma_wait3A_475 : memref<1x256xi32, #tpu.memory_space<hbm>> -> memref<256xi32, #tpu.memory_space<hbm>>
      %dma_wait3A_477 = tpu.memref_slice %arg3[%select_n3A_121, %select_n3A_137] : memref<16x4096xi32, #tpu.memory_space<hbm>> -> memref<1x256xi32, #tpu.memory_space<hbm>>
      %dma_wait3A_478 = tpu.memref_squeeze %dma_wait3A_477 : memref<1x256xi32, #tpu.memory_space<hbm>> -> memref<256xi32, #tpu.memory_space<hbm>>
      tpu.wait_dma2 semaphore(%run_scoped3A : memref<!tpu.dma_semaphore, #tpu.memory_space<semaphore_mem>>) src(%dma_wait3A_478 : memref<256xi32, #tpu.memory_space<hbm>>) dst(%arg5 : memref<256xi32, #tpu.memory_space<vmem>>)
      tpu.yield
    }) : () -> ()
    %dma_start3A_138 = arith.constant 0 : i32
    %dma_start3A_139 = arith.constant 0 : i32
    %dma_start3A_140 = tpu.memref_slice %arg2[%dma_start3A_138, %dma_start3A_139] : memref<16384x128xf32, #tpu.memory_space<hbm>> -> memref<16384x128xf32, #tpu.memory_space<hbm>>
    tpu.enqueue_indirect_dma source(%dma_start3A_140 : memref<16384x128xf32, #tpu.memory_space<hbm>>) target(%arg7 : memref<256x128xf32, #tpu.memory_space<vmem>>) offsets(%arg5 : memref<256xi32, #tpu.memory_space<vmem>>) semaphore(%arg9 : memref<!tpu.dma_semaphore, #tpu.memory_space<semaphore_mem>>)
    %dma_wait3A_141 = arith.constant 0 : i32
    %dma_wait3A_142 = arith.constant 0 : i32
    %dma_wait3A_143 = tpu.memref_slice %arg2[%dma_wait3A_141, %dma_wait3A_142] : memref<16384x128xf32, #tpu.memory_space<hbm>> -> memref<16384x128xf32, #tpu.memory_space<hbm>>
    tpu.wait_indirect_dma semaphore(%arg10 : memref<!tpu.dma_semaphore, #tpu.memory_space<semaphore_mem>>) src(%dma_wait3A_143 : memref<16384x128xf32, #tpu.memory_space<hbm>>) dst(%arg8 : memref<256x128xf32, #tpu.memory_space<vmem>>)
    %add3A_144 = arith.constant 256 : i32
    %add3A_145 = arith.addi %mul3A_2, %add3A_144 : i32
    %dma_start3A_146 = arith.constant 0 : i32
    %dma_start3A_147 = tpu.memref_slice %arg4[%add3A_145, %dma_start3A_146] : memref<65536x128xf32, #tpu.memory_space<hbm>> -> memref<256x128xf32, #tpu.memory_space<hbm>>
    %dma_start3A_148 = arith.constant 0 : i32
    %dma_start3A_149 = tpu.memref_slice %arg4[%add3A_145, %dma_start3A_148] : memref<65536x128xf32, #tpu.memory_space<hbm>> -> memref<256x128xf32, #tpu.memory_space<hbm>>
    tpu.enqueue_dma source(%arg8 : memref<256x128xf32, #tpu.memory_space<vmem>>) target(%dma_start3A_149 : memref<256x128xf32, #tpu.memory_space<hbm>>) target_semaphore(%arg12 : memref<!tpu.dma_semaphore, #tpu.memory_space<semaphore_mem>>)
    %add3A_150 = arith.constant 256 : i32
    %add3A_151 = arith.addi %mul3A_2, %add3A_150 : i32
    %dma_wait3A_152 = arith.constant 0 : i32
    %dma_wait3A_153 = tpu.memref_slice %arg4[%add3A_151, %dma_wait3A_152] : memref<65536x128xf32, #tpu.memory_space<hbm>> -> memref<256x128xf32, #tpu.memory_space<hbm>>
    %dma_wait3A_154 = arith.constant 0 : i32
    %dma_wait3A_155 = tpu.memref_slice %arg4[%add3A_151, %dma_wait3A_154] : memref<65536x128xf32, #tpu.memory_space<hbm>> -> memref<256x128xf32, #tpu.memory_space<hbm>>
    tpu.wait_dma2 semaphore(%arg12 : memref<!tpu.dma_semaphore, #tpu.memory_space<semaphore_mem>>) src(%arg8 : memref<256x128xf32, #tpu.memory_space<vmem>>) dst(%dma_wait3A_155 : memref<256x128xf32, #tpu.memory_space<hbm>>)
    %add3A_156 = arith.constant 768 : i32
    %add3A_157 = arith.addi %mul3A_2, %add3A_156 : i32
    %jit3A_158 = arith.constant 4096 : i32
    %div3A_159 = arith.divsi %add3A_157, %jit3A_158 : i32
    %sign3A_160 = arith.constant 0 : i32
    %sign3A_161 = arith.cmpi sgt, %add3A_157, %sign3A_160 : i32
    %sign3A_162 = arith.extui %sign3A_161 : i1 to i32
    %sign3A_163 = arith.constant 0 : i32
    %sign3A_164 = arith.cmpi slt, %add3A_157, %sign3A_163 : i32
    %sign3A_165 = arith.extui %sign3A_164 : i1 to i32
    %sign3A_166 = arith.subi %sign3A_162, %sign3A_165 : i32
    %sign3A_167 = arith.constant 0 : i32
    %sign3A_168 = arith.cmpi sgt, %jit3A_158, %sign3A_167 : i32
    %sign3A_169 = arith.extui %sign3A_168 : i1 to i32
    %sign3A_170 = arith.constant 0 : i32
    %sign3A_171 = arith.cmpi slt, %jit3A_158, %sign3A_170 : i32
    %sign3A_172 = arith.extui %sign3A_171 : i1 to i32
    %sign3A_173 = arith.subi %sign3A_169, %sign3A_172 : i32
    %ne3A_174 = arith.cmpi ne, %sign3A_166, %sign3A_173 : i32
    %rem3A_175 = arith.remsi %add3A_157, %jit3A_158 : i32
    %ne3A_176 = arith.constant 0 : i32
    %ne3A_177 = arith.cmpi ne, %rem3A_175, %ne3A_176 : i32
    %and3A_178 = arith.andi %ne3A_174, %ne3A_177 : i1
    %sub3A_179 = arith.constant 1 : i32
    %sub3A_180 = arith.subi %div3A_159, %sub3A_179 : i32
    %select_n3A_181 = arith.select %and3A_178, %sub3A_180, %div3A_159 : i32
    %jit3A_182 = arith.constant 4096 : i32
    %eq3A_183 = arith.constant 0 : i32
    %eq3A_184 = arith.cmpi eq, %jit3A_182, %eq3A_183 : i32
    %jit3A_185 = arith.constant 1 : i32
    %select_n3A_186 = arith.select %eq3A_184, %jit3A_185, %jit3A_182 : i32
    %rem3A_187 = arith.remsi %add3A_157, %select_n3A_186 : i32
    %ne3A_188 = arith.constant 0 : i32
    %ne3A_189 = arith.cmpi ne, %rem3A_187, %ne3A_188 : i32
    %lt3A_190 = arith.constant 0 : i32
    %lt3A_191 = arith.cmpi slt, %rem3A_187, %lt3A_190 : i32
    %lt3A_192 = arith.constant 0 : i32
    %lt3A_193 = arith.cmpi slt, %select_n3A_186, %lt3A_192 : i32
    %ne3A_194 = arith.xori %lt3A_191, %lt3A_193 : i1
    %and3A_195 = arith.andi %ne3A_194, %ne3A_189 : i1
    %add3A_196 = arith.addi %rem3A_187, %select_n3A_186 : i32
    %select_n3A_197 = arith.select %and3A_195, %add3A_196, %rem3A_187 : i32
    "tpu.region"() ({
      %run_scoped3A = tpu.sem_alloc : memref<!tpu.dma_semaphore, #tpu.memory_space<semaphore_mem>>
      %dma_start3A_471 = tpu.memref_slice %arg3[%select_n3A_181, %select_n3A_197] : memref<16x4096xi32, #tpu.memory_space<hbm>> -> memref<1x256xi32, #tpu.memory_space<hbm>>
      %dma_start3A_472 = tpu.memref_squeeze %dma_start3A_471 : memref<1x256xi32, #tpu.memory_space<hbm>> -> memref<256xi32, #tpu.memory_space<hbm>>
      %dma_start3A_473 = tpu.memref_slice %arg3[%select_n3A_181, %select_n3A_197] : memref<16x4096xi32, #tpu.memory_space<hbm>> -> memref<1x256xi32, #tpu.memory_space<hbm>>
      %dma_start3A_474 = tpu.memref_squeeze %dma_start3A_473 : memref<1x256xi32, #tpu.memory_space<hbm>> -> memref<256xi32, #tpu.memory_space<hbm>>
      tpu.enqueue_dma source(%dma_start3A_474 : memref<256xi32, #tpu.memory_space<hbm>>) target(%arg6 : memref<256xi32, #tpu.memory_space<vmem>>) target_semaphore(%run_scoped3A : memref<!tpu.dma_semaphore, #tpu.memory_space<semaphore_mem>>)
      %dma_wait3A_475 = tpu.memref_slice %arg3[%select_n3A_181, %select_n3A_197] : memref<16x4096xi32, #tpu.memory_space<hbm>> -> memref<1x256xi32, #tpu.memory_space<hbm>>
      %dma_wait3A_476 = tpu.memref_squeeze %dma_wait3A_475 : memref<1x256xi32, #tpu.memory_space<hbm>> -> memref<256xi32, #tpu.memory_space<hbm>>
      %dma_wait3A_477 = tpu.memref_slice %arg3[%select_n3A_181, %select_n3A_197] : memref<16x4096xi32, #tpu.memory_space<hbm>> -> memref<1x256xi32, #tpu.memory_space<hbm>>
      %dma_wait3A_478 = tpu.memref_squeeze %dma_wait3A_477 : memref<1x256xi32, #tpu.memory_space<hbm>> -> memref<256xi32, #tpu.memory_space<hbm>>
      tpu.wait_dma2 semaphore(%run_scoped3A : memref<!tpu.dma_semaphore, #tpu.memory_space<semaphore_mem>>) src(%dma_wait3A_478 : memref<256xi32, #tpu.memory_space<hbm>>) dst(%arg6 : memref<256xi32, #tpu.memory_space<vmem>>)
      tpu.yield
    }) : () -> ()
    %dma_start3A_198 = arith.constant 0 : i32
    %dma_start3A_199 = arith.constant 0 : i32
    %dma_start3A_200 = tpu.memref_slice %arg2[%dma_start3A_198, %dma_start3A_199] : memref<16384x128xf32, #tpu.memory_space<hbm>> -> memref<16384x128xf32, #tpu.memory_space<hbm>>
    tpu.enqueue_indirect_dma source(%dma_start3A_200 : memref<16384x128xf32, #tpu.memory_space<hbm>>) target(%arg8 : memref<256x128xf32, #tpu.memory_space<vmem>>) offsets(%arg6 : memref<256xi32, #tpu.memory_space<vmem>>) semaphore(%arg10 : memref<!tpu.dma_semaphore, #tpu.memory_space<semaphore_mem>>)
    %dma_wait3A_201 = arith.constant 0 : i32
    %dma_wait3A_202 = arith.constant 0 : i32
    %dma_wait3A_203 = tpu.memref_slice %arg2[%dma_wait3A_201, %dma_wait3A_202] : memref<16384x128xf32, #tpu.memory_space<hbm>> -> memref<16384x128xf32, #tpu.memory_space<hbm>>
    tpu.wait_indirect_dma semaphore(%arg9 : memref<!tpu.dma_semaphore, #tpu.memory_space<semaphore_mem>>) src(%dma_wait3A_203 : memref<16384x128xf32, #tpu.memory_space<hbm>>) dst(%arg7 : memref<256x128xf32, #tpu.memory_space<vmem>>)
    %add3A_204 = arith.constant 512 : i32
    %add3A_205 = arith.addi %mul3A_2, %add3A_204 : i32
    %dma_start3A_206 = arith.constant 0 : i32
    %dma_start3A_207 = tpu.memref_slice %arg4[%add3A_205, %dma_start3A_206] : memref<65536x128xf32, #tpu.memory_space<hbm>> -> memref<256x128xf32, #tpu.memory_space<hbm>>
    %dma_start3A_208 = arith.constant 0 : i32
    %dma_start3A_209 = tpu.memref_slice %arg4[%add3A_205, %dma_start3A_208] : memref<65536x128xf32, #tpu.memory_space<hbm>> -> memref<256x128xf32, #tpu.memory_space<hbm>>
    tpu.enqueue_dma source(%arg7 : memref<256x128xf32, #tpu.memory_space<vmem>>) target(%dma_start3A_209 : memref<256x128xf32, #tpu.memory_space<hbm>>) target_semaphore(%arg11 : memref<!tpu.dma_semaphore, #tpu.memory_space<semaphore_mem>>)
    %add3A_210 = arith.constant 512 : i32
    %add3A_211 = arith.addi %mul3A_2, %add3A_210 : i32
    %dma_wait3A_212 = arith.constant 0 : i32
    %dma_wait3A_213 = tpu.memref_slice %arg4[%add3A_211, %dma_wait3A_212] : memref<65536x128xf32, #tpu.memory_space<hbm>> -> memref<256x128xf32, #tpu.memory_space<hbm>>
    %dma_wait3A_214 = arith.constant 0 : i32
    %dma_wait3A_215 = tpu.memref_slice %arg4[%add3A_211, %dma_wait3A_214] : memref<65536x128xf32, #tpu.memory_space<hbm>> -> memref<256x128xf32, #tpu.memory_space<hbm>>
    tpu.wait_dma2 semaphore(%arg11 : memref<!tpu.dma_semaphore, #tpu.memory_space<semaphore_mem>>) src(%arg7 : memref<256x128xf32, #tpu.memory_space<vmem>>) dst(%dma_wait3A_215 : memref<256x128xf32, #tpu.memory_space<hbm>>)
    %add3A_216 = arith.constant 1024 : i32
    %add3A_217 = arith.addi %mul3A_2, %add3A_216 : i32
    %jit3A_218 = arith.constant 4096 : i32
    %div3A_219 = arith.divsi %add3A_217, %jit3A_218 : i32
    %sign3A_220 = arith.constant 0 : i32
    %sign3A_221 = arith.cmpi sgt, %add3A_217, %sign3A_220 : i32
    %sign3A_222 = arith.extui %sign3A_221 : i1 to i32
    %sign3A_223 = arith.constant 0 : i32
    %sign3A_224 = arith.cmpi slt, %add3A_217, %sign3A_223 : i32
    %sign3A_225 = arith.extui %sign3A_224 : i1 to i32
    %sign3A_226 = arith.subi %sign3A_222, %sign3A_225 : i32
    %sign3A_227 = arith.constant 0 : i32
    %sign3A_228 = arith.cmpi sgt, %jit3A_218, %sign3A_227 : i32
    %sign3A_229 = arith.extui %sign3A_228 : i1 to i32
    %sign3A_230 = arith.constant 0 : i32
    %sign3A_231 = arith.cmpi slt, %jit3A_218, %sign3A_230 : i32
    %sign3A_232 = arith.extui %sign3A_231 : i1 to i32
    %sign3A_233 = arith.subi %sign3A_229, %sign3A_232 : i32
    %ne3A_234 = arith.cmpi ne, %sign3A_226, %sign3A_233 : i32
    %rem3A_235 = arith.remsi %add3A_217, %jit3A_218 : i32
    %ne3A_236 = arith.constant 0 : i32
    %ne3A_237 = arith.cmpi ne, %rem3A_235, %ne3A_236 : i32
    %and3A_238 = arith.andi %ne3A_234, %ne3A_237 : i1
    %sub3A_239 = arith.constant 1 : i32
    %sub3A_240 = arith.subi %div3A_219, %sub3A_239 : i32
    %select_n3A_241 = arith.select %and3A_238, %sub3A_240, %div3A_219 : i32
    %jit3A_242 = arith.constant 4096 : i32
    %eq3A_243 = arith.constant 0 : i32
    %eq3A_244 = arith.cmpi eq, %jit3A_242, %eq3A_243 : i32
    %jit3A_245 = arith.constant 1 : i32
    %select_n3A_246 = arith.select %eq3A_244, %jit3A_245, %jit3A_242 : i32
    %rem3A_247 = arith.remsi %add3A_217, %select_n3A_246 : i32
    %ne3A_248 = arith.constant 0 : i32
    %ne3A_249 = arith.cmpi ne, %rem3A_247, %ne3A_248 : i32
    %lt3A_250 = arith.constant 0 : i32
    %lt3A_251 = arith.cmpi slt, %rem3A_247, %lt3A_250 : i32
    %lt3A_252 = arith.constant 0 : i32
    %lt3A_253 = arith.cmpi slt, %select_n3A_246, %lt3A_252 : i32
    %ne3A_254 = arith.xori %lt3A_251, %lt3A_253 : i1
    %and3A_255 = arith.andi %ne3A_254, %ne3A_249 : i1
    %add3A_256 = arith.addi %rem3A_247, %select_n3A_246 : i32
    %select_n3A_257 = arith.select %and3A_255, %add3A_256, %rem3A_247 : i32
    "tpu.region"() ({
      %run_scoped3A = tpu.sem_alloc : memref<!tpu.dma_semaphore, #tpu.memory_space<semaphore_mem>>
      %dma_start3A_471 = tpu.memref_slice %arg3[%select_n3A_241, %select_n3A_257] : memref<16x4096xi32, #tpu.memory_space<hbm>> -> memref<1x256xi32, #tpu.memory_space<hbm>>
      %dma_start3A_472 = tpu.memref_squeeze %dma_start3A_471 : memref<1x256xi32, #tpu.memory_space<hbm>> -> memref<256xi32, #tpu.memory_space<hbm>>
      %dma_start3A_473 = tpu.memref_slice %arg3[%select_n3A_241, %select_n3A_257] : memref<16x4096xi32, #tpu.memory_space<hbm>> -> memref<1x256xi32, #tpu.memory_space<hbm>>
      %dma_start3A_474 = tpu.memref_squeeze %dma_start3A_473 : memref<1x256xi32, #tpu.memory_space<hbm>> -> memref<256xi32, #tpu.memory_space<hbm>>
      tpu.enqueue_dma source(%dma_start3A_474 : memref<256xi32, #tpu.memory_space<hbm>>) target(%arg5 : memref<256xi32, #tpu.memory_space<vmem>>) target_semaphore(%run_scoped3A : memref<!tpu.dma_semaphore, #tpu.memory_space<semaphore_mem>>)
      %dma_wait3A_475 = tpu.memref_slice %arg3[%select_n3A_241, %select_n3A_257] : memref<16x4096xi32, #tpu.memory_space<hbm>> -> memref<1x256xi32, #tpu.memory_space<hbm>>
      %dma_wait3A_476 = tpu.memref_squeeze %dma_wait3A_475 : memref<1x256xi32, #tpu.memory_space<hbm>> -> memref<256xi32, #tpu.memory_space<hbm>>
      %dma_wait3A_477 = tpu.memref_slice %arg3[%select_n3A_241, %select_n3A_257] : memref<16x4096xi32, #tpu.memory_space<hbm>> -> memref<1x256xi32, #tpu.memory_space<hbm>>
      %dma_wait3A_478 = tpu.memref_squeeze %dma_wait3A_477 : memref<1x256xi32, #tpu.memory_space<hbm>> -> memref<256xi32, #tpu.memory_space<hbm>>
      tpu.wait_dma2 semaphore(%run_scoped3A : memref<!tpu.dma_semaphore, #tpu.memory_space<semaphore_mem>>) src(%dma_wait3A_478 : memref<256xi32, #tpu.memory_space<hbm>>) dst(%arg5 : memref<256xi32, #tpu.memory_space<vmem>>)
      tpu.yield
    }) : () -> ()
    %dma_start3A_258 = arith.constant 0 : i32
    %dma_start3A_259 = arith.constant 0 : i32
    %dma_start3A_260 = tpu.memref_slice %arg2[%dma_start3A_258, %dma_start3A_259] : memref<16384x128xf32, #tpu.memory_space<hbm>> -> memref<16384x128xf32, #tpu.memory_space<hbm>>
    tpu.enqueue_indirect_dma source(%dma_start3A_260 : memref<16384x128xf32, #tpu.memory_space<hbm>>) target(%arg7 : memref<256x128xf32, #tpu.memory_space<vmem>>) offsets(%arg5 : memref<256xi32, #tpu.memory_space<vmem>>) semaphore(%arg9 : memref<!tpu.dma_semaphore, #tpu.memory_space<semaphore_mem>>)
    %dma_wait3A_261 = arith.constant 0 : i32
    %dma_wait3A_262 = arith.constant 0 : i32
    %dma_wait3A_263 = tpu.memref_slice %arg2[%dma_wait3A_261, %dma_wait3A_262] : memref<16384x128xf32, #tpu.memory_space<hbm>> -> memref<16384x128xf32, #tpu.memory_space<hbm>>
    tpu.wait_indirect_dma semaphore(%arg10 : memref<!tpu.dma_semaphore, #tpu.memory_space<semaphore_mem>>) src(%dma_wait3A_263 : memref<16384x128xf32, #tpu.memory_space<hbm>>) dst(%arg8 : memref<256x128xf32, #tpu.memory_space<vmem>>)
    %add3A_264 = arith.constant 768 : i32
    %add3A_265 = arith.addi %mul3A_2, %add3A_264 : i32
    %dma_start3A_266 = arith.constant 0 : i32
    %dma_start3A_267 = tpu.memref_slice %arg4[%add3A_265, %dma_start3A_266] : memref<65536x128xf32, #tpu.memory_space<hbm>> -> memref<256x128xf32, #tpu.memory_space<hbm>>
    %dma_start3A_268 = arith.constant 0 : i32
    %dma_start3A_269 = tpu.memref_slice %arg4[%add3A_265, %dma_start3A_268] : memref<65536x128xf32, #tpu.memory_space<hbm>> -> memref<256x128xf32, #tpu.memory_space<hbm>>
    tpu.enqueue_dma source(%arg8 : memref<256x128xf32, #tpu.memory_space<vmem>>) target(%dma_start3A_269 : memref<256x128xf32, #tpu.memory_space<hbm>>) target_semaphore(%arg12 : memref<!tpu.dma_semaphore, #tpu.memory_space<semaphore_mem>>)
    %add3A_270 = arith.constant 768 : i32
    %add3A_271 = arith.addi %mul3A_2, %add3A_270 : i32
    %dma_wait3A_272 = arith.constant 0 : i32
    %dma_wait3A_273 = tpu.memref_slice %arg4[%add3A_271, %dma_wait3A_272] : memref<65536x128xf32, #tpu.memory_space<hbm>> -> memref<256x128xf32, #tpu.memory_space<hbm>>
    %dma_wait3A_274 = arith.constant 0 : i32
    %dma_wait3A_275 = tpu.memref_slice %arg4[%add3A_271, %dma_wait3A_274] : memref<65536x128xf32, #tpu.memory_space<hbm>> -> memref<256x128xf32, #tpu.memory_space<hbm>>
    tpu.wait_dma2 semaphore(%arg12 : memref<!tpu.dma_semaphore, #tpu.memory_space<semaphore_mem>>) src(%arg8 : memref<256x128xf32, #tpu.memory_space<vmem>>) dst(%dma_wait3A_275 : memref<256x128xf32, #tpu.memory_space<hbm>>)
    %add3A_276 = arith.constant 1280 : i32
    %add3A_277 = arith.addi %mul3A_2, %add3A_276 : i32
    %jit3A_278 = arith.constant 4096 : i32
    %div3A_279 = arith.divsi %add3A_277, %jit3A_278 : i32
    %sign3A_280 = arith.constant 0 : i32
    %sign3A_281 = arith.cmpi sgt, %add3A_277, %sign3A_280 : i32
    %sign3A_282 = arith.extui %sign3A_281 : i1 to i32
    %sign3A_283 = arith.constant 0 : i32
    %sign3A_284 = arith.cmpi slt, %add3A_277, %sign3A_283 : i32
    %sign3A_285 = arith.extui %sign3A_284 : i1 to i32
    %sign3A_286 = arith.subi %sign3A_282, %sign3A_285 : i32
    %sign3A_287 = arith.constant 0 : i32
    %sign3A_288 = arith.cmpi sgt, %jit3A_278, %sign3A_287 : i32
    %sign3A_289 = arith.extui %sign3A_288 : i1 to i32
    %sign3A_290 = arith.constant 0 : i32
    %sign3A_291 = arith.cmpi slt, %jit3A_278, %sign3A_290 : i32
    %sign3A_292 = arith.extui %sign3A_291 : i1 to i32
    %sign3A_293 = arith.subi %sign3A_289, %sign3A_292 : i32
    %ne3A_294 = arith.cmpi ne, %sign3A_286, %sign3A_293 : i32
    %rem3A_295 = arith.remsi %add3A_277, %jit3A_278 : i32
    %ne3A_296 = arith.constant 0 : i32
    %ne3A_297 = arith.cmpi ne, %rem3A_295, %ne3A_296 : i32
    %and3A_298 = arith.andi %ne3A_294, %ne3A_297 : i1
    %sub3A_299 = arith.constant 1 : i32
    %sub3A_300 = arith.subi %div3A_279, %sub3A_299 : i32
    %select_n3A_301 = arith.select %and3A_298, %sub3A_300, %div3A_279 : i32
    %jit3A_302 = arith.constant 4096 : i32
    %eq3A_303 = arith.constant 0 : i32
    %eq3A_304 = arith.cmpi eq, %jit3A_302, %eq3A_303 : i32
    %jit3A_305 = arith.constant 1 : i32
    %select_n3A_306 = arith.select %eq3A_304, %jit3A_305, %jit3A_302 : i32
    %rem3A_307 = arith.remsi %add3A_277, %select_n3A_306 : i32
    %ne3A_308 = arith.constant 0 : i32
    %ne3A_309 = arith.cmpi ne, %rem3A_307, %ne3A_308 : i32
    %lt3A_310 = arith.constant 0 : i32
    %lt3A_311 = arith.cmpi slt, %rem3A_307, %lt3A_310 : i32
    %lt3A_312 = arith.constant 0 : i32
    %lt3A_313 = arith.cmpi slt, %select_n3A_306, %lt3A_312 : i32
    %ne3A_314 = arith.xori %lt3A_311, %lt3A_313 : i1
    %and3A_315 = arith.andi %ne3A_314, %ne3A_309 : i1
    %add3A_316 = arith.addi %rem3A_307, %select_n3A_306 : i32
    %select_n3A_317 = arith.select %and3A_315, %add3A_316, %rem3A_307 : i32
    "tpu.region"() ({
      %run_scoped3A = tpu.sem_alloc : memref<!tpu.dma_semaphore, #tpu.memory_space<semaphore_mem>>
      %dma_start3A_471 = tpu.memref_slice %arg3[%select_n3A_301, %select_n3A_317] : memref<16x4096xi32, #tpu.memory_space<hbm>> -> memref<1x256xi32, #tpu.memory_space<hbm>>
      %dma_start3A_472 = tpu.memref_squeeze %dma_start3A_471 : memref<1x256xi32, #tpu.memory_space<hbm>> -> memref<256xi32, #tpu.memory_space<hbm>>
      %dma_start3A_473 = tpu.memref_slice %arg3[%select_n3A_301, %select_n3A_317] : memref<16x4096xi32, #tpu.memory_space<hbm>> -> memref<1x256xi32, #tpu.memory_space<hbm>>
      %dma_start3A_474 = tpu.memref_squeeze %dma_start3A_473 : memref<1x256xi32, #tpu.memory_space<hbm>> -> memref<256xi32, #tpu.memory_space<hbm>>
      tpu.enqueue_dma source(%dma_start3A_474 : memref<256xi32, #tpu.memory_space<hbm>>) target(%arg6 : memref<256xi32, #tpu.memory_space<vmem>>) target_semaphore(%run_scoped3A : memref<!tpu.dma_semaphore, #tpu.memory_space<semaphore_mem>>)
      %dma_wait3A_475 = tpu.memref_slice %arg3[%select_n3A_301, %select_n3A_317] : memref<16x4096xi32, #tpu.memory_space<hbm>> -> memref<1x256xi32, #tpu.memory_space<hbm>>
      %dma_wait3A_476 = tpu.memref_squeeze %dma_wait3A_475 : memref<1x256xi32, #tpu.memory_space<hbm>> -> memref<256xi32, #tpu.memory_space<hbm>>
      %dma_wait3A_477 = tpu.memref_slice %arg3[%select_n3A_301, %select_n3A_317] : memref<16x4096xi32, #tpu.memory_space<hbm>> -> memref<1x256xi32, #tpu.memory_space<hbm>>
      %dma_wait3A_478 = tpu.memref_squeeze %dma_wait3A_477 : memref<1x256xi32, #tpu.memory_space<hbm>> -> memref<256xi32, #tpu.memory_space<hbm>>
      tpu.wait_dma2 semaphore(%run_scoped3A : memref<!tpu.dma_semaphore, #tpu.memory_space<semaphore_mem>>) src(%dma_wait3A_478 : memref<256xi32, #tpu.memory_space<hbm>>) dst(%arg6 : memref<256xi32, #tpu.memory_space<vmem>>)
      tpu.yield
    }) : () -> ()
    %dma_start3A_318 = arith.constant 0 : i32
    %dma_start3A_319 = arith.constant 0 : i32
    %dma_start3A_320 = tpu.memref_slice %arg2[%dma_start3A_318, %dma_start3A_319] : memref<16384x128xf32, #tpu.memory_space<hbm>> -> memref<16384x128xf32, #tpu.memory_space<hbm>>
    tpu.enqueue_indirect_dma source(%dma_start3A_320 : memref<16384x128xf32, #tpu.memory_space<hbm>>) target(%arg8 : memref<256x128xf32, #tpu.memory_space<vmem>>) offsets(%arg6 : memref<256xi32, #tpu.memory_space<vmem>>) semaphore(%arg10 : memref<!tpu.dma_semaphore, #tpu.memory_space<semaphore_mem>>)
    %dma_wait3A_321 = arith.constant 0 : i32
    %dma_wait3A_322 = arith.constant 0 : i32
    %dma_wait3A_323 = tpu.memref_slice %arg2[%dma_wait3A_321, %dma_wait3A_322] : memref<16384x128xf32, #tpu.memory_space<hbm>> -> memref<16384x128xf32, #tpu.memory_space<hbm>>
    tpu.wait_indirect_dma semaphore(%arg9 : memref<!tpu.dma_semaphore, #tpu.memory_space<semaphore_mem>>) src(%dma_wait3A_323 : memref<16384x128xf32, #tpu.memory_space<hbm>>) dst(%arg7 : memref<256x128xf32, #tpu.memory_space<vmem>>)
    %add3A_324 = arith.constant 1024 : i32
    %add3A_325 = arith.addi %mul3A_2, %add3A_324 : i32
    %dma_start3A_326 = arith.constant 0 : i32
    %dma_start3A_327 = tpu.memref_slice %arg4[%add3A_325, %dma_start3A_326] : memref<65536x128xf32, #tpu.memory_space<hbm>> -> memref<256x128xf32, #tpu.memory_space<hbm>>
    %dma_start3A_328 = arith.constant 0 : i32
    %dma_start3A_329 = tpu.memref_slice %arg4[%add3A_325, %dma_start3A_328] : memref<65536x128xf32, #tpu.memory_space<hbm>> -> memref<256x128xf32, #tpu.memory_space<hbm>>
    tpu.enqueue_dma source(%arg7 : memref<256x128xf32, #tpu.memory_space<vmem>>) target(%dma_start3A_329 : memref<256x128xf32, #tpu.memory_space<hbm>>) target_semaphore(%arg11 : memref<!tpu.dma_semaphore, #tpu.memory_space<semaphore_mem>>)
    %add3A_330 = arith.constant 1024 : i32
    %add3A_331 = arith.addi %mul3A_2, %add3A_330 : i32
    %dma_wait3A_332 = arith.constant 0 : i32
    %dma_wait3A_333 = tpu.memref_slice %arg4[%add3A_331, %dma_wait3A_332] : memref<65536x128xf32, #tpu.memory_space<hbm>> -> memref<256x128xf32, #tpu.memory_space<hbm>>
    %dma_wait3A_334 = arith.constant 0 : i32
    %dma_wait3A_335 = tpu.memref_slice %arg4[%add3A_331, %dma_wait3A_334] : memref<65536x128xf32, #tpu.memory_space<hbm>> -> memref<256x128xf32, #tpu.memory_space<hbm>>
    tpu.wait_dma2 semaphore(%arg11 : memref<!tpu.dma_semaphore, #tpu.memory_space<semaphore_mem>>) src(%arg7 : memref<256x128xf32, #tpu.memory_space<vmem>>) dst(%dma_wait3A_335 : memref<256x128xf32, #tpu.memory_space<hbm>>)
    %add3A_336 = arith.constant 1536 : i32
    %add3A_337 = arith.addi %mul3A_2, %add3A_336 : i32
    %jit3A_338 = arith.constant 4096 : i32
    %div3A_339 = arith.divsi %add3A_337, %jit3A_338 : i32
    %sign3A_340 = arith.constant 0 : i32
    %sign3A_341 = arith.cmpi sgt, %add3A_337, %sign3A_340 : i32
    %sign3A_342 = arith.extui %sign3A_341 : i1 to i32
    %sign3A_343 = arith.constant 0 : i32
    %sign3A_344 = arith.cmpi slt, %add3A_337, %sign3A_343 : i32
    %sign3A_345 = arith.extui %sign3A_344 : i1 to i32
    %sign3A_346 = arith.subi %sign3A_342, %sign3A_345 : i32
    %sign3A_347 = arith.constant 0 : i32
    %sign3A_348 = arith.cmpi sgt, %jit3A_338, %sign3A_347 : i32
    %sign3A_349 = arith.extui %sign3A_348 : i1 to i32
    %sign3A_350 = arith.constant 0 : i32
    %sign3A_351 = arith.cmpi slt, %jit3A_338, %sign3A_350 : i32
    %sign3A_352 = arith.extui %sign3A_351 : i1 to i32
    %sign3A_353 = arith.subi %sign3A_349, %sign3A_352 : i32
    %ne3A_354 = arith.cmpi ne, %sign3A_346, %sign3A_353 : i32
    %rem3A_355 = arith.remsi %add3A_337, %jit3A_338 : i32
    %ne3A_356 = arith.constant 0 : i32
    %ne3A_357 = arith.cmpi ne, %rem3A_355, %ne3A_356 : i32
    %and3A_358 = arith.andi %ne3A_354, %ne3A_357 : i1
    %sub3A_359 = arith.constant 1 : i32
    %sub3A_360 = arith.subi %div3A_339, %sub3A_359 : i32
    %select_n3A_361 = arith.select %and3A_358, %sub3A_360, %div3A_339 : i32
    %jit3A_362 = arith.constant 4096 : i32
    %eq3A_363 = arith.constant 0 : i32
    %eq3A_364 = arith.cmpi eq, %jit3A_362, %eq3A_363 : i32
    %jit3A_365 = arith.constant 1 : i32
    %select_n3A_366 = arith.select %eq3A_364, %jit3A_365, %jit3A_362 : i32
    %rem3A_367 = arith.remsi %add3A_337, %select_n3A_366 : i32
    %ne3A_368 = arith.constant 0 : i32
    %ne3A_369 = arith.cmpi ne, %rem3A_367, %ne3A_368 : i32
    %lt3A_370 = arith.constant 0 : i32
    %lt3A_371 = arith.cmpi slt, %rem3A_367, %lt3A_370 : i32
    %lt3A_372 = arith.constant 0 : i32
    %lt3A_373 = arith.cmpi slt, %select_n3A_366, %lt3A_372 : i32
    %ne3A_374 = arith.xori %lt3A_371, %lt3A_373 : i1
    %and3A_375 = arith.andi %ne3A_374, %ne3A_369 : i1
    %add3A_376 = arith.addi %rem3A_367, %select_n3A_366 : i32
    %select_n3A_377 = arith.select %and3A_375, %add3A_376, %rem3A_367 : i32
    "tpu.region"() ({
      %run_scoped3A = tpu.sem_alloc : memref<!tpu.dma_semaphore, #tpu.memory_space<semaphore_mem>>
      %dma_start3A_471 = tpu.memref_slice %arg3[%select_n3A_361, %select_n3A_377] : memref<16x4096xi32, #tpu.memory_space<hbm>> -> memref<1x256xi32, #tpu.memory_space<hbm>>
      %dma_start3A_472 = tpu.memref_squeeze %dma_start3A_471 : memref<1x256xi32, #tpu.memory_space<hbm>> -> memref<256xi32, #tpu.memory_space<hbm>>
      %dma_start3A_473 = tpu.memref_slice %arg3[%select_n3A_361, %select_n3A_377] : memref<16x4096xi32, #tpu.memory_space<hbm>> -> memref<1x256xi32, #tpu.memory_space<hbm>>
      %dma_start3A_474 = tpu.memref_squeeze %dma_start3A_473 : memref<1x256xi32, #tpu.memory_space<hbm>> -> memref<256xi32, #tpu.memory_space<hbm>>
      tpu.enqueue_dma source(%dma_start3A_474 : memref<256xi32, #tpu.memory_space<hbm>>) target(%arg5 : memref<256xi32, #tpu.memory_space<vmem>>) target_semaphore(%run_scoped3A : memref<!tpu.dma_semaphore, #tpu.memory_space<semaphore_mem>>)
      %dma_wait3A_475 = tpu.memref_slice %arg3[%select_n3A_361, %select_n3A_377] : memref<16x4096xi32, #tpu.memory_space<hbm>> -> memref<1x256xi32, #tpu.memory_space<hbm>>
      %dma_wait3A_476 = tpu.memref_squeeze %dma_wait3A_475 : memref<1x256xi32, #tpu.memory_space<hbm>> -> memref<256xi32, #tpu.memory_space<hbm>>
      %dma_wait3A_477 = tpu.memref_slice %arg3[%select_n3A_361, %select_n3A_377] : memref<16x4096xi32, #tpu.memory_space<hbm>> -> memref<1x256xi32, #tpu.memory_space<hbm>>
      %dma_wait3A_478 = tpu.memref_squeeze %dma_wait3A_477 : memref<1x256xi32, #tpu.memory_space<hbm>> -> memref<256xi32, #tpu.memory_space<hbm>>
      tpu.wait_dma2 semaphore(%run_scoped3A : memref<!tpu.dma_semaphore, #tpu.memory_space<semaphore_mem>>) src(%dma_wait3A_478 : memref<256xi32, #tpu.memory_space<hbm>>) dst(%arg5 : memref<256xi32, #tpu.memory_space<vmem>>)
      tpu.yield
    }) : () -> ()
    %dma_start3A_378 = arith.constant 0 : i32
    %dma_start3A_379 = arith.constant 0 : i32
    %dma_start3A_380 = tpu.memref_slice %arg2[%dma_start3A_378, %dma_start3A_379] : memref<16384x128xf32, #tpu.memory_space<hbm>> -> memref<16384x128xf32, #tpu.memory_space<hbm>>
    tpu.enqueue_indirect_dma source(%dma_start3A_380 : memref<16384x128xf32, #tpu.memory_space<hbm>>) target(%arg7 : memref<256x128xf32, #tpu.memory_space<vmem>>) offsets(%arg5 : memref<256xi32, #tpu.memory_space<vmem>>) semaphore(%arg9 : memref<!tpu.dma_semaphore, #tpu.memory_space<semaphore_mem>>)
    %dma_wait3A_381 = arith.constant 0 : i32
    %dma_wait3A_382 = arith.constant 0 : i32
    %dma_wait3A_383 = tpu.memref_slice %arg2[%dma_wait3A_381, %dma_wait3A_382] : memref<16384x128xf32, #tpu.memory_space<hbm>> -> memref<16384x128xf32, #tpu.memory_space<hbm>>
    tpu.wait_indirect_dma semaphore(%arg10 : memref<!tpu.dma_semaphore, #tpu.memory_space<semaphore_mem>>) src(%dma_wait3A_383 : memref<16384x128xf32, #tpu.memory_space<hbm>>) dst(%arg8 : memref<256x128xf32, #tpu.memory_space<vmem>>)
    %add3A_384 = arith.constant 1280 : i32
    %add3A_385 = arith.addi %mul3A_2, %add3A_384 : i32
    %dma_start3A_386 = arith.constant 0 : i32
    %dma_start3A_387 = tpu.memref_slice %arg4[%add3A_385, %dma_start3A_386] : memref<65536x128xf32, #tpu.memory_space<hbm>> -> memref<256x128xf32, #tpu.memory_space<hbm>>
    %dma_start3A_388 = arith.constant 0 : i32
    %dma_start3A_389 = tpu.memref_slice %arg4[%add3A_385, %dma_start3A_388] : memref<65536x128xf32, #tpu.memory_space<hbm>> -> memref<256x128xf32, #tpu.memory_space<hbm>>
    tpu.enqueue_dma source(%arg8 : memref<256x128xf32, #tpu.memory_space<vmem>>) target(%dma_start3A_389 : memref<256x128xf32, #tpu.memory_space<hbm>>) target_semaphore(%arg12 : memref<!tpu.dma_semaphore, #tpu.memory_space<semaphore_mem>>)
    %add3A_390 = arith.constant 1280 : i32
    %add3A_391 = arith.addi %mul3A_2, %add3A_390 : i32
    %dma_wait3A_392 = arith.constant 0 : i32
    %dma_wait3A_393 = tpu.memref_slice %arg4[%add3A_391, %dma_wait3A_392] : memref<65536x128xf32, #tpu.memory_space<hbm>> -> memref<256x128xf32, #tpu.memory_space<hbm>>
    %dma_wait3A_394 = arith.constant 0 : i32
    %dma_wait3A_395 = tpu.memref_slice %arg4[%add3A_391, %dma_wait3A_394] : memref<65536x128xf32, #tpu.memory_space<hbm>> -> memref<256x128xf32, #tpu.memory_space<hbm>>
    tpu.wait_dma2 semaphore(%arg12 : memref<!tpu.dma_semaphore, #tpu.memory_space<semaphore_mem>>) src(%arg8 : memref<256x128xf32, #tpu.memory_space<vmem>>) dst(%dma_wait3A_395 : memref<256x128xf32, #tpu.memory_space<hbm>>)
    %add3A_396 = arith.constant 1792 : i32
    %add3A_397 = arith.addi %mul3A_2, %add3A_396 : i32
    %jit3A_398 = arith.constant 4096 : i32
    %div3A_399 = arith.divsi %add3A_397, %jit3A_398 : i32
    %sign3A_400 = arith.constant 0 : i32
    %sign3A_401 = arith.cmpi sgt, %add3A_397, %sign3A_400 : i32
    %sign3A_402 = arith.extui %sign3A_401 : i1 to i32
    %sign3A_403 = arith.constant 0 : i32
    %sign3A_404 = arith.cmpi slt, %add3A_397, %sign3A_403 : i32
    %sign3A_405 = arith.extui %sign3A_404 : i1 to i32
    %sign3A_406 = arith.subi %sign3A_402, %sign3A_405 : i32
    %sign3A_407 = arith.constant 0 : i32
    %sign3A_408 = arith.cmpi sgt, %jit3A_398, %sign3A_407 : i32
    %sign3A_409 = arith.extui %sign3A_408 : i1 to i32
    %sign3A_410 = arith.constant 0 : i32
    %sign3A_411 = arith.cmpi slt, %jit3A_398, %sign3A_410 : i32
    %sign3A_412 = arith.extui %sign3A_411 : i1 to i32
    %sign3A_413 = arith.subi %sign3A_409, %sign3A_412 : i32
    %ne3A_414 = arith.cmpi ne, %sign3A_406, %sign3A_413 : i32
    %rem3A_415 = arith.remsi %add3A_397, %jit3A_398 : i32
    %ne3A_416 = arith.constant 0 : i32
    %ne3A_417 = arith.cmpi ne, %rem3A_415, %ne3A_416 : i32
    %and3A_418 = arith.andi %ne3A_414, %ne3A_417 : i1
    %sub3A_419 = arith.constant 1 : i32
    %sub3A_420 = arith.subi %div3A_399, %sub3A_419 : i32
    %select_n3A_421 = arith.select %and3A_418, %sub3A_420, %div3A_399 : i32
    %jit3A_422 = arith.constant 4096 : i32
    %eq3A_423 = arith.constant 0 : i32
    %eq3A_424 = arith.cmpi eq, %jit3A_422, %eq3A_423 : i32
    %jit3A_425 = arith.constant 1 : i32
    %select_n3A_426 = arith.select %eq3A_424, %jit3A_425, %jit3A_422 : i32
    %rem3A_427 = arith.remsi %add3A_397, %select_n3A_426 : i32
    %ne3A_428 = arith.constant 0 : i32
    %ne3A_429 = arith.cmpi ne, %rem3A_427, %ne3A_428 : i32
    %lt3A_430 = arith.constant 0 : i32
    %lt3A_431 = arith.cmpi slt, %rem3A_427, %lt3A_430 : i32
    %lt3A_432 = arith.constant 0 : i32
    %lt3A_433 = arith.cmpi slt, %select_n3A_426, %lt3A_432 : i32
    %ne3A_434 = arith.xori %lt3A_431, %lt3A_433 : i1
    %and3A_435 = arith.andi %ne3A_434, %ne3A_429 : i1
    %add3A_436 = arith.addi %rem3A_427, %select_n3A_426 : i32
    %select_n3A_437 = arith.select %and3A_435, %add3A_436, %rem3A_427 : i32
    "tpu.region"() ({
      %run_scoped3A = tpu.sem_alloc : memref<!tpu.dma_semaphore, #tpu.memory_space<semaphore_mem>>
      %dma_start3A_471 = tpu.memref_slice %arg3[%select_n3A_421, %select_n3A_437] : memref<16x4096xi32, #tpu.memory_space<hbm>> -> memref<1x256xi32, #tpu.memory_space<hbm>>
      %dma_start3A_472 = tpu.memref_squeeze %dma_start3A_471 : memref<1x256xi32, #tpu.memory_space<hbm>> -> memref<256xi32, #tpu.memory_space<hbm>>
      %dma_start3A_473 = tpu.memref_slice %arg3[%select_n3A_421, %select_n3A_437] : memref<16x4096xi32, #tpu.memory_space<hbm>> -> memref<1x256xi32, #tpu.memory_space<hbm>>
      %dma_start3A_474 = tpu.memref_squeeze %dma_start3A_473 : memref<1x256xi32, #tpu.memory_space<hbm>> -> memref<256xi32, #tpu.memory_space<hbm>>
      tpu.enqueue_dma source(%dma_start3A_474 : memref<256xi32, #tpu.memory_space<hbm>>) target(%arg6 : memref<256xi32, #tpu.memory_space<vmem>>) target_semaphore(%run_scoped3A : memref<!tpu.dma_semaphore, #tpu.memory_space<semaphore_mem>>)
      %dma_wait3A_475 = tpu.memref_slice %arg3[%select_n3A_421, %select_n3A_437] : memref<16x4096xi32, #tpu.memory_space<hbm>> -> memref<1x256xi32, #tpu.memory_space<hbm>>
      %dma_wait3A_476 = tpu.memref_squeeze %dma_wait3A_475 : memref<1x256xi32, #tpu.memory_space<hbm>> -> memref<256xi32, #tpu.memory_space<hbm>>
      %dma_wait3A_477 = tpu.memref_slice %arg3[%select_n3A_421, %select_n3A_437] : memref<16x4096xi32, #tpu.memory_space<hbm>> -> memref<1x256xi32, #tpu.memory_space<hbm>>
      %dma_wait3A_478 = tpu.memref_squeeze %dma_wait3A_477 : memref<1x256xi32, #tpu.memory_space<hbm>> -> memref<256xi32, #tpu.memory_space<hbm>>
      tpu.wait_dma2 semaphore(%run_scoped3A : memref<!tpu.dma_semaphore, #tpu.memory_space<semaphore_mem>>) src(%dma_wait3A_478 : memref<256xi32, #tpu.memory_space<hbm>>) dst(%arg6 : memref<256xi32, #tpu.memory_space<vmem>>)
      tpu.yield
    }) : () -> ()
    %dma_start3A_438 = arith.constant 0 : i32
    %dma_start3A_439 = arith.constant 0 : i32
    %dma_start3A_440 = tpu.memref_slice %arg2[%dma_start3A_438, %dma_start3A_439] : memref<16384x128xf32, #tpu.memory_space<hbm>> -> memref<16384x128xf32, #tpu.memory_space<hbm>>
    tpu.enqueue_indirect_dma source(%dma_start3A_440 : memref<16384x128xf32, #tpu.memory_space<hbm>>) target(%arg8 : memref<256x128xf32, #tpu.memory_space<vmem>>) offsets(%arg6 : memref<256xi32, #tpu.memory_space<vmem>>) semaphore(%arg10 : memref<!tpu.dma_semaphore, #tpu.memory_space<semaphore_mem>>)
    %dma_wait3A_441 = arith.constant 0 : i32
    %dma_wait3A_442 = arith.constant 0 : i32
    %dma_wait3A_443 = tpu.memref_slice %arg2[%dma_wait3A_441, %dma_wait3A_442] : memref<16384x128xf32, #tpu.memory_space<hbm>> -> memref<16384x128xf32, #tpu.memory_space<hbm>>
    tpu.wait_indirect_dma semaphore(%arg9 : memref<!tpu.dma_semaphore, #tpu.memory_space<semaphore_mem>>) src(%dma_wait3A_443 : memref<16384x128xf32, #tpu.memory_space<hbm>>) dst(%arg7 : memref<256x128xf32, #tpu.memory_space<vmem>>)
    %add3A_444 = arith.constant 1536 : i32
    %add3A_445 = arith.addi %mul3A_2, %add3A_444 : i32
    %dma_start3A_446 = arith.constant 0 : i32
    %dma_start3A_447 = tpu.memref_slice %arg4[%add3A_445, %dma_start3A_446] : memref<65536x128xf32, #tpu.memory_space<hbm>> -> memref<256x128xf32, #tpu.memory_space<hbm>>
    %dma_start3A_448 = arith.constant 0 : i32
    %dma_start3A_449 = tpu.memref_slice %arg4[%add3A_445, %dma_start3A_448] : memref<65536x128xf32, #tpu.memory_space<hbm>> -> memref<256x128xf32, #tpu.memory_space<hbm>>
    tpu.enqueue_dma source(%arg7 : memref<256x128xf32, #tpu.memory_space<vmem>>) target(%dma_start3A_449 : memref<256x128xf32, #tpu.memory_space<hbm>>) target_semaphore(%arg11 : memref<!tpu.dma_semaphore, #tpu.memory_space<semaphore_mem>>)
    %dma_wait3A_450 = arith.constant 0 : i32
    %dma_wait3A_451 = arith.constant 0 : i32
    %dma_wait3A_452 = tpu.memref_slice %arg2[%dma_wait3A_450, %dma_wait3A_451] : memref<16384x128xf32, #tpu.memory_space<hbm>> -> memref<16384x128xf32, #tpu.memory_space<hbm>>
    tpu.wait_indirect_dma semaphore(%arg10 : memref<!tpu.dma_semaphore, #tpu.memory_space<semaphore_mem>>) src(%dma_wait3A_452 : memref<16384x128xf32, #tpu.memory_space<hbm>>) dst(%arg8 : memref<256x128xf32, #tpu.memory_space<vmem>>)
    %add3A_453 = arith.constant 1792 : i32
    %add3A_454 = arith.addi %mul3A_2, %add3A_453 : i32
    %dma_start3A_455 = arith.constant 0 : i32
    %dma_start3A_456 = tpu.memref_slice %arg4[%add3A_454, %dma_start3A_455] : memref<65536x128xf32, #tpu.memory_space<hbm>> -> memref<256x128xf32, #tpu.memory_space<hbm>>
    %dma_start3A_457 = arith.constant 0 : i32
    %dma_start3A_458 = tpu.memref_slice %arg4[%add3A_454, %dma_start3A_457] : memref<65536x128xf32, #tpu.memory_space<hbm>> -> memref<256x128xf32, #tpu.memory_space<hbm>>
    tpu.enqueue_dma source(%arg8 : memref<256x128xf32, #tpu.memory_space<vmem>>) target(%dma_start3A_458 : memref<256x128xf32, #tpu.memory_space<hbm>>) target_semaphore(%arg12 : memref<!tpu.dma_semaphore, #tpu.memory_space<semaphore_mem>>)
    %add3A_459 = arith.constant 1536 : i32
    %add3A_460 = arith.addi %mul3A_2, %add3A_459 : i32
    %dma_wait3A_461 = arith.constant 0 : i32
    %dma_wait3A_462 = tpu.memref_slice %arg4[%add3A_460, %dma_wait3A_461] : memref<65536x128xf32, #tpu.memory_space<hbm>> -> memref<256x128xf32, #tpu.memory_space<hbm>>
    %dma_wait3A_463 = arith.constant 0 : i32
    %dma_wait3A_464 = tpu.memref_slice %arg4[%add3A_460, %dma_wait3A_463] : memref<65536x128xf32, #tpu.memory_space<hbm>> -> memref<256x128xf32, #tpu.memory_space<hbm>>
    tpu.wait_dma2 semaphore(%arg11 : memref<!tpu.dma_semaphore, #tpu.memory_space<semaphore_mem>>) src(%arg7 : memref<256x128xf32, #tpu.memory_space<vmem>>) dst(%dma_wait3A_464 : memref<256x128xf32, #tpu.memory_space<hbm>>)
    %add3A_465 = arith.constant 1792 : i32
    %add3A_466 = arith.addi %mul3A_2, %add3A_465 : i32
    %dma_wait3A_467 = arith.constant 0 : i32
    %dma_wait3A_468 = tpu.memref_slice %arg4[%add3A_466, %dma_wait3A_467] : memref<65536x128xf32, #tpu.memory_space<hbm>> -> memref<256x128xf32, #tpu.memory_space<hbm>>
    %dma_wait3A_469 = arith.constant 0 : i32
    %dma_wait3A_470 = tpu.memref_slice %arg4[%add3A_466, %dma_wait3A_469] : memref<65536x128xf32, #tpu.memory_space<hbm>> -> memref<256x128xf32, #tpu.memory_space<hbm>>
    tpu.wait_dma2 semaphore(%arg12 : memref<!tpu.dma_semaphore, #tpu.memory_space<semaphore_mem>>) src(%arg8 : memref<256x128xf32, #tpu.memory_space<vmem>>) dst(%dma_wait3A_470 : memref<256x128xf32, #tpu.memory_space<hbm>>)
    return
  }
}

#map = affine_map<(d0, d1) -> (0, 0)>
module attributes {stable_mosaic.version = 14 : i64} {
  func.func @gather_kernel(%arg0: i32, %arg1: i32, %arg2: memref<16384x128xf32, #tpu.memory_space<hbm>>, %arg3: memref<16x4096xi32, #tpu.memory_space<hbm>>, %arg4: memref<65536x128xf32, #tpu.memory_space<hbm>>, %arg5: memref<256xi32, #tpu.memory_space<vmem>>, %arg6: memref<256xi32, #tpu.memory_space<vmem>>, %arg7: memref<256x128xf32, #tpu.memory_space<vmem>>, %arg8: memref<256x128xf32, #tpu.memory_space<vmem>>, %arg9: memref<!tpu.dma_semaphore, #tpu.memory_space<semaphore_mem>>, %arg10: memref<!tpu.dma_semaphore, #tpu.memory_space<semaphore_mem>>, %arg11: memref<!tpu.dma_semaphore, #tpu.memory_space<semaphore_mem>>, %arg12: memref<!tpu.dma_semaphore, #tpu.memory_space<semaphore_mem>>) attributes {dimension_semantics = [#tpu.dimension_semantics<core_parallel>, #tpu.dimension_semantics<subcore_parallel>], iteration_bounds = array<i64: 2, 16>, scalar_prefetch = 0 : i64, scratch_operands = 8 : i64, tpu.core_type = #tpu.core_type<sc_vector_subcore>, window_params = [{transform_indices = #map}, {transform_indices = #map}, {transform_indices = #map}]} {
    %mul3A = arith.constant 2 : i32
    %mul3A_0 = arith.muli %arg1, %mul3A : i32
    %add3A = arith.addi %mul3A_0, %arg0 : i32
    %mul3A_1 = arith.constant 2048 : i32
    %mul3A_2 = arith.muli %add3A, %mul3A_1 : i32
    %add3A_3 = arith.constant 0 : i32
    %add3A_4 = arith.addi %mul3A_2, %add3A_3 : i32
    %jit3A = arith.constant 4096 : i32
    %div3A = arith.divsi %add3A_4, %jit3A : i32
    %sign3A = arith.constant 0 : i32
    %sign3A_5 = arith.cmpi sgt, %add3A_4, %sign3A : i32
    %sign3A_6 = arith.extui %sign3A_5 : i1 to i32
    %sign3A_7 = arith.constant 0 : i32
    %sign3A_8 = arith.cmpi slt, %add3A_4, %sign3A_7 : i32
    %sign3A_9 = arith.extui %sign3A_8 : i1 to i32
    %sign3A_10 = arith.subi %sign3A_6, %sign3A_9 : i32
    %sign3A_11 = arith.constant 0 : i32
    %sign3A_12 = arith.cmpi sgt, %jit3A, %sign3A_11 : i32
    %sign3A_13 = arith.extui %sign3A_12 : i1 to i32
    %sign3A_14 = arith.constant 0 : i32
    %sign3A_15 = arith.cmpi slt, %jit3A, %sign3A_14 : i32
    %sign3A_16 = arith.extui %sign3A_15 : i1 to i32
    %sign3A_17 = arith.subi %sign3A_13, %sign3A_16 : i32
    %ne3A = arith.cmpi ne, %sign3A_10, %sign3A_17 : i32
    %rem3A = arith.remsi %add3A_4, %jit3A : i32
    %ne3A_18 = arith.constant 0 : i32
    %ne3A_19 = arith.cmpi ne, %rem3A, %ne3A_18 : i32
    %and3A = arith.andi %ne3A, %ne3A_19 : i1
    %sub3A = arith.constant 1 : i32
    %sub3A_20 = arith.subi %div3A, %sub3A : i32
    %select_n3A = arith.select %and3A, %sub3A_20, %div3A : i32
    %jit3A_21 = arith.constant 4096 : i32
    %eq3A = arith.constant 0 : i32
    %eq3A_22 = arith.cmpi eq, %jit3A_21, %eq3A : i32
    %jit3A_23 = arith.constant 1 : i32
    %select_n3A_24 = arith.select %eq3A_22, %jit3A_23, %jit3A_21 : i32
    %rem3A_25 = arith.remsi %add3A_4, %select_n3A_24 : i32
    %ne3A_26 = arith.constant 0 : i32
    %ne3A_27 = arith.cmpi ne, %rem3A_25, %ne3A_26 : i32
    %lt3A = arith.constant 0 : i32
    %lt3A_28 = arith.cmpi slt, %rem3A_25, %lt3A : i32
    %lt3A_29 = arith.constant 0 : i32
    %lt3A_30 = arith.cmpi slt, %select_n3A_24, %lt3A_29 : i32
    %ne3A_31 = arith.xori %lt3A_28, %lt3A_30 : i1
    %and3A_32 = arith.andi %ne3A_31, %ne3A_27 : i1
    %add3A_33 = arith.addi %rem3A_25, %select_n3A_24 : i32
    %select_n3A_34 = arith.select %and3A_32, %add3A_33, %rem3A_25 : i32
    "tpu.region"() ({
      %run_scoped3A = tpu.sem_alloc : memref<!tpu.dma_semaphore, #tpu.memory_space<semaphore_mem>>
      %dma_start3A_471 = tpu.memref_slice %arg3[%select_n3A, %select_n3A_34] : memref<16x4096xi32, #tpu.memory_space<hbm>> -> memref<1x256xi32, #tpu.memory_space<hbm>>
      %dma_start3A_472 = tpu.memref_squeeze %dma_start3A_471 : memref<1x256xi32, #tpu.memory_space<hbm>> -> memref<256xi32, #tpu.memory_space<hbm>>
      %dma_start3A_473 = tpu.memref_slice %arg3[%select_n3A, %select_n3A_34] : memref<16x4096xi32, #tpu.memory_space<hbm>> -> memref<1x256xi32, #tpu.memory_space<hbm>>
      %dma_start3A_474 = tpu.memref_squeeze %dma_start3A_473 : memref<1x256xi32, #tpu.memory_space<hbm>> -> memref<256xi32, #tpu.memory_space<hbm>>
      tpu.enqueue_dma source(%dma_start3A_474 : memref<256xi32, #tpu.memory_space<hbm>>) target(%arg5 : memref<256xi32, #tpu.memory_space<vmem>>) target_semaphore(%run_scoped3A : memref<!tpu.dma_semaphore, #tpu.memory_space<semaphore_mem>>)
      %dma_wait3A_475 = tpu.memref_slice %arg3[%select_n3A, %select_n3A_34] : memref<16x4096xi32, #tpu.memory_space<hbm>> -> memref<1x256xi32, #tpu.memory_space<hbm>>
      %dma_wait3A_476 = tpu.memref_squeeze %dma_wait3A_475 : memref<1x256xi32, #tpu.memory_space<hbm>> -> memref<256xi32, #tpu.memory_space<hbm>>
      %dma_wait3A_477 = tpu.memref_slice %arg3[%select_n3A, %select_n3A_34] : memref<16x4096xi32, #tpu.memory_space<hbm>> -> memref<1x256xi32, #tpu.memory_space<hbm>>
      %dma_wait3A_478 = tpu.memref_squeeze %dma_wait3A_477 : memref<1x256xi32, #tpu.memory_space<hbm>> -> memref<256xi32, #tpu.memory_space<hbm>>
      tpu.wait_dma2 semaphore(%run_scoped3A : memref<!tpu.dma_semaphore, #tpu.memory_space<semaphore_mem>>) src(%dma_wait3A_478 : memref<256xi32, #tpu.memory_space<hbm>>) dst(%arg5 : memref<256xi32, #tpu.memory_space<vmem>>)
      tpu.yield
    }) : () -> ()
    %dma_start3A = arith.constant 0 : i32
    %dma_start3A_35 = arith.constant 0 : i32
    %dma_start3A_36 = tpu.memref_slice %arg2[%dma_start3A, %dma_start3A_35] : memref<16384x128xf32, #tpu.memory_space<hbm>> -> memref<16384x128xf32, #tpu.memory_space<hbm>>
    tpu.enqueue_indirect_dma source(%dma_start3A_36 : memref<16384x128xf32, #tpu.memory_space<hbm>>) target(%arg7 : memref<256x128xf32, #tpu.memory_space<vmem>>) offsets(%arg5 : memref<256xi32, #tpu.memory_space<vmem>>) semaphore(%arg9 : memref<!tpu.dma_semaphore, #tpu.memory_space<semaphore_mem>>)
    %add3A_37 = arith.constant 256 : i32
    %add3A_38 = arith.addi %mul3A_2, %add3A_37 : i32
    %jit3A_39 = arith.constant 4096 : i32
    %div3A_40 = arith.divsi %add3A_38, %jit3A_39 : i32
    %sign3A_41 = arith.constant 0 : i32
    %sign3A_42 = arith.cmpi sgt, %add3A_38, %sign3A_41 : i32
    %sign3A_43 = arith.extui %sign3A_42 : i1 to i32
    %sign3A_44 = arith.constant 0 : i32
    %sign3A_45 = arith.cmpi slt, %add3A_38, %sign3A_44 : i32
    %sign3A_46 = arith.extui %sign3A_45 : i1 to i32
    %sign3A_47 = arith.subi %sign3A_43, %sign3A_46 : i32
    %sign3A_48 = arith.constant 0 : i32
    %sign3A_49 = arith.cmpi sgt, %jit3A_39, %sign3A_48 : i32
    %sign3A_50 = arith.extui %sign3A_49 : i1 to i32
    %sign3A_51 = arith.constant 0 : i32
    %sign3A_52 = arith.cmpi slt, %jit3A_39, %sign3A_51 : i32
    %sign3A_53 = arith.extui %sign3A_52 : i1 to i32
    %sign3A_54 = arith.subi %sign3A_50, %sign3A_53 : i32
    %ne3A_55 = arith.cmpi ne, %sign3A_47, %sign3A_54 : i32
    %rem3A_56 = arith.remsi %add3A_38, %jit3A_39 : i32
    %ne3A_57 = arith.constant 0 : i32
    %ne3A_58 = arith.cmpi ne, %rem3A_56, %ne3A_57 : i32
    %and3A_59 = arith.andi %ne3A_55, %ne3A_58 : i1
    %sub3A_60 = arith.constant 1 : i32
    %sub3A_61 = arith.subi %div3A_40, %sub3A_60 : i32
    %select_n3A_62 = arith.select %and3A_59, %sub3A_61, %div3A_40 : i32
    %jit3A_63 = arith.constant 4096 : i32
    %eq3A_64 = arith.constant 0 : i32
    %eq3A_65 = arith.cmpi eq, %jit3A_63, %eq3A_64 : i32
    %jit3A_66 = arith.constant 1 : i32
    %select_n3A_67 = arith.select %eq3A_65, %jit3A_66, %jit3A_63 : i32
    %rem3A_68 = arith.remsi %add3A_38, %select_n3A_67 : i32
    %ne3A_69 = arith.constant 0 : i32
    %ne3A_70 = arith.cmpi ne, %rem3A_68, %ne3A_69 : i32
    %lt3A_71 = arith.constant 0 : i32
    %lt3A_72 = arith.cmpi slt, %rem3A_68, %lt3A_71 : i32
    %lt3A_73 = arith.constant 0 : i32
    %lt3A_74 = arith.cmpi slt, %select_n3A_67, %lt3A_73 : i32
    %ne3A_75 = arith.xori %lt3A_72, %lt3A_74 : i1
    %and3A_76 = arith.andi %ne3A_75, %ne3A_70 : i1
    %add3A_77 = arith.addi %rem3A_68, %select_n3A_67 : i32
    %select_n3A_78 = arith.select %and3A_76, %add3A_77, %rem3A_68 : i32
    "tpu.region"() ({
      %run_scoped3A = tpu.sem_alloc : memref<!tpu.dma_semaphore, #tpu.memory_space<semaphore_mem>>
      %dma_start3A_471 = tpu.memref_slice %arg3[%select_n3A_62, %select_n3A_78] : memref<16x4096xi32, #tpu.memory_space<hbm>> -> memref<1x256xi32, #tpu.memory_space<hbm>>
      %dma_start3A_472 = tpu.memref_squeeze %dma_start3A_471 : memref<1x256xi32, #tpu.memory_space<hbm>> -> memref<256xi32, #tpu.memory_space<hbm>>
      %dma_start3A_473 = tpu.memref_slice %arg3[%select_n3A_62, %select_n3A_78] : memref<16x4096xi32, #tpu.memory_space<hbm>> -> memref<1x256xi32, #tpu.memory_space<hbm>>
      %dma_start3A_474 = tpu.memref_squeeze %dma_start3A_473 : memref<1x256xi32, #tpu.memory_space<hbm>> -> memref<256xi32, #tpu.memory_space<hbm>>
      tpu.enqueue_dma source(%dma_start3A_474 : memref<256xi32, #tpu.memory_space<hbm>>) target(%arg6 : memref<256xi32, #tpu.memory_space<vmem>>) target_semaphore(%run_scoped3A : memref<!tpu.dma_semaphore, #tpu.memory_space<semaphore_mem>>)
      %dma_wait3A_475 = tpu.memref_slice %arg3[%select_n3A_62, %select_n3A_78] : memref<16x4096xi32, #tpu.memory_space<hbm>> -> memref<1x256xi32, #tpu.memory_space<hbm>>
      %dma_wait3A_476 = tpu.memref_squeeze %dma_wait3A_475 : memref<1x256xi32, #tpu.memory_space<hbm>> -> memref<256xi32, #tpu.memory_space<hbm>>
      %dma_wait3A_477 = tpu.memref_slice %arg3[%select_n3A_62, %select_n3A_78] : memref<16x4096xi32, #tpu.memory_space<hbm>> -> memref<1x256xi32, #tpu.memory_space<hbm>>
      %dma_wait3A_478 = tpu.memref_squeeze %dma_wait3A_477 : memref<1x256xi32, #tpu.memory_space<hbm>> -> memref<256xi32, #tpu.memory_space<hbm>>
      tpu.wait_dma2 semaphore(%run_scoped3A : memref<!tpu.dma_semaphore, #tpu.memory_space<semaphore_mem>>) src(%dma_wait3A_478 : memref<256xi32, #tpu.memory_space<hbm>>) dst(%arg6 : memref<256xi32, #tpu.memory_space<vmem>>)
      tpu.yield
    }) : () -> ()
    %dma_start3A_79 = arith.constant 0 : i32
    %dma_start3A_80 = arith.constant 0 : i32
    %dma_start3A_81 = tpu.memref_slice %arg2[%dma_start3A_79, %dma_start3A_80] : memref<16384x128xf32, #tpu.memory_space<hbm>> -> memref<16384x128xf32, #tpu.memory_space<hbm>>
    tpu.enqueue_indirect_dma source(%dma_start3A_81 : memref<16384x128xf32, #tpu.memory_space<hbm>>) target(%arg8 : memref<256x128xf32, #tpu.memory_space<vmem>>) offsets(%arg6 : memref<256xi32, #tpu.memory_space<vmem>>) semaphore(%arg10 : memref<!tpu.dma_semaphore, #tpu.memory_space<semaphore_mem>>)
    %dma_wait3A = arith.constant 0 : i32
    %dma_wait3A_82 = arith.constant 0 : i32
    %dma_wait3A_83 = tpu.memref_slice %arg2[%dma_wait3A, %dma_wait3A_82] : memref<16384x128xf32, #tpu.memory_space<hbm>> -> memref<16384x128xf32, #tpu.memory_space<hbm>>
    tpu.wait_indirect_dma semaphore(%arg9 : memref<!tpu.dma_semaphore, #tpu.memory_space<semaphore_mem>>) src(%dma_wait3A_83 : memref<16384x128xf32, #tpu.memory_space<hbm>>) dst(%arg7 : memref<256x128xf32, #tpu.memory_space<vmem>>)
    %add3A_84 = arith.constant 0 : i32
    %add3A_85 = arith.addi %mul3A_2, %add3A_84 : i32
    %dma_start3A_86 = arith.constant 0 : i32
    %dma_start3A_87 = tpu.memref_slice %arg4[%add3A_85, %dma_start3A_86] : memref<65536x128xf32, #tpu.memory_space<hbm>> -> memref<256x128xf32, #tpu.memory_space<hbm>>
    %dma_start3A_88 = arith.constant 0 : i32
    %dma_start3A_89 = tpu.memref_slice %arg4[%add3A_85, %dma_start3A_88] : memref<65536x128xf32, #tpu.memory_space<hbm>> -> memref<256x128xf32, #tpu.memory_space<hbm>>
    tpu.enqueue_dma source(%arg7 : memref<256x128xf32, #tpu.memory_space<vmem>>) target(%dma_start3A_89 : memref<256x128xf32, #tpu.memory_space<hbm>>) target_semaphore(%arg11 : memref<!tpu.dma_semaphore, #tpu.memory_space<semaphore_mem>>)
    %add3A_90 = arith.constant 0 : i32
    %add3A_91 = arith.addi %mul3A_2, %add3A_90 : i32
    %dma_wait3A_92 = arith.constant 0 : i32
    %dma_wait3A_93 = tpu.memref_slice %arg4[%add3A_91, %dma_wait3A_92] : memref<65536x128xf32, #tpu.memory_space<hbm>> -> memref<256x128xf32, #tpu.memory_space<hbm>>
    %dma_wait3A_94 = arith.constant 0 : i32
    %dma_wait3A_95 = tpu.memref_slice %arg4[%add3A_91, %dma_wait3A_94] : memref<65536x128xf32, #tpu.memory_space<hbm>> -> memref<256x128xf32, #tpu.memory_space<hbm>>
    tpu.wait_dma2 semaphore(%arg11 : memref<!tpu.dma_semaphore, #tpu.memory_space<semaphore_mem>>) src(%arg7 : memref<256x128xf32, #tpu.memory_space<vmem>>) dst(%dma_wait3A_95 : memref<256x128xf32, #tpu.memory_space<hbm>>)
    %add3A_96 = arith.constant 512 : i32
    %add3A_97 = arith.addi %mul3A_2, %add3A_96 : i32
    %jit3A_98 = arith.constant 4096 : i32
    %div3A_99 = arith.divsi %add3A_97, %jit3A_98 : i32
    %sign3A_100 = arith.constant 0 : i32
    %sign3A_101 = arith.cmpi sgt, %add3A_97, %sign3A_100 : i32
    %sign3A_102 = arith.extui %sign3A_101 : i1 to i32
    %sign3A_103 = arith.constant 0 : i32
    %sign3A_104 = arith.cmpi slt, %add3A_97, %sign3A_103 : i32
    %sign3A_105 = arith.extui %sign3A_104 : i1 to i32
    %sign3A_106 = arith.subi %sign3A_102, %sign3A_105 : i32
    %sign3A_107 = arith.constant 0 : i32
    %sign3A_108 = arith.cmpi sgt, %jit3A_98, %sign3A_107 : i32
    %sign3A_109 = arith.extui %sign3A_108 : i1 to i32
    %sign3A_110 = arith.constant 0 : i32
    %sign3A_111 = arith.cmpi slt, %jit3A_98, %sign3A_110 : i32
    %sign3A_112 = arith.extui %sign3A_111 : i1 to i32
    %sign3A_113 = arith.subi %sign3A_109, %sign3A_112 : i32
    %ne3A_114 = arith.cmpi ne, %sign3A_106, %sign3A_113 : i32
    %rem3A_115 = arith.remsi %add3A_97, %jit3A_98 : i32
    %ne3A_116 = arith.constant 0 : i32
    %ne3A_117 = arith.cmpi ne, %rem3A_115, %ne3A_116 : i32
    %and3A_118 = arith.andi %ne3A_114, %ne3A_117 : i1
    %sub3A_119 = arith.constant 1 : i32
    %sub3A_120 = arith.subi %div3A_99, %sub3A_119 : i32
    %select_n3A_121 = arith.select %and3A_118, %sub3A_120, %div3A_99 : i32
    %jit3A_122 = arith.constant 4096 : i32
    %eq3A_123 = arith.constant 0 : i32
    %eq3A_124 = arith.cmpi eq, %jit3A_122, %eq3A_123 : i32
    %jit3A_125 = arith.constant 1 : i32
    %select_n3A_126 = arith.select %eq3A_124, %jit3A_125, %jit3A_122 : i32
    %rem3A_127 = arith.remsi %add3A_97, %select_n3A_126 : i32
    %ne3A_128 = arith.constant 0 : i32
    %ne3A_129 = arith.cmpi ne, %rem3A_127, %ne3A_128 : i32
    %lt3A_130 = arith.constant 0 : i32
    %lt3A_131 = arith.cmpi slt, %rem3A_127, %lt3A_130 : i32
    %lt3A_132 = arith.constant 0 : i32
    %lt3A_133 = arith.cmpi slt, %select_n3A_126, %lt3A_132 : i32
    %ne3A_134 = arith.xori %lt3A_131, %lt3A_133 : i1
    %and3A_135 = arith.andi %ne3A_134, %ne3A_129 : i1
    %add3A_136 = arith.addi %rem3A_127, %select_n3A_126 : i32
    %select_n3A_137 = arith.select %and3A_135, %add3A_136, %rem3A_127 : i32
    "tpu.region"() ({
      %run_scoped3A = tpu.sem_alloc : memref<!tpu.dma_semaphore, #tpu.memory_space<semaphore_mem>>
      %dma_start3A_471 = tpu.memref_slice %arg3[%select_n3A_121, %select_n3A_137] : memref<16x4096xi32, #tpu.memory_space<hbm>> -> memref<1x256xi32, #tpu.memory_space<hbm>>
      %dma_start3A_472 = tpu.memref_squeeze %dma_start3A_471 : memref<1x256xi32, #tpu.memory_space<hbm>> -> memref<256xi32, #tpu.memory_space<hbm>>
      %dma_start3A_473 = tpu.memref_slice %arg3[%select_n3A_121, %select_n3A_137] : memref<16x4096xi32, #tpu.memory_space<hbm>> -> memref<1x256xi32, #tpu.memory_space<hbm>>
      %dma_start3A_474 = tpu.memref_squeeze %dma_start3A_473 : memref<1x256xi32, #tpu.memory_space<hbm>> -> memref<256xi32, #tpu.memory_space<hbm>>
      tpu.enqueue_dma source(%dma_start3A_474 : memref<256xi32, #tpu.memory_space<hbm>>) target(%arg5 : memref<256xi32, #tpu.memory_space<vmem>>) target_semaphore(%run_scoped3A : memref<!tpu.dma_semaphore, #tpu.memory_space<semaphore_mem>>)
      %dma_wait3A_475 = tpu.memref_slice %arg3[%select_n3A_121, %select_n3A_137] : memref<16x4096xi32, #tpu.memory_space<hbm>> -> memref<1x256xi32, #tpu.memory_space<hbm>>
      %dma_wait3A_476 = tpu.memref_squeeze %dma_wait3A_475 : memref<1x256xi32, #tpu.memory_space<hbm>> -> memref<256xi32, #tpu.memory_space<hbm>>
      %dma_wait3A_477 = tpu.memref_slice %arg3[%select_n3A_121, %select_n3A_137] : memref<16x4096xi32, #tpu.memory_space<hbm>> -> memref<1x256xi32, #tpu.memory_space<hbm>>
      %dma_wait3A_478 = tpu.memref_squeeze %dma_wait3A_477 : memref<1x256xi32, #tpu.memory_space<hbm>> -> memref<256xi32, #tpu.memory_space<hbm>>
      tpu.wait_dma2 semaphore(%run_scoped3A : memref<!tpu.dma_semaphore, #tpu.memory_space<semaphore_mem>>) src(%dma_wait3A_478 : memref<256xi32, #tpu.memory_space<hbm>>) dst(%arg5 : memref<256xi32, #tpu.memory_space<vmem>>)
      tpu.yield
    }) : () -> ()
    %dma_start3A_138 = arith.constant 0 : i32
    %dma_start3A_139 = arith.constant 0 : i32
    %dma_start3A_140 = tpu.memref_slice %arg2[%dma_start3A_138, %dma_start3A_139] : memref<16384x128xf32, #tpu.memory_space<hbm>> -> memref<16384x128xf32, #tpu.memory_space<hbm>>
    tpu.enqueue_indirect_dma source(%dma_start3A_140 : memref<16384x128xf32, #tpu.memory_space<hbm>>) target(%arg7 : memref<256x128xf32, #tpu.memory_space<vmem>>) offsets(%arg5 : memref<256xi32, #tpu.memory_space<vmem>>) semaphore(%arg9 : memref<!tpu.dma_semaphore, #tpu.memory_space<semaphore_mem>>)
    %dma_wait3A_141 = arith.constant 0 : i32
    %dma_wait3A_142 = arith.constant 0 : i32
    %dma_wait3A_143 = tpu.memref_slice %arg2[%dma_wait3A_141, %dma_wait3A_142] : memref<16384x128xf32, #tpu.memory_space<hbm>> -> memref<16384x128xf32, #tpu.memory_space<hbm>>
    tpu.wait_indirect_dma semaphore(%arg10 : memref<!tpu.dma_semaphore, #tpu.memory_space<semaphore_mem>>) src(%dma_wait3A_143 : memref<16384x128xf32, #tpu.memory_space<hbm>>) dst(%arg8 : memref<256x128xf32, #tpu.memory_space<vmem>>)
    %add3A_144 = arith.constant 256 : i32
    %add3A_145 = arith.addi %mul3A_2, %add3A_144 : i32
    %dma_start3A_146 = arith.constant 0 : i32
    %dma_start3A_147 = tpu.memref_slice %arg4[%add3A_145, %dma_start3A_146] : memref<65536x128xf32, #tpu.memory_space<hbm>> -> memref<256x128xf32, #tpu.memory_space<hbm>>
    %dma_start3A_148 = arith.constant 0 : i32
    %dma_start3A_149 = tpu.memref_slice %arg4[%add3A_145, %dma_start3A_148] : memref<65536x128xf32, #tpu.memory_space<hbm>> -> memref<256x128xf32, #tpu.memory_space<hbm>>
    tpu.enqueue_dma source(%arg8 : memref<256x128xf32, #tpu.memory_space<vmem>>) target(%dma_start3A_149 : memref<256x128xf32, #tpu.memory_space<hbm>>) target_semaphore(%arg12 : memref<!tpu.dma_semaphore, #tpu.memory_space<semaphore_mem>>)
    %add3A_150 = arith.constant 256 : i32
    %add3A_151 = arith.addi %mul3A_2, %add3A_150 : i32
    %dma_wait3A_152 = arith.constant 0 : i32
    %dma_wait3A_153 = tpu.memref_slice %arg4[%add3A_151, %dma_wait3A_152] : memref<65536x128xf32, #tpu.memory_space<hbm>> -> memref<256x128xf32, #tpu.memory_space<hbm>>
    %dma_wait3A_154 = arith.constant 0 : i32
    %dma_wait3A_155 = tpu.memref_slice %arg4[%add3A_151, %dma_wait3A_154] : memref<65536x128xf32, #tpu.memory_space<hbm>> -> memref<256x128xf32, #tpu.memory_space<hbm>>
    tpu.wait_dma2 semaphore(%arg12 : memref<!tpu.dma_semaphore, #tpu.memory_space<semaphore_mem>>) src(%arg8 : memref<256x128xf32, #tpu.memory_space<vmem>>) dst(%dma_wait3A_155 : memref<256x128xf32, #tpu.memory_space<hbm>>)
    %add3A_156 = arith.constant 768 : i32
    %add3A_157 = arith.addi %mul3A_2, %add3A_156 : i32
    %jit3A_158 = arith.constant 4096 : i32
    %div3A_159 = arith.divsi %add3A_157, %jit3A_158 : i32
    %sign3A_160 = arith.constant 0 : i32
    %sign3A_161 = arith.cmpi sgt, %add3A_157, %sign3A_160 : i32
    %sign3A_162 = arith.extui %sign3A_161 : i1 to i32
    %sign3A_163 = arith.constant 0 : i32
    %sign3A_164 = arith.cmpi slt, %add3A_157, %sign3A_163 : i32
    %sign3A_165 = arith.extui %sign3A_164 : i1 to i32
    %sign3A_166 = arith.subi %sign3A_162, %sign3A_165 : i32
    %sign3A_167 = arith.constant 0 : i32
    %sign3A_168 = arith.cmpi sgt, %jit3A_158, %sign3A_167 : i32
    %sign3A_169 = arith.extui %sign3A_168 : i1 to i32
    %sign3A_170 = arith.constant 0 : i32
    %sign3A_171 = arith.cmpi slt, %jit3A_158, %sign3A_170 : i32
    %sign3A_172 = arith.extui %sign3A_171 : i1 to i32
    %sign3A_173 = arith.subi %sign3A_169, %sign3A_172 : i32
    %ne3A_174 = arith.cmpi ne, %sign3A_166, %sign3A_173 : i32
    %rem3A_175 = arith.remsi %add3A_157, %jit3A_158 : i32
    %ne3A_176 = arith.constant 0 : i32
    %ne3A_177 = arith.cmpi ne, %rem3A_175, %ne3A_176 : i32
    %and3A_178 = arith.andi %ne3A_174, %ne3A_177 : i1
    %sub3A_179 = arith.constant 1 : i32
    %sub3A_180 = arith.subi %div3A_159, %sub3A_179 : i32
    %select_n3A_181 = arith.select %and3A_178, %sub3A_180, %div3A_159 : i32
    %jit3A_182 = arith.constant 4096 : i32
    %eq3A_183 = arith.constant 0 : i32
    %eq3A_184 = arith.cmpi eq, %jit3A_182, %eq3A_183 : i32
    %jit3A_185 = arith.constant 1 : i32
    %select_n3A_186 = arith.select %eq3A_184, %jit3A_185, %jit3A_182 : i32
    %rem3A_187 = arith.remsi %add3A_157, %select_n3A_186 : i32
    %ne3A_188 = arith.constant 0 : i32
    %ne3A_189 = arith.cmpi ne, %rem3A_187, %ne3A_188 : i32
    %lt3A_190 = arith.constant 0 : i32
    %lt3A_191 = arith.cmpi slt, %rem3A_187, %lt3A_190 : i32
    %lt3A_192 = arith.constant 0 : i32
    %lt3A_193 = arith.cmpi slt, %select_n3A_186, %lt3A_192 : i32
    %ne3A_194 = arith.xori %lt3A_191, %lt3A_193 : i1
    %and3A_195 = arith.andi %ne3A_194, %ne3A_189 : i1
    %add3A_196 = arith.addi %rem3A_187, %select_n3A_186 : i32
    %select_n3A_197 = arith.select %and3A_195, %add3A_196, %rem3A_187 : i32
    "tpu.region"() ({
      %run_scoped3A = tpu.sem_alloc : memref<!tpu.dma_semaphore, #tpu.memory_space<semaphore_mem>>
      %dma_start3A_471 = tpu.memref_slice %arg3[%select_n3A_181, %select_n3A_197] : memref<16x4096xi32, #tpu.memory_space<hbm>> -> memref<1x256xi32, #tpu.memory_space<hbm>>
      %dma_start3A_472 = tpu.memref_squeeze %dma_start3A_471 : memref<1x256xi32, #tpu.memory_space<hbm>> -> memref<256xi32, #tpu.memory_space<hbm>>
      %dma_start3A_473 = tpu.memref_slice %arg3[%select_n3A_181, %select_n3A_197] : memref<16x4096xi32, #tpu.memory_space<hbm>> -> memref<1x256xi32, #tpu.memory_space<hbm>>
      %dma_start3A_474 = tpu.memref_squeeze %dma_start3A_473 : memref<1x256xi32, #tpu.memory_space<hbm>> -> memref<256xi32, #tpu.memory_space<hbm>>
      tpu.enqueue_dma source(%dma_start3A_474 : memref<256xi32, #tpu.memory_space<hbm>>) target(%arg6 : memref<256xi32, #tpu.memory_space<vmem>>) target_semaphore(%run_scoped3A : memref<!tpu.dma_semaphore, #tpu.memory_space<semaphore_mem>>)
      %dma_wait3A_475 = tpu.memref_slice %arg3[%select_n3A_181, %select_n3A_197] : memref<16x4096xi32, #tpu.memory_space<hbm>> -> memref<1x256xi32, #tpu.memory_space<hbm>>
      %dma_wait3A_476 = tpu.memref_squeeze %dma_wait3A_475 : memref<1x256xi32, #tpu.memory_space<hbm>> -> memref<256xi32, #tpu.memory_space<hbm>>
      %dma_wait3A_477 = tpu.memref_slice %arg3[%select_n3A_181, %select_n3A_197] : memref<16x4096xi32, #tpu.memory_space<hbm>> -> memref<1x256xi32, #tpu.memory_space<hbm>>
      %dma_wait3A_478 = tpu.memref_squeeze %dma_wait3A_477 : memref<1x256xi32, #tpu.memory_space<hbm>> -> memref<256xi32, #tpu.memory_space<hbm>>
      tpu.wait_dma2 semaphore(%run_scoped3A : memref<!tpu.dma_semaphore, #tpu.memory_space<semaphore_mem>>) src(%dma_wait3A_478 : memref<256xi32, #tpu.memory_space<hbm>>) dst(%arg6 : memref<256xi32, #tpu.memory_space<vmem>>)
      tpu.yield
    }) : () -> ()
    %dma_start3A_198 = arith.constant 0 : i32
    %dma_start3A_199 = arith.constant 0 : i32
    %dma_start3A_200 = tpu.memref_slice %arg2[%dma_start3A_198, %dma_start3A_199] : memref<16384x128xf32, #tpu.memory_space<hbm>> -> memref<16384x128xf32, #tpu.memory_space<hbm>>
    tpu.enqueue_indirect_dma source(%dma_start3A_200 : memref<16384x128xf32, #tpu.memory_space<hbm>>) target(%arg8 : memref<256x128xf32, #tpu.memory_space<vmem>>) offsets(%arg6 : memref<256xi32, #tpu.memory_space<vmem>>) semaphore(%arg10 : memref<!tpu.dma_semaphore, #tpu.memory_space<semaphore_mem>>)
    %dma_wait3A_201 = arith.constant 0 : i32
    %dma_wait3A_202 = arith.constant 0 : i32
    %dma_wait3A_203 = tpu.memref_slice %arg2[%dma_wait3A_201, %dma_wait3A_202] : memref<16384x128xf32, #tpu.memory_space<hbm>> -> memref<16384x128xf32, #tpu.memory_space<hbm>>
    tpu.wait_indirect_dma semaphore(%arg9 : memref<!tpu.dma_semaphore, #tpu.memory_space<semaphore_mem>>) src(%dma_wait3A_203 : memref<16384x128xf32, #tpu.memory_space<hbm>>) dst(%arg7 : memref<256x128xf32, #tpu.memory_space<vmem>>)
    %add3A_204 = arith.constant 512 : i32
    %add3A_205 = arith.addi %mul3A_2, %add3A_204 : i32
    %dma_start3A_206 = arith.constant 0 : i32
    %dma_start3A_207 = tpu.memref_slice %arg4[%add3A_205, %dma_start3A_206] : memref<65536x128xf32, #tpu.memory_space<hbm>> -> memref<256x128xf32, #tpu.memory_space<hbm>>
    %dma_start3A_208 = arith.constant 0 : i32
    %dma_start3A_209 = tpu.memref_slice %arg4[%add3A_205, %dma_start3A_208] : memref<65536x128xf32, #tpu.memory_space<hbm>> -> memref<256x128xf32, #tpu.memory_space<hbm>>
    tpu.enqueue_dma source(%arg7 : memref<256x128xf32, #tpu.memory_space<vmem>>) target(%dma_start3A_209 : memref<256x128xf32, #tpu.memory_space<hbm>>) target_semaphore(%arg11 : memref<!tpu.dma_semaphore, #tpu.memory_space<semaphore_mem>>)
    %add3A_210 = arith.constant 512 : i32
    %add3A_211 = arith.addi %mul3A_2, %add3A_210 : i32
    %dma_wait3A_212 = arith.constant 0 : i32
    %dma_wait3A_213 = tpu.memref_slice %arg4[%add3A_211, %dma_wait3A_212] : memref<65536x128xf32, #tpu.memory_space<hbm>> -> memref<256x128xf32, #tpu.memory_space<hbm>>
    %dma_wait3A_214 = arith.constant 0 : i32
    %dma_wait3A_215 = tpu.memref_slice %arg4[%add3A_211, %dma_wait3A_214] : memref<65536x128xf32, #tpu.memory_space<hbm>> -> memref<256x128xf32, #tpu.memory_space<hbm>>
    tpu.wait_dma2 semaphore(%arg11 : memref<!tpu.dma_semaphore, #tpu.memory_space<semaphore_mem>>) src(%arg7 : memref<256x128xf32, #tpu.memory_space<vmem>>) dst(%dma_wait3A_215 : memref<256x128xf32, #tpu.memory_space<hbm>>)
    %add3A_216 = arith.constant 1024 : i32
    %add3A_217 = arith.addi %mul3A_2, %add3A_216 : i32
    %jit3A_218 = arith.constant 4096 : i32
    %div3A_219 = arith.divsi %add3A_217, %jit3A_218 : i32
    %sign3A_220 = arith.constant 0 : i32
    %sign3A_221 = arith.cmpi sgt, %add3A_217, %sign3A_220 : i32
    %sign3A_222 = arith.extui %sign3A_221 : i1 to i32
    %sign3A_223 = arith.constant 0 : i32
    %sign3A_224 = arith.cmpi slt, %add3A_217, %sign3A_223 : i32
    %sign3A_225 = arith.extui %sign3A_224 : i1 to i32
    %sign3A_226 = arith.subi %sign3A_222, %sign3A_225 : i32
    %sign3A_227 = arith.constant 0 : i32
    %sign3A_228 = arith.cmpi sgt, %jit3A_218, %sign3A_227 : i32
    %sign3A_229 = arith.extui %sign3A_228 : i1 to i32
    %sign3A_230 = arith.constant 0 : i32
    %sign3A_231 = arith.cmpi slt, %jit3A_218, %sign3A_230 : i32
    %sign3A_232 = arith.extui %sign3A_231 : i1 to i32
    %sign3A_233 = arith.subi %sign3A_229, %sign3A_232 : i32
    %ne3A_234 = arith.cmpi ne, %sign3A_226, %sign3A_233 : i32
    %rem3A_235 = arith.remsi %add3A_217, %jit3A_218 : i32
    %ne3A_236 = arith.constant 0 : i32
    %ne3A_237 = arith.cmpi ne, %rem3A_235, %ne3A_236 : i32
    %and3A_238 = arith.andi %ne3A_234, %ne3A_237 : i1
    %sub3A_239 = arith.constant 1 : i32
    %sub3A_240 = arith.subi %div3A_219, %sub3A_239 : i32
    %select_n3A_241 = arith.select %and3A_238, %sub3A_240, %div3A_219 : i32
    %jit3A_242 = arith.constant 4096 : i32
    %eq3A_243 = arith.constant 0 : i32
    %eq3A_244 = arith.cmpi eq, %jit3A_242, %eq3A_243 : i32
    %jit3A_245 = arith.constant 1 : i32
    %select_n3A_246 = arith.select %eq3A_244, %jit3A_245, %jit3A_242 : i32
    %rem3A_247 = arith.remsi %add3A_217, %select_n3A_246 : i32
    %ne3A_248 = arith.constant 0 : i32
    %ne3A_249 = arith.cmpi ne, %rem3A_247, %ne3A_248 : i32
    %lt3A_250 = arith.constant 0 : i32
    %lt3A_251 = arith.cmpi slt, %rem3A_247, %lt3A_250 : i32
    %lt3A_252 = arith.constant 0 : i32
    %lt3A_253 = arith.cmpi slt, %select_n3A_246, %lt3A_252 : i32
    %ne3A_254 = arith.xori %lt3A_251, %lt3A_253 : i1
    %and3A_255 = arith.andi %ne3A_254, %ne3A_249 : i1
    %add3A_256 = arith.addi %rem3A_247, %select_n3A_246 : i32
    %select_n3A_257 = arith.select %and3A_255, %add3A_256, %rem3A_247 : i32
    "tpu.region"() ({
      %run_scoped3A = tpu.sem_alloc : memref<!tpu.dma_semaphore, #tpu.memory_space<semaphore_mem>>
      %dma_start3A_471 = tpu.memref_slice %arg3[%select_n3A_241, %select_n3A_257] : memref<16x4096xi32, #tpu.memory_space<hbm>> -> memref<1x256xi32, #tpu.memory_space<hbm>>
      %dma_start3A_472 = tpu.memref_squeeze %dma_start3A_471 : memref<1x256xi32, #tpu.memory_space<hbm>> -> memref<256xi32, #tpu.memory_space<hbm>>
      %dma_start3A_473 = tpu.memref_slice %arg3[%select_n3A_241, %select_n3A_257] : memref<16x4096xi32, #tpu.memory_space<hbm>> -> memref<1x256xi32, #tpu.memory_space<hbm>>
      %dma_start3A_474 = tpu.memref_squeeze %dma_start3A_473 : memref<1x256xi32, #tpu.memory_space<hbm>> -> memref<256xi32, #tpu.memory_space<hbm>>
      tpu.enqueue_dma source(%dma_start3A_474 : memref<256xi32, #tpu.memory_space<hbm>>) target(%arg5 : memref<256xi32, #tpu.memory_space<vmem>>) target_semaphore(%run_scoped3A : memref<!tpu.dma_semaphore, #tpu.memory_space<semaphore_mem>>)
      %dma_wait3A_475 = tpu.memref_slice %arg3[%select_n3A_241, %select_n3A_257] : memref<16x4096xi32, #tpu.memory_space<hbm>> -> memref<1x256xi32, #tpu.memory_space<hbm>>
      %dma_wait3A_476 = tpu.memref_squeeze %dma_wait3A_475 : memref<1x256xi32, #tpu.memory_space<hbm>> -> memref<256xi32, #tpu.memory_space<hbm>>
      %dma_wait3A_477 = tpu.memref_slice %arg3[%select_n3A_241, %select_n3A_257] : memref<16x4096xi32, #tpu.memory_space<hbm>> -> memref<1x256xi32, #tpu.memory_space<hbm>>
      %dma_wait3A_478 = tpu.memref_squeeze %dma_wait3A_477 : memref<1x256xi32, #tpu.memory_space<hbm>> -> memref<256xi32, #tpu.memory_space<hbm>>
      tpu.wait_dma2 semaphore(%run_scoped3A : memref<!tpu.dma_semaphore, #tpu.memory_space<semaphore_mem>>) src(%dma_wait3A_478 : memref<256xi32, #tpu.memory_space<hbm>>) dst(%arg5 : memref<256xi32, #tpu.memory_space<vmem>>)
      tpu.yield
    }) : () -> ()
    %dma_start3A_258 = arith.constant 0 : i32
    %dma_start3A_259 = arith.constant 0 : i32
    %dma_start3A_260 = tpu.memref_slice %arg2[%dma_start3A_258, %dma_start3A_259] : memref<16384x128xf32, #tpu.memory_space<hbm>> -> memref<16384x128xf32, #tpu.memory_space<hbm>>
    tpu.enqueue_indirect_dma source(%dma_start3A_260 : memref<16384x128xf32, #tpu.memory_space<hbm>>) target(%arg7 : memref<256x128xf32, #tpu.memory_space<vmem>>) offsets(%arg5 : memref<256xi32, #tpu.memory_space<vmem>>) semaphore(%arg9 : memref<!tpu.dma_semaphore, #tpu.memory_space<semaphore_mem>>)
    %dma_wait3A_261 = arith.constant 0 : i32
    %dma_wait3A_262 = arith.constant 0 : i32
    %dma_wait3A_263 = tpu.memref_slice %arg2[%dma_wait3A_261, %dma_wait3A_262] : memref<16384x128xf32, #tpu.memory_space<hbm>> -> memref<16384x128xf32, #tpu.memory_space<hbm>>
    tpu.wait_indirect_dma semaphore(%arg10 : memref<!tpu.dma_semaphore, #tpu.memory_space<semaphore_mem>>) src(%dma_wait3A_263 : memref<16384x128xf32, #tpu.memory_space<hbm>>) dst(%arg8 : memref<256x128xf32, #tpu.memory_space<vmem>>)
    %add3A_264 = arith.constant 768 : i32
    %add3A_265 = arith.addi %mul3A_2, %add3A_264 : i32
    %dma_start3A_266 = arith.constant 0 : i32
    %dma_start3A_267 = tpu.memref_slice %arg4[%add3A_265, %dma_start3A_266] : memref<65536x128xf32, #tpu.memory_space<hbm>> -> memref<256x128xf32, #tpu.memory_space<hbm>>
    %dma_start3A_268 = arith.constant 0 : i32
    %dma_start3A_269 = tpu.memref_slice %arg4[%add3A_265, %dma_start3A_268] : memref<65536x128xf32, #tpu.memory_space<hbm>> -> memref<256x128xf32, #tpu.memory_space<hbm>>
    tpu.enqueue_dma source(%arg8 : memref<256x128xf32, #tpu.memory_space<vmem>>) target(%dma_start3A_269 : memref<256x128xf32, #tpu.memory_space<hbm>>) target_semaphore(%arg12 : memref<!tpu.dma_semaphore, #tpu.memory_space<semaphore_mem>>)
    %add3A_270 = arith.constant 768 : i32
    %add3A_271 = arith.addi %mul3A_2, %add3A_270 : i32
    %dma_wait3A_272 = arith.constant 0 : i32
    %dma_wait3A_273 = tpu.memref_slice %arg4[%add3A_271, %dma_wait3A_272] : memref<65536x128xf32, #tpu.memory_space<hbm>> -> memref<256x128xf32, #tpu.memory_space<hbm>>
    %dma_wait3A_274 = arith.constant 0 : i32
    %dma_wait3A_275 = tpu.memref_slice %arg4[%add3A_271, %dma_wait3A_274] : memref<65536x128xf32, #tpu.memory_space<hbm>> -> memref<256x128xf32, #tpu.memory_space<hbm>>
    tpu.wait_dma2 semaphore(%arg12 : memref<!tpu.dma_semaphore, #tpu.memory_space<semaphore_mem>>) src(%arg8 : memref<256x128xf32, #tpu.memory_space<vmem>>) dst(%dma_wait3A_275 : memref<256x128xf32, #tpu.memory_space<hbm>>)
    %add3A_276 = arith.constant 1280 : i32
    %add3A_277 = arith.addi %mul3A_2, %add3A_276 : i32
    %jit3A_278 = arith.constant 4096 : i32
    %div3A_279 = arith.divsi %add3A_277, %jit3A_278 : i32
    %sign3A_280 = arith.constant 0 : i32
    %sign3A_281 = arith.cmpi sgt, %add3A_277, %sign3A_280 : i32
    %sign3A_282 = arith.extui %sign3A_281 : i1 to i32
    %sign3A_283 = arith.constant 0 : i32
    %sign3A_284 = arith.cmpi slt, %add3A_277, %sign3A_283 : i32
    %sign3A_285 = arith.extui %sign3A_284 : i1 to i32
    %sign3A_286 = arith.subi %sign3A_282, %sign3A_285 : i32
    %sign3A_287 = arith.constant 0 : i32
    %sign3A_288 = arith.cmpi sgt, %jit3A_278, %sign3A_287 : i32
    %sign3A_289 = arith.extui %sign3A_288 : i1 to i32
    %sign3A_290 = arith.constant 0 : i32
    %sign3A_291 = arith.cmpi slt, %jit3A_278, %sign3A_290 : i32
    %sign3A_292 = arith.extui %sign3A_291 : i1 to i32
    %sign3A_293 = arith.subi %sign3A_289, %sign3A_292 : i32
    %ne3A_294 = arith.cmpi ne, %sign3A_286, %sign3A_293 : i32
    %rem3A_295 = arith.remsi %add3A_277, %jit3A_278 : i32
    %ne3A_296 = arith.constant 0 : i32
    %ne3A_297 = arith.cmpi ne, %rem3A_295, %ne3A_296 : i32
    %and3A_298 = arith.andi %ne3A_294, %ne3A_297 : i1
    %sub3A_299 = arith.constant 1 : i32
    %sub3A_300 = arith.subi %div3A_279, %sub3A_299 : i32
    %select_n3A_301 = arith.select %and3A_298, %sub3A_300, %div3A_279 : i32
    %jit3A_302 = arith.constant 4096 : i32
    %eq3A_303 = arith.constant 0 : i32
    %eq3A_304 = arith.cmpi eq, %jit3A_302, %eq3A_303 : i32
    %jit3A_305 = arith.constant 1 : i32
    %select_n3A_306 = arith.select %eq3A_304, %jit3A_305, %jit3A_302 : i32
    %rem3A_307 = arith.remsi %add3A_277, %select_n3A_306 : i32
    %ne3A_308 = arith.constant 0 : i32
    %ne3A_309 = arith.cmpi ne, %rem3A_307, %ne3A_308 : i32
    %lt3A_310 = arith.constant 0 : i32
    %lt3A_311 = arith.cmpi slt, %rem3A_307, %lt3A_310 : i32
    %lt3A_312 = arith.constant 0 : i32
    %lt3A_313 = arith.cmpi slt, %select_n3A_306, %lt3A_312 : i32
    %ne3A_314 = arith.xori %lt3A_311, %lt3A_313 : i1
    %and3A_315 = arith.andi %ne3A_314, %ne3A_309 : i1
    %add3A_316 = arith.addi %rem3A_307, %select_n3A_306 : i32
    %select_n3A_317 = arith.select %and3A_315, %add3A_316, %rem3A_307 : i32
    "tpu.region"() ({
      %run_scoped3A = tpu.sem_alloc : memref<!tpu.dma_semaphore, #tpu.memory_space<semaphore_mem>>
      %dma_start3A_471 = tpu.memref_slice %arg3[%select_n3A_301, %select_n3A_317] : memref<16x4096xi32, #tpu.memory_space<hbm>> -> memref<1x256xi32, #tpu.memory_space<hbm>>
      %dma_start3A_472 = tpu.memref_squeeze %dma_start3A_471 : memref<1x256xi32, #tpu.memory_space<hbm>> -> memref<256xi32, #tpu.memory_space<hbm>>
      %dma_start3A_473 = tpu.memref_slice %arg3[%select_n3A_301, %select_n3A_317] : memref<16x4096xi32, #tpu.memory_space<hbm>> -> memref<1x256xi32, #tpu.memory_space<hbm>>
      %dma_start3A_474 = tpu.memref_squeeze %dma_start3A_473 : memref<1x256xi32, #tpu.memory_space<hbm>> -> memref<256xi32, #tpu.memory_space<hbm>>
      tpu.enqueue_dma source(%dma_start3A_474 : memref<256xi32, #tpu.memory_space<hbm>>) target(%arg6 : memref<256xi32, #tpu.memory_space<vmem>>) target_semaphore(%run_scoped3A : memref<!tpu.dma_semaphore, #tpu.memory_space<semaphore_mem>>)
      %dma_wait3A_475 = tpu.memref_slice %arg3[%select_n3A_301, %select_n3A_317] : memref<16x4096xi32, #tpu.memory_space<hbm>> -> memref<1x256xi32, #tpu.memory_space<hbm>>
      %dma_wait3A_476 = tpu.memref_squeeze %dma_wait3A_475 : memref<1x256xi32, #tpu.memory_space<hbm>> -> memref<256xi32, #tpu.memory_space<hbm>>
      %dma_wait3A_477 = tpu.memref_slice %arg3[%select_n3A_301, %select_n3A_317] : memref<16x4096xi32, #tpu.memory_space<hbm>> -> memref<1x256xi32, #tpu.memory_space<hbm>>
      %dma_wait3A_478 = tpu.memref_squeeze %dma_wait3A_477 : memref<1x256xi32, #tpu.memory_space<hbm>> -> memref<256xi32, #tpu.memory_space<hbm>>
      tpu.wait_dma2 semaphore(%run_scoped3A : memref<!tpu.dma_semaphore, #tpu.memory_space<semaphore_mem>>) src(%dma_wait3A_478 : memref<256xi32, #tpu.memory_space<hbm>>) dst(%arg6 : memref<256xi32, #tpu.memory_space<vmem>>)
      tpu.yield
    }) : () -> ()
    %dma_start3A_318 = arith.constant 0 : i32
    %dma_start3A_319 = arith.constant 0 : i32
    %dma_start3A_320 = tpu.memref_slice %arg2[%dma_start3A_318, %dma_start3A_319] : memref<16384x128xf32, #tpu.memory_space<hbm>> -> memref<16384x128xf32, #tpu.memory_space<hbm>>
    tpu.enqueue_indirect_dma source(%dma_start3A_320 : memref<16384x128xf32, #tpu.memory_space<hbm>>) target(%arg8 : memref<256x128xf32, #tpu.memory_space<vmem>>) offsets(%arg6 : memref<256xi32, #tpu.memory_space<vmem>>) semaphore(%arg10 : memref<!tpu.dma_semaphore, #tpu.memory_space<semaphore_mem>>)
    %dma_wait3A_321 = arith.constant 0 : i32
    %dma_wait3A_322 = arith.constant 0 : i32
    %dma_wait3A_323 = tpu.memref_slice %arg2[%dma_wait3A_321, %dma_wait3A_322] : memref<16384x128xf32, #tpu.memory_space<hbm>> -> memref<16384x128xf32, #tpu.memory_space<hbm>>
    tpu.wait_indirect_dma semaphore(%arg9 : memref<!tpu.dma_semaphore, #tpu.memory_space<semaphore_mem>>) src(%dma_wait3A_323 : memref<16384x128xf32, #tpu.memory_space<hbm>>) dst(%arg7 : memref<256x128xf32, #tpu.memory_space<vmem>>)
    %add3A_324 = arith.constant 1024 : i32
    %add3A_325 = arith.addi %mul3A_2, %add3A_324 : i32
    %dma_start3A_326 = arith.constant 0 : i32
    %dma_start3A_327 = tpu.memref_slice %arg4[%add3A_325, %dma_start3A_326] : memref<65536x128xf32, #tpu.memory_space<hbm>> -> memref<256x128xf32, #tpu.memory_space<hbm>>
    %dma_start3A_328 = arith.constant 0 : i32
    %dma_start3A_329 = tpu.memref_slice %arg4[%add3A_325, %dma_start3A_328] : memref<65536x128xf32, #tpu.memory_space<hbm>> -> memref<256x128xf32, #tpu.memory_space<hbm>>
    tpu.enqueue_dma source(%arg7 : memref<256x128xf32, #tpu.memory_space<vmem>>) target(%dma_start3A_329 : memref<256x128xf32, #tpu.memory_space<hbm>>) target_semaphore(%arg11 : memref<!tpu.dma_semaphore, #tpu.memory_space<semaphore_mem>>)
    %add3A_330 = arith.constant 1024 : i32
    %add3A_331 = arith.addi %mul3A_2, %add3A_330 : i32
    %dma_wait3A_332 = arith.constant 0 : i32
    %dma_wait3A_333 = tpu.memref_slice %arg4[%add3A_331, %dma_wait3A_332] : memref<65536x128xf32, #tpu.memory_space<hbm>> -> memref<256x128xf32, #tpu.memory_space<hbm>>
    %dma_wait3A_334 = arith.constant 0 : i32
    %dma_wait3A_335 = tpu.memref_slice %arg4[%add3A_331, %dma_wait3A_334] : memref<65536x128xf32, #tpu.memory_space<hbm>> -> memref<256x128xf32, #tpu.memory_space<hbm>>
    tpu.wait_dma2 semaphore(%arg11 : memref<!tpu.dma_semaphore, #tpu.memory_space<semaphore_mem>>) src(%arg7 : memref<256x128xf32, #tpu.memory_space<vmem>>) dst(%dma_wait3A_335 : memref<256x128xf32, #tpu.memory_space<hbm>>)
    %add3A_336 = arith.constant 1536 : i32
    %add3A_337 = arith.addi %mul3A_2, %add3A_336 : i32
    %jit3A_338 = arith.constant 4096 : i32
    %div3A_339 = arith.divsi %add3A_337, %jit3A_338 : i32
    %sign3A_340 = arith.constant 0 : i32
    %sign3A_341 = arith.cmpi sgt, %add3A_337, %sign3A_340 : i32
    %sign3A_342 = arith.extui %sign3A_341 : i1 to i32
    %sign3A_343 = arith.constant 0 : i32
    %sign3A_344 = arith.cmpi slt, %add3A_337, %sign3A_343 : i32
    %sign3A_345 = arith.extui %sign3A_344 : i1 to i32
    %sign3A_346 = arith.subi %sign3A_342, %sign3A_345 : i32
    %sign3A_347 = arith.constant 0 : i32
    %sign3A_348 = arith.cmpi sgt, %jit3A_338, %sign3A_347 : i32
    %sign3A_349 = arith.extui %sign3A_348 : i1 to i32
    %sign3A_350 = arith.constant 0 : i32
    %sign3A_351 = arith.cmpi slt, %jit3A_338, %sign3A_350 : i32
    %sign3A_352 = arith.extui %sign3A_351 : i1 to i32
    %sign3A_353 = arith.subi %sign3A_349, %sign3A_352 : i32
    %ne3A_354 = arith.cmpi ne, %sign3A_346, %sign3A_353 : i32
    %rem3A_355 = arith.remsi %add3A_337, %jit3A_338 : i32
    %ne3A_356 = arith.constant 0 : i32
    %ne3A_357 = arith.cmpi ne, %rem3A_355, %ne3A_356 : i32
    %and3A_358 = arith.andi %ne3A_354, %ne3A_357 : i1
    %sub3A_359 = arith.constant 1 : i32
    %sub3A_360 = arith.subi %div3A_339, %sub3A_359 : i32
    %select_n3A_361 = arith.select %and3A_358, %sub3A_360, %div3A_339 : i32
    %jit3A_362 = arith.constant 4096 : i32
    %eq3A_363 = arith.constant 0 : i32
    %eq3A_364 = arith.cmpi eq, %jit3A_362, %eq3A_363 : i32
    %jit3A_365 = arith.constant 1 : i32
    %select_n3A_366 = arith.select %eq3A_364, %jit3A_365, %jit3A_362 : i32
    %rem3A_367 = arith.remsi %add3A_337, %select_n3A_366 : i32
    %ne3A_368 = arith.constant 0 : i32
    %ne3A_369 = arith.cmpi ne, %rem3A_367, %ne3A_368 : i32
    %lt3A_370 = arith.constant 0 : i32
    %lt3A_371 = arith.cmpi slt, %rem3A_367, %lt3A_370 : i32
    %lt3A_372 = arith.constant 0 : i32
    %lt3A_373 = arith.cmpi slt, %select_n3A_366, %lt3A_372 : i32
    %ne3A_374 = arith.xori %lt3A_371, %lt3A_373 : i1
    %and3A_375 = arith.andi %ne3A_374, %ne3A_369 : i1
    %add3A_376 = arith.addi %rem3A_367, %select_n3A_366 : i32
    %select_n3A_377 = arith.select %and3A_375, %add3A_376, %rem3A_367 : i32
    "tpu.region"() ({
      %run_scoped3A = tpu.sem_alloc : memref<!tpu.dma_semaphore, #tpu.memory_space<semaphore_mem>>
      %dma_start3A_471 = tpu.memref_slice %arg3[%select_n3A_361, %select_n3A_377] : memref<16x4096xi32, #tpu.memory_space<hbm>> -> memref<1x256xi32, #tpu.memory_space<hbm>>
      %dma_start3A_472 = tpu.memref_squeeze %dma_start3A_471 : memref<1x256xi32, #tpu.memory_space<hbm>> -> memref<256xi32, #tpu.memory_space<hbm>>
      %dma_start3A_473 = tpu.memref_slice %arg3[%select_n3A_361, %select_n3A_377] : memref<16x4096xi32, #tpu.memory_space<hbm>> -> memref<1x256xi32, #tpu.memory_space<hbm>>
      %dma_start3A_474 = tpu.memref_squeeze %dma_start3A_473 : memref<1x256xi32, #tpu.memory_space<hbm>> -> memref<256xi32, #tpu.memory_space<hbm>>
      tpu.enqueue_dma source(%dma_start3A_474 : memref<256xi32, #tpu.memory_space<hbm>>) target(%arg5 : memref<256xi32, #tpu.memory_space<vmem>>) target_semaphore(%run_scoped3A : memref<!tpu.dma_semaphore, #tpu.memory_space<semaphore_mem>>)
      %dma_wait3A_475 = tpu.memref_slice %arg3[%select_n3A_361, %select_n3A_377] : memref<16x4096xi32, #tpu.memory_space<hbm>> -> memref<1x256xi32, #tpu.memory_space<hbm>>
      %dma_wait3A_476 = tpu.memref_squeeze %dma_wait3A_475 : memref<1x256xi32, #tpu.memory_space<hbm>> -> memref<256xi32, #tpu.memory_space<hbm>>
      %dma_wait3A_477 = tpu.memref_slice %arg3[%select_n3A_361, %select_n3A_377] : memref<16x4096xi32, #tpu.memory_space<hbm>> -> memref<1x256xi32, #tpu.memory_space<hbm>>
      %dma_wait3A_478 = tpu.memref_squeeze %dma_wait3A_477 : memref<1x256xi32, #tpu.memory_space<hbm>> -> memref<256xi32, #tpu.memory_space<hbm>>
      tpu.wait_dma2 semaphore(%run_scoped3A : memref<!tpu.dma_semaphore, #tpu.memory_space<semaphore_mem>>) src(%dma_wait3A_478 : memref<256xi32, #tpu.memory_space<hbm>>) dst(%arg5 : memref<256xi32, #tpu.memory_space<vmem>>)
      tpu.yield
    }) : () -> ()
    %dma_start3A_378 = arith.constant 0 : i32
    %dma_start3A_379 = arith.constant 0 : i32
    %dma_start3A_380 = tpu.memref_slice %arg2[%dma_start3A_378, %dma_start3A_379] : memref<16384x128xf32, #tpu.memory_space<hbm>> -> memref<16384x128xf32, #tpu.memory_space<hbm>>
    tpu.enqueue_indirect_dma source(%dma_start3A_380 : memref<16384x128xf32, #tpu.memory_space<hbm>>) target(%arg7 : memref<256x128xf32, #tpu.memory_space<vmem>>) offsets(%arg5 : memref<256xi32, #tpu.memory_space<vmem>>) semaphore(%arg9 : memref<!tpu.dma_semaphore, #tpu.memory_space<semaphore_mem>>)
    %dma_wait3A_381 = arith.constant 0 : i32
    %dma_wait3A_382 = arith.constant 0 : i32
    %dma_wait3A_383 = tpu.memref_slice %arg2[%dma_wait3A_381, %dma_wait3A_382] : memref<16384x128xf32, #tpu.memory_space<hbm>> -> memref<16384x128xf32, #tpu.memory_space<hbm>>
    tpu.wait_indirect_dma semaphore(%arg10 : memref<!tpu.dma_semaphore, #tpu.memory_space<semaphore_mem>>) src(%dma_wait3A_383 : memref<16384x128xf32, #tpu.memory_space<hbm>>) dst(%arg8 : memref<256x128xf32, #tpu.memory_space<vmem>>)
    %add3A_384 = arith.constant 1280 : i32
    %add3A_385 = arith.addi %mul3A_2, %add3A_384 : i32
    %dma_start3A_386 = arith.constant 0 : i32
    %dma_start3A_387 = tpu.memref_slice %arg4[%add3A_385, %dma_start3A_386] : memref<65536x128xf32, #tpu.memory_space<hbm>> -> memref<256x128xf32, #tpu.memory_space<hbm>>
    %dma_start3A_388 = arith.constant 0 : i32
    %dma_start3A_389 = tpu.memref_slice %arg4[%add3A_385, %dma_start3A_388] : memref<65536x128xf32, #tpu.memory_space<hbm>> -> memref<256x128xf32, #tpu.memory_space<hbm>>
    tpu.enqueue_dma source(%arg8 : memref<256x128xf32, #tpu.memory_space<vmem>>) target(%dma_start3A_389 : memref<256x128xf32, #tpu.memory_space<hbm>>) target_semaphore(%arg12 : memref<!tpu.dma_semaphore, #tpu.memory_space<semaphore_mem>>)
    %add3A_390 = arith.constant 1280 : i32
    %add3A_391 = arith.addi %mul3A_2, %add3A_390 : i32
    %dma_wait3A_392 = arith.constant 0 : i32
    %dma_wait3A_393 = tpu.memref_slice %arg4[%add3A_391, %dma_wait3A_392] : memref<65536x128xf32, #tpu.memory_space<hbm>> -> memref<256x128xf32, #tpu.memory_space<hbm>>
    %dma_wait3A_394 = arith.constant 0 : i32
    %dma_wait3A_395 = tpu.memref_slice %arg4[%add3A_391, %dma_wait3A_394] : memref<65536x128xf32, #tpu.memory_space<hbm>> -> memref<256x128xf32, #tpu.memory_space<hbm>>
    tpu.wait_dma2 semaphore(%arg12 : memref<!tpu.dma_semaphore, #tpu.memory_space<semaphore_mem>>) src(%arg8 : memref<256x128xf32, #tpu.memory_space<vmem>>) dst(%dma_wait3A_395 : memref<256x128xf32, #tpu.memory_space<hbm>>)
    %add3A_396 = arith.constant 1792 : i32
    %add3A_397 = arith.addi %mul3A_2, %add3A_396 : i32
    %jit3A_398 = arith.constant 4096 : i32
    %div3A_399 = arith.divsi %add3A_397, %jit3A_398 : i32
    %sign3A_400 = arith.constant 0 : i32
    %sign3A_401 = arith.cmpi sgt, %add3A_397, %sign3A_400 : i32
    %sign3A_402 = arith.extui %sign3A_401 : i1 to i32
    %sign3A_403 = arith.constant 0 : i32
    %sign3A_404 = arith.cmpi slt, %add3A_397, %sign3A_403 : i32
    %sign3A_405 = arith.extui %sign3A_404 : i1 to i32
    %sign3A_406 = arith.subi %sign3A_402, %sign3A_405 : i32
    %sign3A_407 = arith.constant 0 : i32
    %sign3A_408 = arith.cmpi sgt, %jit3A_398, %sign3A_407 : i32
    %sign3A_409 = arith.extui %sign3A_408 : i1 to i32
    %sign3A_410 = arith.constant 0 : i32
    %sign3A_411 = arith.cmpi slt, %jit3A_398, %sign3A_410 : i32
    %sign3A_412 = arith.extui %sign3A_411 : i1 to i32
    %sign3A_413 = arith.subi %sign3A_409, %sign3A_412 : i32
    %ne3A_414 = arith.cmpi ne, %sign3A_406, %sign3A_413 : i32
    %rem3A_415 = arith.remsi %add3A_397, %jit3A_398 : i32
    %ne3A_416 = arith.constant 0 : i32
    %ne3A_417 = arith.cmpi ne, %rem3A_415, %ne3A_416 : i32
    %and3A_418 = arith.andi %ne3A_414, %ne3A_417 : i1
    %sub3A_419 = arith.constant 1 : i32
    %sub3A_420 = arith.subi %div3A_399, %sub3A_419 : i32
    %select_n3A_421 = arith.select %and3A_418, %sub3A_420, %div3A_399 : i32
    %jit3A_422 = arith.constant 4096 : i32
    %eq3A_423 = arith.constant 0 : i32
    %eq3A_424 = arith.cmpi eq, %jit3A_422, %eq3A_423 : i32
    %jit3A_425 = arith.constant 1 : i32
    %select_n3A_426 = arith.select %eq3A_424, %jit3A_425, %jit3A_422 : i32
    %rem3A_427 = arith.remsi %add3A_397, %select_n3A_426 : i32
    %ne3A_428 = arith.constant 0 : i32
    %ne3A_429 = arith.cmpi ne, %rem3A_427, %ne3A_428 : i32
    %lt3A_430 = arith.constant 0 : i32
    %lt3A_431 = arith.cmpi slt, %rem3A_427, %lt3A_430 : i32
    %lt3A_432 = arith.constant 0 : i32
    %lt3A_433 = arith.cmpi slt, %select_n3A_426, %lt3A_432 : i32
    %ne3A_434 = arith.xori %lt3A_431, %lt3A_433 : i1
    %and3A_435 = arith.andi %ne3A_434, %ne3A_429 : i1
    %add3A_436 = arith.addi %rem3A_427, %select_n3A_426 : i32
    %select_n3A_437 = arith.select %and3A_435, %add3A_436, %rem3A_427 : i32
    "tpu.region"() ({
      %run_scoped3A = tpu.sem_alloc : memref<!tpu.dma_semaphore, #tpu.memory_space<semaphore_mem>>
      %dma_start3A_471 = tpu.memref_slice %arg3[%select_n3A_421, %select_n3A_437] : memref<16x4096xi32, #tpu.memory_space<hbm>> -> memref<1x256xi32, #tpu.memory_space<hbm>>
      %dma_start3A_472 = tpu.memref_squeeze %dma_start3A_471 : memref<1x256xi32, #tpu.memory_space<hbm>> -> memref<256xi32, #tpu.memory_space<hbm>>
      %dma_start3A_473 = tpu.memref_slice %arg3[%select_n3A_421, %select_n3A_437] : memref<16x4096xi32, #tpu.memory_space<hbm>> -> memref<1x256xi32, #tpu.memory_space<hbm>>
      %dma_start3A_474 = tpu.memref_squeeze %dma_start3A_473 : memref<1x256xi32, #tpu.memory_space<hbm>> -> memref<256xi32, #tpu.memory_space<hbm>>
      tpu.enqueue_dma source(%dma_start3A_474 : memref<256xi32, #tpu.memory_space<hbm>>) target(%arg6 : memref<256xi32, #tpu.memory_space<vmem>>) target_semaphore(%run_scoped3A : memref<!tpu.dma_semaphore, #tpu.memory_space<semaphore_mem>>)
      %dma_wait3A_475 = tpu.memref_slice %arg3[%select_n3A_421, %select_n3A_437] : memref<16x4096xi32, #tpu.memory_space<hbm>> -> memref<1x256xi32, #tpu.memory_space<hbm>>
      %dma_wait3A_476 = tpu.memref_squeeze %dma_wait3A_475 : memref<1x256xi32, #tpu.memory_space<hbm>> -> memref<256xi32, #tpu.memory_space<hbm>>
      %dma_wait3A_477 = tpu.memref_slice %arg3[%select_n3A_421, %select_n3A_437] : memref<16x4096xi32, #tpu.memory_space<hbm>> -> memref<1x256xi32, #tpu.memory_space<hbm>>
      %dma_wait3A_478 = tpu.memref_squeeze %dma_wait3A_477 : memref<1x256xi32, #tpu.memory_space<hbm>> -> memref<256xi32, #tpu.memory_space<hbm>>
      tpu.wait_dma2 semaphore(%run_scoped3A : memref<!tpu.dma_semaphore, #tpu.memory_space<semaphore_mem>>) src(%dma_wait3A_478 : memref<256xi32, #tpu.memory_space<hbm>>) dst(%arg6 : memref<256xi32, #tpu.memory_space<vmem>>)
      tpu.yield
    }) : () -> ()
    %dma_start3A_438 = arith.constant 0 : i32
    %dma_start3A_439 = arith.constant 0 : i32
    %dma_start3A_440 = tpu.memref_slice %arg2[%dma_start3A_438, %dma_start3A_439] : memref<16384x128xf32, #tpu.memory_space<hbm>> -> memref<16384x128xf32, #tpu.memory_space<hbm>>
    tpu.enqueue_indirect_dma source(%dma_start3A_440 : memref<16384x128xf32, #tpu.memory_space<hbm>>) target(%arg8 : memref<256x128xf32, #tpu.memory_space<vmem>>) offsets(%arg6 : memref<256xi32, #tpu.memory_space<vmem>>) semaphore(%arg10 : memref<!tpu.dma_semaphore, #tpu.memory_space<semaphore_mem>>)
    %dma_wait3A_441 = arith.constant 0 : i32
    %dma_wait3A_442 = arith.constant 0 : i32
    %dma_wait3A_443 = tpu.memref_slice %arg2[%dma_wait3A_441, %dma_wait3A_442] : memref<16384x128xf32, #tpu.memory_space<hbm>> -> memref<16384x128xf32, #tpu.memory_space<hbm>>
    tpu.wait_indirect_dma semaphore(%arg9 : memref<!tpu.dma_semaphore, #tpu.memory_space<semaphore_mem>>) src(%dma_wait3A_443 : memref<16384x128xf32, #tpu.memory_space<hbm>>) dst(%arg7 : memref<256x128xf32, #tpu.memory_space<vmem>>)
    %add3A_444 = arith.constant 1536 : i32
    %add3A_445 = arith.addi %mul3A_2, %add3A_444 : i32
    %dma_start3A_446 = arith.constant 0 : i32
    %dma_start3A_447 = tpu.memref_slice %arg4[%add3A_445, %dma_start3A_446] : memref<65536x128xf32, #tpu.memory_space<hbm>> -> memref<256x128xf32, #tpu.memory_space<hbm>>
    %dma_start3A_448 = arith.constant 0 : i32
    %dma_start3A_449 = tpu.memref_slice %arg4[%add3A_445, %dma_start3A_448] : memref<65536x128xf32, #tpu.memory_space<hbm>> -> memref<256x128xf32, #tpu.memory_space<hbm>>
    tpu.enqueue_dma source(%arg7 : memref<256x128xf32, #tpu.memory_space<vmem>>) target(%dma_start3A_449 : memref<256x128xf32, #tpu.memory_space<hbm>>) target_semaphore(%arg11 : memref<!tpu.dma_semaphore, #tpu.memory_space<semaphore_mem>>)
    %dma_wait3A_450 = arith.constant 0 : i32
    %dma_wait3A_451 = arith.constant 0 : i32
    %dma_wait3A_452 = tpu.memref_slice %arg2[%dma_wait3A_450, %dma_wait3A_451] : memref<16384x128xf32, #tpu.memory_space<hbm>> -> memref<16384x128xf32, #tpu.memory_space<hbm>>
    tpu.wait_indirect_dma semaphore(%arg10 : memref<!tpu.dma_semaphore, #tpu.memory_space<semaphore_mem>>) src(%dma_wait3A_452 : memref<16384x128xf32, #tpu.memory_space<hbm>>) dst(%arg8 : memref<256x128xf32, #tpu.memory_space<vmem>>)
    %add3A_453 = arith.constant 1792 : i32
    %add3A_454 = arith.addi %mul3A_2, %add3A_453 : i32
    %dma_start3A_455 = arith.constant 0 : i32
    %dma_start3A_456 = tpu.memref_slice %arg4[%add3A_454, %dma_start3A_455] : memref<65536x128xf32, #tpu.memory_space<hbm>> -> memref<256x128xf32, #tpu.memory_space<hbm>>
    %dma_start3A_457 = arith.constant 0 : i32
    %dma_start3A_458 = tpu.memref_slice %arg4[%add3A_454, %dma_start3A_457] : memref<65536x128xf32, #tpu.memory_space<hbm>> -> memref<256x128xf32, #tpu.memory_space<hbm>>
    tpu.enqueue_dma source(%arg8 : memref<256x128xf32, #tpu.memory_space<vmem>>) target(%dma_start3A_458 : memref<256x128xf32, #tpu.memory_space<hbm>>) target_semaphore(%arg12 : memref<!tpu.dma_semaphore, #tpu.memory_space<semaphore_mem>>)
    %add3A_459 = arith.constant 1536 : i32
    %add3A_460 = arith.addi %mul3A_2, %add3A_459 : i32
    %dma_wait3A_461 = arith.constant 0 : i32
    %dma_wait3A_462 = tpu.memref_slice %arg4[%add3A_460, %dma_wait3A_461] : memref<65536x128xf32, #tpu.memory_space<hbm>> -> memref<256x128xf32, #tpu.memory_space<hbm>>
    %dma_wait3A_463 = arith.constant 0 : i32
    %dma_wait3A_464 = tpu.memref_slice %arg4[%add3A_460, %dma_wait3A_463] : memref<65536x128xf32, #tpu.memory_space<hbm>> -> memref<256x128xf32, #tpu.memory_space<hbm>>
    tpu.wait_dma2 semaphore(%arg11 : memref<!tpu.dma_semaphore, #tpu.memory_space<semaphore_mem>>) src(%arg7 : memref<256x128xf32, #tpu.memory_space<vmem>>) dst(%dma_wait3A_464 : memref<256x128xf32, #tpu.memory_space<hbm>>)
    %add3A_465 = arith.constant 1792 : i32
    %add3A_466 = arith.addi %mul3A_2, %add3A_465 : i32
    %dma_wait3A_467 = arith.constant 0 : i32
    %dma_wait3A_468 = tpu.memref_slice %arg4[%add3A_466, %dma_wait3A_467] : memref<65536x128xf32, #tpu.memory_space<hbm>> -> memref<256x128xf32, #tpu.memory_space<hbm>>
    %dma_wait3A_469 = arith.constant 0 : i32
    %dma_wait3A_470 = tpu.memref_slice %arg4[%add3A_466, %dma_wait3A_469] : memref<65536x128xf32, #tpu.memory_space<hbm>> -> memref<256x128xf32, #tpu.memory_space<hbm>>
    tpu.wait_dma2 semaphore(%arg12 : memref<!tpu.dma_semaphore, #tpu.memory_space<semaphore_mem>>) src(%arg8 : memref<256x128xf32, #tpu.memory_space<vmem>>) dst(%dma_wait3A_470 : memref<256x128xf32, #tpu.memory_space<hbm>>)
    return
  }
}

module attributes {stable_mosaic.version = 14 : i64} {
  func.func @_proj_body(%arg0: i32, %arg1: memref<2048x128xf32, #tpu.memory_space<vmem>>, %arg2: memref<128x4xf32, #tpu.memory_space<vmem>>, %arg3: memref<128x128xf32, #tpu.memory_space<vmem>>, %arg4: memref<8x128xf32, #tpu.memory_space<vmem>>, %arg5: memref<2048x4xf32, #tpu.memory_space<vmem>>, %arg6: memref<4x2048xf32, #tpu.memory_space<vmem>>, %arg7: memref<2048x128xf32, #tpu.memory_space<vmem>>) attributes {dimension_semantics = [#tpu.dimension_semantics<arbitrary>], iteration_bounds = array<i64: 8>, scalar_prefetch = 0 : i64, scratch_operands = 0 : i64, tpu.core_type = #tpu.core_type<tc>, window_params = [{transform_indices = @transform_0, window_bounds = array<i64: 2048, 128>}, {pipeline_mode = #tpu.pipeline_mode<synchronous>, transform_indices = @transform_1, window_bounds = array<i64: 128, 4>}, {pipeline_mode = #tpu.pipeline_mode<synchronous>, transform_indices = @transform_2, window_bounds = array<i64: 128, 128>}, {pipeline_mode = #tpu.pipeline_mode<synchronous>, transform_indices = @transform_3, window_bounds = array<i64: 8, 128>}, {transform_indices = @transform_4, window_bounds = array<i64: 2048, 4>}, {transform_indices = @transform_5, window_bounds = array<i64: 4, 2048>}, {transform_indices = @transform_6, window_bounds = array<i64: 2048, 128>}]} {
    %get3A = arith.constant 0 : index
    %get3A_0 = arith.constant 0 : index
    %get3A_1 = vector.load %arg1[%get3A, %get3A_0] : memref<2048x128xf32, #tpu.memory_space<vmem>>, vector<2048x128xf32>
    %get3A_2 = arith.constant 0 : index
    %get3A_3 = arith.constant 0 : index
    %get3A_4 = vector.load %arg2[%get3A_2, %get3A_3] : memref<128x4xf32, #tpu.memory_space<vmem>>, vector<128x4xf32>
    %dot_general3A = arith.constant dense<0.000000e+00> : vector<2048x4xf32>
    %dot_general3A_5 = tpu.matmul %get3A_1, %get3A_4, %dot_general3A {dimension_numbers = #tpu.dot_dimension_numbers<[1], [0], [0], [1], [0, 0, 1, 1], [], []>, transpose_lhs_hint = false} : vector<2048x128xf32>, vector<128x4xf32>, vector<2048x4xf32> -> vector<2048x4xf32>
    %swap3A = arith.constant 0 : index
    %swap3A_6 = arith.constant 0 : index
    %swap3A_7 = vector.load %arg5[%swap3A, %swap3A_6] : memref<2048x4xf32, #tpu.memory_space<vmem>>, vector<2048x4xf32>
    tpu.vector_store %arg5[%swap3A, %swap3A_6], %dot_general3A_5 {strides = array<i32>} : memref<2048x4xf32, #tpu.memory_space<vmem>>, vector<2048x4xf32>,
    %transpose3A = tpu.transpose %dot_general3A_5, [1, 0] : vector<2048x4xf32> -> vector<4x2048xf32>
    %swap3A_8 = arith.constant 0 : index
    %swap3A_9 = arith.constant 0 : index
    %swap3A_10 = vector.load %arg6[%swap3A_8, %swap3A_9] : memref<4x2048xf32, #tpu.memory_space<vmem>>, vector<4x2048xf32>
    tpu.vector_store %arg6[%swap3A_8, %swap3A_9], %transpose3A {strides = array<i32>} : memref<4x2048xf32, #tpu.memory_space<vmem>>, vector<4x2048xf32>,
    %get3A_11 = arith.constant 0 : index
    %get3A_12 = arith.constant 0 : index
    %get3A_13 = vector.load %arg3[%get3A_11, %get3A_12] : memref<128x128xf32, #tpu.memory_space<vmem>>, vector<128x128xf32>
    %dot_general3A_14 = arith.constant dense<0.000000e+00> : vector<2048x128xf32>
    %dot_general3A_15 = tpu.matmul %get3A_1, %get3A_13, %dot_general3A_14 {dimension_numbers = #tpu.dot_dimension_numbers<[1], [0], [0], [1], [0, 0, 1, 1], [], []>, transpose_lhs_hint = false} : vector<2048x128xf32>, vector<128x128xf32>, vector<2048x128xf32> -> vector<2048x128xf32>
    %get3A_16 = arith.constant 0 : index
    %get3A_17 = arith.constant 0 : index
    %get3A_18 = vector.load %arg4[%get3A_16, %get3A_17] : memref<8x128xf32, #tpu.memory_space<vmem>>, vector<1x128xf32>
    %add3A = vector.broadcast %get3A_18 : vector<1x128xf32> to vector<2048x128xf32>
    %add3A_19 = arith.addf %dot_general3A_15, %add3A : vector<2048x128xf32>
    %swap3A_20 = arith.constant 0 : index
    %swap3A_21 = arith.constant 0 : index
    %swap3A_22 = vector.load %arg7[%swap3A_20, %swap3A_21] : memref<2048x128xf32, #tpu.memory_space<vmem>>, vector<2048x128xf32>
    tpu.vector_store %arg7[%swap3A_20, %swap3A_21], %add3A_19 {strides = array<i32>} : memref<2048x128xf32, #tpu.memory_space<vmem>>, vector<2048x128xf32>,
    return
  }
  func.func @transform_0(%arg0: i32) -> (i32, i32) {
    %c0_i32 = arith.constant 0 : i32
    %c0_i32_0 = arith.constant 0 : i32
    return %arg0, %c0_i32 : i32, i32
  }
  func.func @transform_1(%arg0: i32) -> (i32, i32) {
    %c0_i32 = arith.constant 0 : i32
    %c0_i32_0 = arith.constant 0 : i32
    %c0_i32_1 = arith.constant 0 : i32
    return %c0_i32, %c0_i32_0 : i32, i32
  }
  func.func @transform_2(%arg0: i32) -> (i32, i32) {
    %c0_i32 = arith.constant 0 : i32
    %c0_i32_0 = arith.constant 0 : i32
    %c0_i32_1 = arith.constant 0 : i32
    return %c0_i32, %c0_i32_0 : i32, i32
  }
  func.func @transform_3(%arg0: i32) -> (i32, i32) {
    %c0_i32 = arith.constant 0 : i32
    %c0_i32_0 = arith.constant 0 : i32
    %c0_i32_1 = arith.constant 0 : i32
    return %c0_i32, %c0_i32_0 : i32, i32
  }
  func.func @transform_4(%arg0: i32) -> (i32, i32) {
    %c0_i32 = arith.constant 0 : i32
    %c0_i32_0 = arith.constant 0 : i32
    return %arg0, %c0_i32 : i32, i32
  }
  func.func @transform_5(%arg0: i32) -> (i32, i32) {
    %c0_i32 = arith.constant 0 : i32
    %c0_i32_0 = arith.constant 0 : i32
    return %c0_i32, %arg0 : i32, i32
  }
  func.func @transform_6(%arg0: i32) -> (i32, i32) {
    %c0_i32 = arith.constant 0 : i32
    %c0_i32_0 = arith.constant 0 : i32
    return %arg0, %c0_i32 : i32, i32
  }
}

module attributes {stable_mosaic.version = 14 : i64} {
  func.func @_topk_body(%arg0: i32, %arg1: i32, %arg2: memref<512x4xf32, #tpu.memory_space<vmem>>, %arg3: memref<4x2048xf32, #tpu.memory_space<vmem>>, %arg4: memref<16x512xi32, #tpu.memory_space<vmem>>, %arg5: memref<512x16xf32, #tpu.memory_space<vmem>>) attributes {dimension_semantics = [#tpu.dimension_semantics<arbitrary>, #tpu.dimension_semantics<arbitrary>], iteration_bounds = array<i64: 2, 4>, scalar_prefetch = 0 : i64, scratch_operands = 0 : i64, tpu.core_type = #tpu.core_type<tc>, window_params = [{transform_indices = @transform_0, window_bounds = array<i64: 512, 4>}, {transform_indices = @transform_1, window_bounds = array<i64: 4, 2048>}, {transform_indices = @transform_2, window_bounds = array<i64: 16, 512>}, {transform_indices = @transform_3, window_bounds = array<i64: 512, 16>}]} {
    %add3A = arith.constant 2 : i32
    %add3A_0 = arith.addi %arg0, %add3A : i32
    %get3A = arith.constant 0 : index
    %get3A_1 = arith.constant 0 : index
    %get3A_2 = vector.load %arg2[%get3A, %get3A_1] : memref<512x4xf32, #tpu.memory_space<vmem>>, vector<512x4xf32>
    %get3A_3 = arith.constant 0 : index
    %get3A_4 = arith.constant 0 : index
    %get3A_5 = vector.load %arg3[%get3A_3, %get3A_4] : memref<4x2048xf32, #tpu.memory_space<vmem>>, vector<4x2048xf32>
    %mul3A = arith.mulf %get3A_2, %get3A_2 : vector<512x4xf32>
    %reduce_sum3A = arith.constant dense<0.000000e+00> : vector<512xf32>
    %reduce_sum3A_6 = vector.multi_reduction <add>, %mul3A, %reduce_sum3A [1] : vector<512x4xf32> to vector<512xf32>
    %broadcast_in_dim3A = vector.shape_cast %reduce_sum3A_6 : vector<512xf32> to vector<512x1xf32>
    %mul3A_7 = arith.mulf %get3A_5, %get3A_5 : vector<4x2048xf32>
    %reduce_sum3A_8 = arith.constant dense<0.000000e+00> : vector<2048xf32>
    %reduce_sum3A_9 = vector.multi_reduction <add>, %mul3A_7, %reduce_sum3A_8 [0] : vector<4x2048xf32> to vector<2048xf32>
    %broadcast_in_dim3A_10 = vector.shape_cast %reduce_sum3A_9 : vector<2048xf32> to vector<1x2048xf32>
    %add3A_11 = vector.broadcast %broadcast_in_dim3A : vector<512x1xf32> to vector<512x2048xf32>
    %add3A_12 = vector.broadcast %broadcast_in_dim3A_10 : vector<1x2048xf32> to vector<512x2048xf32>
    %add3A_13 = arith.addf %add3A_11, %add3A_12 : vector<512x2048xf32>
    %dot_general3A = arith.constant dense<0.000000e+00> : vector<512x2048xf32>
    %dot_general3A_14 = tpu.matmul %get3A_2, %get3A_5, %dot_general3A {dimension_numbers = #tpu.dot_dimension_numbers<[1], [0], [0], [1], [0, 0, 1, 1], [], []>, transpose_lhs_hint = false} : vector<512x4xf32>, vector<4x2048xf32>, vector<512x2048xf32> -> vector<512x2048xf32>
    %mul3A_15 = arith.constant 2.000000e+00 : f32
    %mul3A_16 = vector.broadcast %mul3A_15 : f32 to vector<512x2048xf32>
    %mul3A_17 = arith.mulf %mul3A_16, %dot_general3A_14 : vector<512x2048xf32>
    %sub3A = arith.subf %add3A_13, %mul3A_17 : vector<512x2048xf32>
    %jit3A = arith.constant 0.000000e+00 : f32
    %jit3A_18 = arith.constant 1.000000e+30 : f32
    %max3A = vector.broadcast %jit3A : f32 to vector<512x2048xf32>
    %max3A_19 = arith.maximumf %max3A, %sub3A : vector<512x2048xf32>
    %min3A = vector.broadcast %jit3A_18 : f32 to vector<512x2048xf32>
    %min3A_20 = arith.minimumf %min3A, %max3A_19 : vector<512x2048xf32>
    %iota3A = tpu.iota {dimensions = array<i32: 1>} : vector<512x2048xi32>
    %bitcast_convert_type3A = tpu.bitcast %min3A_20 : vector<512x2048xf32> -> vector<512x2048xi32>
    %and3A = arith.constant -2048 : i32
    %and3A_21 = vector.broadcast %and3A : i32 to vector<512x2048xi32>
    %and3A_22 = arith.andi %bitcast_convert_type3A, %and3A_21 : vector<512x2048xi32>
    %or3A = arith.ori %and3A_22, %iota3A : vector<512x2048xi32>
    %add3A_23 = arith.constant 134217728 : i32
    %add3A_24 = vector.broadcast %add3A_23 : i32 to vector<512x2048xi32>
    %add3A_25 = arith.addi %or3A, %add3A_24 : vector<512x2048xi32>
    %bitcast_convert_type3A_26 = tpu.bitcast %add3A_25 : vector<512x2048xi32> -> vector<512x2048xf32>
    %reduce_min3A = arith.constant dense<0x7F800000> : vector<512xf32>
    %reduce_min3A_27 = vector.multi_reduction <minimumf>, %bitcast_convert_type3A_26, %reduce_min3A [1] : vector<512x2048xf32> to vector<512xf32>
    %broadcast_in_dim3A_28 = vector.shape_cast %reduce_min3A_27 : vector<512xf32> to vector<512x1xf32>
    %gt3A = vector.broadcast %broadcast_in_dim3A_28 : vector<512x1xf32> to vector<512x2048xf32>
    %gt3A_29 = arith.cmpf ogt, %bitcast_convert_type3A_26, %gt3A : vector<512x2048xf32>
    %jit3A_30 = arith.constant 0x7F800000 : f32
    %broadcast_in_dim3A_31 = vector.broadcast %jit3A_30 : f32 to vector<512x2048xf32>
    %select_n3A = arith.select %gt3A_29, %bitcast_convert_type3A_26, %broadcast_in_dim3A_31 : vector<512x2048xi1>, vector<512x2048xf32>
    %reduce_min3A_32 = arith.constant dense<0x7F800000> : vector<512xf32>
    %reduce_min3A_33 = vector.multi_reduction <minimumf>, %select_n3A, %reduce_min3A_32 [1] : vector<512x2048xf32> to vector<512xf32>
    %broadcast_in_dim3A_34 = vector.shape_cast %reduce_min3A_33 : vector<512xf32> to vector<512x1xf32>
    %gt3A_35 = vector.broadcast %broadcast_in_dim3A_34 : vector<512x1xf32> to vector<512x2048xf32>
    %gt3A_36 = arith.cmpf ogt, %bitcast_convert_type3A_26, %gt3A_35 : vector<512x2048xf32>
    %jit3A_37 = arith.constant 0x7F800000 : f32
    %broadcast_in_dim3A_38 = vector.broadcast %jit3A_37 : f32 to vector<512x2048xf32>
    %select_n3A_39 = arith.select %gt3A_36, %bitcast_convert_type3A_26, %broadcast_in_dim3A_38 : vector<512x2048xi1>, vector<512x2048xf32>
    %reduce_min3A_40 = arith.constant dense<0x7F800000> : vector<512xf32>
    %reduce_min3A_41 = vector.multi_reduction <minimumf>, %select_n3A_39, %reduce_min3A_40 [1] : vector<512x2048xf32> to vector<512xf32>
    %broadcast_in_dim3A_42 = vector.shape_cast %reduce_min3A_41 : vector<512xf32> to vector<512x1xf32>
    %gt3A_43 = vector.broadcast %broadcast_in_dim3A_42 : vector<512x1xf32> to vector<512x2048xf32>
    %gt3A_44 = arith.cmpf ogt, %bitcast_convert_type3A_26, %gt3A_43 : vector<512x2048xf32>
    %jit3A_45 = arith.constant 0x7F800000 : f32
    %broadcast_in_dim3A_46 = vector.broadcast %jit3A_45 : f32 to vector<512x2048xf32>
    %select_n3A_47 = arith.select %gt3A_44, %bitcast_convert_type3A_26, %broadcast_in_dim3A_46 : vector<512x2048xi1>, vector<512x2048xf32>
    %reduce_min3A_48 = arith.constant dense<0x7F800000> : vector<512xf32>
    %reduce_min3A_49 = vector.multi_reduction <minimumf>, %select_n3A_47, %reduce_min3A_48 [1] : vector<512x2048xf32> to vector<512xf32>
    %broadcast_in_dim3A_50 = vector.shape_cast %reduce_min3A_49 : vector<512xf32> to vector<512x1xf32>
    %gt3A_51 = vector.broadcast %broadcast_in_dim3A_50 : vector<512x1xf32> to vector<512x2048xf32>
    %gt3A_52 = arith.cmpf ogt, %bitcast_convert_type3A_26, %gt3A_51 : vector<512x2048xf32>
    %jit3A_53 = arith.constant 0x7F800000 : f32
    %broadcast_in_dim3A_54 = vector.broadcast %jit3A_53 : f32 to vector<512x2048xf32>
    %select_n3A_55 = arith.select %gt3A_52, %bitcast_convert_type3A_26, %broadcast_in_dim3A_54 : vector<512x2048xi1>, vector<512x2048xf32>
    %reduce_min3A_56 = arith.constant dense<0x7F800000> : vector<512xf32>
    %reduce_min3A_57 = vector.multi_reduction <minimumf>, %select_n3A_55, %reduce_min3A_56 [1] : vector<512x2048xf32> to vector<512xf32>
    %broadcast_in_dim3A_58 = vector.shape_cast %reduce_min3A_57 : vector<512xf32> to vector<512x1xf32>
    %gt3A_59 = vector.broadcast %broadcast_in_dim3A_58 : vector<512x1xf32> to vector<512x2048xf32>
    %gt3A_60 = arith.cmpf ogt, %bitcast_convert_type3A_26, %gt3A_59 : vector<512x2048xf32>
    %jit3A_61 = arith.constant 0x7F800000 : f32
    %broadcast_in_dim3A_62 = vector.broadcast %jit3A_61 : f32 to vector<512x2048xf32>
    %select_n3A_63 = arith.select %gt3A_60, %bitcast_convert_type3A_26, %broadcast_in_dim3A_62 : vector<512x2048xi1>, vector<512x2048xf32>
    %reduce_min3A_64 = arith.constant dense<0x7F800000> : vector<512xf32>
    %reduce_min3A_65 = vector.multi_reduction <minimumf>, %select_n3A_63, %reduce_min3A_64 [1] : vector<512x2048xf32> to vector<512xf32>
    %broadcast_in_dim3A_66 = vector.shape_cast %reduce_min3A_65 : vector<512xf32> to vector<512x1xf32>
    %gt3A_67 = vector.broadcast %broadcast_in_dim3A_66 : vector<512x1xf32> to vector<512x2048xf32>
    %gt3A_68 = arith.cmpf ogt, %bitcast_convert_type3A_26, %gt3A_67 : vector<512x2048xf32>
    %jit3A_69 = arith.constant 0x7F800000 : f32
    %broadcast_in_dim3A_70 = vector.broadcast %jit3A_69 : f32 to vector<512x2048xf32>
    %select_n3A_71 = arith.select %gt3A_68, %bitcast_convert_type3A_26, %broadcast_in_dim3A_70 : vector<512x2048xi1>, vector<512x2048xf32>
    %reduce_min3A_72 = arith.constant dense<0x7F800000> : vector<512xf32>
    %reduce_min3A_73 = vector.multi_reduction <minimumf>, %select_n3A_71, %reduce_min3A_72 [1] : vector<512x2048xf32> to vector<512xf32>
    %broadcast_in_dim3A_74 = vector.shape_cast %reduce_min3A_73 : vector<512xf32> to vector<512x1xf32>
    %gt3A_75 = vector.broadcast %broadcast_in_dim3A_74 : vector<512x1xf32> to vector<512x2048xf32>
    %gt3A_76 = arith.cmpf ogt, %bitcast_convert_type3A_26, %gt3A_75 : vector<512x2048xf32>
    %jit3A_77 = arith.constant 0x7F800000 : f32
    %broadcast_in_dim3A_78 = vector.broadcast %jit3A_77 : f32 to vector<512x2048xf32>
    %select_n3A_79 = arith.select %gt3A_76, %bitcast_convert_type3A_26, %broadcast_in_dim3A_78 : vector<512x2048xi1>, vector<512x2048xf32>
    %reduce_min3A_80 = arith.constant dense<0x7F800000> : vector<512xf32>
    %reduce_min3A_81 = vector.multi_reduction <minimumf>, %select_n3A_79, %reduce_min3A_80 [1] : vector<512x2048xf32> to vector<512xf32>
    %broadcast_in_dim3A_82 = vector.shape_cast %reduce_min3A_81 : vector<512xf32> to vector<512x1xf32>
    %gt3A_83 = vector.broadcast %broadcast_in_dim3A_82 : vector<512x1xf32> to vector<512x2048xf32>
    %gt3A_84 = arith.cmpf ogt, %bitcast_convert_type3A_26, %gt3A_83 : vector<512x2048xf32>
    %jit3A_85 = arith.constant 0x7F800000 : f32
    %broadcast_in_dim3A_86 = vector.broadcast %jit3A_85 : f32 to vector<512x2048xf32>
    %select_n3A_87 = arith.select %gt3A_84, %bitcast_convert_type3A_26, %broadcast_in_dim3A_86 : vector<512x2048xi1>, vector<512x2048xf32>
    %reduce_min3A_88 = arith.constant dense<0x7F800000> : vector<512xf32>
    %reduce_min3A_89 = vector.multi_reduction <minimumf>, %select_n3A_87, %reduce_min3A_88 [1] : vector<512x2048xf32> to vector<512xf32>
    %broadcast_in_dim3A_90 = vector.shape_cast %reduce_min3A_89 : vector<512xf32> to vector<512x1xf32>
    %gt3A_91 = vector.broadcast %broadcast_in_dim3A_90 : vector<512x1xf32> to vector<512x2048xf32>
    %gt3A_92 = arith.cmpf ogt, %bitcast_convert_type3A_26, %gt3A_91 : vector<512x2048xf32>
    %jit3A_93 = arith.constant 0x7F800000 : f32
    %broadcast_in_dim3A_94 = vector.broadcast %jit3A_93 : f32 to vector<512x2048xf32>
    %select_n3A_95 = arith.select %gt3A_92, %bitcast_convert_type3A_26, %broadcast_in_dim3A_94 : vector<512x2048xi1>, vector<512x2048xf32>
    %reduce_min3A_96 = arith.constant dense<0x7F800000> : vector<512xf32>
    %reduce_min3A_97 = vector.multi_reduction <minimumf>, %select_n3A_95, %reduce_min3A_96 [1] : vector<512x2048xf32> to vector<512xf32>
    %broadcast_in_dim3A_98 = vector.shape_cast %reduce_min3A_97 : vector<512xf32> to vector<512x1xf32>
    %gt3A_99 = vector.broadcast %broadcast_in_dim3A_98 : vector<512x1xf32> to vector<512x2048xf32>
    %gt3A_100 = arith.cmpf ogt, %bitcast_convert_type3A_26, %gt3A_99 : vector<512x2048xf32>
    %jit3A_101 = arith.constant 0x7F800000 : f32
    %broadcast_in_dim3A_102 = vector.broadcast %jit3A_101 : f32 to vector<512x2048xf32>
    %select_n3A_103 = arith.select %gt3A_100, %bitcast_convert_type3A_26, %broadcast_in_dim3A_102 : vector<512x2048xi1>, vector<512x2048xf32>
    %reduce_min3A_104 = arith.constant dense<0x7F800000> : vector<512xf32>
    %reduce_min3A_105 = vector.multi_reduction <minimumf>, %select_n3A_103, %reduce_min3A_104 [1] : vector<512x2048xf32> to vector<512xf32>
    %broadcast_in_dim3A_106 = vector.shape_cast %reduce_min3A_105 : vector<512xf32> to vector<512x1xf32>
    %gt3A_107 = vector.broadcast %broadcast_in_dim3A_106 : vector<512x1xf32> to vector<512x2048xf32>
    %gt3A_108 = arith.cmpf ogt, %bitcast_convert_type3A_26, %gt3A_107 : vector<512x2048xf32>
    %jit3A_109 = arith.constant 0x7F800000 : f32
    %broadcast_in_dim3A_110 = vector.broadcast %jit3A_109 : f32 to vector<512x2048xf32>
    %select_n3A_111 = arith.select %gt3A_108, %bitcast_convert_type3A_26, %broadcast_in_dim3A_110 : vector<512x2048xi1>, vector<512x2048xf32>
    %reduce_min3A_112 = arith.constant dense<0x7F800000> : vector<512xf32>
    %reduce_min3A_113 = vector.multi_reduction <minimumf>, %select_n3A_111, %reduce_min3A_112 [1] : vector<512x2048xf32> to vector<512xf32>
    %broadcast_in_dim3A_114 = vector.shape_cast %reduce_min3A_113 : vector<512xf32> to vector<512x1xf32>
    %gt3A_115 = vector.broadcast %broadcast_in_dim3A_114 : vector<512x1xf32> to vector<512x2048xf32>
    %gt3A_116 = arith.cmpf ogt, %bitcast_convert_type3A_26, %gt3A_115 : vector<512x2048xf32>
    %jit3A_117 = arith.constant 0x7F800000 : f32
    %broadcast_in_dim3A_118 = vector.broadcast %jit3A_117 : f32 to vector<512x2048xf32>
    %select_n3A_119 = arith.select %gt3A_116, %bitcast_convert_type3A_26, %broadcast_in_dim3A_118 : vector<512x2048xi1>, vector<512x2048xf32>
    %reduce_min3A_120 = arith.constant dense<0x7F800000> : vector<512xf32>
    %reduce_min3A_121 = vector.multi_reduction <minimumf>, %select_n3A_119, %reduce_min3A_120 [1] : vector<512x2048xf32> to vector<512xf32>
    %broadcast_in_dim3A_122 = vector.shape_cast %reduce_min3A_121 : vector<512xf32> to vector<512x1xf32>
    %gt3A_123 = vector.broadcast %broadcast_in_dim3A_122 : vector<512x1xf32> to vector<512x2048xf32>
    %gt3A_124 = arith.cmpf ogt, %bitcast_convert_type3A_26, %gt3A_123 : vector<512x2048xf32>
    %jit3A_125 = arith.constant 0x7F800000 : f32
    %broadcast_in_dim3A_126 = vector.broadcast %jit3A_125 : f32 to vector<512x2048xf32>
    %select_n3A_127 = arith.select %gt3A_124, %bitcast_convert_type3A_26, %broadcast_in_dim3A_126 : vector<512x2048xi1>, vector<512x2048xf32>
    %reduce_min3A_128 = arith.constant dense<0x7F800000> : vector<512xf32>
    %reduce_min3A_129 = vector.multi_reduction <minimumf>, %select_n3A_127, %reduce_min3A_128 [1] : vector<512x2048xf32> to vector<512xf32>
    %broadcast_in_dim3A_130 = vector.shape_cast %reduce_min3A_129 : vector<512xf32> to vector<512x1xf32>
    %gt3A_131 = vector.broadcast %broadcast_in_dim3A_130 : vector<512x1xf32> to vector<512x2048xf32>
    %gt3A_132 = arith.cmpf ogt, %bitcast_convert_type3A_26, %gt3A_131 : vector<512x2048xf32>
    %jit3A_133 = arith.constant 0x7F800000 : f32
    %broadcast_in_dim3A_134 = vector.broadcast %jit3A_133 : f32 to vector<512x2048xf32>
    %select_n3A_135 = arith.select %gt3A_132, %bitcast_convert_type3A_26, %broadcast_in_dim3A_134 : vector<512x2048xi1>, vector<512x2048xf32>
    %reduce_min3A_136 = arith.constant dense<0x7F800000> : vector<512xf32>
    %reduce_min3A_137 = vector.multi_reduction <minimumf>, %select_n3A_135, %reduce_min3A_136 [1] : vector<512x2048xf32> to vector<512xf32>
    %broadcast_in_dim3A_138 = vector.shape_cast %reduce_min3A_137 : vector<512xf32> to vector<512x1xf32>
    %gt3A_139 = vector.broadcast %broadcast_in_dim3A_138 : vector<512x1xf32> to vector<512x2048xf32>
    %gt3A_140 = arith.cmpf ogt, %bitcast_convert_type3A_26, %gt3A_139 : vector<512x2048xf32>
    %jit3A_141 = arith.constant 0x7F800000 : f32
    %broadcast_in_dim3A_142 = vector.broadcast %jit3A_141 : f32 to vector<512x2048xf32>
    %select_n3A_143 = arith.select %gt3A_140, %bitcast_convert_type3A_26, %broadcast_in_dim3A_142 : vector<512x2048xi1>, vector<512x2048xf32>
    %reduce_min3A_144 = arith.constant dense<0x7F800000> : vector<512xf32>
    %reduce_min3A_145 = vector.multi_reduction <minimumf>, %select_n3A_143, %reduce_min3A_144 [1] : vector<512x2048xf32> to vector<512xf32>
    %broadcast_in_dim3A_146 = vector.shape_cast %reduce_min3A_145 : vector<512xf32> to vector<512x1xf32>
    %concatenate3A = tpu.concatenate %broadcast_in_dim3A_28, %broadcast_in_dim3A_34, %broadcast_in_dim3A_42, %broadcast_in_dim3A_50, %broadcast_in_dim3A_58, %broadcast_in_dim3A_66, %broadcast_in_dim3A_74, %broadcast_in_dim3A_82, %broadcast_in_dim3A_90, %broadcast_in_dim3A_98, %broadcast_in_dim3A_106, %broadcast_in_dim3A_114, %broadcast_in_dim3A_122, %broadcast_in_dim3A_130, %broadcast_in_dim3A_138, %broadcast_in_dim3A_146 in 1 : vector<512x1xf32>, vector<512x1xf32>, vector<512x1xf32>, vector<512x1xf32>, vector<512x1xf32>, vector<512x1xf32>, vector<512x1xf32>, vector<512x1xf32>, vector<512x1xf32>, vector<512x1xf32>, vector<512x1xf32>, vector<512x1xf32>, vector<512x1xf32>, vector<512x1xf32>, vector<512x1xf32>, vector<512x1xf32> -> vector<512x16xf32>
    %bitcast_convert_type3A_147 = tpu.bitcast %concatenate3A : vector<512x16xf32> -> vector<512x16xi32>
    %sub3A_148 = arith.constant 134217728 : i32
    %sub3A_149 = vector.broadcast %sub3A_148 : i32 to vector<512x16xi32>
    %sub3A_150 = arith.subi %bitcast_convert_type3A_147, %sub3A_149 : vector<512x16xi32>
    %and3A_151 = arith.constant 2047 : i32
    %and3A_152 = vector.broadcast %and3A_151 : i32 to vector<512x16xi32>
    %and3A_153 = arith.andi %sub3A_150, %and3A_152 : vector<512x16xi32>
    %mul3A_154 = arith.constant 2048 : i32
    %mul3A_155 = arith.muli %add3A_0, %mul3A_154 : i32
    %add3A_156 = vector.broadcast %mul3A_155 : i32 to vector<512x16xi32>
    %add3A_157 = arith.addi %and3A_153, %add3A_156 : vector<512x16xi32>
    %transpose3A = tpu.transpose %add3A_157, [1, 0] : vector<512x16xi32> -> vector<16x512xi32>
    %swap3A = arith.constant 0 : index
    %swap3A_158 = arith.constant 0 : index
    %swap3A_159 = vector.load %arg4[%swap3A, %swap3A_158] : memref<16x512xi32, #tpu.memory_space<vmem>>, vector<16x512xi32>
    tpu.vector_store %arg4[%swap3A, %swap3A_158], %transpose3A {strides = array<i32>} : memref<16x512xi32, #tpu.memory_space<vmem>>, vector<16x512xi32>,
    %and3A_160 = arith.constant -2048 : i32
    %and3A_161 = vector.broadcast %and3A_160 : i32 to vector<512x16xi32>
    %and3A_162 = arith.andi %sub3A_150, %and3A_161 : vector<512x16xi32>
    %bitcast_convert_type3A_163 = tpu.bitcast %and3A_162 : vector<512x16xi32> -> vector<512x16xf32>
    %mul3A_164 = arith.constant -1.000000e+01 : f32
    %mul3A_165 = vector.broadcast %mul3A_164 : f32 to vector<512x16xf32>
    %mul3A_166 = arith.mulf %mul3A_165, %bitcast_convert_type3A_163 : vector<512x16xf32>
    %exp3A = math.exp %mul3A_166 : vector<512x16xf32>
    %swap3A_167 = arith.constant 0 : index
    %swap3A_168 = arith.constant 0 : index
    %swap3A_169 = vector.load %arg5[%swap3A_167, %swap3A_168] : memref<512x16xf32, #tpu.memory_space<vmem>>, vector<512x16xf32>
    tpu.vector_store %arg5[%swap3A_167, %swap3A_168], %exp3A {strides = array<i32>} : memref<512x16xf32, #tpu.memory_space<vmem>>, vector<512x16xf32>,
    return
  }
  func.func @transform_0(%arg0: i32, %arg1: i32) -> (i32, i32) {
    %mul3A = arith.constant 4 : i32
    %mul3A_0 = arith.muli %arg0, %mul3A : i32
    %add3A = arith.constant 8 : i32
    %add3A_1 = arith.addi %add3A, %mul3A_0 : i32
    %add3A_2 = arith.addi %add3A_1, %arg1 : i32
    %c0_i32 = arith.constant 0 : i32
    %c0_i32_3 = arith.constant 0 : i32
    return %add3A_2, %c0_i32 : i32, i32
  }
  func.func @transform_1(%arg0: i32, %arg1: i32) -> (i32, i32) {
    %add3A = arith.constant 2 : i32
    %add3A_0 = arith.addi %add3A, %arg0 : i32
    %c0_i32 = arith.constant 0 : i32
    %c0_i32_1 = arith.constant 0 : i32
    return %c0_i32, %add3A_0 : i32, i32
  }
  func.func @transform_2(%arg0: i32, %arg1: i32) -> (i32, i32) {
    %mul3A = arith.constant 4 : i32
    %mul3A_0 = arith.muli %arg0, %mul3A : i32
    %add3A = arith.addi %mul3A_0, %arg1 : i32
    %c0_i32 = arith.constant 0 : i32
    %c0_i32_1 = arith.constant 0 : i32
    return %c0_i32, %add3A : i32, i32
  }
  func.func @transform_3(%arg0: i32, %arg1: i32) -> (i32, i32) {
    %mul3A = arith.constant 4 : i32
    %mul3A_0 = arith.muli %arg0, %mul3A : i32
    %add3A = arith.addi %mul3A_0, %arg1 : i32
    %c0_i32 = arith.constant 0 : i32
    %c0_i32_1 = arith.constant 0 : i32
    return %add3A, %c0_i32 : i32, i32
  }
}

module attributes {stable_mosaic.version = 14 : i64} {
  func.func @_topk_body(%arg0: i32, %arg1: i32, %arg2: memref<512x4xf32, #tpu.memory_space<vmem>>, %arg3: memref<4x2048xf32, #tpu.memory_space<vmem>>, %arg4: memref<16x512xi32, #tpu.memory_space<vmem>>, %arg5: memref<512x16xf32, #tpu.memory_space<vmem>>) attributes {dimension_semantics = [#tpu.dimension_semantics<arbitrary>, #tpu.dimension_semantics<arbitrary>], iteration_bounds = array<i64: 2, 4>, scalar_prefetch = 0 : i64, scratch_operands = 0 : i64, tpu.core_type = #tpu.core_type<tc>, window_params = [{transform_indices = @transform_0, window_bounds = array<i64: 512, 4>}, {transform_indices = @transform_1, window_bounds = array<i64: 4, 2048>}, {transform_indices = @transform_2, window_bounds = array<i64: 16, 512>}, {transform_indices = @transform_3, window_bounds = array<i64: 512, 16>}]} {
    %add3A = arith.constant 0 : i32
    %add3A_0 = arith.addi %arg0, %add3A : i32
    %get3A = arith.constant 0 : index
    %get3A_1 = arith.constant 0 : index
    %get3A_2 = vector.load %arg2[%get3A, %get3A_1] : memref<512x4xf32, #tpu.memory_space<vmem>>, vector<512x4xf32>
    %get3A_3 = arith.constant 0 : index
    %get3A_4 = arith.constant 0 : index
    %get3A_5 = vector.load %arg3[%get3A_3, %get3A_4] : memref<4x2048xf32, #tpu.memory_space<vmem>>, vector<4x2048xf32>
    %mul3A = arith.mulf %get3A_2, %get3A_2 : vector<512x4xf32>
    %reduce_sum3A = arith.constant dense<0.000000e+00> : vector<512xf32>
    %reduce_sum3A_6 = vector.multi_reduction <add>, %mul3A, %reduce_sum3A [1] : vector<512x4xf32> to vector<512xf32>
    %broadcast_in_dim3A = vector.shape_cast %reduce_sum3A_6 : vector<512xf32> to vector<512x1xf32>
    %mul3A_7 = arith.mulf %get3A_5, %get3A_5 : vector<4x2048xf32>
    %reduce_sum3A_8 = arith.constant dense<0.000000e+00> : vector<2048xf32>
    %reduce_sum3A_9 = vector.multi_reduction <add>, %mul3A_7, %reduce_sum3A_8 [0] : vector<4x2048xf32> to vector<2048xf32>
    %broadcast_in_dim3A_10 = vector.shape_cast %reduce_sum3A_9 : vector<2048xf32> to vector<1x2048xf32>
    %add3A_11 = vector.broadcast %broadcast_in_dim3A : vector<512x1xf32> to vector<512x2048xf32>
    %add3A_12 = vector.broadcast %broadcast_in_dim3A_10 : vector<1x2048xf32> to vector<512x2048xf32>
    %add3A_13 = arith.addf %add3A_11, %add3A_12 : vector<512x2048xf32>
    %dot_general3A = arith.constant dense<0.000000e+00> : vector<512x2048xf32>
    %dot_general3A_14 = tpu.matmul %get3A_2, %get3A_5, %dot_general3A {dimension_numbers = #tpu.dot_dimension_numbers<[1], [0], [0], [1], [0, 0, 1, 1], [], []>, transpose_lhs_hint = false} : vector<512x4xf32>, vector<4x2048xf32>, vector<512x2048xf32> -> vector<512x2048xf32>
    %mul3A_15 = arith.constant 2.000000e+00 : f32
    %mul3A_16 = vector.broadcast %mul3A_15 : f32 to vector<512x2048xf32>
    %mul3A_17 = arith.mulf %mul3A_16, %dot_general3A_14 : vector<512x2048xf32>
    %sub3A = arith.subf %add3A_13, %mul3A_17 : vector<512x2048xf32>
    %jit3A = arith.constant 0.000000e+00 : f32
    %jit3A_18 = arith.constant 1.000000e+30 : f32
    %max3A = vector.broadcast %jit3A : f32 to vector<512x2048xf32>
    %max3A_19 = arith.maximumf %max3A, %sub3A : vector<512x2048xf32>
    %min3A = vector.broadcast %jit3A_18 : f32 to vector<512x2048xf32>
    %min3A_20 = arith.minimumf %min3A, %max3A_19 : vector<512x2048xf32>
    %iota3A = tpu.iota {dimensions = array<i32: 1>} : vector<512x2048xi32>
    %bitcast_convert_type3A = tpu.bitcast %min3A_20 : vector<512x2048xf32> -> vector<512x2048xi32>
    %and3A = arith.constant -2048 : i32
    %and3A_21 = vector.broadcast %and3A : i32 to vector<512x2048xi32>
    %and3A_22 = arith.andi %bitcast_convert_type3A, %and3A_21 : vector<512x2048xi32>
    %or3A = arith.ori %and3A_22, %iota3A : vector<512x2048xi32>
    %add3A_23 = arith.constant 134217728 : i32
    %add3A_24 = vector.broadcast %add3A_23 : i32 to vector<512x2048xi32>
    %add3A_25 = arith.addi %or3A, %add3A_24 : vector<512x2048xi32>
    %bitcast_convert_type3A_26 = tpu.bitcast %add3A_25 : vector<512x2048xi32> -> vector<512x2048xf32>
    %reduce_min3A = arith.constant dense<0x7F800000> : vector<512xf32>
    %reduce_min3A_27 = vector.multi_reduction <minimumf>, %bitcast_convert_type3A_26, %reduce_min3A [1] : vector<512x2048xf32> to vector<512xf32>
    %broadcast_in_dim3A_28 = vector.shape_cast %reduce_min3A_27 : vector<512xf32> to vector<512x1xf32>
    %gt3A = vector.broadcast %broadcast_in_dim3A_28 : vector<512x1xf32> to vector<512x2048xf32>
    %gt3A_29 = arith.cmpf ogt, %bitcast_convert_type3A_26, %gt3A : vector<512x2048xf32>
    %jit3A_30 = arith.constant 0x7F800000 : f32
    %broadcast_in_dim3A_31 = vector.broadcast %jit3A_30 : f32 to vector<512x2048xf32>
    %select_n3A = arith.select %gt3A_29, %bitcast_convert_type3A_26, %broadcast_in_dim3A_31 : vector<512x2048xi1>, vector<512x2048xf32>
    %reduce_min3A_32 = arith.constant dense<0x7F800000> : vector<512xf32>
    %reduce_min3A_33 = vector.multi_reduction <minimumf>, %select_n3A, %reduce_min3A_32 [1] : vector<512x2048xf32> to vector<512xf32>
    %broadcast_in_dim3A_34 = vector.shape_cast %reduce_min3A_33 : vector<512xf32> to vector<512x1xf32>
    %gt3A_35 = vector.broadcast %broadcast_in_dim3A_34 : vector<512x1xf32> to vector<512x2048xf32>
    %gt3A_36 = arith.cmpf ogt, %bitcast_convert_type3A_26, %gt3A_35 : vector<512x2048xf32>
    %jit3A_37 = arith.constant 0x7F800000 : f32
    %broadcast_in_dim3A_38 = vector.broadcast %jit3A_37 : f32 to vector<512x2048xf32>
    %select_n3A_39 = arith.select %gt3A_36, %bitcast_convert_type3A_26, %broadcast_in_dim3A_38 : vector<512x2048xi1>, vector<512x2048xf32>
    %reduce_min3A_40 = arith.constant dense<0x7F800000> : vector<512xf32>
    %reduce_min3A_41 = vector.multi_reduction <minimumf>, %select_n3A_39, %reduce_min3A_40 [1] : vector<512x2048xf32> to vector<512xf32>
    %broadcast_in_dim3A_42 = vector.shape_cast %reduce_min3A_41 : vector<512xf32> to vector<512x1xf32>
    %gt3A_43 = vector.broadcast %broadcast_in_dim3A_42 : vector<512x1xf32> to vector<512x2048xf32>
    %gt3A_44 = arith.cmpf ogt, %bitcast_convert_type3A_26, %gt3A_43 : vector<512x2048xf32>
    %jit3A_45 = arith.constant 0x7F800000 : f32
    %broadcast_in_dim3A_46 = vector.broadcast %jit3A_45 : f32 to vector<512x2048xf32>
    %select_n3A_47 = arith.select %gt3A_44, %bitcast_convert_type3A_26, %broadcast_in_dim3A_46 : vector<512x2048xi1>, vector<512x2048xf32>
    %reduce_min3A_48 = arith.constant dense<0x7F800000> : vector<512xf32>
    %reduce_min3A_49 = vector.multi_reduction <minimumf>, %select_n3A_47, %reduce_min3A_48 [1] : vector<512x2048xf32> to vector<512xf32>
    %broadcast_in_dim3A_50 = vector.shape_cast %reduce_min3A_49 : vector<512xf32> to vector<512x1xf32>
    %gt3A_51 = vector.broadcast %broadcast_in_dim3A_50 : vector<512x1xf32> to vector<512x2048xf32>
    %gt3A_52 = arith.cmpf ogt, %bitcast_convert_type3A_26, %gt3A_51 : vector<512x2048xf32>
    %jit3A_53 = arith.constant 0x7F800000 : f32
    %broadcast_in_dim3A_54 = vector.broadcast %jit3A_53 : f32 to vector<512x2048xf32>
    %select_n3A_55 = arith.select %gt3A_52, %bitcast_convert_type3A_26, %broadcast_in_dim3A_54 : vector<512x2048xi1>, vector<512x2048xf32>
    %reduce_min3A_56 = arith.constant dense<0x7F800000> : vector<512xf32>
    %reduce_min3A_57 = vector.multi_reduction <minimumf>, %select_n3A_55, %reduce_min3A_56 [1] : vector<512x2048xf32> to vector<512xf32>
    %broadcast_in_dim3A_58 = vector.shape_cast %reduce_min3A_57 : vector<512xf32> to vector<512x1xf32>
    %gt3A_59 = vector.broadcast %broadcast_in_dim3A_58 : vector<512x1xf32> to vector<512x2048xf32>
    %gt3A_60 = arith.cmpf ogt, %bitcast_convert_type3A_26, %gt3A_59 : vector<512x2048xf32>
    %jit3A_61 = arith.constant 0x7F800000 : f32
    %broadcast_in_dim3A_62 = vector.broadcast %jit3A_61 : f32 to vector<512x2048xf32>
    %select_n3A_63 = arith.select %gt3A_60, %bitcast_convert_type3A_26, %broadcast_in_dim3A_62 : vector<512x2048xi1>, vector<512x2048xf32>
    %reduce_min3A_64 = arith.constant dense<0x7F800000> : vector<512xf32>
    %reduce_min3A_65 = vector.multi_reduction <minimumf>, %select_n3A_63, %reduce_min3A_64 [1] : vector<512x2048xf32> to vector<512xf32>
    %broadcast_in_dim3A_66 = vector.shape_cast %reduce_min3A_65 : vector<512xf32> to vector<512x1xf32>
    %gt3A_67 = vector.broadcast %broadcast_in_dim3A_66 : vector<512x1xf32> to vector<512x2048xf32>
    %gt3A_68 = arith.cmpf ogt, %bitcast_convert_type3A_26, %gt3A_67 : vector<512x2048xf32>
    %jit3A_69 = arith.constant 0x7F800000 : f32
    %broadcast_in_dim3A_70 = vector.broadcast %jit3A_69 : f32 to vector<512x2048xf32>
    %select_n3A_71 = arith.select %gt3A_68, %bitcast_convert_type3A_26, %broadcast_in_dim3A_70 : vector<512x2048xi1>, vector<512x2048xf32>
    %reduce_min3A_72 = arith.constant dense<0x7F800000> : vector<512xf32>
    %reduce_min3A_73 = vector.multi_reduction <minimumf>, %select_n3A_71, %reduce_min3A_72 [1] : vector<512x2048xf32> to vector<512xf32>
    %broadcast_in_dim3A_74 = vector.shape_cast %reduce_min3A_73 : vector<512xf32> to vector<512x1xf32>
    %gt3A_75 = vector.broadcast %broadcast_in_dim3A_74 : vector<512x1xf32> to vector<512x2048xf32>
    %gt3A_76 = arith.cmpf ogt, %bitcast_convert_type3A_26, %gt3A_75 : vector<512x2048xf32>
    %jit3A_77 = arith.constant 0x7F800000 : f32
    %broadcast_in_dim3A_78 = vector.broadcast %jit3A_77 : f32 to vector<512x2048xf32>
    %select_n3A_79 = arith.select %gt3A_76, %bitcast_convert_type3A_26, %broadcast_in_dim3A_78 : vector<512x2048xi1>, vector<512x2048xf32>
    %reduce_min3A_80 = arith.constant dense<0x7F800000> : vector<512xf32>
    %reduce_min3A_81 = vector.multi_reduction <minimumf>, %select_n3A_79, %reduce_min3A_80 [1] : vector<512x2048xf32> to vector<512xf32>
    %broadcast_in_dim3A_82 = vector.shape_cast %reduce_min3A_81 : vector<512xf32> to vector<512x1xf32>
    %gt3A_83 = vector.broadcast %broadcast_in_dim3A_82 : vector<512x1xf32> to vector<512x2048xf32>
    %gt3A_84 = arith.cmpf ogt, %bitcast_convert_type3A_26, %gt3A_83 : vector<512x2048xf32>
    %jit3A_85 = arith.constant 0x7F800000 : f32
    %broadcast_in_dim3A_86 = vector.broadcast %jit3A_85 : f32 to vector<512x2048xf32>
    %select_n3A_87 = arith.select %gt3A_84, %bitcast_convert_type3A_26, %broadcast_in_dim3A_86 : vector<512x2048xi1>, vector<512x2048xf32>
    %reduce_min3A_88 = arith.constant dense<0x7F800000> : vector<512xf32>
    %reduce_min3A_89 = vector.multi_reduction <minimumf>, %select_n3A_87, %reduce_min3A_88 [1] : vector<512x2048xf32> to vector<512xf32>
    %broadcast_in_dim3A_90 = vector.shape_cast %reduce_min3A_89 : vector<512xf32> to vector<512x1xf32>
    %gt3A_91 = vector.broadcast %broadcast_in_dim3A_90 : vector<512x1xf32> to vector<512x2048xf32>
    %gt3A_92 = arith.cmpf ogt, %bitcast_convert_type3A_26, %gt3A_91 : vector<512x2048xf32>
    %jit3A_93 = arith.constant 0x7F800000 : f32
    %broadcast_in_dim3A_94 = vector.broadcast %jit3A_93 : f32 to vector<512x2048xf32>
    %select_n3A_95 = arith.select %gt3A_92, %bitcast_convert_type3A_26, %broadcast_in_dim3A_94 : vector<512x2048xi1>, vector<512x2048xf32>
    %reduce_min3A_96 = arith.constant dense<0x7F800000> : vector<512xf32>
    %reduce_min3A_97 = vector.multi_reduction <minimumf>, %select_n3A_95, %reduce_min3A_96 [1] : vector<512x2048xf32> to vector<512xf32>
    %broadcast_in_dim3A_98 = vector.shape_cast %reduce_min3A_97 : vector<512xf32> to vector<512x1xf32>
    %gt3A_99 = vector.broadcast %broadcast_in_dim3A_98 : vector<512x1xf32> to vector<512x2048xf32>
    %gt3A_100 = arith.cmpf ogt, %bitcast_convert_type3A_26, %gt3A_99 : vector<512x2048xf32>
    %jit3A_101 = arith.constant 0x7F800000 : f32
    %broadcast_in_dim3A_102 = vector.broadcast %jit3A_101 : f32 to vector<512x2048xf32>
    %select_n3A_103 = arith.select %gt3A_100, %bitcast_convert_type3A_26, %broadcast_in_dim3A_102 : vector<512x2048xi1>, vector<512x2048xf32>
    %reduce_min3A_104 = arith.constant dense<0x7F800000> : vector<512xf32>
    %reduce_min3A_105 = vector.multi_reduction <minimumf>, %select_n3A_103, %reduce_min3A_104 [1] : vector<512x2048xf32> to vector<512xf32>
    %broadcast_in_dim3A_106 = vector.shape_cast %reduce_min3A_105 : vector<512xf32> to vector<512x1xf32>
    %gt3A_107 = vector.broadcast %broadcast_in_dim3A_106 : vector<512x1xf32> to vector<512x2048xf32>
    %gt3A_108 = arith.cmpf ogt, %bitcast_convert_type3A_26, %gt3A_107 : vector<512x2048xf32>
    %jit3A_109 = arith.constant 0x7F800000 : f32
    %broadcast_in_dim3A_110 = vector.broadcast %jit3A_109 : f32 to vector<512x2048xf32>
    %select_n3A_111 = arith.select %gt3A_108, %bitcast_convert_type3A_26, %broadcast_in_dim3A_110 : vector<512x2048xi1>, vector<512x2048xf32>
    %reduce_min3A_112 = arith.constant dense<0x7F800000> : vector<512xf32>
    %reduce_min3A_113 = vector.multi_reduction <minimumf>, %select_n3A_111, %reduce_min3A_112 [1] : vector<512x2048xf32> to vector<512xf32>
    %broadcast_in_dim3A_114 = vector.shape_cast %reduce_min3A_113 : vector<512xf32> to vector<512x1xf32>
    %gt3A_115 = vector.broadcast %broadcast_in_dim3A_114 : vector<512x1xf32> to vector<512x2048xf32>
    %gt3A_116 = arith.cmpf ogt, %bitcast_convert_type3A_26, %gt3A_115 : vector<512x2048xf32>
    %jit3A_117 = arith.constant 0x7F800000 : f32
    %broadcast_in_dim3A_118 = vector.broadcast %jit3A_117 : f32 to vector<512x2048xf32>
    %select_n3A_119 = arith.select %gt3A_116, %bitcast_convert_type3A_26, %broadcast_in_dim3A_118 : vector<512x2048xi1>, vector<512x2048xf32>
    %reduce_min3A_120 = arith.constant dense<0x7F800000> : vector<512xf32>
    %reduce_min3A_121 = vector.multi_reduction <minimumf>, %select_n3A_119, %reduce_min3A_120 [1] : vector<512x2048xf32> to vector<512xf32>
    %broadcast_in_dim3A_122 = vector.shape_cast %reduce_min3A_121 : vector<512xf32> to vector<512x1xf32>
    %gt3A_123 = vector.broadcast %broadcast_in_dim3A_122 : vector<512x1xf32> to vector<512x2048xf32>
    %gt3A_124 = arith.cmpf ogt, %bitcast_convert_type3A_26, %gt3A_123 : vector<512x2048xf32>
    %jit3A_125 = arith.constant 0x7F800000 : f32
    %broadcast_in_dim3A_126 = vector.broadcast %jit3A_125 : f32 to vector<512x2048xf32>
    %select_n3A_127 = arith.select %gt3A_124, %bitcast_convert_type3A_26, %broadcast_in_dim3A_126 : vector<512x2048xi1>, vector<512x2048xf32>
    %reduce_min3A_128 = arith.constant dense<0x7F800000> : vector<512xf32>
    %reduce_min3A_129 = vector.multi_reduction <minimumf>, %select_n3A_127, %reduce_min3A_128 [1] : vector<512x2048xf32> to vector<512xf32>
    %broadcast_in_dim3A_130 = vector.shape_cast %reduce_min3A_129 : vector<512xf32> to vector<512x1xf32>
    %gt3A_131 = vector.broadcast %broadcast_in_dim3A_130 : vector<512x1xf32> to vector<512x2048xf32>
    %gt3A_132 = arith.cmpf ogt, %bitcast_convert_type3A_26, %gt3A_131 : vector<512x2048xf32>
    %jit3A_133 = arith.constant 0x7F800000 : f32
    %broadcast_in_dim3A_134 = vector.broadcast %jit3A_133 : f32 to vector<512x2048xf32>
    %select_n3A_135 = arith.select %gt3A_132, %bitcast_convert_type3A_26, %broadcast_in_dim3A_134 : vector<512x2048xi1>, vector<512x2048xf32>
    %reduce_min3A_136 = arith.constant dense<0x7F800000> : vector<512xf32>
    %reduce_min3A_137 = vector.multi_reduction <minimumf>, %select_n3A_135, %reduce_min3A_136 [1] : vector<512x2048xf32> to vector<512xf32>
    %broadcast_in_dim3A_138 = vector.shape_cast %reduce_min3A_137 : vector<512xf32> to vector<512x1xf32>
    %gt3A_139 = vector.broadcast %broadcast_in_dim3A_138 : vector<512x1xf32> to vector<512x2048xf32>
    %gt3A_140 = arith.cmpf ogt, %bitcast_convert_type3A_26, %gt3A_139 : vector<512x2048xf32>
    %jit3A_141 = arith.constant 0x7F800000 : f32
    %broadcast_in_dim3A_142 = vector.broadcast %jit3A_141 : f32 to vector<512x2048xf32>
    %select_n3A_143 = arith.select %gt3A_140, %bitcast_convert_type3A_26, %broadcast_in_dim3A_142 : vector<512x2048xi1>, vector<512x2048xf32>
    %reduce_min3A_144 = arith.constant dense<0x7F800000> : vector<512xf32>
    %reduce_min3A_145 = vector.multi_reduction <minimumf>, %select_n3A_143, %reduce_min3A_144 [1] : vector<512x2048xf32> to vector<512xf32>
    %broadcast_in_dim3A_146 = vector.shape_cast %reduce_min3A_145 : vector<512xf32> to vector<512x1xf32>
    %concatenate3A = tpu.concatenate %broadcast_in_dim3A_28, %broadcast_in_dim3A_34, %broadcast_in_dim3A_42, %broadcast_in_dim3A_50, %broadcast_in_dim3A_58, %broadcast_in_dim3A_66, %broadcast_in_dim3A_74, %broadcast_in_dim3A_82, %broadcast_in_dim3A_90, %broadcast_in_dim3A_98, %broadcast_in_dim3A_106, %broadcast_in_dim3A_114, %broadcast_in_dim3A_122, %broadcast_in_dim3A_130, %broadcast_in_dim3A_138, %broadcast_in_dim3A_146 in 1 : vector<512x1xf32>, vector<512x1xf32>, vector<512x1xf32>, vector<512x1xf32>, vector<512x1xf32>, vector<512x1xf32>, vector<512x1xf32>, vector<512x1xf32>, vector<512x1xf32>, vector<512x1xf32>, vector<512x1xf32>, vector<512x1xf32>, vector<512x1xf32>, vector<512x1xf32>, vector<512x1xf32>, vector<512x1xf32> -> vector<512x16xf32>
    %bitcast_convert_type3A_147 = tpu.bitcast %concatenate3A : vector<512x16xf32> -> vector<512x16xi32>
    %sub3A_148 = arith.constant 134217728 : i32
    %sub3A_149 = vector.broadcast %sub3A_148 : i32 to vector<512x16xi32>
    %sub3A_150 = arith.subi %bitcast_convert_type3A_147, %sub3A_149 : vector<512x16xi32>
    %and3A_151 = arith.constant 2047 : i32
    %and3A_152 = vector.broadcast %and3A_151 : i32 to vector<512x16xi32>
    %and3A_153 = arith.andi %sub3A_150, %and3A_152 : vector<512x16xi32>
    %mul3A_154 = arith.constant 2048 : i32
    %mul3A_155 = arith.muli %add3A_0, %mul3A_154 : i32
    %add3A_156 = vector.broadcast %mul3A_155 : i32 to vector<512x16xi32>
    %add3A_157 = arith.addi %and3A_153, %add3A_156 : vector<512x16xi32>
    %transpose3A = tpu.transpose %add3A_157, [1, 0] : vector<512x16xi32> -> vector<16x512xi32>
    %swap3A = arith.constant 0 : index
    %swap3A_158 = arith.constant 0 : index
    %swap3A_159 = vector.load %arg4[%swap3A, %swap3A_158] : memref<16x512xi32, #tpu.memory_space<vmem>>, vector<16x512xi32>
    tpu.vector_store %arg4[%swap3A, %swap3A_158], %transpose3A {strides = array<i32>} : memref<16x512xi32, #tpu.memory_space<vmem>>, vector<16x512xi32>,
    %and3A_160 = arith.constant -2048 : i32
    %and3A_161 = vector.broadcast %and3A_160 : i32 to vector<512x16xi32>
    %and3A_162 = arith.andi %sub3A_150, %and3A_161 : vector<512x16xi32>
    %bitcast_convert_type3A_163 = tpu.bitcast %and3A_162 : vector<512x16xi32> -> vector<512x16xf32>
    %mul3A_164 = arith.constant -1.000000e+01 : f32
    %mul3A_165 = vector.broadcast %mul3A_164 : f32 to vector<512x16xf32>
    %mul3A_166 = arith.mulf %mul3A_165, %bitcast_convert_type3A_163 : vector<512x16xf32>
    %exp3A = math.exp %mul3A_166 : vector<512x16xf32>
    %swap3A_167 = arith.constant 0 : index
    %swap3A_168 = arith.constant 0 : index
    %swap3A_169 = vector.load %arg5[%swap3A_167, %swap3A_168] : memref<512x16xf32, #tpu.memory_space<vmem>>, vector<512x16xf32>
    tpu.vector_store %arg5[%swap3A_167, %swap3A_168], %exp3A {strides = array<i32>} : memref<512x16xf32, #tpu.memory_space<vmem>>, vector<512x16xf32>,
    return
  }
  func.func @transform_0(%arg0: i32, %arg1: i32) -> (i32, i32) {
    %mul3A = arith.constant 4 : i32
    %mul3A_0 = arith.muli %arg0, %mul3A : i32
    %add3A = arith.constant 0 : i32
    %add3A_1 = arith.addi %add3A, %mul3A_0 : i32
    %add3A_2 = arith.addi %add3A_1, %arg1 : i32
    %c0_i32 = arith.constant 0 : i32
    %c0_i32_3 = arith.constant 0 : i32
    return %add3A_2, %c0_i32 : i32, i32
  }
  func.func @transform_1(%arg0: i32, %arg1: i32) -> (i32, i32) {
    %add3A = arith.constant 0 : i32
    %add3A_0 = arith.addi %add3A, %arg0 : i32
    %c0_i32 = arith.constant 0 : i32
    %c0_i32_1 = arith.constant 0 : i32
    return %c0_i32, %add3A_0 : i32, i32
  }
  func.func @transform_2(%arg0: i32, %arg1: i32) -> (i32, i32) {
    %mul3A = arith.constant 4 : i32
    %mul3A_0 = arith.muli %arg0, %mul3A : i32
    %add3A = arith.addi %mul3A_0, %arg1 : i32
    %c0_i32 = arith.constant 0 : i32
    %c0_i32_1 = arith.constant 0 : i32
    return %c0_i32, %add3A : i32, i32
  }
  func.func @transform_3(%arg0: i32, %arg1: i32) -> (i32, i32) {
    %mul3A = arith.constant 4 : i32
    %mul3A_0 = arith.muli %arg0, %mul3A : i32
    %add3A = arith.addi %mul3A_0, %arg1 : i32
    %c0_i32 = arith.constant 0 : i32
    %c0_i32_1 = arith.constant 0 : i32
    return %add3A, %c0_i32 : i32, i32
  }
}

module attributes {stable_mosaic.version = 14 : i64} {
  func.func @_topk_body(%arg0: i32, %arg1: i32, %arg2: memref<512x4xf32, #tpu.memory_space<vmem>>, %arg3: memref<4x2048xf32, #tpu.memory_space<vmem>>, %arg4: memref<16x512xi32, #tpu.memory_space<vmem>>, %arg5: memref<512x16xf32, #tpu.memory_space<vmem>>) attributes {dimension_semantics = [#tpu.dimension_semantics<arbitrary>, #tpu.dimension_semantics<arbitrary>], iteration_bounds = array<i64: 2, 4>, scalar_prefetch = 0 : i64, scratch_operands = 0 : i64, tpu.core_type = #tpu.core_type<tc>, window_params = [{transform_indices = @transform_0, window_bounds = array<i64: 512, 4>}, {transform_indices = @transform_1, window_bounds = array<i64: 4, 2048>}, {transform_indices = @transform_2, window_bounds = array<i64: 16, 512>}, {transform_indices = @transform_3, window_bounds = array<i64: 512, 16>}]} {
    %add3A = arith.constant 4 : i32
    %add3A_0 = arith.addi %arg0, %add3A : i32
    %get3A = arith.constant 0 : index
    %get3A_1 = arith.constant 0 : index
    %get3A_2 = vector.load %arg2[%get3A, %get3A_1] : memref<512x4xf32, #tpu.memory_space<vmem>>, vector<512x4xf32>
    %get3A_3 = arith.constant 0 : index
    %get3A_4 = arith.constant 0 : index
    %get3A_5 = vector.load %arg3[%get3A_3, %get3A_4] : memref<4x2048xf32, #tpu.memory_space<vmem>>, vector<4x2048xf32>
    %mul3A = arith.mulf %get3A_2, %get3A_2 : vector<512x4xf32>
    %reduce_sum3A = arith.constant dense<0.000000e+00> : vector<512xf32>
    %reduce_sum3A_6 = vector.multi_reduction <add>, %mul3A, %reduce_sum3A [1] : vector<512x4xf32> to vector<512xf32>
    %broadcast_in_dim3A = vector.shape_cast %reduce_sum3A_6 : vector<512xf32> to vector<512x1xf32>
    %mul3A_7 = arith.mulf %get3A_5, %get3A_5 : vector<4x2048xf32>
    %reduce_sum3A_8 = arith.constant dense<0.000000e+00> : vector<2048xf32>
    %reduce_sum3A_9 = vector.multi_reduction <add>, %mul3A_7, %reduce_sum3A_8 [0] : vector<4x2048xf32> to vector<2048xf32>
    %broadcast_in_dim3A_10 = vector.shape_cast %reduce_sum3A_9 : vector<2048xf32> to vector<1x2048xf32>
    %add3A_11 = vector.broadcast %broadcast_in_dim3A : vector<512x1xf32> to vector<512x2048xf32>
    %add3A_12 = vector.broadcast %broadcast_in_dim3A_10 : vector<1x2048xf32> to vector<512x2048xf32>
    %add3A_13 = arith.addf %add3A_11, %add3A_12 : vector<512x2048xf32>
    %dot_general3A = arith.constant dense<0.000000e+00> : vector<512x2048xf32>
    %dot_general3A_14 = tpu.matmul %get3A_2, %get3A_5, %dot_general3A {dimension_numbers = #tpu.dot_dimension_numbers<[1], [0], [0], [1], [0, 0, 1, 1], [], []>, transpose_lhs_hint = false} : vector<512x4xf32>, vector<4x2048xf32>, vector<512x2048xf32> -> vector<512x2048xf32>
    %mul3A_15 = arith.constant 2.000000e+00 : f32
    %mul3A_16 = vector.broadcast %mul3A_15 : f32 to vector<512x2048xf32>
    %mul3A_17 = arith.mulf %mul3A_16, %dot_general3A_14 : vector<512x2048xf32>
    %sub3A = arith.subf %add3A_13, %mul3A_17 : vector<512x2048xf32>
    %jit3A = arith.constant 0.000000e+00 : f32
    %jit3A_18 = arith.constant 1.000000e+30 : f32
    %max3A = vector.broadcast %jit3A : f32 to vector<512x2048xf32>
    %max3A_19 = arith.maximumf %max3A, %sub3A : vector<512x2048xf32>
    %min3A = vector.broadcast %jit3A_18 : f32 to vector<512x2048xf32>
    %min3A_20 = arith.minimumf %min3A, %max3A_19 : vector<512x2048xf32>
    %iota3A = tpu.iota {dimensions = array<i32: 1>} : vector<512x2048xi32>
    %bitcast_convert_type3A = tpu.bitcast %min3A_20 : vector<512x2048xf32> -> vector<512x2048xi32>
    %and3A = arith.constant -2048 : i32
    %and3A_21 = vector.broadcast %and3A : i32 to vector<512x2048xi32>
    %and3A_22 = arith.andi %bitcast_convert_type3A, %and3A_21 : vector<512x2048xi32>
    %or3A = arith.ori %and3A_22, %iota3A : vector<512x2048xi32>
    %add3A_23 = arith.constant 134217728 : i32
    %add3A_24 = vector.broadcast %add3A_23 : i32 to vector<512x2048xi32>
    %add3A_25 = arith.addi %or3A, %add3A_24 : vector<512x2048xi32>
    %bitcast_convert_type3A_26 = tpu.bitcast %add3A_25 : vector<512x2048xi32> -> vector<512x2048xf32>
    %reduce_min3A = arith.constant dense<0x7F800000> : vector<512xf32>
    %reduce_min3A_27 = vector.multi_reduction <minimumf>, %bitcast_convert_type3A_26, %reduce_min3A [1] : vector<512x2048xf32> to vector<512xf32>
    %broadcast_in_dim3A_28 = vector.shape_cast %reduce_min3A_27 : vector<512xf32> to vector<512x1xf32>
    %gt3A = vector.broadcast %broadcast_in_dim3A_28 : vector<512x1xf32> to vector<512x2048xf32>
    %gt3A_29 = arith.cmpf ogt, %bitcast_convert_type3A_26, %gt3A : vector<512x2048xf32>
    %jit3A_30 = arith.constant 0x7F800000 : f32
    %broadcast_in_dim3A_31 = vector.broadcast %jit3A_30 : f32 to vector<512x2048xf32>
    %select_n3A = arith.select %gt3A_29, %bitcast_convert_type3A_26, %broadcast_in_dim3A_31 : vector<512x2048xi1>, vector<512x2048xf32>
    %reduce_min3A_32 = arith.constant dense<0x7F800000> : vector<512xf32>
    %reduce_min3A_33 = vector.multi_reduction <minimumf>, %select_n3A, %reduce_min3A_32 [1] : vector<512x2048xf32> to vector<512xf32>
    %broadcast_in_dim3A_34 = vector.shape_cast %reduce_min3A_33 : vector<512xf32> to vector<512x1xf32>
    %gt3A_35 = vector.broadcast %broadcast_in_dim3A_34 : vector<512x1xf32> to vector<512x2048xf32>
    %gt3A_36 = arith.cmpf ogt, %bitcast_convert_type3A_26, %gt3A_35 : vector<512x2048xf32>
    %jit3A_37 = arith.constant 0x7F800000 : f32
    %broadcast_in_dim3A_38 = vector.broadcast %jit3A_37 : f32 to vector<512x2048xf32>
    %select_n3A_39 = arith.select %gt3A_36, %bitcast_convert_type3A_26, %broadcast_in_dim3A_38 : vector<512x2048xi1>, vector<512x2048xf32>
    %reduce_min3A_40 = arith.constant dense<0x7F800000> : vector<512xf32>
    %reduce_min3A_41 = vector.multi_reduction <minimumf>, %select_n3A_39, %reduce_min3A_40 [1] : vector<512x2048xf32> to vector<512xf32>
    %broadcast_in_dim3A_42 = vector.shape_cast %reduce_min3A_41 : vector<512xf32> to vector<512x1xf32>
    %gt3A_43 = vector.broadcast %broadcast_in_dim3A_42 : vector<512x1xf32> to vector<512x2048xf32>
    %gt3A_44 = arith.cmpf ogt, %bitcast_convert_type3A_26, %gt3A_43 : vector<512x2048xf32>
    %jit3A_45 = arith.constant 0x7F800000 : f32
    %broadcast_in_dim3A_46 = vector.broadcast %jit3A_45 : f32 to vector<512x2048xf32>
    %select_n3A_47 = arith.select %gt3A_44, %bitcast_convert_type3A_26, %broadcast_in_dim3A_46 : vector<512x2048xi1>, vector<512x2048xf32>
    %reduce_min3A_48 = arith.constant dense<0x7F800000> : vector<512xf32>
    %reduce_min3A_49 = vector.multi_reduction <minimumf>, %select_n3A_47, %reduce_min3A_48 [1] : vector<512x2048xf32> to vector<512xf32>
    %broadcast_in_dim3A_50 = vector.shape_cast %reduce_min3A_49 : vector<512xf32> to vector<512x1xf32>
    %gt3A_51 = vector.broadcast %broadcast_in_dim3A_50 : vector<512x1xf32> to vector<512x2048xf32>
    %gt3A_52 = arith.cmpf ogt, %bitcast_convert_type3A_26, %gt3A_51 : vector<512x2048xf32>
    %jit3A_53 = arith.constant 0x7F800000 : f32
    %broadcast_in_dim3A_54 = vector.broadcast %jit3A_53 : f32 to vector<512x2048xf32>
    %select_n3A_55 = arith.select %gt3A_52, %bitcast_convert_type3A_26, %broadcast_in_dim3A_54 : vector<512x2048xi1>, vector<512x2048xf32>
    %reduce_min3A_56 = arith.constant dense<0x7F800000> : vector<512xf32>
    %reduce_min3A_57 = vector.multi_reduction <minimumf>, %select_n3A_55, %reduce_min3A_56 [1] : vector<512x2048xf32> to vector<512xf32>
    %broadcast_in_dim3A_58 = vector.shape_cast %reduce_min3A_57 : vector<512xf32> to vector<512x1xf32>
    %gt3A_59 = vector.broadcast %broadcast_in_dim3A_58 : vector<512x1xf32> to vector<512x2048xf32>
    %gt3A_60 = arith.cmpf ogt, %bitcast_convert_type3A_26, %gt3A_59 : vector<512x2048xf32>
    %jit3A_61 = arith.constant 0x7F800000 : f32
    %broadcast_in_dim3A_62 = vector.broadcast %jit3A_61 : f32 to vector<512x2048xf32>
    %select_n3A_63 = arith.select %gt3A_60, %bitcast_convert_type3A_26, %broadcast_in_dim3A_62 : vector<512x2048xi1>, vector<512x2048xf32>
    %reduce_min3A_64 = arith.constant dense<0x7F800000> : vector<512xf32>
    %reduce_min3A_65 = vector.multi_reduction <minimumf>, %select_n3A_63, %reduce_min3A_64 [1] : vector<512x2048xf32> to vector<512xf32>
    %broadcast_in_dim3A_66 = vector.shape_cast %reduce_min3A_65 : vector<512xf32> to vector<512x1xf32>
    %gt3A_67 = vector.broadcast %broadcast_in_dim3A_66 : vector<512x1xf32> to vector<512x2048xf32>
    %gt3A_68 = arith.cmpf ogt, %bitcast_convert_type3A_26, %gt3A_67 : vector<512x2048xf32>
    %jit3A_69 = arith.constant 0x7F800000 : f32
    %broadcast_in_dim3A_70 = vector.broadcast %jit3A_69 : f32 to vector<512x2048xf32>
    %select_n3A_71 = arith.select %gt3A_68, %bitcast_convert_type3A_26, %broadcast_in_dim3A_70 : vector<512x2048xi1>, vector<512x2048xf32>
    %reduce_min3A_72 = arith.constant dense<0x7F800000> : vector<512xf32>
    %reduce_min3A_73 = vector.multi_reduction <minimumf>, %select_n3A_71, %reduce_min3A_72 [1] : vector<512x2048xf32> to vector<512xf32>
    %broadcast_in_dim3A_74 = vector.shape_cast %reduce_min3A_73 : vector<512xf32> to vector<512x1xf32>
    %gt3A_75 = vector.broadcast %broadcast_in_dim3A_74 : vector<512x1xf32> to vector<512x2048xf32>
    %gt3A_76 = arith.cmpf ogt, %bitcast_convert_type3A_26, %gt3A_75 : vector<512x2048xf32>
    %jit3A_77 = arith.constant 0x7F800000 : f32
    %broadcast_in_dim3A_78 = vector.broadcast %jit3A_77 : f32 to vector<512x2048xf32>
    %select_n3A_79 = arith.select %gt3A_76, %bitcast_convert_type3A_26, %broadcast_in_dim3A_78 : vector<512x2048xi1>, vector<512x2048xf32>
    %reduce_min3A_80 = arith.constant dense<0x7F800000> : vector<512xf32>
    %reduce_min3A_81 = vector.multi_reduction <minimumf>, %select_n3A_79, %reduce_min3A_80 [1] : vector<512x2048xf32> to vector<512xf32>
    %broadcast_in_dim3A_82 = vector.shape_cast %reduce_min3A_81 : vector<512xf32> to vector<512x1xf32>
    %gt3A_83 = vector.broadcast %broadcast_in_dim3A_82 : vector<512x1xf32> to vector<512x2048xf32>
    %gt3A_84 = arith.cmpf ogt, %bitcast_convert_type3A_26, %gt3A_83 : vector<512x2048xf32>
    %jit3A_85 = arith.constant 0x7F800000 : f32
    %broadcast_in_dim3A_86 = vector.broadcast %jit3A_85 : f32 to vector<512x2048xf32>
    %select_n3A_87 = arith.select %gt3A_84, %bitcast_convert_type3A_26, %broadcast_in_dim3A_86 : vector<512x2048xi1>, vector<512x2048xf32>
    %reduce_min3A_88 = arith.constant dense<0x7F800000> : vector<512xf32>
    %reduce_min3A_89 = vector.multi_reduction <minimumf>, %select_n3A_87, %reduce_min3A_88 [1] : vector<512x2048xf32> to vector<512xf32>
    %broadcast_in_dim3A_90 = vector.shape_cast %reduce_min3A_89 : vector<512xf32> to vector<512x1xf32>
    %gt3A_91 = vector.broadcast %broadcast_in_dim3A_90 : vector<512x1xf32> to vector<512x2048xf32>
    %gt3A_92 = arith.cmpf ogt, %bitcast_convert_type3A_26, %gt3A_91 : vector<512x2048xf32>
    %jit3A_93 = arith.constant 0x7F800000 : f32
    %broadcast_in_dim3A_94 = vector.broadcast %jit3A_93 : f32 to vector<512x2048xf32>
    %select_n3A_95 = arith.select %gt3A_92, %bitcast_convert_type3A_26, %broadcast_in_dim3A_94 : vector<512x2048xi1>, vector<512x2048xf32>
    %reduce_min3A_96 = arith.constant dense<0x7F800000> : vector<512xf32>
    %reduce_min3A_97 = vector.multi_reduction <minimumf>, %select_n3A_95, %reduce_min3A_96 [1] : vector<512x2048xf32> to vector<512xf32>
    %broadcast_in_dim3A_98 = vector.shape_cast %reduce_min3A_97 : vector<512xf32> to vector<512x1xf32>
    %gt3A_99 = vector.broadcast %broadcast_in_dim3A_98 : vector<512x1xf32> to vector<512x2048xf32>
    %gt3A_100 = arith.cmpf ogt, %bitcast_convert_type3A_26, %gt3A_99 : vector<512x2048xf32>
    %jit3A_101 = arith.constant 0x7F800000 : f32
    %broadcast_in_dim3A_102 = vector.broadcast %jit3A_101 : f32 to vector<512x2048xf32>
    %select_n3A_103 = arith.select %gt3A_100, %bitcast_convert_type3A_26, %broadcast_in_dim3A_102 : vector<512x2048xi1>, vector<512x2048xf32>
    %reduce_min3A_104 = arith.constant dense<0x7F800000> : vector<512xf32>
    %reduce_min3A_105 = vector.multi_reduction <minimumf>, %select_n3A_103, %reduce_min3A_104 [1] : vector<512x2048xf32> to vector<512xf32>
    %broadcast_in_dim3A_106 = vector.shape_cast %reduce_min3A_105 : vector<512xf32> to vector<512x1xf32>
    %gt3A_107 = vector.broadcast %broadcast_in_dim3A_106 : vector<512x1xf32> to vector<512x2048xf32>
    %gt3A_108 = arith.cmpf ogt, %bitcast_convert_type3A_26, %gt3A_107 : vector<512x2048xf32>
    %jit3A_109 = arith.constant 0x7F800000 : f32
    %broadcast_in_dim3A_110 = vector.broadcast %jit3A_109 : f32 to vector<512x2048xf32>
    %select_n3A_111 = arith.select %gt3A_108, %bitcast_convert_type3A_26, %broadcast_in_dim3A_110 : vector<512x2048xi1>, vector<512x2048xf32>
    %reduce_min3A_112 = arith.constant dense<0x7F800000> : vector<512xf32>
    %reduce_min3A_113 = vector.multi_reduction <minimumf>, %select_n3A_111, %reduce_min3A_112 [1] : vector<512x2048xf32> to vector<512xf32>
    %broadcast_in_dim3A_114 = vector.shape_cast %reduce_min3A_113 : vector<512xf32> to vector<512x1xf32>
    %gt3A_115 = vector.broadcast %broadcast_in_dim3A_114 : vector<512x1xf32> to vector<512x2048xf32>
    %gt3A_116 = arith.cmpf ogt, %bitcast_convert_type3A_26, %gt3A_115 : vector<512x2048xf32>
    %jit3A_117 = arith.constant 0x7F800000 : f32
    %broadcast_in_dim3A_118 = vector.broadcast %jit3A_117 : f32 to vector<512x2048xf32>
    %select_n3A_119 = arith.select %gt3A_116, %bitcast_convert_type3A_26, %broadcast_in_dim3A_118 : vector<512x2048xi1>, vector<512x2048xf32>
    %reduce_min3A_120 = arith.constant dense<0x7F800000> : vector<512xf32>
    %reduce_min3A_121 = vector.multi_reduction <minimumf>, %select_n3A_119, %reduce_min3A_120 [1] : vector<512x2048xf32> to vector<512xf32>
    %broadcast_in_dim3A_122 = vector.shape_cast %reduce_min3A_121 : vector<512xf32> to vector<512x1xf32>
    %gt3A_123 = vector.broadcast %broadcast_in_dim3A_122 : vector<512x1xf32> to vector<512x2048xf32>
    %gt3A_124 = arith.cmpf ogt, %bitcast_convert_type3A_26, %gt3A_123 : vector<512x2048xf32>
    %jit3A_125 = arith.constant 0x7F800000 : f32
    %broadcast_in_dim3A_126 = vector.broadcast %jit3A_125 : f32 to vector<512x2048xf32>
    %select_n3A_127 = arith.select %gt3A_124, %bitcast_convert_type3A_26, %broadcast_in_dim3A_126 : vector<512x2048xi1>, vector<512x2048xf32>
    %reduce_min3A_128 = arith.constant dense<0x7F800000> : vector<512xf32>
    %reduce_min3A_129 = vector.multi_reduction <minimumf>, %select_n3A_127, %reduce_min3A_128 [1] : vector<512x2048xf32> to vector<512xf32>
    %broadcast_in_dim3A_130 = vector.shape_cast %reduce_min3A_129 : vector<512xf32> to vector<512x1xf32>
    %gt3A_131 = vector.broadcast %broadcast_in_dim3A_130 : vector<512x1xf32> to vector<512x2048xf32>
    %gt3A_132 = arith.cmpf ogt, %bitcast_convert_type3A_26, %gt3A_131 : vector<512x2048xf32>
    %jit3A_133 = arith.constant 0x7F800000 : f32
    %broadcast_in_dim3A_134 = vector.broadcast %jit3A_133 : f32 to vector<512x2048xf32>
    %select_n3A_135 = arith.select %gt3A_132, %bitcast_convert_type3A_26, %broadcast_in_dim3A_134 : vector<512x2048xi1>, vector<512x2048xf32>
    %reduce_min3A_136 = arith.constant dense<0x7F800000> : vector<512xf32>
    %reduce_min3A_137 = vector.multi_reduction <minimumf>, %select_n3A_135, %reduce_min3A_136 [1] : vector<512x2048xf32> to vector<512xf32>
    %broadcast_in_dim3A_138 = vector.shape_cast %reduce_min3A_137 : vector<512xf32> to vector<512x1xf32>
    %gt3A_139 = vector.broadcast %broadcast_in_dim3A_138 : vector<512x1xf32> to vector<512x2048xf32>
    %gt3A_140 = arith.cmpf ogt, %bitcast_convert_type3A_26, %gt3A_139 : vector<512x2048xf32>
    %jit3A_141 = arith.constant 0x7F800000 : f32
    %broadcast_in_dim3A_142 = vector.broadcast %jit3A_141 : f32 to vector<512x2048xf32>
    %select_n3A_143 = arith.select %gt3A_140, %bitcast_convert_type3A_26, %broadcast_in_dim3A_142 : vector<512x2048xi1>, vector<512x2048xf32>
    %reduce_min3A_144 = arith.constant dense<0x7F800000> : vector<512xf32>
    %reduce_min3A_145 = vector.multi_reduction <minimumf>, %select_n3A_143, %reduce_min3A_144 [1] : vector<512x2048xf32> to vector<512xf32>
    %broadcast_in_dim3A_146 = vector.shape_cast %reduce_min3A_145 : vector<512xf32> to vector<512x1xf32>
    %concatenate3A = tpu.concatenate %broadcast_in_dim3A_28, %broadcast_in_dim3A_34, %broadcast_in_dim3A_42, %broadcast_in_dim3A_50, %broadcast_in_dim3A_58, %broadcast_in_dim3A_66, %broadcast_in_dim3A_74, %broadcast_in_dim3A_82, %broadcast_in_dim3A_90, %broadcast_in_dim3A_98, %broadcast_in_dim3A_106, %broadcast_in_dim3A_114, %broadcast_in_dim3A_122, %broadcast_in_dim3A_130, %broadcast_in_dim3A_138, %broadcast_in_dim3A_146 in 1 : vector<512x1xf32>, vector<512x1xf32>, vector<512x1xf32>, vector<512x1xf32>, vector<512x1xf32>, vector<512x1xf32>, vector<512x1xf32>, vector<512x1xf32>, vector<512x1xf32>, vector<512x1xf32>, vector<512x1xf32>, vector<512x1xf32>, vector<512x1xf32>, vector<512x1xf32>, vector<512x1xf32>, vector<512x1xf32> -> vector<512x16xf32>
    %bitcast_convert_type3A_147 = tpu.bitcast %concatenate3A : vector<512x16xf32> -> vector<512x16xi32>
    %sub3A_148 = arith.constant 134217728 : i32
    %sub3A_149 = vector.broadcast %sub3A_148 : i32 to vector<512x16xi32>
    %sub3A_150 = arith.subi %bitcast_convert_type3A_147, %sub3A_149 : vector<512x16xi32>
    %and3A_151 = arith.constant 2047 : i32
    %and3A_152 = vector.broadcast %and3A_151 : i32 to vector<512x16xi32>
    %and3A_153 = arith.andi %sub3A_150, %and3A_152 : vector<512x16xi32>
    %mul3A_154 = arith.constant 2048 : i32
    %mul3A_155 = arith.muli %add3A_0, %mul3A_154 : i32
    %add3A_156 = vector.broadcast %mul3A_155 : i32 to vector<512x16xi32>
    %add3A_157 = arith.addi %and3A_153, %add3A_156 : vector<512x16xi32>
    %transpose3A = tpu.transpose %add3A_157, [1, 0] : vector<512x16xi32> -> vector<16x512xi32>
    %swap3A = arith.constant 0 : index
    %swap3A_158 = arith.constant 0 : index
    %swap3A_159 = vector.load %arg4[%swap3A, %swap3A_158] : memref<16x512xi32, #tpu.memory_space<vmem>>, vector<16x512xi32>
    tpu.vector_store %arg4[%swap3A, %swap3A_158], %transpose3A {strides = array<i32>} : memref<16x512xi32, #tpu.memory_space<vmem>>, vector<16x512xi32>,
    %and3A_160 = arith.constant -2048 : i32
    %and3A_161 = vector.broadcast %and3A_160 : i32 to vector<512x16xi32>
    %and3A_162 = arith.andi %sub3A_150, %and3A_161 : vector<512x16xi32>
    %bitcast_convert_type3A_163 = tpu.bitcast %and3A_162 : vector<512x16xi32> -> vector<512x16xf32>
    %mul3A_164 = arith.constant -1.000000e+01 : f32
    %mul3A_165 = vector.broadcast %mul3A_164 : f32 to vector<512x16xf32>
    %mul3A_166 = arith.mulf %mul3A_165, %bitcast_convert_type3A_163 : vector<512x16xf32>
    %exp3A = math.exp %mul3A_166 : vector<512x16xf32>
    %swap3A_167 = arith.constant 0 : index
    %swap3A_168 = arith.constant 0 : index
    %swap3A_169 = vector.load %arg5[%swap3A_167, %swap3A_168] : memref<512x16xf32, #tpu.memory_space<vmem>>, vector<512x16xf32>
    tpu.vector_store %arg5[%swap3A_167, %swap3A_168], %exp3A {strides = array<i32>} : memref<512x16xf32, #tpu.memory_space<vmem>>, vector<512x16xf32>,
    return
  }
  func.func @transform_0(%arg0: i32, %arg1: i32) -> (i32, i32) {
    %mul3A = arith.constant 4 : i32
    %mul3A_0 = arith.muli %arg0, %mul3A : i32
    %add3A = arith.constant 16 : i32
    %add3A_1 = arith.addi %add3A, %mul3A_0 : i32
    %add3A_2 = arith.addi %add3A_1, %arg1 : i32
    %c0_i32 = arith.constant 0 : i32
    %c0_i32_3 = arith.constant 0 : i32
    return %add3A_2, %c0_i32 : i32, i32
  }
  func.func @transform_1(%arg0: i32, %arg1: i32) -> (i32, i32) {
    %add3A = arith.constant 4 : i32
    %add3A_0 = arith.addi %add3A, %arg0 : i32
    %c0_i32 = arith.constant 0 : i32
    %c0_i32_1 = arith.constant 0 : i32
    return %c0_i32, %add3A_0 : i32, i32
  }
  func.func @transform_2(%arg0: i32, %arg1: i32) -> (i32, i32) {
    %mul3A = arith.constant 4 : i32
    %mul3A_0 = arith.muli %arg0, %mul3A : i32
    %add3A = arith.addi %mul3A_0, %arg1 : i32
    %c0_i32 = arith.constant 0 : i32
    %c0_i32_1 = arith.constant 0 : i32
    return %c0_i32, %add3A : i32, i32
  }
  func.func @transform_3(%arg0: i32, %arg1: i32) -> (i32, i32) {
    %mul3A = arith.constant 4 : i32
    %mul3A_0 = arith.muli %arg0, %mul3A : i32
    %add3A = arith.addi %mul3A_0, %arg1 : i32
    %c0_i32 = arith.constant 0 : i32
    %c0_i32_1 = arith.constant 0 : i32
    return %add3A, %c0_i32 : i32, i32
  }
}

module attributes {stable_mosaic.version = 14 : i64} {
  func.func @_topk_body(%arg0: i32, %arg1: i32, %arg2: memref<512x4xf32, #tpu.memory_space<vmem>>, %arg3: memref<4x2048xf32, #tpu.memory_space<vmem>>, %arg4: memref<16x512xi32, #tpu.memory_space<vmem>>, %arg5: memref<512x16xf32, #tpu.memory_space<vmem>>) attributes {dimension_semantics = [#tpu.dimension_semantics<arbitrary>, #tpu.dimension_semantics<arbitrary>], iteration_bounds = array<i64: 2, 4>, scalar_prefetch = 0 : i64, scratch_operands = 0 : i64, tpu.core_type = #tpu.core_type<tc>, window_params = [{transform_indices = @transform_0, window_bounds = array<i64: 512, 4>}, {transform_indices = @transform_1, window_bounds = array<i64: 4, 2048>}, {transform_indices = @transform_2, window_bounds = array<i64: 16, 512>}, {transform_indices = @transform_3, window_bounds = array<i64: 512, 16>}]} {
    %add3A = arith.constant 6 : i32
    %add3A_0 = arith.addi %arg0, %add3A : i32
    %get3A = arith.constant 0 : index
    %get3A_1 = arith.constant 0 : index
    %get3A_2 = vector.load %arg2[%get3A, %get3A_1] : memref<512x4xf32, #tpu.memory_space<vmem>>, vector<512x4xf32>
    %get3A_3 = arith.constant 0 : index
    %get3A_4 = arith.constant 0 : index
    %get3A_5 = vector.load %arg3[%get3A_3, %get3A_4] : memref<4x2048xf32, #tpu.memory_space<vmem>>, vector<4x2048xf32>
    %mul3A = arith.mulf %get3A_2, %get3A_2 : vector<512x4xf32>
    %reduce_sum3A = arith.constant dense<0.000000e+00> : vector<512xf32>
    %reduce_sum3A_6 = vector.multi_reduction <add>, %mul3A, %reduce_sum3A [1] : vector<512x4xf32> to vector<512xf32>
    %broadcast_in_dim3A = vector.shape_cast %reduce_sum3A_6 : vector<512xf32> to vector<512x1xf32>
    %mul3A_7 = arith.mulf %get3A_5, %get3A_5 : vector<4x2048xf32>
    %reduce_sum3A_8 = arith.constant dense<0.000000e+00> : vector<2048xf32>
    %reduce_sum3A_9 = vector.multi_reduction <add>, %mul3A_7, %reduce_sum3A_8 [0] : vector<4x2048xf32> to vector<2048xf32>
    %broadcast_in_dim3A_10 = vector.shape_cast %reduce_sum3A_9 : vector<2048xf32> to vector<1x2048xf32>
    %add3A_11 = vector.broadcast %broadcast_in_dim3A : vector<512x1xf32> to vector<512x2048xf32>
    %add3A_12 = vector.broadcast %broadcast_in_dim3A_10 : vector<1x2048xf32> to vector<512x2048xf32>
    %add3A_13 = arith.addf %add3A_11, %add3A_12 : vector<512x2048xf32>
    %dot_general3A = arith.constant dense<0.000000e+00> : vector<512x2048xf32>
    %dot_general3A_14 = tpu.matmul %get3A_2, %get3A_5, %dot_general3A {dimension_numbers = #tpu.dot_dimension_numbers<[1], [0], [0], [1], [0, 0, 1, 1], [], []>, transpose_lhs_hint = false} : vector<512x4xf32>, vector<4x2048xf32>, vector<512x2048xf32> -> vector<512x2048xf32>
    %mul3A_15 = arith.constant 2.000000e+00 : f32
    %mul3A_16 = vector.broadcast %mul3A_15 : f32 to vector<512x2048xf32>
    %mul3A_17 = arith.mulf %mul3A_16, %dot_general3A_14 : vector<512x2048xf32>
    %sub3A = arith.subf %add3A_13, %mul3A_17 : vector<512x2048xf32>
    %jit3A = arith.constant 0.000000e+00 : f32
    %jit3A_18 = arith.constant 1.000000e+30 : f32
    %max3A = vector.broadcast %jit3A : f32 to vector<512x2048xf32>
    %max3A_19 = arith.maximumf %max3A, %sub3A : vector<512x2048xf32>
    %min3A = vector.broadcast %jit3A_18 : f32 to vector<512x2048xf32>
    %min3A_20 = arith.minimumf %min3A, %max3A_19 : vector<512x2048xf32>
    %iota3A = tpu.iota {dimensions = array<i32: 1>} : vector<512x2048xi32>
    %bitcast_convert_type3A = tpu.bitcast %min3A_20 : vector<512x2048xf32> -> vector<512x2048xi32>
    %and3A = arith.constant -2048 : i32
    %and3A_21 = vector.broadcast %and3A : i32 to vector<512x2048xi32>
    %and3A_22 = arith.andi %bitcast_convert_type3A, %and3A_21 : vector<512x2048xi32>
    %or3A = arith.ori %and3A_22, %iota3A : vector<512x2048xi32>
    %add3A_23 = arith.constant 134217728 : i32
    %add3A_24 = vector.broadcast %add3A_23 : i32 to vector<512x2048xi32>
    %add3A_25 = arith.addi %or3A, %add3A_24 : vector<512x2048xi32>
    %bitcast_convert_type3A_26 = tpu.bitcast %add3A_25 : vector<512x2048xi32> -> vector<512x2048xf32>
    %reduce_min3A = arith.constant dense<0x7F800000> : vector<512xf32>
    %reduce_min3A_27 = vector.multi_reduction <minimumf>, %bitcast_convert_type3A_26, %reduce_min3A [1] : vector<512x2048xf32> to vector<512xf32>
    %broadcast_in_dim3A_28 = vector.shape_cast %reduce_min3A_27 : vector<512xf32> to vector<512x1xf32>
    %gt3A = vector.broadcast %broadcast_in_dim3A_28 : vector<512x1xf32> to vector<512x2048xf32>
    %gt3A_29 = arith.cmpf ogt, %bitcast_convert_type3A_26, %gt3A : vector<512x2048xf32>
    %jit3A_30 = arith.constant 0x7F800000 : f32
    %broadcast_in_dim3A_31 = vector.broadcast %jit3A_30 : f32 to vector<512x2048xf32>
    %select_n3A = arith.select %gt3A_29, %bitcast_convert_type3A_26, %broadcast_in_dim3A_31 : vector<512x2048xi1>, vector<512x2048xf32>
    %reduce_min3A_32 = arith.constant dense<0x7F800000> : vector<512xf32>
    %reduce_min3A_33 = vector.multi_reduction <minimumf>, %select_n3A, %reduce_min3A_32 [1] : vector<512x2048xf32> to vector<512xf32>
    %broadcast_in_dim3A_34 = vector.shape_cast %reduce_min3A_33 : vector<512xf32> to vector<512x1xf32>
    %gt3A_35 = vector.broadcast %broadcast_in_dim3A_34 : vector<512x1xf32> to vector<512x2048xf32>
    %gt3A_36 = arith.cmpf ogt, %bitcast_convert_type3A_26, %gt3A_35 : vector<512x2048xf32>
    %jit3A_37 = arith.constant 0x7F800000 : f32
    %broadcast_in_dim3A_38 = vector.broadcast %jit3A_37 : f32 to vector<512x2048xf32>
    %select_n3A_39 = arith.select %gt3A_36, %bitcast_convert_type3A_26, %broadcast_in_dim3A_38 : vector<512x2048xi1>, vector<512x2048xf32>
    %reduce_min3A_40 = arith.constant dense<0x7F800000> : vector<512xf32>
    %reduce_min3A_41 = vector.multi_reduction <minimumf>, %select_n3A_39, %reduce_min3A_40 [1] : vector<512x2048xf32> to vector<512xf32>
    %broadcast_in_dim3A_42 = vector.shape_cast %reduce_min3A_41 : vector<512xf32> to vector<512x1xf32>
    %gt3A_43 = vector.broadcast %broadcast_in_dim3A_42 : vector<512x1xf32> to vector<512x2048xf32>
    %gt3A_44 = arith.cmpf ogt, %bitcast_convert_type3A_26, %gt3A_43 : vector<512x2048xf32>
    %jit3A_45 = arith.constant 0x7F800000 : f32
    %broadcast_in_dim3A_46 = vector.broadcast %jit3A_45 : f32 to vector<512x2048xf32>
    %select_n3A_47 = arith.select %gt3A_44, %bitcast_convert_type3A_26, %broadcast_in_dim3A_46 : vector<512x2048xi1>, vector<512x2048xf32>
    %reduce_min3A_48 = arith.constant dense<0x7F800000> : vector<512xf32>
    %reduce_min3A_49 = vector.multi_reduction <minimumf>, %select_n3A_47, %reduce_min3A_48 [1] : vector<512x2048xf32> to vector<512xf32>
    %broadcast_in_dim3A_50 = vector.shape_cast %reduce_min3A_49 : vector<512xf32> to vector<512x1xf32>
    %gt3A_51 = vector.broadcast %broadcast_in_dim3A_50 : vector<512x1xf32> to vector<512x2048xf32>
    %gt3A_52 = arith.cmpf ogt, %bitcast_convert_type3A_26, %gt3A_51 : vector<512x2048xf32>
    %jit3A_53 = arith.constant 0x7F800000 : f32
    %broadcast_in_dim3A_54 = vector.broadcast %jit3A_53 : f32 to vector<512x2048xf32>
    %select_n3A_55 = arith.select %gt3A_52, %bitcast_convert_type3A_26, %broadcast_in_dim3A_54 : vector<512x2048xi1>, vector<512x2048xf32>
    %reduce_min3A_56 = arith.constant dense<0x7F800000> : vector<512xf32>
    %reduce_min3A_57 = vector.multi_reduction <minimumf>, %select_n3A_55, %reduce_min3A_56 [1] : vector<512x2048xf32> to vector<512xf32>
    %broadcast_in_dim3A_58 = vector.shape_cast %reduce_min3A_57 : vector<512xf32> to vector<512x1xf32>
    %gt3A_59 = vector.broadcast %broadcast_in_dim3A_58 : vector<512x1xf32> to vector<512x2048xf32>
    %gt3A_60 = arith.cmpf ogt, %bitcast_convert_type3A_26, %gt3A_59 : vector<512x2048xf32>
    %jit3A_61 = arith.constant 0x7F800000 : f32
    %broadcast_in_dim3A_62 = vector.broadcast %jit3A_61 : f32 to vector<512x2048xf32>
    %select_n3A_63 = arith.select %gt3A_60, %bitcast_convert_type3A_26, %broadcast_in_dim3A_62 : vector<512x2048xi1>, vector<512x2048xf32>
    %reduce_min3A_64 = arith.constant dense<0x7F800000> : vector<512xf32>
    %reduce_min3A_65 = vector.multi_reduction <minimumf>, %select_n3A_63, %reduce_min3A_64 [1] : vector<512x2048xf32> to vector<512xf32>
    %broadcast_in_dim3A_66 = vector.shape_cast %reduce_min3A_65 : vector<512xf32> to vector<512x1xf32>
    %gt3A_67 = vector.broadcast %broadcast_in_dim3A_66 : vector<512x1xf32> to vector<512x2048xf32>
    %gt3A_68 = arith.cmpf ogt, %bitcast_convert_type3A_26, %gt3A_67 : vector<512x2048xf32>
    %jit3A_69 = arith.constant 0x7F800000 : f32
    %broadcast_in_dim3A_70 = vector.broadcast %jit3A_69 : f32 to vector<512x2048xf32>
    %select_n3A_71 = arith.select %gt3A_68, %bitcast_convert_type3A_26, %broadcast_in_dim3A_70 : vector<512x2048xi1>, vector<512x2048xf32>
    %reduce_min3A_72 = arith.constant dense<0x7F800000> : vector<512xf32>
    %reduce_min3A_73 = vector.multi_reduction <minimumf>, %select_n3A_71, %reduce_min3A_72 [1] : vector<512x2048xf32> to vector<512xf32>
    %broadcast_in_dim3A_74 = vector.shape_cast %reduce_min3A_73 : vector<512xf32> to vector<512x1xf32>
    %gt3A_75 = vector.broadcast %broadcast_in_dim3A_74 : vector<512x1xf32> to vector<512x2048xf32>
    %gt3A_76 = arith.cmpf ogt, %bitcast_convert_type3A_26, %gt3A_75 : vector<512x2048xf32>
    %jit3A_77 = arith.constant 0x7F800000 : f32
    %broadcast_in_dim3A_78 = vector.broadcast %jit3A_77 : f32 to vector<512x2048xf32>
    %select_n3A_79 = arith.select %gt3A_76, %bitcast_convert_type3A_26, %broadcast_in_dim3A_78 : vector<512x2048xi1>, vector<512x2048xf32>
    %reduce_min3A_80 = arith.constant dense<0x7F800000> : vector<512xf32>
    %reduce_min3A_81 = vector.multi_reduction <minimumf>, %select_n3A_79, %reduce_min3A_80 [1] : vector<512x2048xf32> to vector<512xf32>
    %broadcast_in_dim3A_82 = vector.shape_cast %reduce_min3A_81 : vector<512xf32> to vector<512x1xf32>
    %gt3A_83 = vector.broadcast %broadcast_in_dim3A_82 : vector<512x1xf32> to vector<512x2048xf32>
    %gt3A_84 = arith.cmpf ogt, %bitcast_convert_type3A_26, %gt3A_83 : vector<512x2048xf32>
    %jit3A_85 = arith.constant 0x7F800000 : f32
    %broadcast_in_dim3A_86 = vector.broadcast %jit3A_85 : f32 to vector<512x2048xf32>
    %select_n3A_87 = arith.select %gt3A_84, %bitcast_convert_type3A_26, %broadcast_in_dim3A_86 : vector<512x2048xi1>, vector<512x2048xf32>
    %reduce_min3A_88 = arith.constant dense<0x7F800000> : vector<512xf32>
    %reduce_min3A_89 = vector.multi_reduction <minimumf>, %select_n3A_87, %reduce_min3A_88 [1] : vector<512x2048xf32> to vector<512xf32>
    %broadcast_in_dim3A_90 = vector.shape_cast %reduce_min3A_89 : vector<512xf32> to vector<512x1xf32>
    %gt3A_91 = vector.broadcast %broadcast_in_dim3A_90 : vector<512x1xf32> to vector<512x2048xf32>
    %gt3A_92 = arith.cmpf ogt, %bitcast_convert_type3A_26, %gt3A_91 : vector<512x2048xf32>
    %jit3A_93 = arith.constant 0x7F800000 : f32
    %broadcast_in_dim3A_94 = vector.broadcast %jit3A_93 : f32 to vector<512x2048xf32>
    %select_n3A_95 = arith.select %gt3A_92, %bitcast_convert_type3A_26, %broadcast_in_dim3A_94 : vector<512x2048xi1>, vector<512x2048xf32>
    %reduce_min3A_96 = arith.constant dense<0x7F800000> : vector<512xf32>
    %reduce_min3A_97 = vector.multi_reduction <minimumf>, %select_n3A_95, %reduce_min3A_96 [1] : vector<512x2048xf32> to vector<512xf32>
    %broadcast_in_dim3A_98 = vector.shape_cast %reduce_min3A_97 : vector<512xf32> to vector<512x1xf32>
    %gt3A_99 = vector.broadcast %broadcast_in_dim3A_98 : vector<512x1xf32> to vector<512x2048xf32>
    %gt3A_100 = arith.cmpf ogt, %bitcast_convert_type3A_26, %gt3A_99 : vector<512x2048xf32>
    %jit3A_101 = arith.constant 0x7F800000 : f32
    %broadcast_in_dim3A_102 = vector.broadcast %jit3A_101 : f32 to vector<512x2048xf32>
    %select_n3A_103 = arith.select %gt3A_100, %bitcast_convert_type3A_26, %broadcast_in_dim3A_102 : vector<512x2048xi1>, vector<512x2048xf32>
    %reduce_min3A_104 = arith.constant dense<0x7F800000> : vector<512xf32>
    %reduce_min3A_105 = vector.multi_reduction <minimumf>, %select_n3A_103, %reduce_min3A_104 [1] : vector<512x2048xf32> to vector<512xf32>
    %broadcast_in_dim3A_106 = vector.shape_cast %reduce_min3A_105 : vector<512xf32> to vector<512x1xf32>
    %gt3A_107 = vector.broadcast %broadcast_in_dim3A_106 : vector<512x1xf32> to vector<512x2048xf32>
    %gt3A_108 = arith.cmpf ogt, %bitcast_convert_type3A_26, %gt3A_107 : vector<512x2048xf32>
    %jit3A_109 = arith.constant 0x7F800000 : f32
    %broadcast_in_dim3A_110 = vector.broadcast %jit3A_109 : f32 to vector<512x2048xf32>
    %select_n3A_111 = arith.select %gt3A_108, %bitcast_convert_type3A_26, %broadcast_in_dim3A_110 : vector<512x2048xi1>, vector<512x2048xf32>
    %reduce_min3A_112 = arith.constant dense<0x7F800000> : vector<512xf32>
    %reduce_min3A_113 = vector.multi_reduction <minimumf>, %select_n3A_111, %reduce_min3A_112 [1] : vector<512x2048xf32> to vector<512xf32>
    %broadcast_in_dim3A_114 = vector.shape_cast %reduce_min3A_113 : vector<512xf32> to vector<512x1xf32>
    %gt3A_115 = vector.broadcast %broadcast_in_dim3A_114 : vector<512x1xf32> to vector<512x2048xf32>
    %gt3A_116 = arith.cmpf ogt, %bitcast_convert_type3A_26, %gt3A_115 : vector<512x2048xf32>
    %jit3A_117 = arith.constant 0x7F800000 : f32
    %broadcast_in_dim3A_118 = vector.broadcast %jit3A_117 : f32 to vector<512x2048xf32>
    %select_n3A_119 = arith.select %gt3A_116, %bitcast_convert_type3A_26, %broadcast_in_dim3A_118 : vector<512x2048xi1>, vector<512x2048xf32>
    %reduce_min3A_120 = arith.constant dense<0x7F800000> : vector<512xf32>
    %reduce_min3A_121 = vector.multi_reduction <minimumf>, %select_n3A_119, %reduce_min3A_120 [1] : vector<512x2048xf32> to vector<512xf32>
    %broadcast_in_dim3A_122 = vector.shape_cast %reduce_min3A_121 : vector<512xf32> to vector<512x1xf32>
    %gt3A_123 = vector.broadcast %broadcast_in_dim3A_122 : vector<512x1xf32> to vector<512x2048xf32>
    %gt3A_124 = arith.cmpf ogt, %bitcast_convert_type3A_26, %gt3A_123 : vector<512x2048xf32>
    %jit3A_125 = arith.constant 0x7F800000 : f32
    %broadcast_in_dim3A_126 = vector.broadcast %jit3A_125 : f32 to vector<512x2048xf32>
    %select_n3A_127 = arith.select %gt3A_124, %bitcast_convert_type3A_26, %broadcast_in_dim3A_126 : vector<512x2048xi1>, vector<512x2048xf32>
    %reduce_min3A_128 = arith.constant dense<0x7F800000> : vector<512xf32>
    %reduce_min3A_129 = vector.multi_reduction <minimumf>, %select_n3A_127, %reduce_min3A_128 [1] : vector<512x2048xf32> to vector<512xf32>
    %broadcast_in_dim3A_130 = vector.shape_cast %reduce_min3A_129 : vector<512xf32> to vector<512x1xf32>
    %gt3A_131 = vector.broadcast %broadcast_in_dim3A_130 : vector<512x1xf32> to vector<512x2048xf32>
    %gt3A_132 = arith.cmpf ogt, %bitcast_convert_type3A_26, %gt3A_131 : vector<512x2048xf32>
    %jit3A_133 = arith.constant 0x7F800000 : f32
    %broadcast_in_dim3A_134 = vector.broadcast %jit3A_133 : f32 to vector<512x2048xf32>
    %select_n3A_135 = arith.select %gt3A_132, %bitcast_convert_type3A_26, %broadcast_in_dim3A_134 : vector<512x2048xi1>, vector<512x2048xf32>
    %reduce_min3A_136 = arith.constant dense<0x7F800000> : vector<512xf32>
    %reduce_min3A_137 = vector.multi_reduction <minimumf>, %select_n3A_135, %reduce_min3A_136 [1] : vector<512x2048xf32> to vector<512xf32>
    %broadcast_in_dim3A_138 = vector.shape_cast %reduce_min3A_137 : vector<512xf32> to vector<512x1xf32>
    %gt3A_139 = vector.broadcast %broadcast_in_dim3A_138 : vector<512x1xf32> to vector<512x2048xf32>
    %gt3A_140 = arith.cmpf ogt, %bitcast_convert_type3A_26, %gt3A_139 : vector<512x2048xf32>
    %jit3A_141 = arith.constant 0x7F800000 : f32
    %broadcast_in_dim3A_142 = vector.broadcast %jit3A_141 : f32 to vector<512x2048xf32>
    %select_n3A_143 = arith.select %gt3A_140, %bitcast_convert_type3A_26, %broadcast_in_dim3A_142 : vector<512x2048xi1>, vector<512x2048xf32>
    %reduce_min3A_144 = arith.constant dense<0x7F800000> : vector<512xf32>
    %reduce_min3A_145 = vector.multi_reduction <minimumf>, %select_n3A_143, %reduce_min3A_144 [1] : vector<512x2048xf32> to vector<512xf32>
    %broadcast_in_dim3A_146 = vector.shape_cast %reduce_min3A_145 : vector<512xf32> to vector<512x1xf32>
    %concatenate3A = tpu.concatenate %broadcast_in_dim3A_28, %broadcast_in_dim3A_34, %broadcast_in_dim3A_42, %broadcast_in_dim3A_50, %broadcast_in_dim3A_58, %broadcast_in_dim3A_66, %broadcast_in_dim3A_74, %broadcast_in_dim3A_82, %broadcast_in_dim3A_90, %broadcast_in_dim3A_98, %broadcast_in_dim3A_106, %broadcast_in_dim3A_114, %broadcast_in_dim3A_122, %broadcast_in_dim3A_130, %broadcast_in_dim3A_138, %broadcast_in_dim3A_146 in 1 : vector<512x1xf32>, vector<512x1xf32>, vector<512x1xf32>, vector<512x1xf32>, vector<512x1xf32>, vector<512x1xf32>, vector<512x1xf32>, vector<512x1xf32>, vector<512x1xf32>, vector<512x1xf32>, vector<512x1xf32>, vector<512x1xf32>, vector<512x1xf32>, vector<512x1xf32>, vector<512x1xf32>, vector<512x1xf32> -> vector<512x16xf32>
    %bitcast_convert_type3A_147 = tpu.bitcast %concatenate3A : vector<512x16xf32> -> vector<512x16xi32>
    %sub3A_148 = arith.constant 134217728 : i32
    %sub3A_149 = vector.broadcast %sub3A_148 : i32 to vector<512x16xi32>
    %sub3A_150 = arith.subi %bitcast_convert_type3A_147, %sub3A_149 : vector<512x16xi32>
    %and3A_151 = arith.constant 2047 : i32
    %and3A_152 = vector.broadcast %and3A_151 : i32 to vector<512x16xi32>
    %and3A_153 = arith.andi %sub3A_150, %and3A_152 : vector<512x16xi32>
    %mul3A_154 = arith.constant 2048 : i32
    %mul3A_155 = arith.muli %add3A_0, %mul3A_154 : i32
    %add3A_156 = vector.broadcast %mul3A_155 : i32 to vector<512x16xi32>
    %add3A_157 = arith.addi %and3A_153, %add3A_156 : vector<512x16xi32>
    %transpose3A = tpu.transpose %add3A_157, [1, 0] : vector<512x16xi32> -> vector<16x512xi32>
    %swap3A = arith.constant 0 : index
    %swap3A_158 = arith.constant 0 : index
    %swap3A_159 = vector.load %arg4[%swap3A, %swap3A_158] : memref<16x512xi32, #tpu.memory_space<vmem>>, vector<16x512xi32>
    tpu.vector_store %arg4[%swap3A, %swap3A_158], %transpose3A {strides = array<i32>} : memref<16x512xi32, #tpu.memory_space<vmem>>, vector<16x512xi32>,
    %and3A_160 = arith.constant -2048 : i32
    %and3A_161 = vector.broadcast %and3A_160 : i32 to vector<512x16xi32>
    %and3A_162 = arith.andi %sub3A_150, %and3A_161 : vector<512x16xi32>
    %bitcast_convert_type3A_163 = tpu.bitcast %and3A_162 : vector<512x16xi32> -> vector<512x16xf32>
    %mul3A_164 = arith.constant -1.000000e+01 : f32
    %mul3A_165 = vector.broadcast %mul3A_164 : f32 to vector<512x16xf32>
    %mul3A_166 = arith.mulf %mul3A_165, %bitcast_convert_type3A_163 : vector<512x16xf32>
    %exp3A = math.exp %mul3A_166 : vector<512x16xf32>
    %swap3A_167 = arith.constant 0 : index
    %swap3A_168 = arith.constant 0 : index
    %swap3A_169 = vector.load %arg5[%swap3A_167, %swap3A_168] : memref<512x16xf32, #tpu.memory_space<vmem>>, vector<512x16xf32>
    tpu.vector_store %arg5[%swap3A_167, %swap3A_168], %exp3A {strides = array<i32>} : memref<512x16xf32, #tpu.memory_space<vmem>>, vector<512x16xf32>,
    return
  }
  func.func @transform_0(%arg0: i32, %arg1: i32) -> (i32, i32) {
    %mul3A = arith.constant 4 : i32
    %mul3A_0 = arith.muli %arg0, %mul3A : i32
    %add3A = arith.constant 24 : i32
    %add3A_1 = arith.addi %add3A, %mul3A_0 : i32
    %add3A_2 = arith.addi %add3A_1, %arg1 : i32
    %c0_i32 = arith.constant 0 : i32
    %c0_i32_3 = arith.constant 0 : i32
    return %add3A_2, %c0_i32 : i32, i32
  }
  func.func @transform_1(%arg0: i32, %arg1: i32) -> (i32, i32) {
    %add3A = arith.constant 6 : i32
    %add3A_0 = arith.addi %add3A, %arg0 : i32
    %c0_i32 = arith.constant 0 : i32
    %c0_i32_1 = arith.constant 0 : i32
    return %c0_i32, %add3A_0 : i32, i32
  }
  func.func @transform_2(%arg0: i32, %arg1: i32) -> (i32, i32) {
    %mul3A = arith.constant 4 : i32
    %mul3A_0 = arith.muli %arg0, %mul3A : i32
    %add3A = arith.addi %mul3A_0, %arg1 : i32
    %c0_i32 = arith.constant 0 : i32
    %c0_i32_1 = arith.constant 0 : i32
    return %c0_i32, %add3A : i32, i32
  }
  func.func @transform_3(%arg0: i32, %arg1: i32) -> (i32, i32) {
    %mul3A = arith.constant 4 : i32
    %mul3A_0 = arith.muli %arg0, %mul3A : i32
    %add3A = arith.addi %mul3A_0, %arg1 : i32
    %c0_i32 = arith.constant 0 : i32
    %c0_i32_1 = arith.constant 0 : i32
    return %add3A, %c0_i32 : i32, i32
  }
}

module attributes {stable_mosaic.version = 14 : i64} {
  func.func @_pool_body(%arg0: i32, %arg1: memref<16x1024x128xf32, #tpu.memory_space<vmem>>, %arg2: memref<1024x16xf32, #tpu.memory_space<vmem>>, %arg3: memref<1024x128xf32, #tpu.memory_space<vmem>>) attributes {dimension_semantics = [#tpu.dimension_semantics<arbitrary>], iteration_bounds = array<i64: 4>, scalar_prefetch = 0 : i64, scratch_operands = 0 : i64, tpu.core_type = #tpu.core_type<tc>, window_params = [{transform_indices = @transform_0, window_bounds = array<i64: 16, 1024, 128>}, {transform_indices = @transform_1, window_bounds = array<i64: 1024, 16>}, {transform_indices = @transform_2, window_bounds = array<i64: 1024, 128>}]} {
    %get3A = arith.constant 0 : index
    %get3A_0 = arith.constant 0 : index
    %get3A_1 = arith.constant 0 : index
    %get3A_2 = vector.load %arg1[%get3A, %get3A_0, %get3A_1] : memref<16x1024x128xf32, #tpu.memory_space<vmem>>, vector<1x1024x128xf32>
    %get3A_3 = vector.shape_cast %get3A_2 : vector<1x1024x128xf32> to vector<1024x128xf32>
    %slice3A = vector.extract_strided_slice %get3A_3 {offsets = [0, 0], sizes = [1024, 64], strides = [1, 1]} : vector<1024x128xf32> to vector<1024x64xf32>
    %get3A_4 = arith.constant 0 : index
    %get3A_5 = arith.constant 0 : index
    %get3A_6 = vector.load %arg2[%get3A_4, %get3A_5] : memref<1024x16xf32, #tpu.memory_space<vmem>>, vector<1024x1xf32>
    %mul3A = vector.broadcast %get3A_6 : vector<1024x1xf32> to vector<1024x64xf32>
    %mul3A_7 = arith.mulf %slice3A, %mul3A : vector<1024x64xf32>
    %get3A_8 = arith.constant 1 : index
    %get3A_9 = arith.constant 0 : index
    %get3A_10 = arith.constant 0 : index
    %get3A_11 = vector.load %arg1[%get3A_8, %get3A_9, %get3A_10] : memref<16x1024x128xf32, #tpu.memory_space<vmem>>, vector<1x1024x128xf32>
    %get3A_12 = vector.shape_cast %get3A_11 : vector<1x1024x128xf32> to vector<1024x128xf32>
    %slice3A_13 = vector.extract_strided_slice %get3A_12 {offsets = [0, 0], sizes = [1024, 64], strides = [1, 1]} : vector<1024x128xf32> to vector<1024x64xf32>
    %get3A_14 = arith.constant 0 : index
    %get3A_15 = arith.constant 1 : index
    %get3A_16 = vector.load %arg2[%get3A_14, %get3A_15] : memref<1024x16xf32, #tpu.memory_space<vmem>>, vector<1024x1xf32>
    %mul3A_17 = vector.broadcast %get3A_16 : vector<1024x1xf32> to vector<1024x64xf32>
    %mul3A_18 = arith.mulf %slice3A_13, %mul3A_17 : vector<1024x64xf32>
    %add3A = arith.addf %mul3A_7, %mul3A_18 : vector<1024x64xf32>
    %max3A = arith.maximumf %mul3A_7, %mul3A_18 : vector<1024x64xf32>
    %get3A_19 = arith.constant 2 : index
    %get3A_20 = arith.constant 0 : index
    %get3A_21 = arith.constant 0 : index
    %get3A_22 = vector.load %arg1[%get3A_19, %get3A_20, %get3A_21] : memref<16x1024x128xf32, #tpu.memory_space<vmem>>, vector<1x1024x128xf32>
    %get3A_23 = vector.shape_cast %get3A_22 : vector<1x1024x128xf32> to vector<1024x128xf32>
    %slice3A_24 = vector.extract_strided_slice %get3A_23 {offsets = [0, 0], sizes = [1024, 64], strides = [1, 1]} : vector<1024x128xf32> to vector<1024x64xf32>
    %get3A_25 = arith.constant 0 : index
    %get3A_26 = arith.constant 2 : index
    %get3A_27 = vector.load %arg2[%get3A_25, %get3A_26] : memref<1024x16xf32, #tpu.memory_space<vmem>>, vector<1024x1xf32>
    %mul3A_28 = vector.broadcast %get3A_27 : vector<1024x1xf32> to vector<1024x64xf32>
    %mul3A_29 = arith.mulf %slice3A_24, %mul3A_28 : vector<1024x64xf32>
    %add3A_30 = arith.addf %add3A, %mul3A_29 : vector<1024x64xf32>
    %max3A_31 = arith.maximumf %max3A, %mul3A_29 : vector<1024x64xf32>
    %get3A_32 = arith.constant 3 : index
    %get3A_33 = arith.constant 0 : index
    %get3A_34 = arith.constant 0 : index
    %get3A_35 = vector.load %arg1[%get3A_32, %get3A_33, %get3A_34] : memref<16x1024x128xf32, #tpu.memory_space<vmem>>, vector<1x1024x128xf32>
    %get3A_36 = vector.shape_cast %get3A_35 : vector<1x1024x128xf32> to vector<1024x128xf32>
    %slice3A_37 = vector.extract_strided_slice %get3A_36 {offsets = [0, 0], sizes = [1024, 64], strides = [1, 1]} : vector<1024x128xf32> to vector<1024x64xf32>
    %get3A_38 = arith.constant 0 : index
    %get3A_39 = arith.constant 3 : index
    %get3A_40 = vector.load %arg2[%get3A_38, %get3A_39] : memref<1024x16xf32, #tpu.memory_space<vmem>>, vector<1024x1xf32>
    %mul3A_41 = vector.broadcast %get3A_40 : vector<1024x1xf32> to vector<1024x64xf32>
    %mul3A_42 = arith.mulf %slice3A_37, %mul3A_41 : vector<1024x64xf32>
    %add3A_43 = arith.addf %add3A_30, %mul3A_42 : vector<1024x64xf32>
    %max3A_44 = arith.maximumf %max3A_31, %mul3A_42 : vector<1024x64xf32>
    %get3A_45 = arith.constant 4 : index
    %get3A_46 = arith.constant 0 : index
    %get3A_47 = arith.constant 0 : index
    %get3A_48 = vector.load %arg1[%get3A_45, %get3A_46, %get3A_47] : memref<16x1024x128xf32, #tpu.memory_space<vmem>>, vector<1x1024x128xf32>
    %get3A_49 = vector.shape_cast %get3A_48 : vector<1x1024x128xf32> to vector<1024x128xf32>
    %slice3A_50 = vector.extract_strided_slice %get3A_49 {offsets = [0, 0], sizes = [1024, 64], strides = [1, 1]} : vector<1024x128xf32> to vector<1024x64xf32>
    %get3A_51 = arith.constant 0 : index
    %get3A_52 = arith.constant 4 : index
    %get3A_53 = vector.load %arg2[%get3A_51, %get3A_52] : memref<1024x16xf32, #tpu.memory_space<vmem>>, vector<1024x1xf32>
    %mul3A_54 = vector.broadcast %get3A_53 : vector<1024x1xf32> to vector<1024x64xf32>
    %mul3A_55 = arith.mulf %slice3A_50, %mul3A_54 : vector<1024x64xf32>
    %add3A_56 = arith.addf %add3A_43, %mul3A_55 : vector<1024x64xf32>
    %max3A_57 = arith.maximumf %max3A_44, %mul3A_55 : vector<1024x64xf32>
    %get3A_58 = arith.constant 5 : index
    %get3A_59 = arith.constant 0 : index
    %get3A_60 = arith.constant 0 : index
    %get3A_61 = vector.load %arg1[%get3A_58, %get3A_59, %get3A_60] : memref<16x1024x128xf32, #tpu.memory_space<vmem>>, vector<1x1024x128xf32>
    %get3A_62 = vector.shape_cast %get3A_61 : vector<1x1024x128xf32> to vector<1024x128xf32>
    %slice3A_63 = vector.extract_strided_slice %get3A_62 {offsets = [0, 0], sizes = [1024, 64], strides = [1, 1]} : vector<1024x128xf32> to vector<1024x64xf32>
    %get3A_64 = arith.constant 0 : index
    %get3A_65 = arith.constant 5 : index
    %get3A_66 = vector.load %arg2[%get3A_64, %get3A_65] : memref<1024x16xf32, #tpu.memory_space<vmem>>, vector<1024x1xf32>
    %mul3A_67 = vector.broadcast %get3A_66 : vector<1024x1xf32> to vector<1024x64xf32>
    %mul3A_68 = arith.mulf %slice3A_63, %mul3A_67 : vector<1024x64xf32>
    %add3A_69 = arith.addf %add3A_56, %mul3A_68 : vector<1024x64xf32>
    %max3A_70 = arith.maximumf %max3A_57, %mul3A_68 : vector<1024x64xf32>
    %get3A_71 = arith.constant 6 : index
    %get3A_72 = arith.constant 0 : index
    %get3A_73 = arith.constant 0 : index
    %get3A_74 = vector.load %arg1[%get3A_71, %get3A_72, %get3A_73] : memref<16x1024x128xf32, #tpu.memory_space<vmem>>, vector<1x1024x128xf32>
    %get3A_75 = vector.shape_cast %get3A_74 : vector<1x1024x128xf32> to vector<1024x128xf32>
    %slice3A_76 = vector.extract_strided_slice %get3A_75 {offsets = [0, 0], sizes = [1024, 64], strides = [1, 1]} : vector<1024x128xf32> to vector<1024x64xf32>
    %get3A_77 = arith.constant 0 : index
    %get3A_78 = arith.constant 6 : index
    %get3A_79 = vector.load %arg2[%get3A_77, %get3A_78] : memref<1024x16xf32, #tpu.memory_space<vmem>>, vector<1024x1xf32>
    %mul3A_80 = vector.broadcast %get3A_79 : vector<1024x1xf32> to vector<1024x64xf32>
    %mul3A_81 = arith.mulf %slice3A_76, %mul3A_80 : vector<1024x64xf32>
    %add3A_82 = arith.addf %add3A_69, %mul3A_81 : vector<1024x64xf32>
    %max3A_83 = arith.maximumf %max3A_70, %mul3A_81 : vector<1024x64xf32>
    %get3A_84 = arith.constant 7 : index
    %get3A_85 = arith.constant 0 : index
    %get3A_86 = arith.constant 0 : index
    %get3A_87 = vector.load %arg1[%get3A_84, %get3A_85, %get3A_86] : memref<16x1024x128xf32, #tpu.memory_space<vmem>>, vector<1x1024x128xf32>
    %get3A_88 = vector.shape_cast %get3A_87 : vector<1x1024x128xf32> to vector<1024x128xf32>
    %slice3A_89 = vector.extract_strided_slice %get3A_88 {offsets = [0, 0], sizes = [1024, 64], strides = [1, 1]} : vector<1024x128xf32> to vector<1024x64xf32>
    %get3A_90 = arith.constant 0 : index
    %get3A_91 = arith.constant 7 : index
    %get3A_92 = vector.load %arg2[%get3A_90, %get3A_91] : memref<1024x16xf32, #tpu.memory_space<vmem>>, vector<1024x1xf32>
    %mul3A_93 = vector.broadcast %get3A_92 : vector<1024x1xf32> to vector<1024x64xf32>
    %mul3A_94 = arith.mulf %slice3A_89, %mul3A_93 : vector<1024x64xf32>
    %add3A_95 = arith.addf %add3A_82, %mul3A_94 : vector<1024x64xf32>
    %max3A_96 = arith.maximumf %max3A_83, %mul3A_94 : vector<1024x64xf32>
    %get3A_97 = arith.constant 8 : index
    %get3A_98 = arith.constant 0 : index
    %get3A_99 = arith.constant 0 : index
    %get3A_100 = vector.load %arg1[%get3A_97, %get3A_98, %get3A_99] : memref<16x1024x128xf32, #tpu.memory_space<vmem>>, vector<1x1024x128xf32>
    %get3A_101 = vector.shape_cast %get3A_100 : vector<1x1024x128xf32> to vector<1024x128xf32>
    %slice3A_102 = vector.extract_strided_slice %get3A_101 {offsets = [0, 0], sizes = [1024, 64], strides = [1, 1]} : vector<1024x128xf32> to vector<1024x64xf32>
    %get3A_103 = arith.constant 0 : index
    %get3A_104 = arith.constant 8 : index
    %get3A_105 = vector.load %arg2[%get3A_103, %get3A_104] : memref<1024x16xf32, #tpu.memory_space<vmem>>, vector<1024x1xf32>
    %mul3A_106 = vector.broadcast %get3A_105 : vector<1024x1xf32> to vector<1024x64xf32>
    %mul3A_107 = arith.mulf %slice3A_102, %mul3A_106 : vector<1024x64xf32>
    %add3A_108 = arith.addf %add3A_95, %mul3A_107 : vector<1024x64xf32>
    %max3A_109 = arith.maximumf %max3A_96, %mul3A_107 : vector<1024x64xf32>
    %get3A_110 = arith.constant 9 : index
    %get3A_111 = arith.constant 0 : index
    %get3A_112 = arith.constant 0 : index
    %get3A_113 = vector.load %arg1[%get3A_110, %get3A_111, %get3A_112] : memref<16x1024x128xf32, #tpu.memory_space<vmem>>, vector<1x1024x128xf32>
    %get3A_114 = vector.shape_cast %get3A_113 : vector<1x1024x128xf32> to vector<1024x128xf32>
    %slice3A_115 = vector.extract_strided_slice %get3A_114 {offsets = [0, 0], sizes = [1024, 64], strides = [1, 1]} : vector<1024x128xf32> to vector<1024x64xf32>
    %get3A_116 = arith.constant 0 : index
    %get3A_117 = arith.constant 9 : index
    %get3A_118 = vector.load %arg2[%get3A_116, %get3A_117] : memref<1024x16xf32, #tpu.memory_space<vmem>>, vector<1024x1xf32>
    %mul3A_119 = vector.broadcast %get3A_118 : vector<1024x1xf32> to vector<1024x64xf32>
    %mul3A_120 = arith.mulf %slice3A_115, %mul3A_119 : vector<1024x64xf32>
    %add3A_121 = arith.addf %add3A_108, %mul3A_120 : vector<1024x64xf32>
    %max3A_122 = arith.maximumf %max3A_109, %mul3A_120 : vector<1024x64xf32>
    %get3A_123 = arith.constant 10 : index
    %get3A_124 = arith.constant 0 : index
    %get3A_125 = arith.constant 0 : index
    %get3A_126 = vector.load %arg1[%get3A_123, %get3A_124, %get3A_125] : memref<16x1024x128xf32, #tpu.memory_space<vmem>>, vector<1x1024x128xf32>
    %get3A_127 = vector.shape_cast %get3A_126 : vector<1x1024x128xf32> to vector<1024x128xf32>
    %slice3A_128 = vector.extract_strided_slice %get3A_127 {offsets = [0, 0], sizes = [1024, 64], strides = [1, 1]} : vector<1024x128xf32> to vector<1024x64xf32>
    %get3A_129 = arith.constant 0 : index
    %get3A_130 = arith.constant 10 : index
    %get3A_131 = vector.load %arg2[%get3A_129, %get3A_130] : memref<1024x16xf32, #tpu.memory_space<vmem>>, vector<1024x1xf32>
    %mul3A_132 = vector.broadcast %get3A_131 : vector<1024x1xf32> to vector<1024x64xf32>
    %mul3A_133 = arith.mulf %slice3A_128, %mul3A_132 : vector<1024x64xf32>
    %add3A_134 = arith.addf %add3A_121, %mul3A_133 : vector<1024x64xf32>
    %max3A_135 = arith.maximumf %max3A_122, %mul3A_133 : vector<1024x64xf32>
    %get3A_136 = arith.constant 11 : index
    %get3A_137 = arith.constant 0 : index
    %get3A_138 = arith.constant 0 : index
    %get3A_139 = vector.load %arg1[%get3A_136, %get3A_137, %get3A_138] : memref<16x1024x128xf32, #tpu.memory_space<vmem>>, vector<1x1024x128xf32>
    %get3A_140 = vector.shape_cast %get3A_139 : vector<1x1024x128xf32> to vector<1024x128xf32>
    %slice3A_141 = vector.extract_strided_slice %get3A_140 {offsets = [0, 0], sizes = [1024, 64], strides = [1, 1]} : vector<1024x128xf32> to vector<1024x64xf32>
    %get3A_142 = arith.constant 0 : index
    %get3A_143 = arith.constant 11 : index
    %get3A_144 = vector.load %arg2[%get3A_142, %get3A_143] : memref<1024x16xf32, #tpu.memory_space<vmem>>, vector<1024x1xf32>
    %mul3A_145 = vector.broadcast %get3A_144 : vector<1024x1xf32> to vector<1024x64xf32>
    %mul3A_146 = arith.mulf %slice3A_141, %mul3A_145 : vector<1024x64xf32>
    %add3A_147 = arith.addf %add3A_134, %mul3A_146 : vector<1024x64xf32>
    %max3A_148 = arith.maximumf %max3A_135, %mul3A_146 : vector<1024x64xf32>
    %get3A_149 = arith.constant 12 : index
    %get3A_150 = arith.constant 0 : index
    %get3A_151 = arith.constant 0 : index
    %get3A_152 = vector.load %arg1[%get3A_149, %get3A_150, %get3A_151] : memref<16x1024x128xf32, #tpu.memory_space<vmem>>, vector<1x1024x128xf32>
    %get3A_153 = vector.shape_cast %get3A_152 : vector<1x1024x128xf32> to vector<1024x128xf32>
    %slice3A_154 = vector.extract_strided_slice %get3A_153 {offsets = [0, 0], sizes = [1024, 64], strides = [1, 1]} : vector<1024x128xf32> to vector<1024x64xf32>
    %get3A_155 = arith.constant 0 : index
    %get3A_156 = arith.constant 12 : index
    %get3A_157 = vector.load %arg2[%get3A_155, %get3A_156] : memref<1024x16xf32, #tpu.memory_space<vmem>>, vector<1024x1xf32>
    %mul3A_158 = vector.broadcast %get3A_157 : vector<1024x1xf32> to vector<1024x64xf32>
    %mul3A_159 = arith.mulf %slice3A_154, %mul3A_158 : vector<1024x64xf32>
    %add3A_160 = arith.addf %add3A_147, %mul3A_159 : vector<1024x64xf32>
    %max3A_161 = arith.maximumf %max3A_148, %mul3A_159 : vector<1024x64xf32>
    %get3A_162 = arith.constant 13 : index
    %get3A_163 = arith.constant 0 : index
    %get3A_164 = arith.constant 0 : index
    %get3A_165 = vector.load %arg1[%get3A_162, %get3A_163, %get3A_164] : memref<16x1024x128xf32, #tpu.memory_space<vmem>>, vector<1x1024x128xf32>
    %get3A_166 = vector.shape_cast %get3A_165 : vector<1x1024x128xf32> to vector<1024x128xf32>
    %slice3A_167 = vector.extract_strided_slice %get3A_166 {offsets = [0, 0], sizes = [1024, 64], strides = [1, 1]} : vector<1024x128xf32> to vector<1024x64xf32>
    %get3A_168 = arith.constant 0 : index
    %get3A_169 = arith.constant 13 : index
    %get3A_170 = vector.load %arg2[%get3A_168, %get3A_169] : memref<1024x16xf32, #tpu.memory_space<vmem>>, vector<1024x1xf32>
    %mul3A_171 = vector.broadcast %get3A_170 : vector<1024x1xf32> to vector<1024x64xf32>
    %mul3A_172 = arith.mulf %slice3A_167, %mul3A_171 : vector<1024x64xf32>
    %add3A_173 = arith.addf %add3A_160, %mul3A_172 : vector<1024x64xf32>
    %max3A_174 = arith.maximumf %max3A_161, %mul3A_172 : vector<1024x64xf32>
    %get3A_175 = arith.constant 14 : index
    %get3A_176 = arith.constant 0 : index
    %get3A_177 = arith.constant 0 : index
    %get3A_178 = vector.load %arg1[%get3A_175, %get3A_176, %get3A_177] : memref<16x1024x128xf32, #tpu.memory_space<vmem>>, vector<1x1024x128xf32>
    %get3A_179 = vector.shape_cast %get3A_178 : vector<1x1024x128xf32> to vector<1024x128xf32>
    %slice3A_180 = vector.extract_strided_slice %get3A_179 {offsets = [0, 0], sizes = [1024, 64], strides = [1, 1]} : vector<1024x128xf32> to vector<1024x64xf32>
    %get3A_181 = arith.constant 0 : index
    %get3A_182 = arith.constant 14 : index
    %get3A_183 = vector.load %arg2[%get3A_181, %get3A_182] : memref<1024x16xf32, #tpu.memory_space<vmem>>, vector<1024x1xf32>
    %mul3A_184 = vector.broadcast %get3A_183 : vector<1024x1xf32> to vector<1024x64xf32>
    %mul3A_185 = arith.mulf %slice3A_180, %mul3A_184 : vector<1024x64xf32>
    %add3A_186 = arith.addf %add3A_173, %mul3A_185 : vector<1024x64xf32>
    %max3A_187 = arith.maximumf %max3A_174, %mul3A_185 : vector<1024x64xf32>
    %get3A_188 = arith.constant 15 : index
    %get3A_189 = arith.constant 0 : index
    %get3A_190 = arith.constant 0 : index
    %get3A_191 = vector.load %arg1[%get3A_188, %get3A_189, %get3A_190] : memref<16x1024x128xf32, #tpu.memory_space<vmem>>, vector<1x1024x128xf32>
    %get3A_192 = vector.shape_cast %get3A_191 : vector<1x1024x128xf32> to vector<1024x128xf32>
    %slice3A_193 = vector.extract_strided_slice %get3A_192 {offsets = [0, 0], sizes = [1024, 64], strides = [1, 1]} : vector<1024x128xf32> to vector<1024x64xf32>
    %get3A_194 = arith.constant 0 : index
    %get3A_195 = arith.constant 15 : index
    %get3A_196 = vector.load %arg2[%get3A_194, %get3A_195] : memref<1024x16xf32, #tpu.memory_space<vmem>>, vector<1024x1xf32>
    %mul3A_197 = vector.broadcast %get3A_196 : vector<1024x1xf32> to vector<1024x64xf32>
    %mul3A_198 = arith.mulf %slice3A_193, %mul3A_197 : vector<1024x64xf32>
    %add3A_199 = arith.addf %add3A_186, %mul3A_198 : vector<1024x64xf32>
    %max3A_200 = arith.maximumf %max3A_187, %mul3A_198 : vector<1024x64xf32>
    %mul3A_201 = arith.constant 6.250000e-02 : f32
    %mul3A_202 = vector.broadcast %mul3A_201 : f32 to vector<1024x64xf32>
    %mul3A_203 = arith.mulf %add3A_199, %mul3A_202 : vector<1024x64xf32>
    %concatenate3A = tpu.concatenate %mul3A_203, %max3A_200 in 1 : vector<1024x64xf32>, vector<1024x64xf32> -> vector<1024x128xf32>
    %swap3A = arith.constant 0 : index
    %swap3A_204 = arith.constant 0 : index
    %swap3A_205 = vector.load %arg3[%swap3A, %swap3A_204] : memref<1024x128xf32, #tpu.memory_space<vmem>>, vector<1024x128xf32>
    tpu.vector_store %arg3[%swap3A, %swap3A_204], %concatenate3A {strides = array<i32>} : memref<1024x128xf32, #tpu.memory_space<vmem>>, vector<1024x128xf32>,
    return
  }
  func.func @transform_0(%arg0: i32) -> (i32, i32, i32) {
    %c0_i32 = arith.constant 0 : i32
    %c0_i32_0 = arith.constant 0 : i32
    %c0_i32_1 = arith.constant 0 : i32
    return %c0_i32, %arg0, %c0_i32_0 : i32, i32, i32
  }
  func.func @transform_1(%arg0: i32) -> (i32, i32) {
    %c0_i32 = arith.constant 0 : i32
    %c0_i32_0 = arith.constant 0 : i32
    return %arg0, %c0_i32 : i32, i32
  }
  func.func @transform_2(%arg0: i32) -> (i32, i32) {
    %c0_i32 = arith.constant 0 : i32
    %c0_i32_0 = arith.constant 0 : i32
    return %arg0, %c0_i32 : i32, i32
  }
}

</mosaic_0001>

<sc_bundles>
// kernel: kernel.15.cloned.1.call-start
scs
__scs_entry_jumppad:
0x0: {  	(pc) =	sbr.rel $0x88, $3  }
0x1: {  	(tag) =	ssettag $0x0;
	lr =	simm.s32 $0x1  }
0x2: {  	[smem:$0x3F9D] =	sst lr;
	_ =	strace $0xD0000000  }
0x3: {  	_ = 	snop  }
0x4: {  	_ = 	snop  }
0x5: {  	_ = 	snop  }
0x6: {  	_ = 	snop  }
0x7: {  	_ = 	snop  }
__scs_overlays_trampoline_lowered:
0x8: {  	[smem:$0x3FAC] =	sst s0  }
0x9: {  	[smem:$0x3FAD] =	sst s1  }
0xa: {  	[smem:$0x3FAE] =	sst s2  }
0xb: {  	[smem:$0x3FAF] =	sst s3  }
0xc: {  	[smem:$0x3FB0] =	sst s4  }
0xd: {  	[smem:$0x3FB1] =	sst s5  }
0xe: {  	[smem:$0x3FB2] =	sst s6  }
0xf: {  	[smem:$0x3FB3] =	sst s7  }
0x10: {  	[smem:$0x3FB4] =	sst s8  }
0x11: {  	[smem:$0x3FB5] =	sst s9;
	s0 =	simm.s32 @!p0 $0x0  }
0x12: {  	s1 =	sld [smem:$0x3F9B];
	s0 =	simm.s32 @p0 $0x1  }
0x13: {  	[smem:$0x3FB6] =	sst s0;
	s0 =	simm.s32 @!p1 $0x0  }
0x14: {  	s2 =	sld [smem:$0x3F9A];
	s0 =	simm.s32 @p1 $0x1  }
0x15: {  	[smem:$0x3FB7] =	sst s0;
	s0 =	simm.s32 @!p2 $0x0  }
0x16: {  	s3 =	sld [smem:$0x3FDB];
	s0 =	simm.s32 @p2 $0x1  }
0x17: {  	s4 =	simm.s32 $0x1BF5;
	[smem:$0x3FB9] =	sst s0  }
0x18: {  	s0 =	sld [smem:$0x3F9C];
	_ =	swait.ge [sflag:s4], $0x0  }
0x19: {  	s7 =	sld [smem:$0x3F9D]  }
0x1a: {  	s8 =	sadd.s32 $0xFFFFE003, lr  }
0x1b: {  	s9 =	sadd.s32 $0xFFFFFEF7, lr;
	s5 =	simm.s32 $0xFFFFFFFF;
	p2 =	slt.u32 s8, $0xFFFFF086  }
0x1c: {  	p1 =	slt.u32 s9, $0xF7A;
	s5 =	simm.s32 @!p2 $0x0  }
0x1d: {  	s5 =	simm.s32 @p1 $0x1;
	p0 =	seq.s32 s7, s2  }
0x1e: {  	s7 =	smul.u32 @!p0 $0xF7A, s2;
	p2 =	seq.s32 @!p0 s5, $0x0  }
0x1f: {  	s9 =	smul.u32 $0xF7A, s1;
	s8 =	simm.s32 @!p0 $0x1BF5;
	p2 =	por !p2, p0  }
0x20: {  	[sflag:s8] =	ssyncset.s32 @!p0 $0xFFFFF086;
	s6 =	sadd.s32 @!p0 s3, s7;
	s7 =	simm.s32 @!p0 $0x108  }
0x21: {  	s3 =	sadd.s32 s3, s9;
	s6 =	sadd.s32 @!p0 $0x88, s6;
	s7 =	simm.s32 @p2 $0x1082  }
0x22: {  	[simem:s7], [sflag:s8] =	dma.local @!p0 [hbm:s6], $0xF7A  }
0x23: {  	s9 =	sor.u32 $0xD0000000, s2;
	s6 =	simm.s32 $0x108;
	_ =	swait.ge @!p0 [sflag:s8], $0x0  }
0x24: {  	s3 =	sadd.s32 $0x88, s3;
	s6 =	simm.s32 @!p1 $0x1082;
	[sflag:s4] =	ssyncset.s32 $0xFFFFF086  }
0x25: {  	[simem:s6], [sflag:s4] =	dma.local [hbm:s3], $0xF7A  }
0x26: {  	[smem:$0x3F9D] =	sst s1;
	(tag) =	ssettag s2;
	_ =	strace s9  }
0x27: {  	s1 =	sld [smem:$0x3FAD]  }
0x28: {  	s2 =	sld [smem:$0x3FAE]  }
0x29: {  	s4 =	sld [smem:$0x3FB0]  }
0x2a: {  	p0 =	seq.s32 s5, $0x0;
	s5 =	sld [smem:$0x3FB1]  }
0x2b: {  	s6 =	sld [smem:$0x3FB2]  }
0x2c: {  	s7 =	sld [smem:$0x3FB3]  }
0x2d: {  	s3 =	simm.s32 $0x108;
	s8 =	sld [smem:$0x3FB4]  }
0x2e: {  	s3 =	simm.s32 @!p0 $0x1082;
	s9 =	sld [smem:$0x3FB5]  }
0x2f: {  	lr =	sadd.s32 s0, s3;
	s0 =	sld [smem:$0x3FAC]  }
0x30: {  	s3 =	sld [smem:$0x3FAF]  }
0x31: {  	[smem:$0x3FB8] =	sst s10  }
0x32: {  	s10 =	sld [smem:$0x3FB6];
	_ =	sdelay $0x3  }
0x33: {  	p0 =	seq.s32 s10, $0x1;
	s10 =	sld [smem:$0x3FB8];
	_ =	sdelay $0x3  }
0x34: {  	[smem:$0x3FB8] =	sst s10  }
0x35: {  	s10 =	sld [smem:$0x3FB7];
	_ =	sdelay $0x3  }
0x36: {  	p1 =	seq.s32 s10, $0x1;
	s10 =	sld [smem:$0x3FB8];
	_ =	sdelay $0x3  }
0x37: {  	[smem:$0x3FB8] =	sst s10  }
0x38: {  	s10 =	sld [smem:$0x3FB9]  }
0x39: {  	_ = 	snop;
	(pc) =	sbr.ind lr, $3  }
0x3a: {  	_ = 	snop  }
0x3b: {  	_ = 	snop  }
0x3c: {  	p2 =	seq.s32 s10, $0x1;
	s10 =	sld [smem:$0x3FB8]  }
0x3d: {  	_ =	shalt  }
0x3e: {  	_ =	shalt  }
0x3f: {  	_ =	shalt  }
0x40: {  	_ =	shalt  }
0x41: {  	_ =	shalt  }
0x42: {  	_ =	shalt  }
0x43: {  	_ =	shalt  }
0x44: {  	_ =	shalt  }
0x45: {  	_ =	shalt  }
0x46: {  	_ =	shalt  }
0x47: {  	_ =	shalt  }
0x48: {  	_ =	shalt  }
0x49: {  	_ =	shalt  }
0x4a: {  	_ =	shalt  }
0x4b: {  	_ =	shalt  }
0x4c: {  	_ =	shalt  }
0x4d: {  	_ =	shalt  }
0x4e: {  	_ =	shalt  }
0x4f: {  	_ =	shalt  }
0x50: {  	_ =	shalt  }
0x51: {  	_ =	shalt  }
0x52: {  	_ =	shalt  }
0x53: {  	_ =	shalt  }
0x54: {  	_ =	shalt  }
0x55: {  	_ =	shalt  }
0x56: {  	_ =	shalt  }
0x57: {  	_ =	shalt  }
0x58: {  	_ =	shalt  }
0x59: {  	_ =	shalt  }
0x5a: {  	_ =	shalt  }
0x5b: {  	_ =	shalt  }
0x5c: {  	_ =	shalt  }
0x5d: {  	_ =	shalt  }
0x5e: {  	_ =	shalt  }
0x5f: {  	_ =	shalt  }
0x60: {  	_ =	shalt  }
0x61: {  	_ =	shalt  }
0x62: {  	_ =	shalt  }
0x63: {  	_ =	shalt  }
0x64: {  	_ =	shalt  }
0x65: {  	_ =	shalt  }
0x66: {  	_ =	shalt  }
0x67: {  	_ =	shalt  }
0x68: {  	_ =	shalt  }
0x69: {  	_ =	shalt  }
0x6a: {  	_ =	shalt  }
0x6b: {  	_ =	shalt  }
0x6c: {  	_ =	shalt  }
0x6d: {  	_ =	shalt  }
0x6e: {  	_ =	shalt  }
0x6f: {  	_ =	shalt  }
0x70: {  	_ =	shalt  }
0x71: {  	_ =	shalt  }
0x72: {  	_ =	shalt  }
0x73: {  	_ =	shalt  }
0x74: {  	_ =	shalt  }
0x75: {  	_ =	shalt  }
0x76: {  	_ =	shalt  }
0x77: {  	_ =	shalt  }
0x78: {  	_ =	shalt  }
0x79: {  	_ =	shalt  }
0x7a: {  	_ =	shalt  }
0x7b: {  	_ =	shalt  }
0x7c: {  	_ =	shalt  }
0x7d: {  	_ =	shalt  }
0x7e: {  	_ =	shalt  }
0x7f: {  	_ =	shalt  }
0x80: {  	_ =	shalt  }
0x81: {  	_ =	shalt  }
0x82: {  	_ =	shalt  }
0x83: {  	_ =	shalt  }
0x84: {  	_ =	shalt  }
0x85: {  	_ =	shalt  }
0x86: {  	_ =	shalt  }
0x87: {  	_ =	shalt  }
.Lfunc_end0:
.L_simem_size_0:
called_computation_lowered:
.L_overlay_start_0:
0x88: {  	s2 =	sld [smem:$0x3FD9]  }
0x89: {  	s3 =	sld [smem:$0x3FFE];
	_ =	sdelay $0x1  }
0x8a: {  	s1 =	srdreg.scid  }
0x8b: {  	s0 =	sand.u32 $0x1, s1  }
0x8c: {  	s17 =	sshll.u32 s0, $0xA;
	s2 =	sadd.s32 s3, s2  }
0x8d: {  	s2 =	sadd.s32 s2, s17  }
0x8e: {  	[smem:$0x3FC4] =	sst s2  }
0x8f: {  	_ = 	snop  }
0x90: {  	s18 =	sld [smem:$0x3FD0];
	(tm) =	ssettm $0x1  }
0x91: {  	s19 =	sld [smem:$0x3FFB];
	_ =	sdelay $0x3  }
0x92: {  	_ =	strace s19  }
0x93: {  	s2 =	sld [smem:$0x3FFC];
	_ =	sdelay $0x3  }
0x94: {  	_ =	strace s2  }
0x95: {  	s2 =	sld [smem:$0x3FFD];
	_ =	sdelay $0x3  }
0x96: {  	_ =	strace s2  }
0x97: {  	_ =	strace $0x8FFFFFFF  }
0x98: {  	s20 =	sld [smem:$0x3FDB];
	_ =	sdelay $0x1  }
0x99: {  	s4 =	simm.s32 $_scs_section_size  }
0x9a: {  	s5 =	simm.s32 $_size__tile_overlayer_lowered;
	s6 =	simm.s32 $_tile_overlayer_lowered  }
0x9b: {  	s7 =	simm.s32 $0x1BFF;
	s21 =	sshll.u32 s6, $0x1;
	s4 =	sadd.s32 s4, s20  }
0x9c: {  	s22 =	simm.s32 $0x0;
	s5 =	sshll.u32 s5, $0x1;
	s6 =	sadd.s32 s21, s4  }
0x9d: {  	[timem:s22], [sflag:s7] =	dma.local [hbm:s6], s5  }
0x9e: {  	_ =	swait.ge [sflag:s7], s5  }
0x9f: {  	s5 =	ssub.s32 $0x0, s5;
	[sflag:s7] =	ssyncset.done $0x0  }
0xa0: {  	[sflag:s7] =	ssyncadd.s32 s5;
	_ =	sdelay $0x1  }
0xa1: {  	s23 =	simm.s32 $0x1B8B  }
0xa2: {  	_ =	swait.ge [sflag:s23], $0x1  }
0xa3: {  	[sflag:s23] =	ssyncset.done $0x0  }
0xa4: {  	[sflag:s23] =	ssyncadd.s32 $0xFFFFFFFF  }
0xa5: {  	s5 =	sld [smem:$0x0]  }
0xa6: {  	s6 =	sand.u32 $0xFFFFFFFE, s1  }
0xa7: {  	p0 =	sne.s32 s1, s6  }
0xa8: {  	s6 =	sshll.u32 @p0 s6, $0xE  }
0xa9: {  	s6 =	sadd.s32 @p0 $0x11B8D, s6;
	s7 =	sshll.u32 @p0 s5, $0x11  }
0xaa: {  	s6 =	sor.u32 @p0 s7, s6  }
0xab: {  	[sflag:s6] =	ssyncadd.remote.s32 @p0 $0x1;
	_ =	sdelay $0x1  }
0xac: {  	s6 =	simm.s32 @p0 $0x1B8D  }
0xad: {  	_ =	swait.eq @p0 [sflag:s6], $0x1  }
0xae: {  	[sflag:s6] =	ssyncadd.s32 @p0 $0xFFFFFFFF  }
0xaf: {  	s7 =	sshll.u32 @!p0 s1, $0xE  }
0xb0: {  	s7 =	sor.u32 @!p0 $0x4000, s7;
	s6 =	simm.s32 @!p0 $0x1B8D  }
0xb1: {  	s5 =	sshll.u32 @!p0 s5, $0x11;
	s7 =	sadd.s32 @!p0 $0x11B8D, s7;
	_ =	swait.eq @!p0 [sflag:s6], $0x1  }
0xb2: {  	s5 =	sor.u32 @!p0 s5, s7;
	[sflag:s6] =	ssyncadd.s32 @!p0 $0xFFFFFFFF  }
0xb3: {  	s25 =	simm.s32 $0x1B8E;
	s24 =	sld [smem:$0x3FFE];
	[sflag:s5] =	ssyncadd.remote.s32 @!p0 $0x1  }
0xb4: {  	s26 =	simm.s32 $execute0_lowered;
	[smem:$0x3FD2] =	sst s25  }
0xb5: {  	s6 =	sshll.u32 s26, $0x1;
	_ =	strace $0x80000049;
	[dreg:$0x1] =	wrdreg $0xFFFFFFFF  }
0xb6: {  	s28 =	simm.s32 $_size_execute0_lowered;
	s4 =	sadd.s32 s4, s6;
	[dreg:$0x0] =	wrdreg $0x0  }
0xb7: {  	s6 =	sshll.u32 s28, $0x1;
	[dreg:$0x2] =	wrdreg s4  }
0xb8: {  	[dreg:$0x3] =	wrdreg s6  }
0xb9: {  	[dreg:$0x4] =	wrdreg $0xC0  }
0xba: {  	_ =	task [dreg:s22], $0x5FFFF  }
0xbb: {  	[dreg:$0x1] =	wrdreg $0xFFFFFFFF  }
0xbc: {  	[dreg:$0x0] =	wrdreg $0x60  }
0xbd: {  	[dreg:$0x2] =	wrdreg s18  }
0xbe: {  	[dreg:$0x3] =	wrdreg s24  }
0xbf: {  	[dreg:$0x4] =	wrdreg $0x9  }
0xc0: {  	_ =	task.clear_ibuf [dreg:s22], $0x5FFFF;
	_ =	strace $0x90000049  }
0xc1: {  	s29 =	simm.s32 $0x9;
	_ =	strace $0x8000004B  }
0xc2: {  	_ =	swait.ge [sflag:s29], $0x1  }
0xc3: {  	[sflag:s29] =	ssyncadd.s32 $0xFFFFFFFF  }
0xc4: {  	_ =	strace $0x9000004B  }
0xc5: {  	_ =	sfence  }
0xc6: {  	s30 =	sld [smem:$0x0];
	_ =	sdelay $0x2  }
0xc7: {  	s31 =	sshll.u32 s1, $0xD;
	s1 =	sshrl.u32 s1, $0x2  }
0xc8: {  	s4 =	sand.u32 $0x4000, s31;
	s1 =	sadd.s32 s1, s30  }
0xc9: {  	s0 =	sor.u32 s4, s0;
	s1 =	sshll.u32 s1, $0x11  }
0xca: {  	s0 =	sor.u32 s1, s0  }
0xcb: {  	s0 =	sadd.s32 $0x8F2B, s0  }
0xcc: {  	[sflag:s0] =	ssyncadd.remote.s32 $0x1  }
0xcd: {  	_ =	sfence.sel $0xFFFF  }
0xce: {  	[dreg:$0x0] =	wrdreg $0xFFFFFFFF;
	(pc) =	sbr.abs _section_cstart, $3  }
0xcf: {  	[dreg:$0x1] =	wrdreg $0xFFFFFFFF  }
0xd0: {  	_ =	task.clear_ibuf [dreg:s22], $0x2FFFF;
	_ =	strace $0x9FFFFFFF  }
0xd1: {  	(tm) =	ssettm $0x7FFFFFFF  }
tec
execute0_lowered:
.L_overlay_start_1:
0x0: {  	(tag) =	ssettag $0x1  }
0x1: {  	s1 =	srdreg.scid  }
0x2: {  	s0 =	stileid.u32;
	s6 =	sand.u32 $0x1, s1  }
0x3: {  	s22 =	sshll.u32 s0, $0xC;
	s2 =	sshll.u32 s6, $0xB  }
0x4: {  	s26 =	sor.u32 s2, s22  }
0x5: {  	p1 =	seq.s32 s6, $0x1;
	p0 =	seq.s32 s26, $0x0  }
0x6: {  	s3 =	simm.s32 $0x1;
	s11 =	rddreg [dreg:$0x1];
	p0 =	por !p0, !p1  }
0x7: {  	s7 =	simm.s32 $0x5;
	s28 =	sadd.s32 $0x114400, s11;
	p0 =	por !p0, !p0  }
0x8: {  	s24 =	sshll.u32 s0, $0x7;
	[dreg:$0x3] =	wrdreg s6;
	s3 =	simm.s32 @!p0 $0x0  }
0x9: {  	s6 =	sshll.u32 s6, $0xE;
	s29 =	sand.u32 $0x8000, s22;
	s4 =	ssub.s32 s0, s3  }
0xa: {  	s2 =	rddreg [dreg:$0x0];
	s17 =	sor.u32 $0x100, s26;
	s5 =	sshll.u32 s4, $0xC  }
0xb: {  	s3 =	simm.s32 $0x0;
	s4 =	sshll.u32 s4, $0x7;
	s5 =	sand.u32 $0xFFFF8000, s5  }
0xc: {  	[smem:$0x7FF] =	sst s3;
	s4 =	sand.u32 $0x380, s4;
	s5 =	sor.u32 s6, s5  }
0xd: {  	s23 =	sshll.u32 s17, $0x3;
	_ =	strace $0x8000004A;
	s4 =	sor.u32 s4, s5  }
0xe: {  	s6 =	simm.s32 $0x400;
	s5 =	sand.u32 $0x4800, s23;
	s4 =	sshrl.u32 s4, $0x3  }
0xf: {  	s8 =	sor.u32 s5, s29;
	s5 =	simm.s32 $0x80;
	s4 =	sadd.s32 s28, s4  }
0x10: {  	[tilespmem:s3], [sflag:$0x5] =	stream.strided.gather [hbm4b:s4+s5], $0x100, s6, s5, $0x38;
	[tilespmem:$0x10200] =	vst v63  }
0x11: {  	s31 =	sand.u32 $0x380, s24;
	_ =	swait.ge [sflag:s7], $0x100  }
0x12: {  	s9 =	simm.s32 $0x200;
	s8 =	sor.u32 s31, s8;
	[sflag:s7] =	ssyncset.done $0x0  }
0x13: {  	s10 =	sshrl.u32 s8, $0x3;
	s8 =	simm.s32 $0x100;
	[sflag:s7] =	ssyncadd.s32 $0xFFFFFF00  }
0x14: {  	[tilespmem:s9], [sflag:$0x1] =	stream.indirect.gather [hbm4b:s2+s8], $0x80, s3, s8, $0xb8;
	[tilespmem:$0x10200] =	vst v63  }
0x15: {  	s10 =	sadd.s32 s28, s10  }
0x16: {  	[tilespmem:s8], [sflag:$0x5] =	stream.strided.gather [hbm4b:s10+s5], $0x100, s6, s5, $0x38;
	[tilespmem:$0x10200] =	vst v63  }
0x17: {  	_ =	swait.ge [sflag:s7], $0x100  }
0x18: {  	s12 =	simm.s32 $0x8200;
	s30 =	sadd.s32 $0x116400, s11;
	[sflag:s7] =	ssyncset.done $0x0  }
0x19: {  	s11 =	simm.s32 $0x1;
	s20 =	sor.u32 $0x200, s26;
	[sflag:s7] =	ssyncadd.s32 $0xFFFFFF00  }
0x1a: {  	[tilespmem:s12], [sflag:$0x2] =	stream.indirect.gather [hbm4b:s2+s8], $0x80, s8, s8, $0xb8;
	[tilespmem:$0x10200] =	vst v63  }
0x1b: {  	s13 =	sshll.u32 s26, $0x4;
	s14 =	sshll.u32 s20, $0x3;
	_ =	swait.ge [sflag:s11], $0x8000  }
0x1c: {  	s13 =	sadd.s32 s30, s13;
	s14 =	sand.u32 $0x5000, s14;
	[sflag:s11] =	ssyncset.done $0x0  }
0x1d: {  	s15 =	sor.u32 s14, s29;
	s14 =	simm.s32 $0x3;
	[sflag:s11] =	ssyncadd.s32 $0xFFFF8000  }
0x1e: {  	[hbm4b:s13+s3] =	stream.linear.scatter [tilespmem:s9], [sflag:$0x3], $0x8000, $0x38;
	[tilespmem:$0x10200] =	vst v63  }
0x1f: {  	s15 =	sor.u32 s31, s15;
	_ =	swait.ge [sflag:s14], $0x8000  }
0x20: {  	s15 =	sshrl.u32 s15, $0x3;
	[sflag:s14] =	ssyncset.done $0x0  }
0x21: {  	s15 =	sadd.s32 s28, s15;
	[sflag:s14] =	ssyncadd.s32 $0xFFFF8000  }
0x22: {  	[tilespmem:s3], [sflag:$0x5] =	stream.strided.gather [hbm4b:s15+s5], $0x100, s6, s5, $0x38;
	[tilespmem:$0x10200] =	vst v63  }
0x23: {  	_ =	swait.ge [sflag:s7], $0x100  }
0x24: {  	[sflag:s7] =	ssyncset.done $0x0  }
0x25: {  	s16 =	simm.s32 $0x2;
	s22 =	sor.u32 $0x300, s26;
	[sflag:s7] =	ssyncadd.s32 $0xFFFFFF00  }
0x26: {  	[tilespmem:s9], [sflag:$0x1] =	stream.indirect.gather [hbm4b:s2+s8], $0x80, s3, s8, $0xb8;
	[tilespmem:$0x10200] =	vst v63  }
0x27: {  	s17 =	sshll.u32 s17, $0x4;
	s18 =	sshll.u32 s22, $0x3;
	_ =	swait.ge [sflag:s16], $0x8000  }
0x28: {  	s17 =	sadd.s32 s30, s17;
	s18 =	sand.u32 $0x5800, s18;
	[sflag:s16] =	ssyncset.done $0x0  }
0x29: {  	s19 =	sor.u32 s18, s29;
	s18 =	simm.s32 $0x4;
	[sflag:s16] =	ssyncadd.s32 $0xFFFF8000  }
0x2a: {  	[hbm4b:s17+s3] =	stream.linear.scatter [tilespmem:s12], [sflag:$0x4], $0x8000, $0x38;
	[tilespmem:$0x10200] =	vst v63  }
0x2b: {  	s19 =	sor.u32 s31, s19;
	_ =	swait.ge [sflag:s18], $0x8000  }
0x2c: {  	s19 =	sshrl.u32 s19, $0x3;
	[sflag:s18] =	ssyncset.done $0x0  }
0x2d: {  	s19 =	sadd.s32 s28, s19;
	[sflag:s18] =	ssyncadd.s32 $0xFFFF8000  }
0x2e: {  	[tilespmem:s8], [sflag:$0x5] =	stream.strided.gather [hbm4b:s19+s5], $0x100, s6, s5, $0x38;
	[tilespmem:$0x10200] =	vst v63  }
0x2f: {  	_ =	swait.ge [sflag:s7], $0x100  }
0x30: {  	[sflag:s7] =	ssyncset.done $0x0  }
0x31: {  	s24 =	sor.u32 $0x400, s26;
	[sflag:s7] =	ssyncadd.s32 $0xFFFFFF00  }
0x32: {  	[tilespmem:s12], [sflag:$0x2] =	stream.indirect.gather [hbm4b:s2+s8], $0x80, s8, s8, $0xb8;
	[tilespmem:$0x10200] =	vst v63  }
0x33: {  	s21 =	sshll.u32 s24, $0x3;
	_ =	swait.ge [sflag:s11], $0x8000  }
0x34: {  	s20 =	sshll.u32 s20, $0x4;
	s21 =	sand.u32 $0x6000, s21;
	[sflag:s11] =	ssyncset.done $0x0  }
0x35: {  	s20 =	sadd.s32 s30, s20;
	s21 =	sor.u32 s21, s29;
	[sflag:s11] =	ssyncadd.s32 $0xFFFF8000  }
0x36: {  	[hbm4b:s20+s3] =	stream.linear.scatter [tilespmem:s9], [sflag:$0x3], $0x8000, $0x38;
	[tilespmem:$0x10200] =	vst v63  }
0x37: {  	s21 =	sor.u32 s31, s21;
	_ =	swait.ge [sflag:s14], $0x8000  }
0x38: {  	s21 =	sshrl.u32 s21, $0x3;
	[sflag:s14] =	ssyncset.done $0x0  }
0x39: {  	s21 =	sadd.s32 s28, s21;
	[sflag:s14] =	ssyncadd.s32 $0xFFFF8000  }
0x3a: {  	[tilespmem:s3], [sflag:$0x5] =	stream.strided.gather [hbm4b:s21+s5], $0x100, s6, s5, $0x38;
	[tilespmem:$0x10200] =	vst v63  }
0x3b: {  	_ =	swait.ge [sflag:s7], $0x100  }
0x3c: {  	[sflag:s7] =	ssyncset.done $0x0  }
0x3d: {  	s0 =	sor.u32 $0x500, s26;
	[sflag:s7] =	ssyncadd.s32 $0xFFFFFF00  }
0x3e: {  	[tilespmem:s9], [sflag:$0x1] =	stream.indirect.gather [hbm4b:s2+s8], $0x80, s3, s8, $0xb8;
	[tilespmem:$0x10200] =	vst v63  }
0x3f: {  	s23 =	sshll.u32 s0, $0x3;
	_ =	swait.ge [sflag:s16], $0x8000  }
0x40: {  	s22 =	sshll.u32 s22, $0x4;
	s23 =	sand.u32 $0x6800, s23;
	[sflag:s16] =	ssyncset.done $0x0  }
0x41: {  	s22 =	sadd.s32 s30, s22;
	s23 =	sor.u32 s23, s29;
	[sflag:s16] =	ssyncadd.s32 $0xFFFF8000  }
0x42: {  	[hbm4b:s22+s3] =	stream.linear.scatter [tilespmem:s12], [sflag:$0x4], $0x8000, $0x38;
	[tilespmem:$0x10200] =	vst v63  }
0x43: {  	s23 =	sor.u32 s31, s23;
	_ =	swait.ge [sflag:s18], $0x8000  }
0x44: {  	s23 =	sshrl.u32 s23, $0x3;
	[sflag:s18] =	ssyncset.done $0x0  }
0x45: {  	s23 =	sadd.s32 s28, s23;
	[sflag:s18] =	ssyncadd.s32 $0xFFFF8000  }
0x46: {  	[tilespmem:s8], [sflag:$0x5] =	stream.strided.gather [hbm4b:s23+s5], $0x100, s6, s5, $0x38;
	[tilespmem:$0x10200] =	vst v63  }
0x47: {  	_ =	swait.ge [sflag:s7], $0x100  }
0x48: {  	s25 =	sor.u32 $0x600, s26;
	[sflag:s7] =	ssyncset.done $0x0  }
0x49: {  	[dreg:$0x4] =	wrdreg s25;
	[sflag:s7] =	ssyncadd.s32 $0xFFFFFF00  }
0x4a: {  	[tilespmem:s12], [sflag:$0x2] =	stream.indirect.gather [hbm4b:s2+s8], $0x80, s8, s8, $0xb8;
	[tilespmem:$0x10200] =	vst v63  }
0x4b: {  	s25 =	sshll.u32 s25, $0x3;
	_ =	swait.ge [sflag:s11], $0x8000  }
0x4c: {  	s24 =	sshll.u32 s24, $0x4;
	s25 =	sand.u32 $0x7000, s25;
	[sflag:s11] =	ssyncset.done $0x0  }
0x4d: {  	s24 =	sadd.s32 s30, s24;
	s25 =	sor.u32 s25, s29;
	[sflag:s11] =	ssyncadd.s32 $0xFFFF8000  }
0x4e: {  	[hbm4b:s24+s3] =	stream.linear.scatter [tilespmem:s9], [sflag:$0x3], $0x8000, $0x38;
	[tilespmem:$0x10200] =	vst v63  }
0x4f: {  	s25 =	sor.u32 s31, s25;
	_ =	swait.ge [sflag:s14], $0x8000  }
0x50: {  	s25 =	sshrl.u32 s25, $0x3;
	[sflag:s14] =	ssyncset.done $0x0  }
0x51: {  	s25 =	sadd.s32 s28, s25;
	[sflag:s14] =	ssyncadd.s32 $0xFFFF8000  }
0x52: {  	[tilespmem:s3], [sflag:$0x5] =	stream.strided.gather [hbm4b:s25+s5], $0x100, s6, s5, $0x38;
	[tilespmem:$0x10200] =	vst v63  }
0x53: {  	_ =	swait.ge [sflag:s7], $0x100  }
0x54: {  	[sflag:s7] =	ssyncset.done $0x0  }
0x55: {  	s1 =	sor.u32 $0x700, s26;
	[sflag:s7] =	ssyncadd.s32 $0xFFFFFF00  }
0x56: {  	[tilespmem:s9], [sflag:$0x1] =	stream.indirect.gather [hbm4b:s2+s8], $0x80, s3, s8, $0xb8;
	[tilespmem:$0x10200] =	vst v63  }
0x57: {  	s26 =	sshll.u32 s1, $0x3;
	_ =	swait.ge [sflag:s16], $0x8000  }
0x58: {  	s26 =	sand.u32 $0x7800, s26;
	s0 =	sshll.u32 s0, $0x4;
	[sflag:s16] =	ssyncset.done $0x0  }
0x59: {  	s29 =	sor.u32 s26, s29;
	s26 =	sadd.s32 s30, s0;
	[sflag:s16] =	ssyncadd.s32 $0xFFFF8000  }
0x5a: {  	[hbm4b:s26+s3] =	stream.linear.scatter [tilespmem:s12], [sflag:$0x4], $0x8000, $0x38;
	[tilespmem:$0x10200] =	vst v63  }
0x5b: {  	s0 =	sor.u32 s31, s29;
	_ =	swait.ge [sflag:s18], $0x8000  }
0x5c: {  	s0 =	sshrl.u32 s0, $0x3;
	[sflag:s18] =	ssyncset.done $0x0  }
0x5d: {  	s28 =	sadd.s32 s28, s0;
	[sflag:s18] =	ssyncadd.s32 $0xFFFF8000  }
0x5e: {  	[tilespmem:s8], [sflag:$0x5] =	stream.strided.gather [hbm4b:s28+s5], $0x100, s6, s5, $0x38;
	[tilespmem:$0x10200] =	vst v63  }
0x5f: {  	_ =	swait.ge [sflag:s7], $0x100  }
0x60: {  	[sflag:s7] =	ssyncset.done $0x0  }
0x61: {  	[sflag:s7] =	ssyncadd.s32 $0xFFFFFF00  }
0x62: {  	[tilespmem:s12], [sflag:$0x2] =	stream.indirect.gather [hbm4b:s2+s8], $0x80, s8, s8, $0xb8;
	[tilespmem:$0x10200] =	vst v63  }
0x63: {  	_ =	swait.ge [sflag:s11], $0x8000  }
0x64: {  	s0 =	rddreg [dreg:$0x4]  }
0x65: {  	[sflag:s11] =	ssyncset.done $0x0;
	s0 =	sshll.u32 s0, $0x4  }
0x66: {  	[sflag:s11] =	ssyncadd.s32 $0xFFFF8000;
	s29 =	sadd.s32 s30, s0  }
0x67: {  	[hbm4b:s29+s3] =	stream.linear.scatter [tilespmem:s9], [sflag:$0x3], $0x8000, $0x38;
	[tilespmem:$0x10200] =	vst v63  }
0x68: {  	s1 =	sshll.u32 s1, $0x4;
	_ =	swait.ge [sflag:s16], $0x8000  }
0x69: {  	s30 =	sadd.s32 s30, s1;
	[sflag:s16] =	ssyncset.done $0x0;
	s1 =	rddreg [dreg:$0x3]  }
0x6a: {  	s0 =	ssub.s32 $0x2, s1;
	[sflag:s16] =	ssyncadd.s32 $0xFFFF8000  }
0x6b: {  	[hbm4b:s30+s3] =	stream.linear.scatter [tilespmem:s12], [sflag:$0x4], $0x8000, $0x38;
	[tilespmem:$0x10200] =	vst v63  }
0x6c: {  	s1 =	sshrl.u32 s0, $0x1  }
0x6d: {  	s0 =	ssub.s32 s0, s1  }
0x6e: {  	s0 =	smax.u32 s0, $0x1  }
0x6f: {  	p0 =	sne.s32 s0, $0x1  }
.Ltmp0:
0x70: {  	_ =	swait.ge [sflag:s14], $0x8000;
	(pc) =	sbr.rel @!p0 .LBB2_2-.Ltmp0, $4  }
0x71: {  	[sflag:s14] =	ssyncset.done $0x0  }
0x72: {  	[sflag:s14] =	ssyncadd.s32 $0xFFFF8000  }
0x73: {  	_ =	swait.ge [sflag:s18], $0x8000  }
0x74: {  	s31 =	sadd.s32 $0xFFFFFFFF, s0;
	[sflag:s18] =	ssyncset.done $0x0  }
.LBB2_1:
0x75: {  	p0 =	sne.s32 s31, $0x1;
	s31 =	sadd.s32 $0xFFFFFFFF, s31;
	[sflag:s18] =	ssyncadd.s32 $0xFFFF8000  }
0x76: {  	[tilespmem:s3], [sflag:$0x5] =	stream.strided.gather [hbm4b:s4+s5], $0x100, s6, s5, $0x38;
	[tilespmem:$0x10200] =	vst v63  }
0x77: {  	_ =	swait.ge [sflag:s7], $0x100  }
0x78: {  	[sflag:s7] =	ssyncset.done $0x0  }
0x79: {  	[sflag:s7] =	ssyncadd.s32 $0xFFFFFF00  }
0x7a: {  	[tilespmem:s9], [sflag:$0x1] =	stream.indirect.gather [hbm4b:s2+s8], $0x80, s3, s8, $0xb8;
	[tilespmem:$0x10200] =	vst v63  }
0x7b: {  	_ = 	snop  }
0x7c: {  	[tilespmem:s8], [sflag:$0x5] =	stream.strided.gather [hbm4b:s10+s5], $0x100, s6, s5, $0x38;
	[tilespmem:$0x10200] =	vst v63  }
0x7d: {  	_ =	swait.ge [sflag:s7], $0x100  }
0x7e: {  	[sflag:s7] =	ssyncset.done $0x0  }
0x7f: {  	[sflag:s7] =	ssyncadd.s32 $0xFFFFFF00  }
0x80: {  	[tilespmem:s12], [sflag:$0x2] =	stream.indirect.gather [hbm4b:s2+s8], $0x80, s8, s8, $0xb8;
	[tilespmem:$0x10200] =	vst v63  }
0x81: {  	_ =	swait.ge [sflag:s11], $0x8000  }
0x82: {  	[sflag:s11] =	ssyncset.done $0x0  }
0x83: {  	[sflag:s11] =	ssyncadd.s32 $0xFFFF8000  }
0x84: {  	[hbm4b:s13+s3] =	stream.linear.scatter [tilespmem:s9], [sflag:$0x3], $0x8000, $0x38;
	[tilespmem:$0x10200] =	vst v63  }
0x85: {  	_ =	swait.ge [sflag:s14], $0x8000  }
0x86: {  	[sflag:s14] =	ssyncset.done $0x0  }
0x87: {  	[sflag:s14] =	ssyncadd.s32 $0xFFFF8000  }
0x88: {  	[tilespmem:s3], [sflag:$0x5] =	stream.strided.gather [hbm4b:s15+s5], $0x100, s6, s5, $0x38;
	[tilespmem:$0x10200] =	vst v63  }
0x89: {  	_ =	swait.ge [sflag:s7], $0x100  }
0x8a: {  	[sflag:s7] =	ssyncset.done $0x0  }
0x8b: {  	[sflag:s7] =	ssyncadd.s32 $0xFFFFFF00  }
0x8c: {  	[tilespmem:s9], [sflag:$0x1] =	stream.indirect.gather [hbm4b:s2+s8], $0x80, s3, s8, $0xb8;
	[tilespmem:$0x10200] =	vst v63  }
0x8d: {  	_ =	swait.ge [sflag:s16], $0x8000  }
0x8e: {  	[sflag:s16] =	ssyncset.done $0x0  }
0x8f: {  	[sflag:s16] =	ssyncadd.s32 $0xFFFF8000  }
0x90: {  	[hbm4b:s17+s3] =	stream.linear.scatter [tilespmem:s12], [sflag:$0x4], $0x8000, $0x38;
	[tilespmem:$0x10200] =	vst v63  }
0x91: {  	_ =	swait.ge [sflag:s18], $0x8000  }
0x92: {  	[sflag:s18] =	ssyncset.done $0x0  }
0x93: {  	[sflag:s18] =	ssyncadd.s32 $0xFFFF8000  }
0x94: {  	[tilespmem:s8], [sflag:$0x5] =	stream.strided.gather [hbm4b:s19+s5], $0x100, s6, s5, $0x38;
	[tilespmem:$0x10200] =	vst v63  }
0x95: {  	_ =	swait.ge [sflag:s7], $0x100  }
0x96: {  	[sflag:s7] =	ssyncset.done $0x0  }
0x97: {  	[sflag:s7] =	ssyncadd.s32 $0xFFFFFF00  }
0x98: {  	[tilespmem:s12], [sflag:$0x2] =	stream.indirect.gather [hbm4b:s2+s8], $0x80, s8, s8, $0xb8;
	[tilespmem:$0x10200] =	vst v63  }
0x99: {  	_ =	swait.ge [sflag:s11], $0x8000  }
0x9a: {  	[sflag:s11] =	ssyncset.done $0x0  }
0x9b: {  	[sflag:s11] =	ssyncadd.s32 $0xFFFF8000  }
0x9c: {  	[hbm4b:s20+s3] =	stream.linear.scatter [tilespmem:s9], [sflag:$0x3], $0x8000, $0x38;
	[tilespmem:$0x10200] =	vst v63  }
0x9d: {  	_ =	swait.ge [sflag:s14], $0x8000  }
0x9e: {  	[sflag:s14] =	ssyncset.done $0x0  }
0x9f: {  	[sflag:s14] =	ssyncadd.s32 $0xFFFF8000  }
0xa0: {  	[tilespmem:s3], [sflag:$0x5] =	stream.strided.gather [hbm4b:s21+s5], $0x100, s6, s5, $0x38;
	[tilespmem:$0x10200] =	vst v63  }
0xa1: {  	_ =	swait.ge [sflag:s7], $0x100  }
0xa2: {  	[sflag:s7] =	ssyncset.done $0x0  }
0xa3: {  	[sflag:s7] =	ssyncadd.s32 $0xFFFFFF00  }
0xa4: {  	[tilespmem:s9], [sflag:$0x1] =	stream.indirect.gather [hbm4b:s2+s8], $0x80, s3, s8, $0xb8;
	[tilespmem:$0x10200] =	vst v63  }
0xa5: {  	_ =	swait.ge [sflag:s16], $0x8000  }
0xa6: {  	[sflag:s16] =	ssyncset.done $0x0  }
0xa7: {  	[sflag:s16] =	ssyncadd.s32 $0xFFFF8000  }
0xa8: {  	[hbm4b:s22+s3] =	stream.linear.scatter [tilespmem:s12], [sflag:$0x4], $0x8000, $0x38;
	[tilespmem:$0x10200] =	vst v63  }
0xa9: {  	_ =	swait.ge [sflag:s18], $0x8000  }
0xaa: {  	[sflag:s18] =	ssyncset.done $0x0  }
0xab: {  	[sflag:s18] =	ssyncadd.s32 $0xFFFF8000  }
0xac: {  	[tilespmem:s8], [sflag:$0x5] =	stream.strided.gather [hbm4b:s23+s5], $0x100, s6, s5, $0x38;
	[tilespmem:$0x10200] =	vst v63  }
0xad: {  	_ =	swait.ge [sflag:s7], $0x100  }
0xae: {  	[sflag:s7] =	ssyncset.done $0x0  }
0xaf: {  	[sflag:s7] =	ssyncadd.s32 $0xFFFFFF00  }
0xb0: {  	[tilespmem:s12], [sflag:$0x2] =	stream.indirect.gather [hbm4b:s2+s8], $0x80, s8, s8, $0xb8;
	[tilespmem:$0x10200] =	vst v63  }
0xb1: {  	_ =	swait.ge [sflag:s11], $0x8000  }
0xb2: {  	[sflag:s11] =	ssyncset.done $0x0  }
0xb3: {  	[sflag:s11] =	ssyncadd.s32 $0xFFFF8000  }
0xb4: {  	[hbm4b:s24+s3] =	stream.linear.scatter [tilespmem:s9], [sflag:$0x3], $0x8000, $0x38;
	[tilespmem:$0x10200] =	vst v63  }
0xb5: {  	_ =	swait.ge [sflag:s14], $0x8000  }
0xb6: {  	[sflag:s14] =	ssyncset.done $0x0  }
0xb7: {  	[sflag:s14] =	ssyncadd.s32 $0xFFFF8000  }
0xb8: {  	[tilespmem:s3], [sflag:$0x5] =	stream.strided.gather [hbm4b:s25+s5], $0x100, s6, s5, $0x38;
	[tilespmem:$0x10200] =	vst v63  }
0xb9: {  	_ =	swait.ge [sflag:s7], $0x100  }
0xba: {  	[sflag:s7] =	ssyncset.done $0x0  }
0xbb: {  	[sflag:s7] =	ssyncadd.s32 $0xFFFFFF00  }
0xbc: {  	[tilespmem:s9], [sflag:$0x1] =	stream.indirect.gather [hbm4b:s2+s8], $0x80, s3, s8, $0xb8;
	[tilespmem:$0x10200] =	vst v63  }
0xbd: {  	_ =	swait.ge [sflag:s16], $0x8000  }
0xbe: {  	[sflag:s16] =	ssyncset.done $0x0  }
0xbf: {  	[sflag:s16] =	ssyncadd.s32 $0xFFFF8000  }
0xc0: {  	[hbm4b:s26+s3] =	stream.linear.scatter [tilespmem:s12], [sflag:$0x4], $0x8000, $0x38;
	[tilespmem:$0x10200] =	vst v63  }
0xc1: {  	_ =	swait.ge [sflag:s18], $0x8000  }
0xc2: {  	[sflag:s18] =	ssyncset.done $0x0  }
0xc3: {  	[sflag:s18] =	ssyncadd.s32 $0xFFFF8000  }
0xc4: {  	[tilespmem:s8], [sflag:$0x5] =	stream.strided.gather [hbm4b:s28+s5], $0x100, s6, s5, $0x38;
	[tilespmem:$0x10200] =	vst v63  }
0xc5: {  	_ =	swait.ge [sflag:s7], $0x100  }
0xc6: {  	[sflag:s7] =	ssyncset.done $0x0  }
0xc7: {  	[sflag:s7] =	ssyncadd.s32 $0xFFFFFF00  }
0xc8: {  	[tilespmem:s12], [sflag:$0x2] =	stream.indirect.gather [hbm4b:s2+s8], $0x80, s8, s8, $0xb8;
	[tilespmem:$0x10200] =	vst v63  }
0xc9: {  	_ =	swait.ge [sflag:s11], $0x8000  }
0xca: {  	[sflag:s11] =	ssyncset.done $0x0  }
0xcb: {  	[sflag:s11] =	ssyncadd.s32 $0xFFFF8000  }
0xcc: {  	[hbm4b:s29+s3] =	stream.linear.scatter [tilespmem:s9], [sflag:$0x3], $0x8000, $0x38;
	[tilespmem:$0x10200] =	vst v63  }
0xcd: {  	_ =	swait.ge [sflag:s16], $0x8000  }
0xce: {  	[sflag:s16] =	ssyncset.done $0x0  }
0xcf: {  	[sflag:s16] =	ssyncadd.s32 $0xFFFF8000  }
0xd0: {  	[hbm4b:s30+s3] =	stream.linear.scatter [tilespmem:s12], [sflag:$0x4], $0x8000, $0x38;
	[tilespmem:$0x10200] =	vst v63  }
.Ltmp1:
0xd1: {  	_ =	swait.ge [sflag:s14], $0x8000;
	(pc) =	sbr.rel @p0 .LBB2_1-.Ltmp1, $4  }
0xd2: {  	[sflag:s14] =	ssyncset.done $0x0  }
0xd3: {  	[sflag:s14] =	ssyncadd.s32 $0xFFFF8000  }
0xd4: {  	_ =	swait.ge [sflag:s18], $0x8000  }
0xd5: {  	[sflag:s18] =	ssyncset.done $0x0  }
.LBB2_2:
0xd6: {  	[sflag:s18] =	ssyncadd.s32 $0xFFFF8000  }
0xd7: {  	_ =	sfence.sel $0x180000  }
0xd8: {  	[bflag:$0x0] =	sbarrier.arrive $0xFFFF  }
0xd9: {  	_ =	strace $0x9000004A  }
0xda: {  	s0 =	stileid.u32;
	[bflag:$0x2] =	sbarrier.arrive $0xFFFF  }
0xdb: {  	p0 =	sne.s32 s0, $0x0;
	s0 =	rddreg [dreg:$0x2]  }
0xdc: {  	s0 =	sadd.s32 @!p0 $0x100000, s0  }
0xdd: {  	[sflag:s0] =	ssyncadd.tile.s32 @!p0 $0x1;
	_ =	shalt  }
.Lfunc_end2:
_tile_overlayer_lowered:
.L_overlay_start_2:
0xde: {  	(tag) =	ssettag $0x2  }
0xdf: {  	s0 =	rddreg [dreg:$0x0];
	s2 =	stileid.u32  }
0xe0: {  	s1 =	rddreg [dreg:$0x1];
	p0 =	sne.s32 s2, $0x0  }
0xe1: {  	s3 =	rddreg [dreg:$0x2];
	[bflag:$0x3] =	sbarrier.arrive $0xFFFF;
	s2 =	simm.s32 @!p0 $0x1C05  }
0xe2: {  	[timem:s3], [sflag:s2] =	dma.local @!p0 [hbm:s0], s1  }
0xe3: {  	s0 =	simm.s32 @!p0 $0x5  }
0xe4: {  	_ =	swait.ge @!p0 [sflag:s0], s1  }
0xe5: {  	s1 =	ssub.s32 @!p0 $0x0, s1;
	[sflag:s0] =	ssyncset.done @!p0 $0x0  }
0xe6: {  	[sflag:s0] =	ssyncadd.s32 @!p0 s1  }
0xe7: {  	[bflag:$0x3] =	sbarrier.arrive $0xFFFF  }
0xe8: {  	_ =	shalt  }

// kernel: kernel.18.cloned.1.call-start
scs
__scs_entry_jumppad:
0x0: {  	(pc) =	sbr.rel $0x88, $3  }
0x1: {  	(tag) =	ssettag $0x0;
	lr =	simm.s32 $0x1  }
0x2: {  	[smem:$0x3F9D] =	sst lr;
	_ =	strace $0xD0000000  }
0x3: {  	_ = 	snop  }
0x4: {  	_ = 	snop  }
0x5: {  	_ = 	snop  }
0x6: {  	_ = 	snop  }
0x7: {  	_ = 	snop  }
__scs_overlays_trampoline_lowered:
0x8: {  	[smem:$0x3FAC] =	sst s0  }
0x9: {  	[smem:$0x3FAD] =	sst s1  }
0xa: {  	[smem:$0x3FAE] =	sst s2  }
0xb: {  	[smem:$0x3FAF] =	sst s3  }
0xc: {  	[smem:$0x3FB0] =	sst s4  }
0xd: {  	[smem:$0x3FB1] =	sst s5  }
0xe: {  	[smem:$0x3FB2] =	sst s6  }
0xf: {  	[smem:$0x3FB3] =	sst s7  }
0x10: {  	[smem:$0x3FB4] =	sst s8  }
0x11: {  	[smem:$0x3FB5] =	sst s9;
	s0 =	simm.s32 @!p0 $0x0  }
0x12: {  	s1 =	sld [smem:$0x3F9B];
	s0 =	simm.s32 @p0 $0x1  }
0x13: {  	[smem:$0x3FB6] =	sst s0;
	s0 =	simm.s32 @!p1 $0x0  }
0x14: {  	s2 =	sld [smem:$0x3F9A];
	s0 =	simm.s32 @p1 $0x1  }
0x15: {  	[smem:$0x3FB7] =	sst s0;
	s0 =	simm.s32 @!p2 $0x0  }
0x16: {  	s3 =	sld [smem:$0x3FDB];
	s0 =	simm.s32 @p2 $0x1  }
0x17: {  	s4 =	simm.s32 $0x1BF5;
	[smem:$0x3FB9] =	sst s0  }
0x18: {  	s0 =	sld [smem:$0x3F9C];
	_ =	swait.ge [sflag:s4], $0x0  }
0x19: {  	s7 =	sld [smem:$0x3F9D]  }
0x1a: {  	s8 =	sadd.s32 $0xFFFFE003, lr  }
0x1b: {  	s9 =	sadd.s32 $0xFFFFFEF7, lr;
	s5 =	simm.s32 $0xFFFFFFFF;
	p2 =	slt.u32 s8, $0xFFFFF086  }
0x1c: {  	p1 =	slt.u32 s9, $0xF7A;
	s5 =	simm.s32 @!p2 $0x0  }
0x1d: {  	s5 =	simm.s32 @p1 $0x1;
	p0 =	seq.s32 s7, s2  }
0x1e: {  	s7 =	smul.u32 @!p0 $0xF7A, s2;
	p2 =	seq.s32 @!p0 s5, $0x0  }
0x1f: {  	s9 =	smul.u32 $0xF7A, s1;
	s8 =	simm.s32 @!p0 $0x1BF5;
	p2 =	por !p2, p0  }
0x20: {  	[sflag:s8] =	ssyncset.s32 @!p0 $0xFFFFF086;
	s6 =	sadd.s32 @!p0 s3, s7;
	s7 =	simm.s32 @!p0 $0x108  }
0x21: {  	s3 =	sadd.s32 s3, s9;
	s6 =	sadd.s32 @!p0 $0x88, s6;
	s7 =	simm.s32 @p2 $0x1082  }
0x22: {  	[simem:s7], [sflag:s8] =	dma.local @!p0 [hbm:s6], $0xF7A  }
0x23: {  	s9 =	sor.u32 $0xD0000000, s2;
	s6 =	simm.s32 $0x108;
	_ =	swait.ge @!p0 [sflag:s8], $0x0  }
0x24: {  	s3 =	sadd.s32 $0x88, s3;
	s6 =	simm.s32 @!p1 $0x1082;
	[sflag:s4] =	ssyncset.s32 $0xFFFFF086  }
0x25: {  	[simem:s6], [sflag:s4] =	dma.local [hbm:s3], $0xF7A  }
0x26: {  	[smem:$0x3F9D] =	sst s1;
	(tag) =	ssettag s2;
	_ =	strace s9  }
0x27: {  	s1 =	sld [smem:$0x3FAD]  }
0x28: {  	s2 =	sld [smem:$0x3FAE]  }
0x29: {  	s4 =	sld [smem:$0x3FB0]  }
0x2a: {  	p0 =	seq.s32 s5, $0x0;
	s5 =	sld [smem:$0x3FB1]  }
0x2b: {  	s6 =	sld [smem:$0x3FB2]  }
0x2c: {  	s7 =	sld [smem:$0x3FB3]  }
0x2d: {  	s3 =	simm.s32 $0x108;
	s8 =	sld [smem:$0x3FB4]  }
0x2e: {  	s3 =	simm.s32 @!p0 $0x1082;
	s9 =	sld [smem:$0x3FB5]  }
0x2f: {  	lr =	sadd.s32 s0, s3;
	s0 =	sld [smem:$0x3FAC]  }
0x30: {  	s3 =	sld [smem:$0x3FAF]  }
0x31: {  	[smem:$0x3FB8] =	sst s10  }
0x32: {  	s10 =	sld [smem:$0x3FB6];
	_ =	sdelay $0x3  }
0x33: {  	p0 =	seq.s32 s10, $0x1;
	s10 =	sld [smem:$0x3FB8];
	_ =	sdelay $0x3  }
0x34: {  	[smem:$0x3FB8] =	sst s10  }
0x35: {  	s10 =	sld [smem:$0x3FB7];
	_ =	sdelay $0x3  }
0x36: {  	p1 =	seq.s32 s10, $0x1;
	s10 =	sld [smem:$0x3FB8];
	_ =	sdelay $0x3  }
0x37: {  	[smem:$0x3FB8] =	sst s10  }
0x38: {  	s10 =	sld [smem:$0x3FB9]  }
0x39: {  	_ = 	snop;
	(pc) =	sbr.ind lr, $3  }
0x3a: {  	_ = 	snop  }
0x3b: {  	_ = 	snop  }
0x3c: {  	p2 =	seq.s32 s10, $0x1;
	s10 =	sld [smem:$0x3FB8]  }
0x3d: {  	_ =	shalt  }
0x3e: {  	_ =	shalt  }
0x3f: {  	_ =	shalt  }
0x40: {  	_ =	shalt  }
0x41: {  	_ =	shalt  }
0x42: {  	_ =	shalt  }
0x43: {  	_ =	shalt  }
0x44: {  	_ =	shalt  }
0x45: {  	_ =	shalt  }
0x46: {  	_ =	shalt  }
0x47: {  	_ =	shalt  }
0x48: {  	_ =	shalt  }
0x49: {  	_ =	shalt  }
0x4a: {  	_ =	shalt  }
0x4b: {  	_ =	shalt  }
0x4c: {  	_ =	shalt  }
0x4d: {  	_ =	shalt  }
0x4e: {  	_ =	shalt  }
0x4f: {  	_ =	shalt  }
0x50: {  	_ =	shalt  }
0x51: {  	_ =	shalt  }
0x52: {  	_ =	shalt  }
0x53: {  	_ =	shalt  }
0x54: {  	_ =	shalt  }
0x55: {  	_ =	shalt  }
0x56: {  	_ =	shalt  }
0x57: {  	_ =	shalt  }
0x58: {  	_ =	shalt  }
0x59: {  	_ =	shalt  }
0x5a: {  	_ =	shalt  }
0x5b: {  	_ =	shalt  }
0x5c: {  	_ =	shalt  }
0x5d: {  	_ =	shalt  }
0x5e: {  	_ =	shalt  }
0x5f: {  	_ =	shalt  }
0x60: {  	_ =	shalt  }
0x61: {  	_ =	shalt  }
0x62: {  	_ =	shalt  }
0x63: {  	_ =	shalt  }
0x64: {  	_ =	shalt  }
0x65: {  	_ =	shalt  }
0x66: {  	_ =	shalt  }
0x67: {  	_ =	shalt  }
0x68: {  	_ =	shalt  }
0x69: {  	_ =	shalt  }
0x6a: {  	_ =	shalt  }
0x6b: {  	_ =	shalt  }
0x6c: {  	_ =	shalt  }
0x6d: {  	_ =	shalt  }
0x6e: {  	_ =	shalt  }
0x6f: {  	_ =	shalt  }
0x70: {  	_ =	shalt  }
0x71: {  	_ =	shalt  }
0x72: {  	_ =	shalt  }
0x73: {  	_ =	shalt  }
0x74: {  	_ =	shalt  }
0x75: {  	_ =	shalt  }
0x76: {  	_ =	shalt  }
0x77: {  	_ =	shalt  }
0x78: {  	_ =	shalt  }
0x79: {  	_ =	shalt  }
0x7a: {  	_ =	shalt  }
0x7b: {  	_ =	shalt  }
0x7c: {  	_ =	shalt  }
0x7d: {  	_ =	shalt  }
0x7e: {  	_ =	shalt  }
0x7f: {  	_ =	shalt  }
0x80: {  	_ =	shalt  }
0x81: {  	_ =	shalt  }
0x82: {  	_ =	shalt  }
0x83: {  	_ =	shalt  }
0x84: {  	_ =	shalt  }
0x85: {  	_ =	shalt  }
0x86: {  	_ =	shalt  }
0x87: {  	_ =	shalt  }
.Lfunc_end0:
.L_simem_size_0:
called_computation.1_lowered:
.L_overlay_start_0:
0x88: {  	s2 =	sld [smem:$0x3FD9]  }
0x89: {  	s3 =	sld [smem:$0x3FFE];
	_ =	sdelay $0x1  }
0x8a: {  	s1 =	srdreg.scid  }
0x8b: {  	s0 =	sand.u32 $0x1, s1  }
0x8c: {  	s17 =	sshll.u32 s0, $0xA;
	s2 =	sadd.s32 s3, s2  }
0x8d: {  	s2 =	sadd.s32 s2, s17  }
0x8e: {  	[smem:$0x3FC4] =	sst s2  }
0x8f: {  	_ = 	snop  }
0x90: {  	s2 =	sld [smem:$0x3FD0];
	(tm) =	ssettm $0x1  }
0x91: {  	s18 =	sld [smem:$0x3FFB];
	_ =	sdelay $0x3  }
0x92: {  	_ =	strace s18  }
0x93: {  	s3 =	sld [smem:$0x3FFC];
	_ =	sdelay $0x3  }
0x94: {  	_ =	strace s3  }
0x95: {  	s3 =	sld [smem:$0x3FFD];
	_ =	sdelay $0x3  }
0x96: {  	_ =	strace s3  }
0x97: {  	_ =	strace $0x8FFFFFFF  }
0x98: {  	s19 =	sld [smem:$0x3FDB];
	_ =	sdelay $0x1  }
0x99: {  	s4 =	simm.s32 $_scs_section_size  }
0x9a: {  	s5 =	simm.s32 $_size__tile_overlayer_lowered;
	s6 =	simm.s32 $_tile_overlayer_lowered  }
0x9b: {  	s22 =	simm.s32 $0x1BFF;
	s21 =	sshll.u32 s6, $0x1;
	s3 =	sadd.s32 s4, s19  }
0x9c: {  	s7 =	simm.s32 $0x0;
	s20 =	sshll.u32 s5, $0x1;
	s5 =	sadd.s32 s21, s3  }
0x9d: {  	[timem:s7], [sflag:s22] =	dma.local [hbm:s5], s20  }
0x9e: {  	_ =	swait.ge [sflag:s22], s20  }
0x9f: {  	s4 =	ssub.s32 $0x0, s20;
	[sflag:s22] =	ssyncset.done $0x0  }
0xa0: {  	[sflag:s22] =	ssyncadd.s32 s4;
	_ =	sdelay $0x1  }
0xa1: {  	s23 =	simm.s32 $0x1B8B  }
0xa2: {  	_ =	swait.ge [sflag:s23], $0x1  }
0xa3: {  	[sflag:s23] =	ssyncset.done $0x0  }
0xa4: {  	s25 =	simm.s32 $0x1B8E;
	s24 =	sld [smem:$0x3FFE];
	[sflag:s23] =	ssyncadd.s32 $0xFFFFFFFF  }
0xa5: {  	s26 =	simm.s32 $execute0_lowered;
	[smem:$0x3FD2] =	sst s25  }
0xa6: {  	s5 =	sshll.u32 s26, $0x1;
	_ =	strace $0x80000046;
	[dreg:$0x1] =	wrdreg $0xFFFFFFFF  }
0xa7: {  	s28 =	simm.s32 $_size_execute0_lowered;
	s3 =	sadd.s32 s3, s5;
	[dreg:$0x0] =	wrdreg $0x0  }
0xa8: {  	s5 =	sshll.u32 s28, $0x1;
	[dreg:$0x2] =	wrdreg s3  }
0xa9: {  	[dreg:$0x3] =	wrdreg s5  }
0xaa: {  	[dreg:$0x4] =	wrdreg $0xC0  }
0xab: {  	_ =	task [dreg:s7], $0x5FFFF  }
0xac: {  	[dreg:$0x1] =	wrdreg $0xFFFFFFFF  }
0xad: {  	[dreg:$0x0] =	wrdreg $0x60  }
0xae: {  	[dreg:$0x2] =	wrdreg s2  }
0xaf: {  	[dreg:$0x3] =	wrdreg s24  }
0xb0: {  	[dreg:$0x4] =	wrdreg $0xA  }
0xb1: {  	_ =	task.clear_ibuf [dreg:s7], $0x5FFFF;
	_ =	strace $0x90000046  }
0xb2: {  	s29 =	simm.s32 $0xA;
	_ =	strace $0x80000048  }
0xb3: {  	_ =	swait.ge [sflag:s29], $0x1  }
0xb4: {  	[sflag:s29] =	ssyncadd.s32 $0xFFFFFFFF  }
0xb5: {  	_ =	strace $0x90000048  }
0xb6: {  	_ =	sfence  }
0xb7: {  	s30 =	sld [smem:$0x0];
	_ =	sdelay $0x2  }
0xb8: {  	s31 =	sshll.u32 s1, $0xD;
	s1 =	sshrl.u32 s1, $0x2  }
0xb9: {  	s3 =	sand.u32 $0x4000, s31;
	s1 =	sadd.s32 s1, s30  }
0xba: {  	s0 =	sor.u32 s3, s0;
	s1 =	sshll.u32 s1, $0x11  }
0xbb: {  	s0 =	sor.u32 s1, s0  }
0xbc: {  	s0 =	sadd.s32 $0x8F2B, s0  }
0xbd: {  	[sflag:s0] =	ssyncadd.remote.s32 $0x1  }
0xbe: {  	_ =	sfence.sel $0xFFFF  }
0xbf: {  	[dreg:$0x0] =	wrdreg $0xFFFFFFFF;
	(pc) =	sbr.abs _section_cstart, $3  }
0xc0: {  	[dreg:$0x1] =	wrdreg $0xFFFFFFFF  }
0xc1: {  	_ =	task.clear_ibuf [dreg:s7], $0x2FFFF;
	_ =	strace $0x9FFFFFFF  }
0xc2: {  	(tm) =	ssettm $0x7FFFFFFF  }
0xc3: {  	_ =	shalt  }
tec
execute0_lowered:
.L_overlay_start_1:
0x0: {  	(tag) =	ssettag $0x1  }
0x1: {  	s1 =	srdreg.scid  }
0x2: {  	s0 =	stileid.u32;
	s6 =	sand.u32 $0x1, s1  }
0x3: {  	s22 =	sshll.u32 s0, $0xC;
	s2 =	sshll.u32 s6, $0xB  }
0x4: {  	s26 =	sor.u32 s2, s22  }
0x5: {  	p1 =	seq.s32 s6, $0x1;
	p0 =	seq.s32 s26, $0x0  }
0x6: {  	s3 =	simm.s32 $0x1;
	s11 =	rddreg [dreg:$0x1];
	p0 =	por !p0, !p1  }
0x7: {  	s7 =	simm.s32 $0x5;
	s28 =	sadd.s32 $0x2400, s11;
	p0 =	por !p0, !p0  }
0x8: {  	s24 =	sshll.u32 s0, $0x7;
	[dreg:$0x3] =	wrdreg s6;
	s3 =	simm.s32 @!p0 $0x0  }
0x9: {  	s6 =	sshll.u32 s6, $0xE;
	s29 =	sand.u32 $0x8000, s22;
	s4 =	ssub.s32 s0, s3  }
0xa: {  	s2 =	rddreg [dreg:$0x0];
	s17 =	sor.u32 $0x100, s26;
	s5 =	sshll.u32 s4, $0xC  }
0xb: {  	s3 =	simm.s32 $0x0;
	s4 =	sshll.u32 s4, $0x7;
	s5 =	sand.u32 $0xFFFF8000, s5  }
0xc: {  	[smem:$0x7FF] =	sst s3;
	s4 =	sand.u32 $0x380, s4;
	s5 =	sor.u32 s6, s5  }
0xd: {  	s23 =	sshll.u32 s17, $0x3;
	_ =	strace $0x80000047;
	s4 =	sor.u32 s4, s5  }
0xe: {  	s6 =	simm.s32 $0x400;
	s5 =	sand.u32 $0x4800, s23;
	s4 =	sshrl.u32 s4, $0x3  }
0xf: {  	s8 =	sor.u32 s5, s29;
	s5 =	simm.s32 $0x80;
	s4 =	sadd.s32 s28, s4  }
0x10: {  	[tilespmem:s3], [sflag:$0x5] =	stream.strided.gather [hbm4b:s4+s5], $0x100, s6, s5, $0x38;
	[tilespmem:$0x10200] =	vst v63  }
0x11: {  	s31 =	sand.u32 $0x380, s24;
	_ =	swait.ge [sflag:s7], $0x100  }
0x12: {  	s9 =	simm.s32 $0x200;
	s8 =	sor.u32 s31, s8;
	[sflag:s7] =	ssyncset.done $0x0  }
0x13: {  	s10 =	sshrl.u32 s8, $0x3;
	s8 =	simm.s32 $0x100;
	[sflag:s7] =	ssyncadd.s32 $0xFFFFFF00  }
0x14: {  	[tilespmem:s9], [sflag:$0x1] =	stream.indirect.gather [hbm4b:s2+s8], $0x80, s3, s8, $0xb8;
	[tilespmem:$0x10200] =	vst v63  }
0x15: {  	s10 =	sadd.s32 s28, s10  }
0x16: {  	[tilespmem:s8], [sflag:$0x5] =	stream.strided.gather [hbm4b:s10+s5], $0x100, s6, s5, $0x38;
	[tilespmem:$0x10200] =	vst v63  }
0x17: {  	_ =	swait.ge [sflag:s7], $0x100  }
0x18: {  	s12 =	simm.s32 $0x8200;
	s30 =	sadd.s32 $0x14400, s11;
	[sflag:s7] =	ssyncset.done $0x0  }
0x19: {  	s11 =	simm.s32 $0x1;
	s20 =	sor.u32 $0x200, s26;
	[sflag:s7] =	ssyncadd.s32 $0xFFFFFF00  }
0x1a: {  	[tilespmem:s12], [sflag:$0x2] =	stream.indirect.gather [hbm4b:s2+s8], $0x80, s8, s8, $0xb8;
	[tilespmem:$0x10200] =	vst v63  }
0x1b: {  	s13 =	sshll.u32 s26, $0x4;
	s14 =	sshll.u32 s20, $0x3;
	_ =	swait.ge [sflag:s11], $0x8000  }
0x1c: {  	s13 =	sadd.s32 s30, s13;
	s14 =	sand.u32 $0x5000, s14;
	[sflag:s11] =	ssyncset.done $0x0  }
0x1d: {  	s15 =	sor.u32 s14, s29;
	s14 =	simm.s32 $0x3;
	[sflag:s11] =	ssyncadd.s32 $0xFFFF8000  }
0x1e: {  	[hbm4b:s13+s3] =	stream.linear.scatter [tilespmem:s9], [sflag:$0x3], $0x8000, $0x38;
	[tilespmem:$0x10200] =	vst v63  }
0x1f: {  	s15 =	sor.u32 s31, s15;
	_ =	swait.ge [sflag:s14], $0x8000  }
0x20: {  	s15 =	sshrl.u32 s15, $0x3;
	[sflag:s14] =	ssyncset.done $0x0  }
0x21: {  	s15 =	sadd.s32 s28, s15;
	[sflag:s14] =	ssyncadd.s32 $0xFFFF8000  }
0x22: {  	[tilespmem:s3], [sflag:$0x5] =	stream.strided.gather [hbm4b:s15+s5], $0x100, s6, s5, $0x38;
	[tilespmem:$0x10200] =	vst v63  }
0x23: {  	_ =	swait.ge [sflag:s7], $0x100  }
0x24: {  	[sflag:s7] =	ssyncset.done $0x0  }
0x25: {  	s16 =	simm.s32 $0x2;
	s22 =	sor.u32 $0x300, s26;
	[sflag:s7] =	ssyncadd.s32 $0xFFFFFF00  }
0x26: {  	[tilespmem:s9], [sflag:$0x1] =	stream.indirect.gather [hbm4b:s2+s8], $0x80, s3, s8, $0xb8;
	[tilespmem:$0x10200] =	vst v63  }
0x27: {  	s17 =	sshll.u32 s17, $0x4;
	s18 =	sshll.u32 s22, $0x3;
	_ =	swait.ge [sflag:s16], $0x8000  }
0x28: {  	s17 =	sadd.s32 s30, s17;
	s18 =	sand.u32 $0x5800, s18;
	[sflag:s16] =	ssyncset.done $0x0  }
0x29: {  	s19 =	sor.u32 s18, s29;
	s18 =	simm.s32 $0x4;
	[sflag:s16] =	ssyncadd.s32 $0xFFFF8000  }
0x2a: {  	[hbm4b:s17+s3] =	stream.linear.scatter [tilespmem:s12], [sflag:$0x4], $0x8000, $0x38;
	[tilespmem:$0x10200] =	vst v63  }
0x2b: {  	s19 =	sor.u32 s31, s19;
	_ =	swait.ge [sflag:s18], $0x8000  }
0x2c: {  	s19 =	sshrl.u32 s19, $0x3;
	[sflag:s18] =	ssyncset.done $0x0  }
0x2d: {  	s19 =	sadd.s32 s28, s19;
	[sflag:s18] =	ssyncadd.s32 $0xFFFF8000  }
0x2e: {  	[tilespmem:s8], [sflag:$0x5] =	stream.strided.gather [hbm4b:s19+s5], $0x100, s6, s5, $0x38;
	[tilespmem:$0x10200] =	vst v63  }
0x2f: {  	_ =	swait.ge [sflag:s7], $0x100  }
0x30: {  	[sflag:s7] =	ssyncset.done $0x0  }
0x31: {  	s24 =	sor.u32 $0x400, s26;
	[sflag:s7] =	ssyncadd.s32 $0xFFFFFF00  }
0x32: {  	[tilespmem:s12], [sflag:$0x2] =	stream.indirect.gather [hbm4b:s2+s8], $0x80, s8, s8, $0xb8;
	[tilespmem:$0x10200] =	vst v63  }
0x33: {  	s21 =	sshll.u32 s24, $0x3;
	_ =	swait.ge [sflag:s11], $0x8000  }
0x34: {  	s20 =	sshll.u32 s20, $0x4;
	s21 =	sand.u32 $0x6000, s21;
	[sflag:s11] =	ssyncset.done $0x0  }
0x35: {  	s20 =	sadd.s32 s30, s20;
	s21 =	sor.u32 s21, s29;
	[sflag:s11] =	ssyncadd.s32 $0xFFFF8000  }
0x36: {  	[hbm4b:s20+s3] =	stream.linear.scatter [tilespmem:s9], [sflag:$0x3], $0x8000, $0x38;
	[tilespmem:$0x10200] =	vst v63  }
0x37: {  	s21 =	sor.u32 s31, s21;
	_ =	swait.ge [sflag:s14], $0x8000  }
0x38: {  	s21 =	sshrl.u32 s21, $0x3;
	[sflag:s14] =	ssyncset.done $0x0  }
0x39: {  	s21 =	sadd.s32 s28, s21;
	[sflag:s14] =	ssyncadd.s32 $0xFFFF8000  }
0x3a: {  	[tilespmem:s3], [sflag:$0x5] =	stream.strided.gather [hbm4b:s21+s5], $0x100, s6, s5, $0x38;
	[tilespmem:$0x10200] =	vst v63  }
0x3b: {  	_ =	swait.ge [sflag:s7], $0x100  }
0x3c: {  	[sflag:s7] =	ssyncset.done $0x0  }
0x3d: {  	s0 =	sor.u32 $0x500, s26;
	[sflag:s7] =	ssyncadd.s32 $0xFFFFFF00  }
0x3e: {  	[tilespmem:s9], [sflag:$0x1] =	stream.indirect.gather [hbm4b:s2+s8], $0x80, s3, s8, $0xb8;
	[tilespmem:$0x10200] =	vst v63  }
0x3f: {  	s23 =	sshll.u32 s0, $0x3;
	_ =	swait.ge [sflag:s16], $0x8000  }
0x40: {  	s22 =	sshll.u32 s22, $0x4;
	s23 =	sand.u32 $0x6800, s23;
	[sflag:s16] =	ssyncset.done $0x0  }
0x41: {  	s22 =	sadd.s32 s30, s22;
	s23 =	sor.u32 s23, s29;
	[sflag:s16] =	ssyncadd.s32 $0xFFFF8000  }
0x42: {  	[hbm4b:s22+s3] =	stream.linear.scatter [tilespmem:s12], [sflag:$0x4], $0x8000, $0x38;
	[tilespmem:$0x10200] =	vst v63  }
0x43: {  	s23 =	sor.u32 s31, s23;
	_ =	swait.ge [sflag:s18], $0x8000  }
0x44: {  	s23 =	sshrl.u32 s23, $0x3;
	[sflag:s18] =	ssyncset.done $0x0  }
0x45: {  	s23 =	sadd.s32 s28, s23;
	[sflag:s18] =	ssyncadd.s32 $0xFFFF8000  }
0x46: {  	[tilespmem:s8], [sflag:$0x5] =	stream.strided.gather [hbm4b:s23+s5], $0x100, s6, s5, $0x38;
	[tilespmem:$0x10200] =	vst v63  }
0x47: {  	_ =	swait.ge [sflag:s7], $0x100  }
0x48: {  	s25 =	sor.u32 $0x600, s26;
	[sflag:s7] =	ssyncset.done $0x0  }
0x49: {  	[dreg:$0x4] =	wrdreg s25;
	[sflag:s7] =	ssyncadd.s32 $0xFFFFFF00  }
0x4a: {  	[tilespmem:s12], [sflag:$0x2] =	stream.indirect.gather [hbm4b:s2+s8], $0x80, s8, s8, $0xb8;
	[tilespmem:$0x10200] =	vst v63  }
0x4b: {  	s25 =	sshll.u32 s25, $0x3;
	_ =	swait.ge [sflag:s11], $0x8000  }
0x4c: {  	s24 =	sshll.u32 s24, $0x4;
	s25 =	sand.u32 $0x7000, s25;
	[sflag:s11] =	ssyncset.done $0x0  }
0x4d: {  	s24 =	sadd.s32 s30, s24;
	s25 =	sor.u32 s25, s29;
	[sflag:s11] =	ssyncadd.s32 $0xFFFF8000  }
0x4e: {  	[hbm4b:s24+s3] =	stream.linear.scatter [tilespmem:s9], [sflag:$0x3], $0x8000, $0x38;
	[tilespmem:$0x10200] =	vst v63  }
0x4f: {  	s25 =	sor.u32 s31, s25;
	_ =	swait.ge [sflag:s14], $0x8000  }
0x50: {  	s25 =	sshrl.u32 s25, $0x3;
	[sflag:s14] =	ssyncset.done $0x0  }
0x51: {  	s25 =	sadd.s32 s28, s25;
	[sflag:s14] =	ssyncadd.s32 $0xFFFF8000  }
0x52: {  	[tilespmem:s3], [sflag:$0x5] =	stream.strided.gather [hbm4b:s25+s5], $0x100, s6, s5, $0x38;
	[tilespmem:$0x10200] =	vst v63  }
0x53: {  	_ =	swait.ge [sflag:s7], $0x100  }
0x54: {  	[sflag:s7] =	ssyncset.done $0x0  }
0x55: {  	s1 =	sor.u32 $0x700, s26;
	[sflag:s7] =	ssyncadd.s32 $0xFFFFFF00  }
0x56: {  	[tilespmem:s9], [sflag:$0x1] =	stream.indirect.gather [hbm4b:s2+s8], $0x80, s3, s8, $0xb8;
	[tilespmem:$0x10200] =	vst v63  }
0x57: {  	s26 =	sshll.u32 s1, $0x3;
	_ =	swait.ge [sflag:s16], $0x8000  }
0x58: {  	s26 =	sand.u32 $0x7800, s26;
	s0 =	sshll.u32 s0, $0x4;
	[sflag:s16] =	ssyncset.done $0x0  }
0x59: {  	s29 =	sor.u32 s26, s29;
	s26 =	sadd.s32 s30, s0;
	[sflag:s16] =	ssyncadd.s32 $0xFFFF8000  }
0x5a: {  	[hbm4b:s26+s3] =	stream.linear.scatter [tilespmem:s12], [sflag:$0x4], $0x8000, $0x38;
	[tilespmem:$0x10200] =	vst v63  }
0x5b: {  	s0 =	sor.u32 s31, s29;
	_ =	swait.ge [sflag:s18], $0x8000  }
0x5c: {  	s0 =	sshrl.u32 s0, $0x3;
	[sflag:s18] =	ssyncset.done $0x0  }
0x5d: {  	s28 =	sadd.s32 s28, s0;
	[sflag:s18] =	ssyncadd.s32 $0xFFFF8000  }
0x5e: {  	[tilespmem:s8], [sflag:$0x5] =	stream.strided.gather [hbm4b:s28+s5], $0x100, s6, s5, $0x38;
	[tilespmem:$0x10200] =	vst v63  }
0x5f: {  	_ =	swait.ge [sflag:s7], $0x100  }
0x60: {  	[sflag:s7] =	ssyncset.done $0x0  }
0x61: {  	[sflag:s7] =	ssyncadd.s32 $0xFFFFFF00  }
0x62: {  	[tilespmem:s12], [sflag:$0x2] =	stream.indirect.gather [hbm4b:s2+s8], $0x80, s8, s8, $0xb8;
	[tilespmem:$0x10200] =	vst v63  }
0x63: {  	_ =	swait.ge [sflag:s11], $0x8000  }
0x64: {  	s0 =	rddreg [dreg:$0x4]  }
0x65: {  	[sflag:s11] =	ssyncset.done $0x0;
	s0 =	sshll.u32 s0, $0x4  }
0x66: {  	[sflag:s11] =	ssyncadd.s32 $0xFFFF8000;
	s29 =	sadd.s32 s30, s0  }
0x67: {  	[hbm4b:s29+s3] =	stream.linear.scatter [tilespmem:s9], [sflag:$0x3], $0x8000, $0x38;
	[tilespmem:$0x10200] =	vst v63  }
0x68: {  	s1 =	sshll.u32 s1, $0x4;
	_ =	swait.ge [sflag:s16], $0x8000  }
0x69: {  	s30 =	sadd.s32 s30, s1;
	[sflag:s16] =	ssyncset.done $0x0;
	s1 =	rddreg [dreg:$0x3]  }
0x6a: {  	s0 =	ssub.s32 $0x2, s1;
	[sflag:s16] =	ssyncadd.s32 $0xFFFF8000  }
0x6b: {  	[hbm4b:s30+s3] =	stream.linear.scatter [tilespmem:s12], [sflag:$0x4], $0x8000, $0x38;
	[tilespmem:$0x10200] =	vst v63  }
0x6c: {  	s1 =	sshrl.u32 s0, $0x1  }
0x6d: {  	s0 =	ssub.s32 s0, s1  }
0x6e: {  	s0 =	smax.u32 s0, $0x1  }
0x6f: {  	p0 =	sne.s32 s0, $0x1  }
.Ltmp0:
0x70: {  	_ =	swait.ge [sflag:s14], $0x8000;
	(pc) =	sbr.rel @!p0 .LBB2_2-.Ltmp0, $4  }
0x71: {  	[sflag:s14] =	ssyncset.done $0x0  }
0x72: {  	[sflag:s14] =	ssyncadd.s32 $0xFFFF8000  }
0x73: {  	_ =	swait.ge [sflag:s18], $0x8000  }
0x74: {  	s31 =	sadd.s32 $0xFFFFFFFF, s0;
	[sflag:s18] =	ssyncset.done $0x0  }
.LBB2_1:
0x75: {  	p0 =	sne.s32 s31, $0x1;
	s31 =	sadd.s32 $0xFFFFFFFF, s31;
	[sflag:s18] =	ssyncadd.s32 $0xFFFF8000  }
0x76: {  	[tilespmem:s3], [sflag:$0x5] =	stream.strided.gather [hbm4b:s4+s5], $0x100, s6, s5, $0x38;
	[tilespmem:$0x10200] =	vst v63  }
0x77: {  	_ =	swait.ge [sflag:s7], $0x100  }
0x78: {  	[sflag:s7] =	ssyncset.done $0x0  }
0x79: {  	[sflag:s7] =	ssyncadd.s32 $0xFFFFFF00  }
0x7a: {  	[tilespmem:s9], [sflag:$0x1] =	stream.indirect.gather [hbm4b:s2+s8], $0x80, s3, s8, $0xb8;
	[tilespmem:$0x10200] =	vst v63  }
0x7b: {  	_ = 	snop  }
0x7c: {  	[tilespmem:s8], [sflag:$0x5] =	stream.strided.gather [hbm4b:s10+s5], $0x100, s6, s5, $0x38;
	[tilespmem:$0x10200] =	vst v63  }
0x7d: {  	_ =	swait.ge [sflag:s7], $0x100  }
0x7e: {  	[sflag:s7] =	ssyncset.done $0x0  }
0x7f: {  	[sflag:s7] =	ssyncadd.s32 $0xFFFFFF00  }
0x80: {  	[tilespmem:s12], [sflag:$0x2] =	stream.indirect.gather [hbm4b:s2+s8], $0x80, s8, s8, $0xb8;
	[tilespmem:$0x10200] =	vst v63  }
0x81: {  	_ =	swait.ge [sflag:s11], $0x8000  }
0x82: {  	[sflag:s11] =	ssyncset.done $0x0  }
0x83: {  	[sflag:s11] =	ssyncadd.s32 $0xFFFF8000  }
0x84: {  	[hbm4b:s13+s3] =	stream.linear.scatter [tilespmem:s9], [sflag:$0x3], $0x8000, $0x38;
	[tilespmem:$0x10200] =	vst v63  }
0x85: {  	_ =	swait.ge [sflag:s14], $0x8000  }
0x86: {  	[sflag:s14] =	ssyncset.done $0x0  }
0x87: {  	[sflag:s14] =	ssyncadd.s32 $0xFFFF8000  }
0x88: {  	[tilespmem:s3], [sflag:$0x5] =	stream.strided.gather [hbm4b:s15+s5], $0x100, s6, s5, $0x38;
	[tilespmem:$0x10200] =	vst v63  }
0x89: {  	_ =	swait.ge [sflag:s7], $0x100  }
0x8a: {  	[sflag:s7] =	ssyncset.done $0x0  }
0x8b: {  	[sflag:s7] =	ssyncadd.s32 $0xFFFFFF00  }
0x8c: {  	[tilespmem:s9], [sflag:$0x1] =	stream.indirect.gather [hbm4b:s2+s8], $0x80, s3, s8, $0xb8;
	[tilespmem:$0x10200] =	vst v63  }
0x8d: {  	_ =	swait.ge [sflag:s16], $0x8000  }
0x8e: {  	[sflag:s16] =	ssyncset.done $0x0  }
0x8f: {  	[sflag:s16] =	ssyncadd.s32 $0xFFFF8000  }
0x90: {  	[hbm4b:s17+s3] =	stream.linear.scatter [tilespmem:s12], [sflag:$0x4], $0x8000, $0x38;
	[tilespmem:$0x10200] =	vst v63  }
0x91: {  	_ =	swait.ge [sflag:s18], $0x8000  }
0x92: {  	[sflag:s18] =	ssyncset.done $0x0  }
0x93: {  	[sflag:s18] =	ssyncadd.s32 $0xFFFF8000  }
0x94: {  	[tilespmem:s8], [sflag:$0x5] =	stream.strided.gather [hbm4b:s19+s5], $0x100, s6, s5, $0x38;
	[tilespmem:$0x10200] =	vst v63  }
0x95: {  	_ =	swait.ge [sflag:s7], $0x100  }
0x96: {  	[sflag:s7] =	ssyncset.done $0x0  }
0x97: {  	[sflag:s7] =	ssyncadd.s32 $0xFFFFFF00  }
0x98: {  	[tilespmem:s12], [sflag:$0x2] =	stream.indirect.gather [hbm4b:s2+s8], $0x80, s8, s8, $0xb8;
	[tilespmem:$0x10200] =	vst v63  }
0x99: {  	_ =	swait.ge [sflag:s11], $0x8000  }
0x9a: {  	[sflag:s11] =	ssyncset.done $0x0  }
0x9b: {  	[sflag:s11] =	ssyncadd.s32 $0xFFFF8000  }
0x9c: {  	[hbm4b:s20+s3] =	stream.linear.scatter [tilespmem:s9], [sflag:$0x3], $0x8000, $0x38;
	[tilespmem:$0x10200] =	vst v63  }
0x9d: {  	_ =	swait.ge [sflag:s14], $0x8000  }
0x9e: {  	[sflag:s14] =	ssyncset.done $0x0  }
0x9f: {  	[sflag:s14] =	ssyncadd.s32 $0xFFFF8000  }
0xa0: {  	[tilespmem:s3], [sflag:$0x5] =	stream.strided.gather [hbm4b:s21+s5], $0x100, s6, s5, $0x38;
	[tilespmem:$0x10200] =	vst v63  }
0xa1: {  	_ =	swait.ge [sflag:s7], $0x100  }
0xa2: {  	[sflag:s7] =	ssyncset.done $0x0  }
0xa3: {  	[sflag:s7] =	ssyncadd.s32 $0xFFFFFF00  }
0xa4: {  	[tilespmem:s9], [sflag:$0x1] =	stream.indirect.gather [hbm4b:s2+s8], $0x80, s3, s8, $0xb8;
	[tilespmem:$0x10200] =	vst v63  }
0xa5: {  	_ =	swait.ge [sflag:s16], $0x8000  }
0xa6: {  	[sflag:s16] =	ssyncset.done $0x0  }
0xa7: {  	[sflag:s16] =	ssyncadd.s32 $0xFFFF8000  }
0xa8: {  	[hbm4b:s22+s3] =	stream.linear.scatter [tilespmem:s12], [sflag:$0x4], $0x8000, $0x38;
	[tilespmem:$0x10200] =	vst v63  }
0xa9: {  	_ =	swait.ge [sflag:s18], $0x8000  }
0xaa: {  	[sflag:s18] =	ssyncset.done $0x0  }
0xab: {  	[sflag:s18] =	ssyncadd.s32 $0xFFFF8000  }
0xac: {  	[tilespmem:s8], [sflag:$0x5] =	stream.strided.gather [hbm4b:s23+s5], $0x100, s6, s5, $0x38;
	[tilespmem:$0x10200] =	vst v63  }
0xad: {  	_ =	swait.ge [sflag:s7], $0x100  }
0xae: {  	[sflag:s7] =	ssyncset.done $0x0  }
0xaf: {  	[sflag:s7] =	ssyncadd.s32 $0xFFFFFF00  }
0xb0: {  	[tilespmem:s12], [sflag:$0x2] =	stream.indirect.gather [hbm4b:s2+s8], $0x80, s8, s8, $0xb8;
	[tilespmem:$0x10200] =	vst v63  }
0xb1: {  	_ =	swait.ge [sflag:s11], $0x8000  }
0xb2: {  	[sflag:s11] =	ssyncset.done $0x0  }
0xb3: {  	[sflag:s11] =	ssyncadd.s32 $0xFFFF8000  }
0xb4: {  	[hbm4b:s24+s3] =	stream.linear.scatter [tilespmem:s9], [sflag:$0x3], $0x8000, $0x38;
	[tilespmem:$0x10200] =	vst v63  }
0xb5: {  	_ =	swait.ge [sflag:s14], $0x8000  }
0xb6: {  	[sflag:s14] =	ssyncset.done $0x0  }
0xb7: {  	[sflag:s14] =	ssyncadd.s32 $0xFFFF8000  }
0xb8: {  	[tilespmem:s3], [sflag:$0x5] =	stream.strided.gather [hbm4b:s25+s5], $0x100, s6, s5, $0x38;
	[tilespmem:$0x10200] =	vst v63  }
0xb9: {  	_ =	swait.ge [sflag:s7], $0x100  }
0xba: {  	[sflag:s7] =	ssyncset.done $0x0  }
0xbb: {  	[sflag:s7] =	ssyncadd.s32 $0xFFFFFF00  }
0xbc: {  	[tilespmem:s9], [sflag:$0x1] =	stream.indirect.gather [hbm4b:s2+s8], $0x80, s3, s8, $0xb8;
	[tilespmem:$0x10200] =	vst v63  }
0xbd: {  	_ =	swait.ge [sflag:s16], $0x8000  }
0xbe: {  	[sflag:s16] =	ssyncset.done $0x0  }
0xbf: {  	[sflag:s16] =	ssyncadd.s32 $0xFFFF8000  }
0xc0: {  	[hbm4b:s26+s3] =	stream.linear.scatter [tilespmem:s12], [sflag:$0x4], $0x8000, $0x38;
	[tilespmem:$0x10200] =	vst v63  }
0xc1: {  	_ =	swait.ge [sflag:s18], $0x8000  }
0xc2: {  	[sflag:s18] =	ssyncset.done $0x0  }
0xc3: {  	[sflag:s18] =	ssyncadd.s32 $0xFFFF8000  }
0xc4: {  	[tilespmem:s8], [sflag:$0x5] =	stream.strided.gather [hbm4b:s28+s5], $0x100, s6, s5, $0x38;
	[tilespmem:$0x10200] =	vst v63  }
0xc5: {  	_ =	swait.ge [sflag:s7], $0x100  }
0xc6: {  	[sflag:s7] =	ssyncset.done $0x0  }
0xc7: {  	[sflag:s7] =	ssyncadd.s32 $0xFFFFFF00  }
0xc8: {  	[tilespmem:s12], [sflag:$0x2] =	stream.indirect.gather [hbm4b:s2+s8], $0x80, s8, s8, $0xb8;
	[tilespmem:$0x10200] =	vst v63  }
0xc9: {  	_ =	swait.ge [sflag:s11], $0x8000  }
0xca: {  	[sflag:s11] =	ssyncset.done $0x0  }
0xcb: {  	[sflag:s11] =	ssyncadd.s32 $0xFFFF8000  }
0xcc: {  	[hbm4b:s29+s3] =	stream.linear.scatter [tilespmem:s9], [sflag:$0x3], $0x8000, $0x38;
	[tilespmem:$0x10200] =	vst v63  }
0xcd: {  	_ =	swait.ge [sflag:s16], $0x8000  }
0xce: {  	[sflag:s16] =	ssyncset.done $0x0  }
0xcf: {  	[sflag:s16] =	ssyncadd.s32 $0xFFFF8000  }
0xd0: {  	[hbm4b:s30+s3] =	stream.linear.scatter [tilespmem:s12], [sflag:$0x4], $0x8000, $0x38;
	[tilespmem:$0x10200] =	vst v63  }
.Ltmp1:
0xd1: {  	_ =	swait.ge [sflag:s14], $0x8000;
	(pc) =	sbr.rel @p0 .LBB2_1-.Ltmp1, $4  }
0xd2: {  	[sflag:s14] =	ssyncset.done $0x0  }
0xd3: {  	[sflag:s14] =	ssyncadd.s32 $0xFFFF8000  }
0xd4: {  	_ =	swait.ge [sflag:s18], $0x8000  }
0xd5: {  	[sflag:s18] =	ssyncset.done $0x0  }
.LBB2_2:
0xd6: {  	[sflag:s18] =	ssyncadd.s32 $0xFFFF8000  }
0xd7: {  	_ =	sfence.sel $0x180000  }
0xd8: {  	[bflag:$0x0] =	sbarrier.arrive $0xFFFF  }
0xd9: {  	_ =	strace $0x90000047  }
0xda: {  	s0 =	stileid.u32;
	[bflag:$0x2] =	sbarrier.arrive $0xFFFF  }
0xdb: {  	p0 =	sne.s32 s0, $0x0;
	s0 =	rddreg [dreg:$0x2]  }
0xdc: {  	s0 =	sadd.s32 @!p0 $0x100000, s0  }
0xdd: {  	[sflag:s0] =	ssyncadd.tile.s32 @!p0 $0x1;
	_ =	shalt  }
.Lfunc_end2:
_tile_overlayer_lowered:
.L_overlay_start_2:
0xde: {  	(tag) =	ssettag $0x2  }
0xdf: {  	s0 =	rddreg [dreg:$0x0];
	s2 =	stileid.u32  }
0xe0: {  	s1 =	rddreg [dreg:$0x1];
	p0 =	sne.s32 s2, $0x0  }
0xe1: {  	s3 =	rddreg [dreg:$0x2];
	[bflag:$0x3] =	sbarrier.arrive $0xFFFF;
	s2 =	simm.s32 @!p0 $0x1C05  }
0xe2: {  	[timem:s3], [sflag:s2] =	dma.local @!p0 [hbm:s0], s1  }
0xe3: {  	s0 =	simm.s32 @!p0 $0x5  }
0xe4: {  	_ =	swait.ge @!p0 [sflag:s0], s1  }
0xe5: {  	s1 =	ssub.s32 @!p0 $0x0, s1;
	[sflag:s0] =	ssyncset.done @!p0 $0x0  }
0xe6: {  	[sflag:s0] =	ssyncadd.s32 @!p0 s1  }
0xe7: {  	[bflag:$0x3] =	sbarrier.arrive $0xFFFF  }
0xe8: {  	_ =	shalt  }

// kernel: kernel.21.cloned.1.call-start
scs
__scs_entry_jumppad:
0x0: {  	(pc) =	sbr.rel $0x88, $3  }
0x1: {  	(tag) =	ssettag $0x0;
	lr =	simm.s32 $0x1  }
0x2: {  	[smem:$0x3F9D] =	sst lr;
	_ =	strace $0xD0000000  }
0x3: {  	_ = 	snop  }
0x4: {  	_ = 	snop  }
0x5: {  	_ = 	snop  }
0x6: {  	_ = 	snop  }
0x7: {  	_ = 	snop  }
__scs_overlays_trampoline_lowered:
0x8: {  	[smem:$0x3FAC] =	sst s0  }
0x9: {  	[smem:$0x3FAD] =	sst s1  }
0xa: {  	[smem:$0x3FAE] =	sst s2  }
0xb: {  	[smem:$0x3FAF] =	sst s3  }
0xc: {  	[smem:$0x3FB0] =	sst s4  }
0xd: {  	[smem:$0x3FB1] =	sst s5  }
0xe: {  	[smem:$0x3FB2] =	sst s6  }
0xf: {  	[smem:$0x3FB3] =	sst s7  }
0x10: {  	[smem:$0x3FB4] =	sst s8  }
0x11: {  	[smem:$0x3FB5] =	sst s9;
	s0 =	simm.s32 @!p0 $0x0  }
0x12: {  	s1 =	sld [smem:$0x3F9B];
	s0 =	simm.s32 @p0 $0x1  }
0x13: {  	[smem:$0x3FB6] =	sst s0;
	s0 =	simm.s32 @!p1 $0x0  }
0x14: {  	s2 =	sld [smem:$0x3F9A];
	s0 =	simm.s32 @p1 $0x1  }
0x15: {  	[smem:$0x3FB7] =	sst s0;
	s0 =	simm.s32 @!p2 $0x0  }
0x16: {  	s3 =	sld [smem:$0x3FDB];
	s0 =	simm.s32 @p2 $0x1  }
0x17: {  	s4 =	simm.s32 $0x1BF5;
	[smem:$0x3FB9] =	sst s0  }
0x18: {  	s0 =	sld [smem:$0x3F9C];
	_ =	swait.ge [sflag:s4], $0x0  }
0x19: {  	s7 =	sld [smem:$0x3F9D]  }
0x1a: {  	s8 =	sadd.s32 $0xFFFFE003, lr  }
0x1b: {  	s9 =	sadd.s32 $0xFFFFFEF7, lr;
	s5 =	simm.s32 $0xFFFFFFFF;
	p2 =	slt.u32 s8, $0xFFFFF086  }
0x1c: {  	p1 =	slt.u32 s9, $0xF7A;
	s5 =	simm.s32 @!p2 $0x0  }
0x1d: {  	s5 =	simm.s32 @p1 $0x1;
	p0 =	seq.s32 s7, s2  }
0x1e: {  	s7 =	smul.u32 @!p0 $0xF7A, s2;
	p2 =	seq.s32 @!p0 s5, $0x0  }
0x1f: {  	s9 =	smul.u32 $0xF7A, s1;
	s8 =	simm.s32 @!p0 $0x1BF5;
	p2 =	por !p2, p0  }
0x20: {  	[sflag:s8] =	ssyncset.s32 @!p0 $0xFFFFF086;
	s6 =	sadd.s32 @!p0 s3, s7;
	s7 =	simm.s32 @!p0 $0x108  }
0x21: {  	s3 =	sadd.s32 s3, s9;
	s6 =	sadd.s32 @!p0 $0x88, s6;
	s7 =	simm.s32 @p2 $0x1082  }
0x22: {  	[simem:s7], [sflag:s8] =	dma.local @!p0 [hbm:s6], $0xF7A  }
0x23: {  	s9 =	sor.u32 $0xD0000000, s2;
	s6 =	simm.s32 $0x108;
	_ =	swait.ge @!p0 [sflag:s8], $0x0  }
0x24: {  	s3 =	sadd.s32 $0x88, s3;
	s6 =	simm.s32 @!p1 $0x1082;
	[sflag:s4] =	ssyncset.s32 $0xFFFFF086  }
0x25: {  	[simem:s6], [sflag:s4] =	dma.local [hbm:s3], $0xF7A  }
0x26: {  	[smem:$0x3F9D] =	sst s1;
	(tag) =	ssettag s2;
	_ =	strace s9  }
0x27: {  	s1 =	sld [smem:$0x3FAD]  }
0x28: {  	s2 =	sld [smem:$0x3FAE]  }
0x29: {  	s4 =	sld [smem:$0x3FB0]  }
0x2a: {  	p0 =	seq.s32 s5, $0x0;
	s5 =	sld [smem:$0x3FB1]  }
0x2b: {  	s6 =	sld [smem:$0x3FB2]  }
0x2c: {  	s7 =	sld [smem:$0x3FB3]  }
0x2d: {  	s3 =	simm.s32 $0x108;
	s8 =	sld [smem:$0x3FB4]  }
0x2e: {  	s3 =	simm.s32 @!p0 $0x1082;
	s9 =	sld [smem:$0x3FB5]  }
0x2f: {  	lr =	sadd.s32 s0, s3;
	s0 =	sld [smem:$0x3FAC]  }
0x30: {  	s3 =	sld [smem:$0x3FAF]  }
0x31: {  	[smem:$0x3FB8] =	sst s10  }
0x32: {  	s10 =	sld [smem:$0x3FB6];
	_ =	sdelay $0x3  }
0x33: {  	p0 =	seq.s32 s10, $0x1;
	s10 =	sld [smem:$0x3FB8];
	_ =	sdelay $0x3  }
0x34: {  	[smem:$0x3FB8] =	sst s10  }
0x35: {  	s10 =	sld [smem:$0x3FB7];
	_ =	sdelay $0x3  }
0x36: {  	p1 =	seq.s32 s10, $0x1;
	s10 =	sld [smem:$0x3FB8];
	_ =	sdelay $0x3  }
0x37: {  	[smem:$0x3FB8] =	sst s10  }
0x38: {  	s10 =	sld [smem:$0x3FB9]  }
0x39: {  	_ = 	snop;
	(pc) =	sbr.ind lr, $3  }
0x3a: {  	_ = 	snop  }
0x3b: {  	_ = 	snop  }
0x3c: {  	p2 =	seq.s32 s10, $0x1;
	s10 =	sld [smem:$0x3FB8]  }
0x3d: {  	_ =	shalt  }
0x3e: {  	_ =	shalt  }
0x3f: {  	_ =	shalt  }
0x40: {  	_ =	shalt  }
0x41: {  	_ =	shalt  }
0x42: {  	_ =	shalt  }
0x43: {  	_ =	shalt  }
0x44: {  	_ =	shalt  }
0x45: {  	_ =	shalt  }
0x46: {  	_ =	shalt  }
0x47: {  	_ =	shalt  }
0x48: {  	_ =	shalt  }
0x49: {  	_ =	shalt  }
0x4a: {  	_ =	shalt  }
0x4b: {  	_ =	shalt  }
0x4c: {  	_ =	shalt  }
0x4d: {  	_ =	shalt  }
0x4e: {  	_ =	shalt  }
0x4f: {  	_ =	shalt  }
0x50: {  	_ =	shalt  }
0x51: {  	_ =	shalt  }
0x52: {  	_ =	shalt  }
0x53: {  	_ =	shalt  }
0x54: {  	_ =	shalt  }
0x55: {  	_ =	shalt  }
0x56: {  	_ =	shalt  }
0x57: {  	_ =	shalt  }
0x58: {  	_ =	shalt  }
0x59: {  	_ =	shalt  }
0x5a: {  	_ =	shalt  }
0x5b: {  	_ =	shalt  }
0x5c: {  	_ =	shalt  }
0x5d: {  	_ =	shalt  }
0x5e: {  	_ =	shalt  }
0x5f: {  	_ =	shalt  }
0x60: {  	_ =	shalt  }
0x61: {  	_ =	shalt  }
0x62: {  	_ =	shalt  }
0x63: {  	_ =	shalt  }
0x64: {  	_ =	shalt  }
0x65: {  	_ =	shalt  }
0x66: {  	_ =	shalt  }
0x67: {  	_ =	shalt  }
0x68: {  	_ =	shalt  }
0x69: {  	_ =	shalt  }
0x6a: {  	_ =	shalt  }
0x6b: {  	_ =	shalt  }
0x6c: {  	_ =	shalt  }
0x6d: {  	_ =	shalt  }
0x6e: {  	_ =	shalt  }
0x6f: {  	_ =	shalt  }
0x70: {  	_ =	shalt  }
0x71: {  	_ =	shalt  }
0x72: {  	_ =	shalt  }
0x73: {  	_ =	shalt  }
0x74: {  	_ =	shalt  }
0x75: {  	_ =	shalt  }
0x76: {  	_ =	shalt  }
0x77: {  	_ =	shalt  }
0x78: {  	_ =	shalt  }
0x79: {  	_ =	shalt  }
0x7a: {  	_ =	shalt  }
0x7b: {  	_ =	shalt  }
0x7c: {  	_ =	shalt  }
0x7d: {  	_ =	shalt  }
0x7e: {  	_ =	shalt  }
0x7f: {  	_ =	shalt  }
0x80: {  	_ =	shalt  }
0x81: {  	_ =	shalt  }
0x82: {  	_ =	shalt  }
0x83: {  	_ =	shalt  }
0x84: {  	_ =	shalt  }
0x85: {  	_ =	shalt  }
0x86: {  	_ =	shalt  }
0x87: {  	_ =	shalt  }
.Lfunc_end0:
.L_simem_size_0:
called_computation.2_lowered:
.L_overlay_start_0:
0x88: {  	s2 =	sld [smem:$0x3FD9]  }
0x89: {  	s3 =	sld [smem:$0x3FFE];
	_ =	sdelay $0x1  }
0x8a: {  	s1 =	srdreg.scid  }
0x8b: {  	s0 =	sand.u32 $0x1, s1  }
0x8c: {  	s17 =	sshll.u32 s0, $0xA;
	s2 =	sadd.s32 s3, s2  }
0x8d: {  	s2 =	sadd.s32 s2, s17  }
0x8e: {  	[smem:$0x3FC4] =	sst s2  }
0x8f: {  	_ = 	snop  }
0x90: {  	s18 =	sld [smem:$0x3FD0];
	(tm) =	ssettm $0x1  }
0x91: {  	s19 =	sld [smem:$0x3FFB];
	_ =	sdelay $0x3  }
0x92: {  	_ =	strace s19  }
0x93: {  	s2 =	sld [smem:$0x3FFC];
	_ =	sdelay $0x3  }
0x94: {  	_ =	strace s2  }
0x95: {  	s2 =	sld [smem:$0x3FFD];
	_ =	sdelay $0x3  }
0x96: {  	_ =	strace s2  }
0x97: {  	_ =	strace $0x8FFFFFFF  }
0x98: {  	s20 =	sld [smem:$0x3FDB];
	_ =	sdelay $0x1  }
0x99: {  	s4 =	simm.s32 $_scs_section_size  }
0x9a: {  	s5 =	simm.s32 $_size__tile_overlayer_lowered;
	s6 =	simm.s32 $_tile_overlayer_lowered  }
0x9b: {  	s7 =	simm.s32 $0x1BFF;
	s21 =	sshll.u32 s6, $0x1;
	s4 =	sadd.s32 s4, s20  }
0x9c: {  	s22 =	simm.s32 $0x0;
	s5 =	sshll.u32 s5, $0x1;
	s6 =	sadd.s32 s21, s4  }
0x9d: {  	[timem:s22], [sflag:s7] =	dma.local [hbm:s6], s5  }
0x9e: {  	_ =	swait.ge [sflag:s7], s5  }
0x9f: {  	s5 =	ssub.s32 $0x0, s5;
	[sflag:s7] =	ssyncset.done $0x0  }
0xa0: {  	[sflag:s7] =	ssyncadd.s32 s5;
	_ =	sdelay $0x1  }
0xa1: {  	s23 =	simm.s32 $0x1B8B  }
0xa2: {  	_ =	swait.ge [sflag:s23], $0x1  }
0xa3: {  	[sflag:s23] =	ssyncset.done $0x0  }
0xa4: {  	[sflag:s23] =	ssyncadd.s32 $0xFFFFFFFF  }
0xa5: {  	s5 =	sld [smem:$0x0]  }
0xa6: {  	s6 =	sand.u32 $0xFFFFFFFE, s1  }
0xa7: {  	p0 =	sne.s32 s1, s6  }
0xa8: {  	s6 =	sshll.u32 @p0 s6, $0xE  }
0xa9: {  	s6 =	sadd.s32 @p0 $0x11B8D, s6;
	s7 =	sshll.u32 @p0 s5, $0x11  }
0xaa: {  	s6 =	sor.u32 @p0 s7, s6  }
0xab: {  	[sflag:s6] =	ssyncadd.remote.s32 @p0 $0x1;
	_ =	sdelay $0x1  }
0xac: {  	s6 =	simm.s32 @p0 $0x1B8D  }
0xad: {  	_ =	swait.eq @p0 [sflag:s6], $0x1  }
0xae: {  	[sflag:s6] =	ssyncadd.s32 @p0 $0xFFFFFFFF  }
0xaf: {  	s7 =	sshll.u32 @!p0 s1, $0xE  }
0xb0: {  	s7 =	sor.u32 @!p0 $0x4000, s7;
	s6 =	simm.s32 @!p0 $0x1B8D  }
0xb1: {  	s5 =	sshll.u32 @!p0 s5, $0x11;
	s7 =	sadd.s32 @!p0 $0x11B8D, s7;
	_ =	swait.eq @!p0 [sflag:s6], $0x1  }
0xb2: {  	s5 =	sor.u32 @!p0 s5, s7;
	[sflag:s6] =	ssyncadd.s32 @!p0 $0xFFFFFFFF  }
0xb3: {  	s25 =	simm.s32 $0x1B8E;
	s24 =	sld [smem:$0x3FFE];
	[sflag:s5] =	ssyncadd.remote.s32 @!p0 $0x1  }
0xb4: {  	s26 =	simm.s32 $execute0_lowered;
	[smem:$0x3FD2] =	sst s25  }
0xb5: {  	s6 =	sshll.u32 s26, $0x1;
	_ =	strace $0x8000004C;
	[dreg:$0x1] =	wrdreg $0xFFFFFFFF  }
0xb6: {  	s28 =	simm.s32 $_size_execute0_lowered;
	s4 =	sadd.s32 s4, s6;
	[dreg:$0x0] =	wrdreg $0x0  }
0xb7: {  	s6 =	sshll.u32 s28, $0x1;
	[dreg:$0x2] =	wrdreg s4  }
0xb8: {  	[dreg:$0x3] =	wrdreg s6  }
0xb9: {  	[dreg:$0x4] =	wrdreg $0xC0  }
0xba: {  	_ =	task [dreg:s22], $0x5FFFF  }
0xbb: {  	[dreg:$0x1] =	wrdreg $0xFFFFFFFF  }
0xbc: {  	[dreg:$0x0] =	wrdreg $0x60  }
0xbd: {  	[dreg:$0x2] =	wrdreg s18  }
0xbe: {  	[dreg:$0x3] =	wrdreg s24  }
0xbf: {  	[dreg:$0x4] =	wrdreg $0xB  }
0xc0: {  	_ =	task.clear_ibuf [dreg:s22], $0x5FFFF;
	_ =	strace $0x9000004C  }
0xc1: {  	s29 =	simm.s32 $0xB;
	_ =	strace $0x8000004E  }
0xc2: {  	_ =	swait.ge [sflag:s29], $0x1  }
0xc3: {  	[sflag:s29] =	ssyncadd.s32 $0xFFFFFFFF  }
0xc4: {  	_ =	strace $0x9000004E  }
0xc5: {  	_ =	sfence  }
0xc6: {  	s30 =	sld [smem:$0x0];
	_ =	sdelay $0x2  }
0xc7: {  	s31 =	sshll.u32 s1, $0xD;
	s1 =	sshrl.u32 s1, $0x2  }
0xc8: {  	s4 =	sand.u32 $0x4000, s31;
	s1 =	sadd.s32 s1, s30  }
0xc9: {  	s0 =	sor.u32 s4, s0;
	s1 =	sshll.u32 s1, $0x11  }
0xca: {  	s0 =	sor.u32 s1, s0  }
0xcb: {  	s0 =	sadd.s32 $0x8F2B, s0  }
0xcc: {  	[sflag:s0] =	ssyncadd.remote.s32 $0x1  }
0xcd: {  	_ =	sfence.sel $0xFFFF  }
0xce: {  	[dreg:$0x0] =	wrdreg $0xFFFFFFFF;
	(pc) =	sbr.abs _section_cstart, $3  }
0xcf: {  	[dreg:$0x1] =	wrdreg $0xFFFFFFFF  }
0xd0: {  	_ =	task.clear_ibuf [dreg:s22], $0x2FFFF;
	_ =	strace $0x9FFFFFFF  }
0xd1: {  	(tm) =	ssettm $0x7FFFFFFF  }
tec
execute0_lowered:
.L_overlay_start_1:
0x0: {  	(tag) =	ssettag $0x1  }
0x1: {  	s1 =	srdreg.scid  }
0x2: {  	s0 =	stileid.u32;
	s6 =	sand.u32 $0x1, s1  }
0x3: {  	s22 =	sshll.u32 s0, $0xC;
	s2 =	sshll.u32 s6, $0xB  }
0x4: {  	s26 =	sor.u32 s2, s22  }
0x5: {  	p1 =	seq.s32 s6, $0x1;
	p0 =	seq.s32 s26, $0x0  }
0x6: {  	s3 =	simm.s32 $0x1;
	s11 =	rddreg [dreg:$0x1];
	p0 =	por !p0, !p1  }
0x7: {  	s7 =	simm.s32 $0x5;
	s28 =	sadd.s32 $0x216400, s11;
	p0 =	por !p0, !p0  }
0x8: {  	s24 =	sshll.u32 s0, $0x7;
	[dreg:$0x3] =	wrdreg s6;
	s3 =	simm.s32 @!p0 $0x0  }
0x9: {  	s6 =	sshll.u32 s6, $0xE;
	s29 =	sand.u32 $0x8000, s22;
	s4 =	ssub.s32 s0, s3  }
0xa: {  	s2 =	rddreg [dreg:$0x0];
	s17 =	sor.u32 $0x100, s26;
	s5 =	sshll.u32 s4, $0xC  }
0xb: {  	s3 =	simm.s32 $0x0;
	s4 =	sshll.u32 s4, $0x7;
	s5 =	sand.u32 $0xFFFF8000, s5  }
0xc: {  	[smem:$0x7FF] =	sst s3;
	s4 =	sand.u32 $0x380, s4;
	s5 =	sor.u32 s6, s5  }
0xd: {  	s23 =	sshll.u32 s17, $0x3;
	_ =	strace $0x8000004D;
	s4 =	sor.u32 s4, s5  }
0xe: {  	s6 =	simm.s32 $0x400;
	s5 =	sand.u32 $0x4800, s23;
	s4 =	sshrl.u32 s4, $0x3  }
0xf: {  	s8 =	sor.u32 s5, s29;
	s5 =	simm.s32 $0x80;
	s4 =	sadd.s32 s28, s4  }
0x10: {  	[tilespmem:s3], [sflag:$0x5] =	stream.strided.gather [hbm4b:s4+s5], $0x100, s6, s5, $0x38;
	[tilespmem:$0x10200] =	vst v63  }
0x11: {  	s31 =	sand.u32 $0x380, s24;
	_ =	swait.ge [sflag:s7], $0x100  }
0x12: {  	s9 =	simm.s32 $0x200;
	s8 =	sor.u32 s31, s8;
	[sflag:s7] =	ssyncset.done $0x0  }
0x13: {  	s10 =	sshrl.u32 s8, $0x3;
	s8 =	simm.s32 $0x100;
	[sflag:s7] =	ssyncadd.s32 $0xFFFFFF00  }
0x14: {  	[tilespmem:s9], [sflag:$0x1] =	stream.indirect.gather [hbm4b:s2+s8], $0x80, s3, s8, $0xb8;
	[tilespmem:$0x10200] =	vst v63  }
0x15: {  	s10 =	sadd.s32 s28, s10  }
0x16: {  	[tilespmem:s8], [sflag:$0x5] =	stream.strided.gather [hbm4b:s10+s5], $0x100, s6, s5, $0x38;
	[tilespmem:$0x10200] =	vst v63  }
0x17: {  	_ =	swait.ge [sflag:s7], $0x100  }
0x18: {  	s12 =	simm.s32 $0x8200;
	s30 =	sadd.s32 $0x218400, s11;
	[sflag:s7] =	ssyncset.done $0x0  }
0x19: {  	s11 =	simm.s32 $0x1;
	s20 =	sor.u32 $0x200, s26;
	[sflag:s7] =	ssyncadd.s32 $0xFFFFFF00  }
0x1a: {  	[tilespmem:s12], [sflag:$0x2] =	stream.indirect.gather [hbm4b:s2+s8], $0x80, s8, s8, $0xb8;
	[tilespmem:$0x10200] =	vst v63  }
0x1b: {  	s13 =	sshll.u32 s26, $0x4;
	s14 =	sshll.u32 s20, $0x3;
	_ =	swait.ge [sflag:s11], $0x8000  }
0x1c: {  	s13 =	sadd.s32 s30, s13;
	s14 =	sand.u32 $0x5000, s14;
	[sflag:s11] =	ssyncset.done $0x0  }
0x1d: {  	s15 =	sor.u32 s14, s29;
	s14 =	simm.s32 $0x3;
	[sflag:s11] =	ssyncadd.s32 $0xFFFF8000  }
0x1e: {  	[hbm4b:s13+s3] =	stream.linear.scatter [tilespmem:s9], [sflag:$0x3], $0x8000, $0x38;
	[tilespmem:$0x10200] =	vst v63  }
0x1f: {  	s15 =	sor.u32 s31, s15;
	_ =	swait.ge [sflag:s14], $0x8000  }
0x20: {  	s15 =	sshrl.u32 s15, $0x3;
	[sflag:s14] =	ssyncset.done $0x0  }
0x21: {  	s15 =	sadd.s32 s28, s15;
	[sflag:s14] =	ssyncadd.s32 $0xFFFF8000  }
0x22: {  	[tilespmem:s3], [sflag:$0x5] =	stream.strided.gather [hbm4b:s15+s5], $0x100, s6, s5, $0x38;
	[tilespmem:$0x10200] =	vst v63  }
0x23: {  	_ =	swait.ge [sflag:s7], $0x100  }
0x24: {  	[sflag:s7] =	ssyncset.done $0x0  }
0x25: {  	s16 =	simm.s32 $0x2;
	s22 =	sor.u32 $0x300, s26;
	[sflag:s7] =	ssyncadd.s32 $0xFFFFFF00  }
0x26: {  	[tilespmem:s9], [sflag:$0x1] =	stream.indirect.gather [hbm4b:s2+s8], $0x80, s3, s8, $0xb8;
	[tilespmem:$0x10200] =	vst v63  }
0x27: {  	s17 =	sshll.u32 s17, $0x4;
	s18 =	sshll.u32 s22, $0x3;
	_ =	swait.ge [sflag:s16], $0x8000  }
0x28: {  	s17 =	sadd.s32 s30, s17;
	s18 =	sand.u32 $0x5800, s18;
	[sflag:s16] =	ssyncset.done $0x0  }
0x29: {  	s19 =	sor.u32 s18, s29;
	s18 =	simm.s32 $0x4;
	[sflag:s16] =	ssyncadd.s32 $0xFFFF8000  }
0x2a: {  	[hbm4b:s17+s3] =	stream.linear.scatter [tilespmem:s12], [sflag:$0x4], $0x8000, $0x38;
	[tilespmem:$0x10200] =	vst v63  }
0x2b: {  	s19 =	sor.u32 s31, s19;
	_ =	swait.ge [sflag:s18], $0x8000  }
0x2c: {  	s19 =	sshrl.u32 s19, $0x3;
	[sflag:s18] =	ssyncset.done $0x0  }
0x2d: {  	s19 =	sadd.s32 s28, s19;
	[sflag:s18] =	ssyncadd.s32 $0xFFFF8000  }
0x2e: {  	[tilespmem:s8], [sflag:$0x5] =	stream.strided.gather [hbm4b:s19+s5], $0x100, s6, s5, $0x38;
	[tilespmem:$0x10200] =	vst v63  }
0x2f: {  	_ =	swait.ge [sflag:s7], $0x100  }
0x30: {  	[sflag:s7] =	ssyncset.done $0x0  }
0x31: {  	s24 =	sor.u32 $0x400, s26;
	[sflag:s7] =	ssyncadd.s32 $0xFFFFFF00  }
0x32: {  	[tilespmem:s12], [sflag:$0x2] =	stream.indirect.gather [hbm4b:s2+s8], $0x80, s8, s8, $0xb8;
	[tilespmem:$0x10200] =	vst v63  }
0x33: {  	s21 =	sshll.u32 s24, $0x3;
	_ =	swait.ge [sflag:s11], $0x8000  }
0x34: {  	s20 =	sshll.u32 s20, $0x4;
	s21 =	sand.u32 $0x6000, s21;
	[sflag:s11] =	ssyncset.done $0x0  }
0x35: {  	s20 =	sadd.s32 s30, s20;
	s21 =	sor.u32 s21, s29;
	[sflag:s11] =	ssyncadd.s32 $0xFFFF8000  }
0x36: {  	[hbm4b:s20+s3] =	stream.linear.scatter [tilespmem:s9], [sflag:$0x3], $0x8000, $0x38;
	[tilespmem:$0x10200] =	vst v63  }
0x37: {  	s21 =	sor.u32 s31, s21;
	_ =	swait.ge [sflag:s14], $0x8000  }
0x38: {  	s21 =	sshrl.u32 s21, $0x3;
	[sflag:s14] =	ssyncset.done $0x0  }
0x39: {  	s21 =	sadd.s32 s28, s21;
	[sflag:s14] =	ssyncadd.s32 $0xFFFF8000  }
0x3a: {  	[tilespmem:s3], [sflag:$0x5] =	stream.strided.gather [hbm4b:s21+s5], $0x100, s6, s5, $0x38;
	[tilespmem:$0x10200] =	vst v63  }
0x3b: {  	_ =	swait.ge [sflag:s7], $0x100  }
0x3c: {  	[sflag:s7] =	ssyncset.done $0x0  }
0x3d: {  	s0 =	sor.u32 $0x500, s26;
	[sflag:s7] =	ssyncadd.s32 $0xFFFFFF00  }
0x3e: {  	[tilespmem:s9], [sflag:$0x1] =	stream.indirect.gather [hbm4b:s2+s8], $0x80, s3, s8, $0xb8;
	[tilespmem:$0x10200] =	vst v63  }
0x3f: {  	s23 =	sshll.u32 s0, $0x3;
	_ =	swait.ge [sflag:s16], $0x8000  }
0x40: {  	s22 =	sshll.u32 s22, $0x4;
	s23 =	sand.u32 $0x6800, s23;
	[sflag:s16] =	ssyncset.done $0x0  }
0x41: {  	s22 =	sadd.s32 s30, s22;
	s23 =	sor.u32 s23, s29;
	[sflag:s16] =	ssyncadd.s32 $0xFFFF8000  }
0x42: {  	[hbm4b:s22+s3] =	stream.linear.scatter [tilespmem:s12], [sflag:$0x4], $0x8000, $0x38;
	[tilespmem:$0x10200] =	vst v63  }
0x43: {  	s23 =	sor.u32 s31, s23;
	_ =	swait.ge [sflag:s18], $0x8000  }
0x44: {  	s23 =	sshrl.u32 s23, $0x3;
	[sflag:s18] =	ssyncset.done $0x0  }
0x45: {  	s23 =	sadd.s32 s28, s23;
	[sflag:s18] =	ssyncadd.s32 $0xFFFF8000  }
0x46: {  	[tilespmem:s8], [sflag:$0x5] =	stream.strided.gather [hbm4b:s23+s5], $0x100, s6, s5, $0x38;
	[tilespmem:$0x10200] =	vst v63  }
0x47: {  	_ =	swait.ge [sflag:s7], $0x100  }
0x48: {  	s25 =	sor.u32 $0x600, s26;
	[sflag:s7] =	ssyncset.done $0x0  }
0x49: {  	[dreg:$0x4] =	wrdreg s25;
	[sflag:s7] =	ssyncadd.s32 $0xFFFFFF00  }
0x4a: {  	[tilespmem:s12], [sflag:$0x2] =	stream.indirect.gather [hbm4b:s2+s8], $0x80, s8, s8, $0xb8;
	[tilespmem:$0x10200] =	vst v63  }
0x4b: {  	s25 =	sshll.u32 s25, $0x3;
	_ =	swait.ge [sflag:s11], $0x8000  }
0x4c: {  	s24 =	sshll.u32 s24, $0x4;
	s25 =	sand.u32 $0x7000, s25;
	[sflag:s11] =	ssyncset.done $0x0  }
0x4d: {  	s24 =	sadd.s32 s30, s24;
	s25 =	sor.u32 s25, s29;
	[sflag:s11] =	ssyncadd.s32 $0xFFFF8000  }
0x4e: {  	[hbm4b:s24+s3] =	stream.linear.scatter [tilespmem:s9], [sflag:$0x3], $0x8000, $0x38;
	[tilespmem:$0x10200] =	vst v63  }
0x4f: {  	s25 =	sor.u32 s31, s25;
	_ =	swait.ge [sflag:s14], $0x8000  }
0x50: {  	s25 =	sshrl.u32 s25, $0x3;
	[sflag:s14] =	ssyncset.done $0x0  }
0x51: {  	s25 =	sadd.s32 s28, s25;
	[sflag:s14] =	ssyncadd.s32 $0xFFFF8000  }
0x52: {  	[tilespmem:s3], [sflag:$0x5] =	stream.strided.gather [hbm4b:s25+s5], $0x100, s6, s5, $0x38;
	[tilespmem:$0x10200] =	vst v63  }
0x53: {  	_ =	swait.ge [sflag:s7], $0x100  }
0x54: {  	[sflag:s7] =	ssyncset.done $0x0  }
0x55: {  	s1 =	sor.u32 $0x700, s26;
	[sflag:s7] =	ssyncadd.s32 $0xFFFFFF00  }
0x56: {  	[tilespmem:s9], [sflag:$0x1] =	stream.indirect.gather [hbm4b:s2+s8], $0x80, s3, s8, $0xb8;
	[tilespmem:$0x10200] =	vst v63  }
0x57: {  	s26 =	sshll.u32 s1, $0x3;
	_ =	swait.ge [sflag:s16], $0x8000  }
0x58: {  	s26 =	sand.u32 $0x7800, s26;
	s0 =	sshll.u32 s0, $0x4;
	[sflag:s16] =	ssyncset.done $0x0  }
0x59: {  	s29 =	sor.u32 s26, s29;
	s26 =	sadd.s32 s30, s0;
	[sflag:s16] =	ssyncadd.s32 $0xFFFF8000  }
0x5a: {  	[hbm4b:s26+s3] =	stream.linear.scatter [tilespmem:s12], [sflag:$0x4], $0x8000, $0x38;
	[tilespmem:$0x10200] =	vst v63  }
0x5b: {  	s0 =	sor.u32 s31, s29;
	_ =	swait.ge [sflag:s18], $0x8000  }
0x5c: {  	s0 =	sshrl.u32 s0, $0x3;
	[sflag:s18] =	ssyncset.done $0x0  }
0x5d: {  	s28 =	sadd.s32 s28, s0;
	[sflag:s18] =	ssyncadd.s32 $0xFFFF8000  }
0x5e: {  	[tilespmem:s8], [sflag:$0x5] =	stream.strided.gather [hbm4b:s28+s5], $0x100, s6, s5, $0x38;
	[tilespmem:$0x10200] =	vst v63  }
0x5f: {  	_ =	swait.ge [sflag:s7], $0x100  }
0x60: {  	[sflag:s7] =	ssyncset.done $0x0  }
0x61: {  	[sflag:s7] =	ssyncadd.s32 $0xFFFFFF00  }
0x62: {  	[tilespmem:s12], [sflag:$0x2] =	stream.indirect.gather [hbm4b:s2+s8], $0x80, s8, s8, $0xb8;
	[tilespmem:$0x10200] =	vst v63  }
0x63: {  	_ =	swait.ge [sflag:s11], $0x8000  }
0x64: {  	s0 =	rddreg [dreg:$0x4]  }
0x65: {  	[sflag:s11] =	ssyncset.done $0x0;
	s0 =	sshll.u32 s0, $0x4  }
0x66: {  	[sflag:s11] =	ssyncadd.s32 $0xFFFF8000;
	s29 =	sadd.s32 s30, s0  }
0x67: {  	[hbm4b:s29+s3] =	stream.linear.scatter [tilespmem:s9], [sflag:$0x3], $0x8000, $0x38;
	[tilespmem:$0x10200] =	vst v63  }
0x68: {  	s1 =	sshll.u32 s1, $0x4;
	_ =	swait.ge [sflag:s16], $0x8000  }
0x69: {  	s30 =	sadd.s32 s30, s1;
	[sflag:s16] =	ssyncset.done $0x0;
	s1 =	rddreg [dreg:$0x3]  }
0x6a: {  	s0 =	ssub.s32 $0x2, s1;
	[sflag:s16] =	ssyncadd.s32 $0xFFFF8000  }
0x6b: {  	[hbm4b:s30+s3] =	stream.linear.scatter [tilespmem:s12], [sflag:$0x4], $0x8000, $0x38;
	[tilespmem:$0x10200] =	vst v63  }
0x6c: {  	s1 =	sshrl.u32 s0, $0x1  }
0x6d: {  	s0 =	ssub.s32 s0, s1  }
0x6e: {  	s0 =	smax.u32 s0, $0x1  }
0x6f: {  	p0 =	sne.s32 s0, $0x1  }
.Ltmp0:
0x70: {  	_ =	swait.ge [sflag:s14], $0x8000;
	(pc) =	sbr.rel @!p0 .LBB2_2-.Ltmp0, $4  }
0x71: {  	[sflag:s14] =	ssyncset.done $0x0  }
0x72: {  	[sflag:s14] =	ssyncadd.s32 $0xFFFF8000  }
0x73: {  	_ =	swait.ge [sflag:s18], $0x8000  }
0x74: {  	s31 =	sadd.s32 $0xFFFFFFFF, s0;
	[sflag:s18] =	ssyncset.done $0x0  }
.LBB2_1:
0x75: {  	p0 =	sne.s32 s31, $0x1;
	s31 =	sadd.s32 $0xFFFFFFFF, s31;
	[sflag:s18] =	ssyncadd.s32 $0xFFFF8000  }
0x76: {  	[tilespmem:s3], [sflag:$0x5] =	stream.strided.gather [hbm4b:s4+s5], $0x100, s6, s5, $0x38;
	[tilespmem:$0x10200] =	vst v63  }
0x77: {  	_ =	swait.ge [sflag:s7], $0x100  }
0x78: {  	[sflag:s7] =	ssyncset.done $0x0  }
0x79: {  	[sflag:s7] =	ssyncadd.s32 $0xFFFFFF00  }
0x7a: {  	[tilespmem:s9], [sflag:$0x1] =	stream.indirect.gather [hbm4b:s2+s8], $0x80, s3, s8, $0xb8;
	[tilespmem:$0x10200] =	vst v63  }
0x7b: {  	_ = 	snop  }
0x7c: {  	[tilespmem:s8], [sflag:$0x5] =	stream.strided.gather [hbm4b:s10+s5], $0x100, s6, s5, $0x38;
	[tilespmem:$0x10200] =	vst v63  }
0x7d: {  	_ =	swait.ge [sflag:s7], $0x100  }
0x7e: {  	[sflag:s7] =	ssyncset.done $0x0  }
0x7f: {  	[sflag:s7] =	ssyncadd.s32 $0xFFFFFF00  }
0x80: {  	[tilespmem:s12], [sflag:$0x2] =	stream.indirect.gather [hbm4b:s2+s8], $0x80, s8, s8, $0xb8;
	[tilespmem:$0x10200] =	vst v63  }
0x81: {  	_ =	swait.ge [sflag:s11], $0x8000  }
0x82: {  	[sflag:s11] =	ssyncset.done $0x0  }
0x83: {  	[sflag:s11] =	ssyncadd.s32 $0xFFFF8000  }
0x84: {  	[hbm4b:s13+s3] =	stream.linear.scatter [tilespmem:s9], [sflag:$0x3], $0x8000, $0x38;
	[tilespmem:$0x10200] =	vst v63  }
0x85: {  	_ =	swait.ge [sflag:s14], $0x8000  }
0x86: {  	[sflag:s14] =	ssyncset.done $0x0  }
0x87: {  	[sflag:s14] =	ssyncadd.s32 $0xFFFF8000  }
0x88: {  	[tilespmem:s3], [sflag:$0x5] =	stream.strided.gather [hbm4b:s15+s5], $0x100, s6, s5, $0x38;
	[tilespmem:$0x10200] =	vst v63  }
0x89: {  	_ =	swait.ge [sflag:s7], $0x100  }
0x8a: {  	[sflag:s7] =	ssyncset.done $0x0  }
0x8b: {  	[sflag:s7] =	ssyncadd.s32 $0xFFFFFF00  }
0x8c: {  	[tilespmem:s9], [sflag:$0x1] =	stream.indirect.gather [hbm4b:s2+s8], $0x80, s3, s8, $0xb8;
	[tilespmem:$0x10200] =	vst v63  }
0x8d: {  	_ =	swait.ge [sflag:s16], $0x8000  }
0x8e: {  	[sflag:s16] =	ssyncset.done $0x0  }
0x8f: {  	[sflag:s16] =	ssyncadd.s32 $0xFFFF8000  }
0x90: {  	[hbm4b:s17+s3] =	stream.linear.scatter [tilespmem:s12], [sflag:$0x4], $0x8000, $0x38;
	[tilespmem:$0x10200] =	vst v63  }
0x91: {  	_ =	swait.ge [sflag:s18], $0x8000  }
0x92: {  	[sflag:s18] =	ssyncset.done $0x0  }
0x93: {  	[sflag:s18] =	ssyncadd.s32 $0xFFFF8000  }
0x94: {  	[tilespmem:s8], [sflag:$0x5] =	stream.strided.gather [hbm4b:s19+s5], $0x100, s6, s5, $0x38;
	[tilespmem:$0x10200] =	vst v63  }
0x95: {  	_ =	swait.ge [sflag:s7], $0x100  }
0x96: {  	[sflag:s7] =	ssyncset.done $0x0  }
0x97: {  	[sflag:s7] =	ssyncadd.s32 $0xFFFFFF00  }
0x98: {  	[tilespmem:s12], [sflag:$0x2] =	stream.indirect.gather [hbm4b:s2+s8], $0x80, s8, s8, $0xb8;
	[tilespmem:$0x10200] =	vst v63  }
0x99: {  	_ =	swait.ge [sflag:s11], $0x8000  }
0x9a: {  	[sflag:s11] =	ssyncset.done $0x0  }
0x9b: {  	[sflag:s11] =	ssyncadd.s32 $0xFFFF8000  }
0x9c: {  	[hbm4b:s20+s3] =	stream.linear.scatter [tilespmem:s9], [sflag:$0x3], $0x8000, $0x38;
	[tilespmem:$0x10200] =	vst v63  }
0x9d: {  	_ =	swait.ge [sflag:s14], $0x8000  }
0x9e: {  	[sflag:s14] =	ssyncset.done $0x0  }
0x9f: {  	[sflag:s14] =	ssyncadd.s32 $0xFFFF8000  }
0xa0: {  	[tilespmem:s3], [sflag:$0x5] =	stream.strided.gather [hbm4b:s21+s5], $0x100, s6, s5, $0x38;
	[tilespmem:$0x10200] =	vst v63  }
0xa1: {  	_ =	swait.ge [sflag:s7], $0x100  }
0xa2: {  	[sflag:s7] =	ssyncset.done $0x0  }
0xa3: {  	[sflag:s7] =	ssyncadd.s32 $0xFFFFFF00  }
0xa4: {  	[tilespmem:s9], [sflag:$0x1] =	stream.indirect.gather [hbm4b:s2+s8], $0x80, s3, s8, $0xb8;
	[tilespmem:$0x10200] =	vst v63  }
0xa5: {  	_ =	swait.ge [sflag:s16], $0x8000  }
0xa6: {  	[sflag:s16] =	ssyncset.done $0x0  }
0xa7: {  	[sflag:s16] =	ssyncadd.s32 $0xFFFF8000  }
0xa8: {  	[hbm4b:s22+s3] =	stream.linear.scatter [tilespmem:s12], [sflag:$0x4], $0x8000, $0x38;
	[tilespmem:$0x10200] =	vst v63  }
0xa9: {  	_ =	swait.ge [sflag:s18], $0x8000  }
0xaa: {  	[sflag:s18] =	ssyncset.done $0x0  }
0xab: {  	[sflag:s18] =	ssyncadd.s32 $0xFFFF8000  }
0xac: {  	[tilespmem:s8], [sflag:$0x5] =	stream.strided.gather [hbm4b:s23+s5], $0x100, s6, s5, $0x38;
	[tilespmem:$0x10200] =	vst v63  }
0xad: {  	_ =	swait.ge [sflag:s7], $0x100  }
0xae: {  	[sflag:s7] =	ssyncset.done $0x0  }
0xaf: {  	[sflag:s7] =	ssyncadd.s32 $0xFFFFFF00  }
0xb0: {  	[tilespmem:s12], [sflag:$0x2] =	stream.indirect.gather [hbm4b:s2+s8], $0x80, s8, s8, $0xb8;
	[tilespmem:$0x10200] =	vst v63  }
0xb1: {  	_ =	swait.ge [sflag:s11], $0x8000  }
0xb2: {  	[sflag:s11] =	ssyncset.done $0x0  }
0xb3: {  	[sflag:s11] =	ssyncadd.s32 $0xFFFF8000  }
0xb4: {  	[hbm4b:s24+s3] =	stream.linear.scatter [tilespmem:s9], [sflag:$0x3], $0x8000, $0x38;
	[tilespmem:$0x10200] =	vst v63  }
0xb5: {  	_ =	swait.ge [sflag:s14], $0x8000  }
0xb6: {  	[sflag:s14] =	ssyncset.done $0x0  }
0xb7: {  	[sflag:s14] =	ssyncadd.s32 $0xFFFF8000  }
0xb8: {  	[tilespmem:s3], [sflag:$0x5] =	stream.strided.gather [hbm4b:s25+s5], $0x100, s6, s5, $0x38;
	[tilespmem:$0x10200] =	vst v63  }
0xb9: {  	_ =	swait.ge [sflag:s7], $0x100  }
0xba: {  	[sflag:s7] =	ssyncset.done $0x0  }
0xbb: {  	[sflag:s7] =	ssyncadd.s32 $0xFFFFFF00  }
0xbc: {  	[tilespmem:s9], [sflag:$0x1] =	stream.indirect.gather [hbm4b:s2+s8], $0x80, s3, s8, $0xb8;
	[tilespmem:$0x10200] =	vst v63  }
0xbd: {  	_ =	swait.ge [sflag:s16], $0x8000  }
0xbe: {  	[sflag:s16] =	ssyncset.done $0x0  }
0xbf: {  	[sflag:s16] =	ssyncadd.s32 $0xFFFF8000  }
0xc0: {  	[hbm4b:s26+s3] =	stream.linear.scatter [tilespmem:s12], [sflag:$0x4], $0x8000, $0x38;
	[tilespmem:$0x10200] =	vst v63  }
0xc1: {  	_ =	swait.ge [sflag:s18], $0x8000  }
0xc2: {  	[sflag:s18] =	ssyncset.done $0x0  }
0xc3: {  	[sflag:s18] =	ssyncadd.s32 $0xFFFF8000  }
0xc4: {  	[tilespmem:s8], [sflag:$0x5] =	stream.strided.gather [hbm4b:s28+s5], $0x100, s6, s5, $0x38;
	[tilespmem:$0x10200] =	vst v63  }
0xc5: {  	_ =	swait.ge [sflag:s7], $0x100  }
0xc6: {  	[sflag:s7] =	ssyncset.done $0x0  }
0xc7: {  	[sflag:s7] =	ssyncadd.s32 $0xFFFFFF00  }
0xc8: {  	[tilespmem:s12], [sflag:$0x2] =	stream.indirect.gather [hbm4b:s2+s8], $0x80, s8, s8, $0xb8;
	[tilespmem:$0x10200] =	vst v63  }
0xc9: {  	_ =	swait.ge [sflag:s11], $0x8000  }
0xca: {  	[sflag:s11] =	ssyncset.done $0x0  }
0xcb: {  	[sflag:s11] =	ssyncadd.s32 $0xFFFF8000  }
0xcc: {  	[hbm4b:s29+s3] =	stream.linear.scatter [tilespmem:s9], [sflag:$0x3], $0x8000, $0x38;
	[tilespmem:$0x10200] =	vst v63  }
0xcd: {  	_ =	swait.ge [sflag:s16], $0x8000  }
0xce: {  	[sflag:s16] =	ssyncset.done $0x0  }
0xcf: {  	[sflag:s16] =	ssyncadd.s32 $0xFFFF8000  }
0xd0: {  	[hbm4b:s30+s3] =	stream.linear.scatter [tilespmem:s12], [sflag:$0x4], $0x8000, $0x38;
	[tilespmem:$0x10200] =	vst v63  }
.Ltmp1:
0xd1: {  	_ =	swait.ge [sflag:s14], $0x8000;
	(pc) =	sbr.rel @p0 .LBB2_1-.Ltmp1, $4  }
0xd2: {  	[sflag:s14] =	ssyncset.done $0x0  }
0xd3: {  	[sflag:s14] =	ssyncadd.s32 $0xFFFF8000  }
0xd4: {  	_ =	swait.ge [sflag:s18], $0x8000  }
0xd5: {  	[sflag:s18] =	ssyncset.done $0x0  }
.LBB2_2:
0xd6: {  	[sflag:s18] =	ssyncadd.s32 $0xFFFF8000  }
0xd7: {  	_ =	sfence.sel $0x180000  }
0xd8: {  	[bflag:$0x0] =	sbarrier.arrive $0xFFFF  }
0xd9: {  	_ =	strace $0x9000004D  }
0xda: {  	s0 =	stileid.u32;
	[bflag:$0x2] =	sbarrier.arrive $0xFFFF  }
0xdb: {  	p0 =	sne.s32 s0, $0x0;
	s0 =	rddreg [dreg:$0x2]  }
0xdc: {  	s0 =	sadd.s32 @!p0 $0x100000, s0  }
0xdd: {  	[sflag:s0] =	ssyncadd.tile.s32 @!p0 $0x1;
	_ =	shalt  }
.Lfunc_end2:
_tile_overlayer_lowered:
.L_overlay_start_2:
0xde: {  	(tag) =	ssettag $0x2  }
0xdf: {  	s0 =	rddreg [dreg:$0x0];
	s2 =	stileid.u32  }
0xe0: {  	s1 =	rddreg [dreg:$0x1];
	p0 =	sne.s32 s2, $0x0  }
0xe1: {  	s3 =	rddreg [dreg:$0x2];
	[bflag:$0x3] =	sbarrier.arrive $0xFFFF;
	s2 =	simm.s32 @!p0 $0x1C05  }
0xe2: {  	[timem:s3], [sflag:s2] =	dma.local @!p0 [hbm:s0], s1  }
0xe3: {  	s0 =	simm.s32 @!p0 $0x5  }
0xe4: {  	_ =	swait.ge @!p0 [sflag:s0], s1  }
0xe5: {  	s1 =	ssub.s32 @!p0 $0x0, s1;
	[sflag:s0] =	ssyncset.done @!p0 $0x0  }
0xe6: {  	[sflag:s0] =	ssyncadd.s32 @!p0 s1  }
0xe7: {  	[bflag:$0x3] =	sbarrier.arrive $0xFFFF  }
0xe8: {  	_ =	shalt  }

// kernel: kernel.24.cloned.1.call-start
scs
__scs_entry_jumppad:
0x0: {  	(pc) =	sbr.rel $0x88, $3  }
0x1: {  	(tag) =	ssettag $0x0;
	lr =	simm.s32 $0x1  }
0x2: {  	[smem:$0x3F9D] =	sst lr;
	_ =	strace $0xD0000000  }
0x3: {  	_ = 	snop  }
0x4: {  	_ = 	snop  }
0x5: {  	_ = 	snop  }
0x6: {  	_ = 	snop  }
0x7: {  	_ = 	snop  }
__scs_overlays_trampoline_lowered:
0x8: {  	[smem:$0x3FAC] =	sst s0  }
0x9: {  	[smem:$0x3FAD] =	sst s1  }
0xa: {  	[smem:$0x3FAE] =	sst s2  }
0xb: {  	[smem:$0x3FAF] =	sst s3  }
0xc: {  	[smem:$0x3FB0] =	sst s4  }
0xd: {  	[smem:$0x3FB1] =	sst s5  }
0xe: {  	[smem:$0x3FB2] =	sst s6  }
0xf: {  	[smem:$0x3FB3] =	sst s7  }
0x10: {  	[smem:$0x3FB4] =	sst s8  }
0x11: {  	[smem:$0x3FB5] =	sst s9;
	s0 =	simm.s32 @!p0 $0x0  }
0x12: {  	s1 =	sld [smem:$0x3F9B];
	s0 =	simm.s32 @p0 $0x1  }
0x13: {  	[smem:$0x3FB6] =	sst s0;
	s0 =	simm.s32 @!p1 $0x0  }
0x14: {  	s2 =	sld [smem:$0x3F9A];
	s0 =	simm.s32 @p1 $0x1  }
0x15: {  	[smem:$0x3FB7] =	sst s0;
	s0 =	simm.s32 @!p2 $0x0  }
0x16: {  	s3 =	sld [smem:$0x3FDB];
	s0 =	simm.s32 @p2 $0x1  }
0x17: {  	s4 =	simm.s32 $0x1BF5;
	[smem:$0x3FB9] =	sst s0  }
0x18: {  	s0 =	sld [smem:$0x3F9C];
	_ =	swait.ge [sflag:s4], $0x0  }
0x19: {  	s7 =	sld [smem:$0x3F9D]  }
0x1a: {  	s8 =	sadd.s32 $0xFFFFE003, lr  }
0x1b: {  	s9 =	sadd.s32 $0xFFFFFEF7, lr;
	s5 =	simm.s32 $0xFFFFFFFF;
	p2 =	slt.u32 s8, $0xFFFFF086  }
0x1c: {  	p1 =	slt.u32 s9, $0xF7A;
	s5 =	simm.s32 @!p2 $0x0  }
0x1d: {  	s5 =	simm.s32 @p1 $0x1;
	p0 =	seq.s32 s7, s2  }
0x1e: {  	s7 =	smul.u32 @!p0 $0xF7A, s2;
	p2 =	seq.s32 @!p0 s5, $0x0  }
0x1f: {  	s9 =	smul.u32 $0xF7A, s1;
	s8 =	simm.s32 @!p0 $0x1BF5;
	p2 =	por !p2, p0  }
0x20: {  	[sflag:s8] =	ssyncset.s32 @!p0 $0xFFFFF086;
	s6 =	sadd.s32 @!p0 s3, s7;
	s7 =	simm.s32 @!p0 $0x108  }
0x21: {  	s3 =	sadd.s32 s3, s9;
	s6 =	sadd.s32 @!p0 $0x88, s6;
	s7 =	simm.s32 @p2 $0x1082  }
0x22: {  	[simem:s7], [sflag:s8] =	dma.local @!p0 [hbm:s6], $0xF7A  }
0x23: {  	s9 =	sor.u32 $0xD0000000, s2;
	s6 =	simm.s32 $0x108;
	_ =	swait.ge @!p0 [sflag:s8], $0x0  }
0x24: {  	s3 =	sadd.s32 $0x88, s3;
	s6 =	simm.s32 @!p1 $0x1082;
	[sflag:s4] =	ssyncset.s32 $0xFFFFF086  }
0x25: {  	[simem:s6], [sflag:s4] =	dma.local [hbm:s3], $0xF7A  }
0x26: {  	[smem:$0x3F9D] =	sst s1;
	(tag) =	ssettag s2;
	_ =	strace s9  }
0x27: {  	s1 =	sld [smem:$0x3FAD]  }
0x28: {  	s2 =	sld [smem:$0x3FAE]  }
0x29: {  	s4 =	sld [smem:$0x3FB0]  }
0x2a: {  	p0 =	seq.s32 s5, $0x0;
	s5 =	sld [smem:$0x3FB1]  }
0x2b: {  	s6 =	sld [smem:$0x3FB2]  }
0x2c: {  	s7 =	sld [smem:$0x3FB3]  }
0x2d: {  	s3 =	simm.s32 $0x108;
	s8 =	sld [smem:$0x3FB4]  }
0x2e: {  	s3 =	simm.s32 @!p0 $0x1082;
	s9 =	sld [smem:$0x3FB5]  }
0x2f: {  	lr =	sadd.s32 s0, s3;
	s0 =	sld [smem:$0x3FAC]  }
0x30: {  	s3 =	sld [smem:$0x3FAF]  }
0x31: {  	[smem:$0x3FB8] =	sst s10  }
0x32: {  	s10 =	sld [smem:$0x3FB6];
	_ =	sdelay $0x3  }
0x33: {  	p0 =	seq.s32 s10, $0x1;
	s10 =	sld [smem:$0x3FB8];
	_ =	sdelay $0x3  }
0x34: {  	[smem:$0x3FB8] =	sst s10  }
0x35: {  	s10 =	sld [smem:$0x3FB7];
	_ =	sdelay $0x3  }
0x36: {  	p1 =	seq.s32 s10, $0x1;
	s10 =	sld [smem:$0x3FB8];
	_ =	sdelay $0x3  }
0x37: {  	[smem:$0x3FB8] =	sst s10  }
0x38: {  	s10 =	sld [smem:$0x3FB9]  }
0x39: {  	_ = 	snop;
	(pc) =	sbr.ind lr, $3  }
0x3a: {  	_ = 	snop  }
0x3b: {  	_ = 	snop  }
0x3c: {  	p2 =	seq.s32 s10, $0x1;
	s10 =	sld [smem:$0x3FB8]  }
0x3d: {  	_ =	shalt  }
0x3e: {  	_ =	shalt  }
0x3f: {  	_ =	shalt  }
0x40: {  	_ =	shalt  }
0x41: {  	_ =	shalt  }
0x42: {  	_ =	shalt  }
0x43: {  	_ =	shalt  }
0x44: {  	_ =	shalt  }
0x45: {  	_ =	shalt  }
0x46: {  	_ =	shalt  }
0x47: {  	_ =	shalt  }
0x48: {  	_ =	shalt  }
0x49: {  	_ =	shalt  }
0x4a: {  	_ =	shalt  }
0x4b: {  	_ =	shalt  }
0x4c: {  	_ =	shalt  }
0x4d: {  	_ =	shalt  }
0x4e: {  	_ =	shalt  }
0x4f: {  	_ =	shalt  }
0x50: {  	_ =	shalt  }
0x51: {  	_ =	shalt  }
0x52: {  	_ =	shalt  }
0x53: {  	_ =	shalt  }
0x54: {  	_ =	shalt  }
0x55: {  	_ =	shalt  }
0x56: {  	_ =	shalt  }
0x57: {  	_ =	shalt  }
0x58: {  	_ =	shalt  }
0x59: {  	_ =	shalt  }
0x5a: {  	_ =	shalt  }
0x5b: {  	_ =	shalt  }
0x5c: {  	_ =	shalt  }
0x5d: {  	_ =	shalt  }
0x5e: {  	_ =	shalt  }
0x5f: {  	_ =	shalt  }
0x60: {  	_ =	shalt  }
0x61: {  	_ =	shalt  }
0x62: {  	_ =	shalt  }
0x63: {  	_ =	shalt  }
0x64: {  	_ =	shalt  }
0x65: {  	_ =	shalt  }
0x66: {  	_ =	shalt  }
0x67: {  	_ =	shalt  }
0x68: {  	_ =	shalt  }
0x69: {  	_ =	shalt  }
0x6a: {  	_ =	shalt  }
0x6b: {  	_ =	shalt  }
0x6c: {  	_ =	shalt  }
0x6d: {  	_ =	shalt  }
0x6e: {  	_ =	shalt  }
0x6f: {  	_ =	shalt  }
0x70: {  	_ =	shalt  }
0x71: {  	_ =	shalt  }
0x72: {  	_ =	shalt  }
0x73: {  	_ =	shalt  }
0x74: {  	_ =	shalt  }
0x75: {  	_ =	shalt  }
0x76: {  	_ =	shalt  }
0x77: {  	_ =	shalt  }
0x78: {  	_ =	shalt  }
0x79: {  	_ =	shalt  }
0x7a: {  	_ =	shalt  }
0x7b: {  	_ =	shalt  }
0x7c: {  	_ =	shalt  }
0x7d: {  	_ =	shalt  }
0x7e: {  	_ =	shalt  }
0x7f: {  	_ =	shalt  }
0x80: {  	_ =	shalt  }
0x81: {  	_ =	shalt  }
0x82: {  	_ =	shalt  }
0x83: {  	_ =	shalt  }
0x84: {  	_ =	shalt  }
0x85: {  	_ =	shalt  }
0x86: {  	_ =	shalt  }
0x87: {  	_ =	shalt  }
.Lfunc_end0:
.L_simem_size_0:
called_computation.3_lowered:
.L_overlay_start_0:
0x88: {  	s2 =	sld [smem:$0x3FD9]  }
0x89: {  	s3 =	sld [smem:$0x3FFE];
	_ =	sdelay $0x1  }
0x8a: {  	s1 =	srdreg.scid  }
0x8b: {  	s0 =	sand.u32 $0x1, s1  }
0x8c: {  	s17 =	sshll.u32 s0, $0xA;
	s2 =	sadd.s32 s3, s2  }
0x8d: {  	s2 =	sadd.s32 s2, s17  }
0x8e: {  	[smem:$0x3FC4] =	sst s2  }
0x8f: {  	_ = 	snop  }
0x90: {  	s18 =	sld [smem:$0x3FD0];
	(tm) =	ssettm $0x1  }
0x91: {  	s19 =	sld [smem:$0x3FFB];
	_ =	sdelay $0x3  }
0x92: {  	_ =	strace s19  }
0x93: {  	s2 =	sld [smem:$0x3FFC];
	_ =	sdelay $0x3  }
0x94: {  	_ =	strace s2  }
0x95: {  	s2 =	sld [smem:$0x3FFD];
	_ =	sdelay $0x3  }
0x96: {  	_ =	strace s2  }
0x97: {  	_ =	strace $0x8FFFFFFF  }
0x98: {  	s20 =	sld [smem:$0x3FDB];
	_ =	sdelay $0x1  }
0x99: {  	s4 =	simm.s32 $_scs_section_size  }
0x9a: {  	s5 =	simm.s32 $_size__tile_overlayer_lowered;
	s6 =	simm.s32 $_tile_overlayer_lowered  }
0x9b: {  	s7 =	simm.s32 $0x1BFF;
	s21 =	sshll.u32 s6, $0x1;
	s4 =	sadd.s32 s4, s20  }
0x9c: {  	s22 =	simm.s32 $0x0;
	s5 =	sshll.u32 s5, $0x1;
	s6 =	sadd.s32 s21, s4  }
0x9d: {  	[timem:s22], [sflag:s7] =	dma.local [hbm:s6], s5  }
0x9e: {  	_ =	swait.ge [sflag:s7], s5  }
0x9f: {  	s5 =	ssub.s32 $0x0, s5;
	[sflag:s7] =	ssyncset.done $0x0  }
0xa0: {  	[sflag:s7] =	ssyncadd.s32 s5;
	_ =	sdelay $0x1  }
0xa1: {  	s23 =	simm.s32 $0x1B8B  }
0xa2: {  	_ =	swait.ge [sflag:s23], $0x1  }
0xa3: {  	[sflag:s23] =	ssyncset.done $0x0  }
0xa4: {  	[sflag:s23] =	ssyncadd.s32 $0xFFFFFFFF  }
0xa5: {  	s5 =	sld [smem:$0x0]  }
0xa6: {  	s6 =	sand.u32 $0xFFFFFFFE, s1  }
0xa7: {  	p0 =	sne.s32 s1, s6  }
0xa8: {  	s6 =	sshll.u32 @p0 s6, $0xE  }
0xa9: {  	s6 =	sadd.s32 @p0 $0x11B8D, s6;
	s7 =	sshll.u32 @p0 s5, $0x11  }
0xaa: {  	s6 =	sor.u32 @p0 s7, s6  }
0xab: {  	[sflag:s6] =	ssyncadd.remote.s32 @p0 $0x1;
	_ =	sdelay $0x1  }
0xac: {  	s6 =	simm.s32 @p0 $0x1B8D  }
0xad: {  	_ =	swait.eq @p0 [sflag:s6], $0x1  }
0xae: {  	[sflag:s6] =	ssyncadd.s32 @p0 $0xFFFFFFFF  }
0xaf: {  	s7 =	sshll.u32 @!p0 s1, $0xE  }
0xb0: {  	s7 =	sor.u32 @!p0 $0x4000, s7;
	s6 =	simm.s32 @!p0 $0x1B8D  }
0xb1: {  	s5 =	sshll.u32 @!p0 s5, $0x11;
	s7 =	sadd.s32 @!p0 $0x11B8D, s7;
	_ =	swait.eq @!p0 [sflag:s6], $0x1  }
0xb2: {  	s5 =	sor.u32 @!p0 s5, s7;
	[sflag:s6] =	ssyncadd.s32 @!p0 $0xFFFFFFFF  }
0xb3: {  	s25 =	simm.s32 $0x1B8E;
	s24 =	sld [smem:$0x3FFE];
	[sflag:s5] =	ssyncadd.remote.s32 @!p0 $0x1  }
0xb4: {  	s26 =	simm.s32 $execute0_lowered;
	[smem:$0x3FD2] =	sst s25  }
0xb5: {  	s6 =	sshll.u32 s26, $0x1;
	_ =	strace $0x8000004F;
	[dreg:$0x1] =	wrdreg $0xFFFFFFFF  }
0xb6: {  	s28 =	simm.s32 $_size_execute0_lowered;
	s4 =	sadd.s32 s4, s6;
	[dreg:$0x0] =	wrdreg $0x0  }
0xb7: {  	s6 =	sshll.u32 s28, $0x1;
	[dreg:$0x2] =	wrdreg s4  }
0xb8: {  	[dreg:$0x3] =	wrdreg s6  }
0xb9: {  	[dreg:$0x4] =	wrdreg $0xC0  }
0xba: {  	_ =	task [dreg:s22], $0x5FFFF  }
0xbb: {  	[dreg:$0x1] =	wrdreg $0xFFFFFFFF  }
0xbc: {  	[dreg:$0x0] =	wrdreg $0x60  }
0xbd: {  	[dreg:$0x2] =	wrdreg s18  }
0xbe: {  	[dreg:$0x3] =	wrdreg s24  }
0xbf: {  	[dreg:$0x4] =	wrdreg $0xC  }
0xc0: {  	_ =	task.clear_ibuf [dreg:s22], $0x5FFFF;
	_ =	strace $0x9000004F  }
0xc1: {  	s29 =	simm.s32 $0xC;
	_ =	strace $0x80000051  }
0xc2: {  	_ =	swait.ge [sflag:s29], $0x1  }
0xc3: {  	[sflag:s29] =	ssyncadd.s32 $0xFFFFFFFF  }
0xc4: {  	_ =	strace $0x90000051  }
0xc5: {  	_ =	sfence  }
0xc6: {  	s30 =	sld [smem:$0x0];
	_ =	sdelay $0x2  }
0xc7: {  	s31 =	sshll.u32 s1, $0xD;
	s1 =	sshrl.u32 s1, $0x2  }
0xc8: {  	s4 =	sand.u32 $0x4000, s31;
	s1 =	sadd.s32 s1, s30  }
0xc9: {  	s0 =	sor.u32 s4, s0;
	s1 =	sshll.u32 s1, $0x11  }
0xca: {  	s0 =	sor.u32 s1, s0  }
0xcb: {  	s0 =	sadd.s32 $0x8F2B, s0  }
0xcc: {  	[sflag:s0] =	ssyncadd.remote.s32 $0x1  }
0xcd: {  	_ =	sfence.sel $0xFFFF  }
0xce: {  	[dreg:$0x0] =	wrdreg $0xFFFFFFFF;
	(pc) =	sbr.abs _section_cstart, $3  }
0xcf: {  	[dreg:$0x1] =	wrdreg $0xFFFFFFFF  }
0xd0: {  	_ =	task.clear_ibuf [dreg:s22], $0x2FFFF;
	_ =	strace $0x9FFFFFFF  }
0xd1: {  	(tm) =	ssettm $0x7FFFFFFF  }
tec
execute0_lowered:
.L_overlay_start_1:
0x0: {  	(tag) =	ssettag $0x1  }
0x1: {  	s1 =	srdreg.scid  }
0x2: {  	s0 =	stileid.u32;
	s6 =	sand.u32 $0x1, s1  }
0x3: {  	s22 =	sshll.u32 s0, $0xC;
	s2 =	sshll.u32 s6, $0xB  }
0x4: {  	s26 =	sor.u32 s2, s22  }
0x5: {  	p1 =	seq.s32 s6, $0x1;
	p0 =	seq.s32 s26, $0x0  }
0x6: {  	s3 =	simm.s32 $0x1;
	s11 =	rddreg [dreg:$0x1];
	p0 =	por !p0, !p1  }
0x7: {  	s7 =	simm.s32 $0x5;
	s28 =	sadd.s32 $0x318400, s11;
	p0 =	por !p0, !p0  }
0x8: {  	s24 =	sshll.u32 s0, $0x7;
	[dreg:$0x3] =	wrdreg s6;
	s3 =	simm.s32 @!p0 $0x0  }
0x9: {  	s6 =	sshll.u32 s6, $0xE;
	s29 =	sand.u32 $0x8000, s22;
	s4 =	ssub.s32 s0, s3  }
0xa: {  	s2 =	rddreg [dreg:$0x0];
	s17 =	sor.u32 $0x100, s26;
	s5 =	sshll.u32 s4, $0xC  }
0xb: {  	s3 =	simm.s32 $0x0;
	s4 =	sshll.u32 s4, $0x7;
	s5 =	sand.u32 $0xFFFF8000, s5  }
0xc: {  	[smem:$0x7FF] =	sst s3;
	s4 =	sand.u32 $0x380, s4;
	s5 =	sor.u32 s6, s5  }
0xd: {  	s23 =	sshll.u32 s17, $0x3;
	_ =	strace $0x80000050;
	s4 =	sor.u32 s4, s5  }
0xe: {  	s6 =	simm.s32 $0x400;
	s5 =	sand.u32 $0x4800, s23;
	s4 =	sshrl.u32 s4, $0x3  }
0xf: {  	s8 =	sor.u32 s5, s29;
	s5 =	simm.s32 $0x80;
	s4 =	sadd.s32 s28, s4  }
0x10: {  	[tilespmem:s3], [sflag:$0x5] =	stream.strided.gather [hbm4b:s4+s5], $0x100, s6, s5, $0x38;
	[tilespmem:$0x10200] =	vst v63  }
0x11: {  	s31 =	sand.u32 $0x380, s24;
	_ =	swait.ge [sflag:s7], $0x100  }
0x12: {  	s9 =	simm.s32 $0x200;
	s8 =	sor.u32 s31, s8;
	[sflag:s7] =	ssyncset.done $0x0  }
0x13: {  	s10 =	sshrl.u32 s8, $0x3;
	s8 =	simm.s32 $0x100;
	[sflag:s7] =	ssyncadd.s32 $0xFFFFFF00  }
0x14: {  	[tilespmem:s9], [sflag:$0x1] =	stream.indirect.gather [hbm4b:s2+s8], $0x80, s3, s8, $0xb8;
	[tilespmem:$0x10200] =	vst v63  }
0x15: {  	s10 =	sadd.s32 s28, s10  }
0x16: {  	[tilespmem:s8], [sflag:$0x5] =	stream.strided.gather [hbm4b:s10+s5], $0x100, s6, s5, $0x38;
	[tilespmem:$0x10200] =	vst v63  }
0x17: {  	_ =	swait.ge [sflag:s7], $0x100  }
0x18: {  	s12 =	simm.s32 $0x8200;
	s30 =	sadd.s32 $0x31A400, s11;
	[sflag:s7] =	ssyncset.done $0x0  }
0x19: {  	s11 =	simm.s32 $0x1;
	s20 =	sor.u32 $0x200, s26;
	[sflag:s7] =	ssyncadd.s32 $0xFFFFFF00  }
0x1a: {  	[tilespmem:s12], [sflag:$0x2] =	stream.indirect.gather [hbm4b:s2+s8], $0x80, s8, s8, $0xb8;
	[tilespmem:$0x10200] =	vst v63  }
0x1b: {  	s13 =	sshll.u32 s26, $0x4;
	s14 =	sshll.u32 s20, $0x3;
	_ =	swait.ge [sflag:s11], $0x8000  }
0x1c: {  	s13 =	sadd.s32 s30, s13;
	s14 =	sand.u32 $0x5000, s14;
	[sflag:s11] =	ssyncset.done $0x0  }
0x1d: {  	s15 =	sor.u32 s14, s29;
	s14 =	simm.s32 $0x3;
	[sflag:s11] =	ssyncadd.s32 $0xFFFF8000  }
0x1e: {  	[hbm4b:s13+s3] =	stream.linear.scatter [tilespmem:s9], [sflag:$0x3], $0x8000, $0x38;
	[tilespmem:$0x10200] =	vst v63  }
0x1f: {  	s15 =	sor.u32 s31, s15;
	_ =	swait.ge [sflag:s14], $0x8000  }
0x20: {  	s15 =	sshrl.u32 s15, $0x3;
	[sflag:s14] =	ssyncset.done $0x0  }
0x21: {  	s15 =	sadd.s32 s28, s15;
	[sflag:s14] =	ssyncadd.s32 $0xFFFF8000  }
0x22: {  	[tilespmem:s3], [sflag:$0x5] =	stream.strided.gather [hbm4b:s15+s5], $0x100, s6, s5, $0x38;
	[tilespmem:$0x10200] =	vst v63  }
0x23: {  	_ =	swait.ge [sflag:s7], $0x100  }
0x24: {  	[sflag:s7] =	ssyncset.done $0x0  }
0x25: {  	s16 =	simm.s32 $0x2;
	s22 =	sor.u32 $0x300, s26;
	[sflag:s7] =	ssyncadd.s32 $0xFFFFFF00  }
0x26: {  	[tilespmem:s9], [sflag:$0x1] =	stream.indirect.gather [hbm4b:s2+s8], $0x80, s3, s8, $0xb8;
	[tilespmem:$0x10200] =	vst v63  }
0x27: {  	s17 =	sshll.u32 s17, $0x4;
	s18 =	sshll.u32 s22, $0x3;
	_ =	swait.ge [sflag:s16], $0x8000  }
0x28: {  	s17 =	sadd.s32 s30, s17;
	s18 =	sand.u32 $0x5800, s18;
	[sflag:s16] =	ssyncset.done $0x0  }
0x29: {  	s19 =	sor.u32 s18, s29;
	s18 =	simm.s32 $0x4;
	[sflag:s16] =	ssyncadd.s32 $0xFFFF8000  }
0x2a: {  	[hbm4b:s17+s3] =	stream.linear.scatter [tilespmem:s12], [sflag:$0x4], $0x8000, $0x38;
	[tilespmem:$0x10200] =	vst v63  }
0x2b: {  	s19 =	sor.u32 s31, s19;
	_ =	swait.ge [sflag:s18], $0x8000  }
0x2c: {  	s19 =	sshrl.u32 s19, $0x3;
	[sflag:s18] =	ssyncset.done $0x0  }
0x2d: {  	s19 =	sadd.s32 s28, s19;
	[sflag:s18] =	ssyncadd.s32 $0xFFFF8000  }
0x2e: {  	[tilespmem:s8], [sflag:$0x5] =	stream.strided.gather [hbm4b:s19+s5], $0x100, s6, s5, $0x38;
	[tilespmem:$0x10200] =	vst v63  }
0x2f: {  	_ =	swait.ge [sflag:s7], $0x100  }
0x30: {  	[sflag:s7] =	ssyncset.done $0x0  }
0x31: {  	s24 =	sor.u32 $0x400, s26;
	[sflag:s7] =	ssyncadd.s32 $0xFFFFFF00  }
0x32: {  	[tilespmem:s12], [sflag:$0x2] =	stream.indirect.gather [hbm4b:s2+s8], $0x80, s8, s8, $0xb8;
	[tilespmem:$0x10200] =	vst v63  }
0x33: {  	s21 =	sshll.u32 s24, $0x3;
	_ =	swait.ge [sflag:s11], $0x8000  }
0x34: {  	s20 =	sshll.u32 s20, $0x4;
	s21 =	sand.u32 $0x6000, s21;
	[sflag:s11] =	ssyncset.done $0x0  }
0x35: {  	s20 =	sadd.s32 s30, s20;
	s21 =	sor.u32 s21, s29;
	[sflag:s11] =	ssyncadd.s32 $0xFFFF8000  }
0x36: {  	[hbm4b:s20+s3] =	stream.linear.scatter [tilespmem:s9], [sflag:$0x3], $0x8000, $0x38;
	[tilespmem:$0x10200] =	vst v63  }
0x37: {  	s21 =	sor.u32 s31, s21;
	_ =	swait.ge [sflag:s14], $0x8000  }
0x38: {  	s21 =	sshrl.u32 s21, $0x3;
	[sflag:s14] =	ssyncset.done $0x0  }
0x39: {  	s21 =	sadd.s32 s28, s21;
	[sflag:s14] =	ssyncadd.s32 $0xFFFF8000  }
0x3a: {  	[tilespmem:s3], [sflag:$0x5] =	stream.strided.gather [hbm4b:s21+s5], $0x100, s6, s5, $0x38;
	[tilespmem:$0x10200] =	vst v63  }
0x3b: {  	_ =	swait.ge [sflag:s7], $0x100  }
0x3c: {  	[sflag:s7] =	ssyncset.done $0x0  }
0x3d: {  	s0 =	sor.u32 $0x500, s26;
	[sflag:s7] =	ssyncadd.s32 $0xFFFFFF00  }
0x3e: {  	[tilespmem:s9], [sflag:$0x1] =	stream.indirect.gather [hbm4b:s2+s8], $0x80, s3, s8, $0xb8;
	[tilespmem:$0x10200] =	vst v63  }
0x3f: {  	s23 =	sshll.u32 s0, $0x3;
	_ =	swait.ge [sflag:s16], $0x8000  }
0x40: {  	s22 =	sshll.u32 s22, $0x4;
	s23 =	sand.u32 $0x6800, s23;
	[sflag:s16] =	ssyncset.done $0x0  }
0x41: {  	s22 =	sadd.s32 s30, s22;
	s23 =	sor.u32 s23, s29;
	[sflag:s16] =	ssyncadd.s32 $0xFFFF8000  }
0x42: {  	[hbm4b:s22+s3] =	stream.linear.scatter [tilespmem:s12], [sflag:$0x4], $0x8000, $0x38;
	[tilespmem:$0x10200] =	vst v63  }
0x43: {  	s23 =	sor.u32 s31, s23;
	_ =	swait.ge [sflag:s18], $0x8000  }
0x44: {  	s23 =	sshrl.u32 s23, $0x3;
	[sflag:s18] =	ssyncset.done $0x0  }
0x45: {  	s23 =	sadd.s32 s28, s23;
	[sflag:s18] =	ssyncadd.s32 $0xFFFF8000  }
0x46: {  	[tilespmem:s8], [sflag:$0x5] =	stream.strided.gather [hbm4b:s23+s5], $0x100, s6, s5, $0x38;
	[tilespmem:$0x10200] =	vst v63  }
0x47: {  	_ =	swait.ge [sflag:s7], $0x100  }
0x48: {  	s25 =	sor.u32 $0x600, s26;
	[sflag:s7] =	ssyncset.done $0x0  }
0x49: {  	[dreg:$0x4] =	wrdreg s25;
	[sflag:s7] =	ssyncadd.s32 $0xFFFFFF00  }
0x4a: {  	[tilespmem:s12], [sflag:$0x2] =	stream.indirect.gather [hbm4b:s2+s8], $0x80, s8, s8, $0xb8;
	[tilespmem:$0x10200] =	vst v63  }
0x4b: {  	s25 =	sshll.u32 s25, $0x3;
	_ =	swait.ge [sflag:s11], $0x8000  }
0x4c: {  	s24 =	sshll.u32 s24, $0x4;
	s25 =	sand.u32 $0x7000, s25;
	[sflag:s11] =	ssyncset.done $0x0  }
0x4d: {  	s24 =	sadd.s32 s30, s24;
	s25 =	sor.u32 s25, s29;
	[sflag:s11] =	ssyncadd.s32 $0xFFFF8000  }
0x4e: {  	[hbm4b:s24+s3] =	stream.linear.scatter [tilespmem:s9], [sflag:$0x3], $0x8000, $0x38;
	[tilespmem:$0x10200] =	vst v63  }
0x4f: {  	s25 =	sor.u32 s31, s25;
	_ =	swait.ge [sflag:s14], $0x8000  }
0x50: {  	s25 =	sshrl.u32 s25, $0x3;
	[sflag:s14] =	ssyncset.done $0x0  }
0x51: {  	s25 =	sadd.s32 s28, s25;
	[sflag:s14] =	ssyncadd.s32 $0xFFFF8000  }
0x52: {  	[tilespmem:s3], [sflag:$0x5] =	stream.strided.gather [hbm4b:s25+s5], $0x100, s6, s5, $0x38;
	[tilespmem:$0x10200] =	vst v63  }
0x53: {  	_ =	swait.ge [sflag:s7], $0x100  }
0x54: {  	[sflag:s7] =	ssyncset.done $0x0  }
0x55: {  	s1 =	sor.u32 $0x700, s26;
	[sflag:s7] =	ssyncadd.s32 $0xFFFFFF00  }
0x56: {  	[tilespmem:s9], [sflag:$0x1] =	stream.indirect.gather [hbm4b:s2+s8], $0x80, s3, s8, $0xb8;
	[tilespmem:$0x10200] =	vst v63  }
0x57: {  	s26 =	sshll.u32 s1, $0x3;
	_ =	swait.ge [sflag:s16], $0x8000  }
0x58: {  	s26 =	sand.u32 $0x7800, s26;
	s0 =	sshll.u32 s0, $0x4;
	[sflag:s16] =	ssyncset.done $0x0  }
0x59: {  	s29 =	sor.u32 s26, s29;
	s26 =	sadd.s32 s30, s0;
	[sflag:s16] =	ssyncadd.s32 $0xFFFF8000  }
0x5a: {  	[hbm4b:s26+s3] =	stream.linear.scatter [tilespmem:s12], [sflag:$0x4], $0x8000, $0x38;
	[tilespmem:$0x10200] =	vst v63  }
0x5b: {  	s0 =	sor.u32 s31, s29;
	_ =	swait.ge [sflag:s18], $0x8000  }
0x5c: {  	s0 =	sshrl.u32 s0, $0x3;
	[sflag:s18] =	ssyncset.done $0x0  }
0x5d: {  	s28 =	sadd.s32 s28, s0;
	[sflag:s18] =	ssyncadd.s32 $0xFFFF8000  }
0x5e: {  	[tilespmem:s8], [sflag:$0x5] =	stream.strided.gather [hbm4b:s28+s5], $0x100, s6, s5, $0x38;
	[tilespmem:$0x10200] =	vst v63  }
0x5f: {  	_ =	swait.ge [sflag:s7], $0x100  }
0x60: {  	[sflag:s7] =	ssyncset.done $0x0  }
0x61: {  	[sflag:s7] =	ssyncadd.s32 $0xFFFFFF00  }
0x62: {  	[tilespmem:s12], [sflag:$0x2] =	stream.indirect.gather [hbm4b:s2+s8], $0x80, s8, s8, $0xb8;
	[tilespmem:$0x10200] =	vst v63  }
0x63: {  	_ =	swait.ge [sflag:s11], $0x8000  }
0x64: {  	s0 =	rddreg [dreg:$0x4]  }
0x65: {  	[sflag:s11] =	ssyncset.done $0x0;
	s0 =	sshll.u32 s0, $0x4  }
0x66: {  	[sflag:s11] =	ssyncadd.s32 $0xFFFF8000;
	s29 =	sadd.s32 s30, s0  }
0x67: {  	[hbm4b:s29+s3] =	stream.linear.scatter [tilespmem:s9], [sflag:$0x3], $0x8000, $0x38;
	[tilespmem:$0x10200] =	vst v63  }
0x68: {  	s1 =	sshll.u32 s1, $0x4;
	_ =	swait.ge [sflag:s16], $0x8000  }
0x69: {  	s30 =	sadd.s32 s30, s1;
	[sflag:s16] =	ssyncset.done $0x0;
	s1 =	rddreg [dreg:$0x3]  }
0x6a: {  	s0 =	ssub.s32 $0x2, s1;
	[sflag:s16] =	ssyncadd.s32 $0xFFFF8000  }
0x6b: {  	[hbm4b:s30+s3] =	stream.linear.scatter [tilespmem:s12], [sflag:$0x4], $0x8000, $0x38;
	[tilespmem:$0x10200] =	vst v63  }
0x6c: {  	s1 =	sshrl.u32 s0, $0x1  }
0x6d: {  	s0 =	ssub.s32 s0, s1  }
0x6e: {  	s0 =	smax.u32 s0, $0x1  }
0x6f: {  	p0 =	sne.s32 s0, $0x1  }
.Ltmp0:
0x70: {  	_ =	swait.ge [sflag:s14], $0x8000;
	(pc) =	sbr.rel @!p0 .LBB2_2-.Ltmp0, $4  }
0x71: {  	[sflag:s14] =	ssyncset.done $0x0  }
0x72: {  	[sflag:s14] =	ssyncadd.s32 $0xFFFF8000  }
0x73: {  	_ =	swait.ge [sflag:s18], $0x8000  }
0x74: {  	s31 =	sadd.s32 $0xFFFFFFFF, s0;
	[sflag:s18] =	ssyncset.done $0x0  }
.LBB2_1:
0x75: {  	p0 =	sne.s32 s31, $0x1;
	s31 =	sadd.s32 $0xFFFFFFFF, s31;
	[sflag:s18] =	ssyncadd.s32 $0xFFFF8000  }
0x76: {  	[tilespmem:s3], [sflag:$0x5] =	stream.strided.gather [hbm4b:s4+s5], $0x100, s6, s5, $0x38;
	[tilespmem:$0x10200] =	vst v63  }
0x77: {  	_ =	swait.ge [sflag:s7], $0x100  }
0x78: {  	[sflag:s7] =	ssyncset.done $0x0  }
0x79: {  	[sflag:s7] =	ssyncadd.s32 $0xFFFFFF00  }
0x7a: {  	[tilespmem:s9], [sflag:$0x1] =	stream.indirect.gather [hbm4b:s2+s8], $0x80, s3, s8, $0xb8;
	[tilespmem:$0x10200] =	vst v63  }
0x7b: {  	_ = 	snop  }
0x7c: {  	[tilespmem:s8], [sflag:$0x5] =	stream.strided.gather [hbm4b:s10+s5], $0x100, s6, s5, $0x38;
	[tilespmem:$0x10200] =	vst v63  }
0x7d: {  	_ =	swait.ge [sflag:s7], $0x100  }
0x7e: {  	[sflag:s7] =	ssyncset.done $0x0  }
0x7f: {  	[sflag:s7] =	ssyncadd.s32 $0xFFFFFF00  }
0x80: {  	[tilespmem:s12], [sflag:$0x2] =	stream.indirect.gather [hbm4b:s2+s8], $0x80, s8, s8, $0xb8;
	[tilespmem:$0x10200] =	vst v63  }
0x81: {  	_ =	swait.ge [sflag:s11], $0x8000  }
0x82: {  	[sflag:s11] =	ssyncset.done $0x0  }
0x83: {  	[sflag:s11] =	ssyncadd.s32 $0xFFFF8000  }
0x84: {  	[hbm4b:s13+s3] =	stream.linear.scatter [tilespmem:s9], [sflag:$0x3], $0x8000, $0x38;
	[tilespmem:$0x10200] =	vst v63  }
0x85: {  	_ =	swait.ge [sflag:s14], $0x8000  }
0x86: {  	[sflag:s14] =	ssyncset.done $0x0  }
0x87: {  	[sflag:s14] =	ssyncadd.s32 $0xFFFF8000  }
0x88: {  	[tilespmem:s3], [sflag:$0x5] =	stream.strided.gather [hbm4b:s15+s5], $0x100, s6, s5, $0x38;
	[tilespmem:$0x10200] =	vst v63  }
0x89: {  	_ =	swait.ge [sflag:s7], $0x100  }
0x8a: {  	[sflag:s7] =	ssyncset.done $0x0  }
0x8b: {  	[sflag:s7] =	ssyncadd.s32 $0xFFFFFF00  }
0x8c: {  	[tilespmem:s9], [sflag:$0x1] =	stream.indirect.gather [hbm4b:s2+s8], $0x80, s3, s8, $0xb8;
	[tilespmem:$0x10200] =	vst v63  }
0x8d: {  	_ =	swait.ge [sflag:s16], $0x8000  }
0x8e: {  	[sflag:s16] =	ssyncset.done $0x0  }
0x8f: {  	[sflag:s16] =	ssyncadd.s32 $0xFFFF8000  }
0x90: {  	[hbm4b:s17+s3] =	stream.linear.scatter [tilespmem:s12], [sflag:$0x4], $0x8000, $0x38;
	[tilespmem:$0x10200] =	vst v63  }
0x91: {  	_ =	swait.ge [sflag:s18], $0x8000  }
0x92: {  	[sflag:s18] =	ssyncset.done $0x0  }
0x93: {  	[sflag:s18] =	ssyncadd.s32 $0xFFFF8000  }
0x94: {  	[tilespmem:s8], [sflag:$0x5] =	stream.strided.gather [hbm4b:s19+s5], $0x100, s6, s5, $0x38;
	[tilespmem:$0x10200] =	vst v63  }
0x95: {  	_ =	swait.ge [sflag:s7], $0x100  }
0x96: {  	[sflag:s7] =	ssyncset.done $0x0  }
0x97: {  	[sflag:s7] =	ssyncadd.s32 $0xFFFFFF00  }
0x98: {  	[tilespmem:s12], [sflag:$0x2] =	stream.indirect.gather [hbm4b:s2+s8], $0x80, s8, s8, $0xb8;
	[tilespmem:$0x10200] =	vst v63  }
0x99: {  	_ =	swait.ge [sflag:s11], $0x8000  }
0x9a: {  	[sflag:s11] =	ssyncset.done $0x0  }
0x9b: {  	[sflag:s11] =	ssyncadd.s32 $0xFFFF8000  }
0x9c: {  	[hbm4b:s20+s3] =	stream.linear.scatter [tilespmem:s9], [sflag:$0x3], $0x8000, $0x38;
	[tilespmem:$0x10200] =	vst v63  }
0x9d: {  	_ =	swait.ge [sflag:s14], $0x8000  }
0x9e: {  	[sflag:s14] =	ssyncset.done $0x0  }
0x9f: {  	[sflag:s14] =	ssyncadd.s32 $0xFFFF8000  }
0xa0: {  	[tilespmem:s3], [sflag:$0x5] =	stream.strided.gather [hbm4b:s21+s5], $0x100, s6, s5, $0x38;
	[tilespmem:$0x10200] =	vst v63  }
0xa1: {  	_ =	swait.ge [sflag:s7], $0x100  }
0xa2: {  	[sflag:s7] =	ssyncset.done $0x0  }
0xa3: {  	[sflag:s7] =	ssyncadd.s32 $0xFFFFFF00  }
0xa4: {  	[tilespmem:s9], [sflag:$0x1] =	stream.indirect.gather [hbm4b:s2+s8], $0x80, s3, s8, $0xb8;
	[tilespmem:$0x10200] =	vst v63  }
0xa5: {  	_ =	swait.ge [sflag:s16], $0x8000  }
0xa6: {  	[sflag:s16] =	ssyncset.done $0x0  }
0xa7: {  	[sflag:s16] =	ssyncadd.s32 $0xFFFF8000  }
0xa8: {  	[hbm4b:s22+s3] =	stream.linear.scatter [tilespmem:s12], [sflag:$0x4], $0x8000, $0x38;
	[tilespmem:$0x10200] =	vst v63  }
0xa9: {  	_ =	swait.ge [sflag:s18], $0x8000  }
0xaa: {  	[sflag:s18] =	ssyncset.done $0x0  }
0xab: {  	[sflag:s18] =	ssyncadd.s32 $0xFFFF8000  }
0xac: {  	[tilespmem:s8], [sflag:$0x5] =	stream.strided.gather [hbm4b:s23+s5], $0x100, s6, s5, $0x38;
	[tilespmem:$0x10200] =	vst v63  }
0xad: {  	_ =	swait.ge [sflag:s7], $0x100  }
0xae: {  	[sflag:s7] =	ssyncset.done $0x0  }
0xaf: {  	[sflag:s7] =	ssyncadd.s32 $0xFFFFFF00  }
0xb0: {  	[tilespmem:s12], [sflag:$0x2] =	stream.indirect.gather [hbm4b:s2+s8], $0x80, s8, s8, $0xb8;
	[tilespmem:$0x10200] =	vst v63  }
0xb1: {  	_ =	swait.ge [sflag:s11], $0x8000  }
0xb2: {  	[sflag:s11] =	ssyncset.done $0x0  }
0xb3: {  	[sflag:s11] =	ssyncadd.s32 $0xFFFF8000  }
0xb4: {  	[hbm4b:s24+s3] =	stream.linear.scatter [tilespmem:s9], [sflag:$0x3], $0x8000, $0x38;
	[tilespmem:$0x10200] =	vst v63  }
0xb5: {  	_ =	swait.ge [sflag:s14], $0x8000  }
0xb6: {  	[sflag:s14] =	ssyncset.done $0x0  }
0xb7: {  	[sflag:s14] =	ssyncadd.s32 $0xFFFF8000  }
0xb8: {  	[tilespmem:s3], [sflag:$0x5] =	stream.strided.gather [hbm4b:s25+s5], $0x100, s6, s5, $0x38;
	[tilespmem:$0x10200] =	vst v63  }
0xb9: {  	_ =	swait.ge [sflag:s7], $0x100  }
0xba: {  	[sflag:s7] =	ssyncset.done $0x0  }
0xbb: {  	[sflag:s7] =	ssyncadd.s32 $0xFFFFFF00  }
0xbc: {  	[tilespmem:s9], [sflag:$0x1] =	stream.indirect.gather [hbm4b:s2+s8], $0x80, s3, s8, $0xb8;
	[tilespmem:$0x10200] =	vst v63  }
0xbd: {  	_ =	swait.ge [sflag:s16], $0x8000  }
0xbe: {  	[sflag:s16] =	ssyncset.done $0x0  }
0xbf: {  	[sflag:s16] =	ssyncadd.s32 $0xFFFF8000  }
0xc0: {  	[hbm4b:s26+s3] =	stream.linear.scatter [tilespmem:s12], [sflag:$0x4], $0x8000, $0x38;
	[tilespmem:$0x10200] =	vst v63  }
0xc1: {  	_ =	swait.ge [sflag:s18], $0x8000  }
0xc2: {  	[sflag:s18] =	ssyncset.done $0x0  }
0xc3: {  	[sflag:s18] =	ssyncadd.s32 $0xFFFF8000  }
0xc4: {  	[tilespmem:s8], [sflag:$0x5] =	stream.strided.gather [hbm4b:s28+s5], $0x100, s6, s5, $0x38;
	[tilespmem:$0x10200] =	vst v63  }
0xc5: {  	_ =	swait.ge [sflag:s7], $0x100  }
0xc6: {  	[sflag:s7] =	ssyncset.done $0x0  }
0xc7: {  	[sflag:s7] =	ssyncadd.s32 $0xFFFFFF00  }
0xc8: {  	[tilespmem:s12], [sflag:$0x2] =	stream.indirect.gather [hbm4b:s2+s8], $0x80, s8, s8, $0xb8;
	[tilespmem:$0x10200] =	vst v63  }
0xc9: {  	_ =	swait.ge [sflag:s11], $0x8000  }
0xca: {  	[sflag:s11] =	ssyncset.done $0x0  }
0xcb: {  	[sflag:s11] =	ssyncadd.s32 $0xFFFF8000  }
0xcc: {  	[hbm4b:s29+s3] =	stream.linear.scatter [tilespmem:s9], [sflag:$0x3], $0x8000, $0x38;
	[tilespmem:$0x10200] =	vst v63  }
0xcd: {  	_ =	swait.ge [sflag:s16], $0x8000  }
0xce: {  	[sflag:s16] =	ssyncset.done $0x0  }
0xcf: {  	[sflag:s16] =	ssyncadd.s32 $0xFFFF8000  }
0xd0: {  	[hbm4b:s30+s3] =	stream.linear.scatter [tilespmem:s12], [sflag:$0x4], $0x8000, $0x38;
	[tilespmem:$0x10200] =	vst v63  }
.Ltmp1:
0xd1: {  	_ =	swait.ge [sflag:s14], $0x8000;
	(pc) =	sbr.rel @p0 .LBB2_1-.Ltmp1, $4  }
0xd2: {  	[sflag:s14] =	ssyncset.done $0x0  }
0xd3: {  	[sflag:s14] =	ssyncadd.s32 $0xFFFF8000  }
0xd4: {  	_ =	swait.ge [sflag:s18], $0x8000  }
0xd5: {  	[sflag:s18] =	ssyncset.done $0x0  }
.LBB2_2:
0xd6: {  	[sflag:s18] =	ssyncadd.s32 $0xFFFF8000  }
0xd7: {  	_ =	sfence.sel $0x180000  }
0xd8: {  	[bflag:$0x0] =	sbarrier.arrive $0xFFFF  }
0xd9: {  	_ =	strace $0x90000050  }
0xda: {  	s0 =	stileid.u32;
	[bflag:$0x2] =	sbarrier.arrive $0xFFFF  }
0xdb: {  	p0 =	sne.s32 s0, $0x0;
	s0 =	rddreg [dreg:$0x2]  }
0xdc: {  	s0 =	sadd.s32 @!p0 $0x100000, s0  }
0xdd: {  	[sflag:s0] =	ssyncadd.tile.s32 @!p0 $0x1;
	_ =	shalt  }
.Lfunc_end2:
_tile_overlayer_lowered:
.L_overlay_start_2:
0xde: {  	(tag) =	ssettag $0x2  }
0xdf: {  	s0 =	rddreg [dreg:$0x0];
	s2 =	stileid.u32  }
0xe0: {  	s1 =	rddreg [dreg:$0x1];
	p0 =	sne.s32 s2, $0x0  }
0xe1: {  	s3 =	rddreg [dreg:$0x2];
	[bflag:$0x3] =	sbarrier.arrive $0xFFFF;
	s2 =	simm.s32 @!p0 $0x1C05  }
0xe2: {  	[timem:s3], [sflag:s2] =	dma.local @!p0 [hbm:s0], s1  }
0xe3: {  	s0 =	simm.s32 @!p0 $0x5  }
0xe4: {  	_ =	swait.ge @!p0 [sflag:s0], s1  }
0xe5: {  	s1 =	ssub.s32 @!p0 $0x0, s1;
	[sflag:s0] =	ssyncset.done @!p0 $0x0  }
0xe6: {  	[sflag:s0] =	ssyncadd.s32 @!p0 s1  }
0xe7: {  	[bflag:$0x3] =	sbarrier.arrive $0xFFFF  }
0xe8: {  	_ =	shalt  }

</sc_bundles>
